<compile_context>
chip_gen: v7x
topology: tpu7x:2x2x1
jax: 0.10.2.dev20260603
libtpu: 0.0.44.dev20260713+nightly
codegen_flags: <defaults>
</compile_context>

<pallas_src>
import functools

import jax
import jax.numpy as jnp
from jax import lax
from jax.experimental import pallas as pl
from jax.experimental.pallas import tpu as pltpu
from jax.experimental.pallas import tpu_sc as plsc

_NC = 2
_NS = 16
_LANES = 16
_EDGE_BATCH = 128


def _round_up(v, m):
    return (v + m - 1) // m * m


def _matmul_xwt(x, W):
    n, k = x.shape
    f = W.shape[0]
    bm = 1000
    grid = n // bm

    def body(x_ref, w_ref, o_ref):
        o_ref[...] = lax.dot_general(
            x_ref[...], w_ref[...],
            (((1,), (1,)), ((), ())),
            preferred_element_type=jnp.float32,
        )

    return pl.pallas_call(
        body,
        grid=(grid,),
        in_specs=[
            pl.BlockSpec((bm, k), lambda i: (i, 0)),
            pl.BlockSpec((f, k), lambda i: (0, 0)),
        ],
        out_specs=pl.BlockSpec((bm, f), lambda i: (i, 0)),
        out_shape=jax.ShapeDtypeStruct((n, f), jnp.float32),
    )(x, W)


def _sc_edge_scatter_relu(y, edge_index, n, e):
    half = _round_up(n, 2 * _NS * 8) // 2
    n_acc = _round_up(n + 1, _NS * 8)
    rows_per_tile = half // _NS
    nfull = e // _EDGE_BATCH
    nbt = nfull + (1 if e % _EDGE_BATCH else 0)
    nb = (nbt + _NS - 1) // _NS
    assert e % 8 == 0 and e >= _EDGE_BATCH
    ebuf = nb * _EDGE_BATCH
    mesh = plsc.VectorSubcoreMesh(core_axis_name="c", subcore_axis_name="s")

    @functools.partial(
        pl.kernel,
        mesh=mesh,
        compiler_params=pltpu.CompilerParams(use_tc_tiling_on_sc=False),
        out_type=jax.ShapeDtypeStruct((n, _LANES), jnp.float32),
        scratch_types=[
            pltpu.VMEM_SHARED((n_acc, _LANES), jnp.float32),
            pltpu.VMEM_SHARED((n_acc, _LANES), jnp.float32),
            pltpu.VMEM((nb, _EDGE_BATCH), jnp.int32),
            pltpu.VMEM((nb, _EDGE_BATCH), jnp.int32),
            pltpu.VMEM((ebuf, _LANES), jnp.float32),
            pltpu.VMEM((n_acc // _NS, _LANES), jnp.float32),
            pltpu.SemaphoreType.DMA((nb,)),
            pltpu.SemaphoreType.DMA,
        ],
    )
    def scatter_kernel(y_hbm, ei_hbm, out_hbm,
                       acc, ybuf, src_v, dst_v, rows_v, zbuf,
                       sems, ysem):
        cid = lax.axis_index("c")
        sid = lax.axis_index("s")

        zrows = n_acc // _NS
        ybase = sid * zrows
        ytail = n - (_NS - 1) * zrows
        @pl.when(sid < _NS - 1)
        def _():
            pltpu.async_copy(y_hbm.at[pl.ds(ybase, zrows)],
                             ybuf.at[pl.ds(ybase, zrows)], ysem)
        @pl.when(sid == _NS - 1)
        def _():
            pltpu.async_copy(y_hbm.at[pl.ds((_NS - 1) * zrows, ytail)],
                             ybuf.at[pl.ds((_NS - 1) * zrows, ytail)], ysem)

        def batch_off(j):
            b = j * _NS + sid
            off = jnp.where(b >= nfull, e - _EDGE_BATCH, b * _EDGE_BATCH)
            return b, pl.multiple_of(off, 8)

        for j in range(nb):
            b, off = batch_off(j)
            pltpu.async_copy(ei_hbm.at[0, pl.ds(off, _EDGE_BATCH)],
                             src_v.at[j], sems.at[j])
            pltpu.async_copy(ei_hbm.at[1, pl.ds(off, _EDGE_BATCH)],
                             dst_v.at[j], sems.at[j])

        def zero_row(i, carry):
            zbuf[i, :] = jnp.zeros((_LANES,), jnp.float32)
            return carry

        lax.fori_loop(0, zrows, zero_row, 0)
        pltpu.sync_copy(zbuf, acc.at[pl.ds(sid * zrows, zrows)])

        @pl.when(sid < _NS - 1)
        def _():
            pltpu.make_async_copy(y_hbm.at[pl.ds(ybase, zrows)],
                                  ybuf.at[pl.ds(ybase, zrows)], ysem).wait()
        @pl.when(sid == _NS - 1)
        def _():
            pltpu.make_async_copy(y_hbm.at[pl.ds((_NS - 1) * zrows, ytail)],
                                  ybuf.at[pl.ds((_NS - 1) * zrows, ytail)],
                                  ysem).wait()

        plsc.subcore_barrier()

        for j in range(nb):
            b, off = batch_off(j)
            pltpu.make_async_copy(ei_hbm.at[0, pl.ds(off, _EDGE_BATCH)],
                                  src_v.at[j], sems.at[j]).wait()
            pltpu.make_async_copy(ei_hbm.at[1, pl.ds(off, _EDGE_BATCH)],
                                  dst_v.at[j], sems.at[j]).wait()
            if j * _NS + _NS - 1 >= nfull:
                pfx = jnp.clip((b + 1) * _EDGE_BATCH - e, 0, _EDGE_BATCH)
                dummy = jnp.full((_LANES,), n, jnp.int32)
                for c in range(_EDGE_BATCH // _LANES):
                    pos = c * _LANES + lax.iota(jnp.int32, _LANES)
                    chunk = dst_v[j, pl.ds(c * _LANES, _LANES)]
                    dst_v[j, pl.ds(c * _LANES, _LANES)] = jnp.where(
                        pos < pfx, dummy, chunk)
            pltpu.async_copy(
                ybuf.at[src_v.at[j]],
                rows_v.at[pl.ds(j * _EDGE_BATCH, _EDGE_BATCH)],
                sems.at[j],
            )

        for j in range(nb):
            pltpu.make_async_copy(
                ybuf.at[src_v.at[j]],
                rows_v.at[pl.ds(j * _EDGE_BATCH, _EDGE_BATCH)],
                sems.at[j],
            ).wait()
            pltpu.sync_copy(
                rows_v.at[pl.ds(j * _EDGE_BATCH, _EDGE_BATCH)],
                acc.at[dst_v.at[j]],
                add=True,
            )

        plsc.subcore_barrier()

        base = cid * half + sid * rows_per_tile

        def drain(nrows):
            pltpu.sync_copy(acc.at[pl.ds(base, nrows)],
                            rows_v.at[pl.ds(0, nrows)])

            def relu_row(i, carry):
                rows_v[i, :] = jnp.maximum(rows_v[i, :], 0.0)
                return carry

            lax.fori_loop(0, nrows, relu_row, 0)
            pltpu.sync_copy(rows_v.at[pl.ds(0, nrows)],
                            out_hbm.at[pl.ds(base, nrows)])

        full_tiles_end = (n // rows_per_tile) * rows_per_tile
        dtail = n - full_tiles_end
        if dtail:
            @pl.when(base + rows_per_tile <= n)
            def _():
                drain(rows_per_tile)

            @pl.when(base == full_tiles_end)
            def _():
                drain(dtail)
        else:
            @pl.when(base + rows_per_tile <= n)
            def _():
                drain(rows_per_tile)

    return scatter_kernel(y, edge_index)


def kernel(x, edge_index, W):
    n = x.shape[0]
    e = edge_index.shape[1]

    y = _matmul_xwt(x, W)

    return _sc_edge_scatter_relu(y, edge_index, n, e)

# --- scband reference (transcript-rebuilt; emitter-appended) ---
"""Pipeline reference for scband-net1-12532714570032 (READ-ONLY COPY).

The authoritative reference and input builder live on the scoring server;
editing this copy changes nothing except your own understanding.
"""

import jax, jax.numpy as jnp
import numpy as np

N_NODES = 10000
N_EDGES = 50000
IN_FEATS = 1433
OUT_FEATS = 16


def setup_inputs(seed: int = 0) -> dict:
    key = jax.random.key(seed)
    k1, k2, k3 = jax.random.split(key, 3)
    x = jax.random.normal(k1, (N_NODES, IN_FEATS), dtype=jnp.float32)
    edge_index = jax.random.randint(k2, (2, N_EDGES), 0, N_NODES, dtype=jnp.int32)
    # Linear(1433 -> 16, bias=False) weight, torch layout [out, in]
    bound = 1.0 / np.sqrt(IN_FEATS)
    W = jax.random.uniform(k3, (OUT_FEATS, IN_FEATS), dtype=jnp.float32, minval=-bound, maxval=bound)
    return {"x": x, "edge_index": edge_index, "W": W}


def reference(x, edge_index, W):
    # DGL GCN layer: copy_src message, sum reduce, then apply Linear + ReLU
    src = edge_index[0]
    dst = edge_index[1]
    msg = jnp.take(x, src, axis=0)                       # gather: [E, 1433]
    h = jax.ops.segment_sum(msg, dst, num_segments=N_NODES)  # scatter-add: [N, 1433]
    out = jax.nn.relu(h @ W.T)                           # [N, 16]
    return out

if __name__ == "__main__":
    import jax
    _d = setup_inputs()
    print(jax.jit(kernel)(*tuple(_d.values())))

</pallas_src>

<mosaic_0001>
#map = affine_map<(d0, d1) -> (0, 0)>
module attributes {stable_mosaic.version = 14 : i64} {
  func.func @scatter_kernel(%arg0: i32, %arg1: i32, %arg2: memref<10000x16xf32, #tpu.memory_space<hbm>>, %arg3: memref<2x50000xi32, #tpu.memory_space<hbm>>, %arg4: memref<10000x16xf32, #tpu.memory_space<hbm>>, %arg5: memref<10112x16xf32, #tpu.memory_space<vmem_shared>>, %arg6: memref<10112x16xf32, #tpu.memory_space<vmem_shared>>, %arg7: memref<25x128xi32, #tpu.memory_space<vmem>>, %arg8: memref<25x128xi32, #tpu.memory_space<vmem>>, %arg9: memref<3200x16xf32, #tpu.memory_space<vmem>>, %arg10: memref<632x16xf32, #tpu.memory_space<vmem>>, %arg11: memref<25x!tpu.dma_semaphore, #tpu.memory_space<semaphore_mem>>, %arg12: memref<!tpu.dma_semaphore, #tpu.memory_space<semaphore_mem>>) attributes {dimension_semantics = [#tpu.dimension_semantics<core_parallel>, #tpu.dimension_semantics<subcore_parallel>], iteration_bounds = array<i64: 2, 16>, scalar_prefetch = 0 : i64, scratch_operands = 8 : i64, tpu.core_type = #tpu.core_type<sc_vector_subcore>, window_params = [{transform_indices = #map}, {transform_indices = #map}, {transform_indices = #map}]} {
    %mul3A = arith.constant 632 : i32
    %mul3A_0 = arith.muli %arg1, %mul3A : i32
    %lt3A = arith.constant 15 : i32
    %lt3A_1 = arith.cmpi slt, %arg1, %lt3A : i32
    %convert_element_type3A = arith.extui %lt3A_1 : i1 to i32
    %cond3A = arith.constant 0 : i32
    %cond3A_2 = arith.cmpi ne, %convert_element_type3A, %cond3A : i32
    scf.if %cond3A_2 {
      %dma_start3A_2807 = arith.constant 0 : i32
      %dma_start3A_2808 = tpu.memref_slice %arg6[%mul3A_0, %dma_start3A_2807] : memref<10112x16xf32, #tpu.memory_space<vmem_shared>> -> memref<632x16xf32, #tpu.memory_space<vmem_shared>>
      %dma_start3A_2809 = arith.constant 0 : i32
      %dma_start3A_2810 = tpu.memref_slice %arg2[%mul3A_0, %dma_start3A_2809] : memref<10000x16xf32, #tpu.memory_space<hbm>> -> memref<632x16xf32, #tpu.memory_space<hbm>>
      tpu.enqueue_dma source(%dma_start3A_2810 : memref<632x16xf32, #tpu.memory_space<hbm>>) target(%dma_start3A_2808 : memref<632x16xf32, #tpu.memory_space<vmem_shared>>) target_semaphore(%arg12 : memref<!tpu.dma_semaphore, #tpu.memory_space<semaphore_mem>>)
    } else {
    }
    %eq3A = arith.constant 15 : i32
    %eq3A_3 = arith.cmpi eq, %arg1, %eq3A : i32
    %convert_element_type3A_4 = arith.extui %eq3A_3 : i1 to i32
    %cond3A_5 = arith.constant 0 : i32
    %cond3A_6 = arith.cmpi ne, %convert_element_type3A_4, %cond3A_5 : i32
    scf.if %cond3A_6 {
      %dma_start3A_2807 = arith.constant 9480 : i32
      %dma_start3A_2808 = arith.constant 0 : i32
      %dma_start3A_2809 = tpu.memref_slice %arg6[%dma_start3A_2807, %dma_start3A_2808] : memref<10112x16xf32, #tpu.memory_space<vmem_shared>> -> memref<520x16xf32, #tpu.memory_space<vmem_shared>>
      %dma_start3A_2810 = arith.constant 9480 : i32
      %dma_start3A_2811 = arith.constant 0 : i32
      %dma_start3A_2812 = tpu.memref_slice %arg2[%dma_start3A_2810, %dma_start3A_2811] : memref<10000x16xf32, #tpu.memory_space<hbm>> -> memref<520x16xf32, #tpu.memory_space<hbm>>
      tpu.enqueue_dma source(%dma_start3A_2812 : memref<520x16xf32, #tpu.memory_space<hbm>>) target(%dma_start3A_2809 : memref<520x16xf32, #tpu.memory_space<vmem_shared>>) target_semaphore(%arg12 : memref<!tpu.dma_semaphore, #tpu.memory_space<semaphore_mem>>)
    } else {
    }
    %add3A = arith.constant 0 : i32
    %add3A_7 = arith.addi %add3A, %arg1 : i32
    %ge3A = arith.constant 390 : i32
    %ge3A_8 = arith.cmpi sge, %add3A_7, %ge3A : i32
    %mul3A_9 = arith.constant 128 : i32
    %mul3A_10 = arith.muli %add3A_7, %mul3A_9 : i32
    %jit3A = arith.constant 49872 : i32
    %select_n3A = arith.select %ge3A_8, %jit3A, %mul3A_10 : i32
    %multiple_of3A = tpu.assume_multiple %select_n3A, 8 : i32
    %dma_start3A = arith.constant 0 : i32
    %dma_start3A_11 = arith.constant 0 : i32
    %dma_start3A_12 = arith.constant 0 : i32
    %dma_start3A_13 = arith.constant 0 : i32
    %dma_start3A_14 = tpu.memref_slice %arg7[%dma_start3A_11, %dma_start3A_13] : memref<25x128xi32, #tpu.memory_space<vmem>> -> memref<1x128xi32, #tpu.memory_space<vmem>>
    %dma_start3A_15 = tpu.memref_squeeze %dma_start3A_14 : memref<1x128xi32, #tpu.memory_space<vmem>> -> memref<128xi32, #tpu.memory_space<vmem>>
    %dma_start3A_16 = tpu.memref_slice %arg3[%dma_start3A, %multiple_of3A] : memref<2x50000xi32, #tpu.memory_space<hbm>> -> memref<1x128xi32, #tpu.memory_space<hbm>>
    %dma_start3A_17 = tpu.memref_squeeze %dma_start3A_16 : memref<1x128xi32, #tpu.memory_space<hbm>> -> memref<128xi32, #tpu.memory_space<hbm>>
    %dma_start3A_18 = tpu.memref_slice %arg11[%dma_start3A_12] : memref<25x!tpu.dma_semaphore, #tpu.memory_space<semaphore_mem>> -> memref<1x!tpu.dma_semaphore, #tpu.memory_space<semaphore_mem>>
    %dma_start3A_19 = tpu.memref_squeeze %dma_start3A_18 : memref<1x!tpu.dma_semaphore, #tpu.memory_space<semaphore_mem>> -> memref<!tpu.dma_semaphore, #tpu.memory_space<semaphore_mem>>
    %dma_start3A_20 = arith.constant 0 : i32
    %dma_start3A_21 = tpu.memref_slice %arg7[%dma_start3A_11, %dma_start3A_20] : memref<25x128xi32, #tpu.memory_space<vmem>> -> memref<1x128xi32, #tpu.memory_space<vmem>>
    %dma_start3A_22 = tpu.memref_squeeze %dma_start3A_21 : memref<1x128xi32, #tpu.memory_space<vmem>> -> memref<128xi32, #tpu.memory_space<vmem>>
    %dma_start3A_23 = tpu.memref_slice %arg3[%dma_start3A, %multiple_of3A] : memref<2x50000xi32, #tpu.memory_space<hbm>> -> memref<1x128xi32, #tpu.memory_space<hbm>>
    %dma_start3A_24 = tpu.memref_squeeze %dma_start3A_23 : memref<1x128xi32, #tpu.memory_space<hbm>> -> memref<128xi32, #tpu.memory_space<hbm>>
    tpu.enqueue_dma source(%dma_start3A_24 : memref<128xi32, #tpu.memory_space<hbm>>) target(%dma_start3A_22 : memref<128xi32, #tpu.memory_space<vmem>>) target_semaphore(%dma_start3A_19 : memref<!tpu.dma_semaphore, #tpu.memory_space<semaphore_mem>>)
    %dma_start3A_25 = arith.constant 1 : i32
    %dma_start3A_26 = arith.constant 0 : i32
    %dma_start3A_27 = arith.constant 0 : i32
    %dma_start3A_28 = arith.constant 0 : i32
    %dma_start3A_29 = tpu.memref_slice %arg8[%dma_start3A_26, %dma_start3A_28] : memref<25x128xi32, #tpu.memory_space<vmem>> -> memref<1x128xi32, #tpu.memory_space<vmem>>
    %dma_start3A_30 = tpu.memref_squeeze %dma_start3A_29 : memref<1x128xi32, #tpu.memory_space<vmem>> -> memref<128xi32, #tpu.memory_space<vmem>>
    %dma_start3A_31 = tpu.memref_slice %arg3[%dma_start3A_25, %multiple_of3A] : memref<2x50000xi32, #tpu.memory_space<hbm>> -> memref<1x128xi32, #tpu.memory_space<hbm>>
    %dma_start3A_32 = tpu.memref_squeeze %dma_start3A_31 : memref<1x128xi32, #tpu.memory_space<hbm>> -> memref<128xi32, #tpu.memory_space<hbm>>
    %dma_start3A_33 = tpu.memref_slice %arg11[%dma_start3A_27] : memref<25x!tpu.dma_semaphore, #tpu.memory_space<semaphore_mem>> -> memref<1x!tpu.dma_semaphore, #tpu.memory_space<semaphore_mem>>
    %dma_start3A_34 = tpu.memref_squeeze %dma_start3A_33 : memref<1x!tpu.dma_semaphore, #tpu.memory_space<semaphore_mem>> -> memref<!tpu.dma_semaphore, #tpu.memory_space<semaphore_mem>>
    %dma_start3A_35 = arith.constant 0 : i32
    %dma_start3A_36 = tpu.memref_slice %arg8[%dma_start3A_26, %dma_start3A_35] : memref<25x128xi32, #tpu.memory_space<vmem>> -> memref<1x128xi32, #tpu.memory_space<vmem>>
    %dma_start3A_37 = tpu.memref_squeeze %dma_start3A_36 : memref<1x128xi32, #tpu.memory_space<vmem>> -> memref<128xi32, #tpu.memory_space<vmem>>
    %dma_start3A_38 = tpu.memref_slice %arg3[%dma_start3A_25, %multiple_of3A] : memref<2x50000xi32, #tpu.memory_space<hbm>> -> memref<1x128xi32, #tpu.memory_space<hbm>>
    %dma_start3A_39 = tpu.memref_squeeze %dma_start3A_38 : memref<1x128xi32, #tpu.memory_space<hbm>> -> memref<128xi32, #tpu.memory_space<hbm>>
    tpu.enqueue_dma source(%dma_start3A_39 : memref<128xi32, #tpu.memory_space<hbm>>) target(%dma_start3A_37 : memref<128xi32, #tpu.memory_space<vmem>>) target_semaphore(%dma_start3A_34 : memref<!tpu.dma_semaphore, #tpu.memory_space<semaphore_mem>>)
    %add3A_40 = arith.constant 16 : i32
    %add3A_41 = arith.addi %add3A_40, %arg1 : i32
    %ge3A_42 = arith.constant 390 : i32
    %ge3A_43 = arith.cmpi sge, %add3A_41, %ge3A_42 : i32
    %mul3A_44 = arith.constant 128 : i32
    %mul3A_45 = arith.muli %add3A_41, %mul3A_44 : i32
    %jit3A_46 = arith.constant 49872 : i32
    %select_n3A_47 = arith.select %ge3A_43, %jit3A_46, %mul3A_45 : i32
    %multiple_of3A_48 = tpu.assume_multiple %select_n3A_47, 8 : i32
    %dma_start3A_49 = arith.constant 0 : i32
    %dma_start3A_50 = arith.constant 1 : i32
    %dma_start3A_51 = arith.constant 1 : i32
    %dma_start3A_52 = arith.constant 0 : i32
    %dma_start3A_53 = tpu.memref_slice %arg7[%dma_start3A_50, %dma_start3A_52] : memref<25x128xi32, #tpu.memory_space<vmem>> -> memref<1x128xi32, #tpu.memory_space<vmem>>
    %dma_start3A_54 = tpu.memref_squeeze %dma_start3A_53 : memref<1x128xi32, #tpu.memory_space<vmem>> -> memref<128xi32, #tpu.memory_space<vmem>>
    %dma_start3A_55 = tpu.memref_slice %arg3[%dma_start3A_49, %multiple_of3A_48] : memref<2x50000xi32, #tpu.memory_space<hbm>> -> memref<1x128xi32, #tpu.memory_space<hbm>>
    %dma_start3A_56 = tpu.memref_squeeze %dma_start3A_55 : memref<1x128xi32, #tpu.memory_space<hbm>> -> memref<128xi32, #tpu.memory_space<hbm>>
    %dma_start3A_57 = tpu.memref_slice %arg11[%dma_start3A_51] : memref<25x!tpu.dma_semaphore, #tpu.memory_space<semaphore_mem>> -> memref<1x!tpu.dma_semaphore, #tpu.memory_space<semaphore_mem>>
    %dma_start3A_58 = tpu.memref_squeeze %dma_start3A_57 : memref<1x!tpu.dma_semaphore, #tpu.memory_space<semaphore_mem>> -> memref<!tpu.dma_semaphore, #tpu.memory_space<semaphore_mem>>
    %dma_start3A_59 = arith.constant 0 : i32
    %dma_start3A_60 = tpu.memref_slice %arg7[%dma_start3A_50, %dma_start3A_59] : memref<25x128xi32, #tpu.memory_space<vmem>> -> memref<1x128xi32, #tpu.memory_space<vmem>>
    %dma_start3A_61 = tpu.memref_squeeze %dma_start3A_60 : memref<1x128xi32, #tpu.memory_space<vmem>> -> memref<128xi32, #tpu.memory_space<vmem>>
    %dma_start3A_62 = tpu.memref_slice %arg3[%dma_start3A_49, %multiple_of3A_48] : memref<2x50000xi32, #tpu.memory_space<hbm>> -> memref<1x128xi32, #tpu.memory_space<hbm>>
    %dma_start3A_63 = tpu.memref_squeeze %dma_start3A_62 : memref<1x128xi32, #tpu.memory_space<hbm>> -> memref<128xi32, #tpu.memory_space<hbm>>
    tpu.enqueue_dma source(%dma_start3A_63 : memref<128xi32, #tpu.memory_space<hbm>>) target(%dma_start3A_61 : memref<128xi32, #tpu.memory_space<vmem>>) target_semaphore(%dma_start3A_58 : memref<!tpu.dma_semaphore, #tpu.memory_space<semaphore_mem>>)
    %dma_start3A_64 = arith.constant 1 : i32
    %dma_start3A_65 = arith.constant 1 : i32
    %dma_start3A_66 = arith.constant 1 : i32
    %dma_start3A_67 = arith.constant 0 : i32
    %dma_start3A_68 = tpu.memref_slice %arg8[%dma_start3A_65, %dma_start3A_67] : memref<25x128xi32, #tpu.memory_space<vmem>> -> memref<1x128xi32, #tpu.memory_space<vmem>>
    %dma_start3A_69 = tpu.memref_squeeze %dma_start3A_68 : memref<1x128xi32, #tpu.memory_space<vmem>> -> memref<128xi32, #tpu.memory_space<vmem>>
    %dma_start3A_70 = tpu.memref_slice %arg3[%dma_start3A_64, %multiple_of3A_48] : memref<2x50000xi32, #tpu.memory_space<hbm>> -> memref<1x128xi32, #tpu.memory_space<hbm>>
    %dma_start3A_71 = tpu.memref_squeeze %dma_start3A_70 : memref<1x128xi32, #tpu.memory_space<hbm>> -> memref<128xi32, #tpu.memory_space<hbm>>
    %dma_start3A_72 = tpu.memref_slice %arg11[%dma_start3A_66] : memref<25x!tpu.dma_semaphore, #tpu.memory_space<semaphore_mem>> -> memref<1x!tpu.dma_semaphore, #tpu.memory_space<semaphore_mem>>
    %dma_start3A_73 = tpu.memref_squeeze %dma_start3A_72 : memref<1x!tpu.dma_semaphore, #tpu.memory_space<semaphore_mem>> -> memref<!tpu.dma_semaphore, #tpu.memory_space<semaphore_mem>>
    %dma_start3A_74 = arith.constant 0 : i32
    %dma_start3A_75 = tpu.memref_slice %arg8[%dma_start3A_65, %dma_start3A_74] : memref<25x128xi32, #tpu.memory_space<vmem>> -> memref<1x128xi32, #tpu.memory_space<vmem>>
    %dma_start3A_76 = tpu.memref_squeeze %dma_start3A_75 : memref<1x128xi32, #tpu.memory_space<vmem>> -> memref<128xi32, #tpu.memory_space<vmem>>
    %dma_start3A_77 = tpu.memref_slice %arg3[%dma_start3A_64, %multiple_of3A_48] : memref<2x50000xi32, #tpu.memory_space<hbm>> -> memref<1x128xi32, #tpu.memory_space<hbm>>
    %dma_start3A_78 = tpu.memref_squeeze %dma_start3A_77 : memref<1x128xi32, #tpu.memory_space<hbm>> -> memref<128xi32, #tpu.memory_space<hbm>>
    tpu.enqueue_dma source(%dma_start3A_78 : memref<128xi32, #tpu.memory_space<hbm>>) target(%dma_start3A_76 : memref<128xi32, #tpu.memory_space<vmem>>) target_semaphore(%dma_start3A_73 : memref<!tpu.dma_semaphore, #tpu.memory_space<semaphore_mem>>)
    %add3A_79 = arith.constant 32 : i32
    %add3A_80 = arith.addi %add3A_79, %arg1 : i32
    %ge3A_81 = arith.constant 390 : i32
    %ge3A_82 = arith.cmpi sge, %add3A_80, %ge3A_81 : i32
    %mul3A_83 = arith.constant 128 : i32
    %mul3A_84 = arith.muli %add3A_80, %mul3A_83 : i32
    %jit3A_85 = arith.constant 49872 : i32
    %select_n3A_86 = arith.select %ge3A_82, %jit3A_85, %mul3A_84 : i32
    %multiple_of3A_87 = tpu.assume_multiple %select_n3A_86, 8 : i32
    %dma_start3A_88 = arith.constant 0 : i32
    %dma_start3A_89 = arith.constant 2 : i32
    %dma_start3A_90 = arith.constant 2 : i32
    %dma_start3A_91 = arith.constant 0 : i32
    %dma_start3A_92 = tpu.memref_slice %arg7[%dma_start3A_89, %dma_start3A_91] : memref<25x128xi32, #tpu.memory_space<vmem>> -> memref<1x128xi32, #tpu.memory_space<vmem>>
    %dma_start3A_93 = tpu.memref_squeeze %dma_start3A_92 : memref<1x128xi32, #tpu.memory_space<vmem>> -> memref<128xi32, #tpu.memory_space<vmem>>
    %dma_start3A_94 = tpu.memref_slice %arg3[%dma_start3A_88, %multiple_of3A_87] : memref<2x50000xi32, #tpu.memory_space<hbm>> -> memref<1x128xi32, #tpu.memory_space<hbm>>
    %dma_start3A_95 = tpu.memref_squeeze %dma_start3A_94 : memref<1x128xi32, #tpu.memory_space<hbm>> -> memref<128xi32, #tpu.memory_space<hbm>>
    %dma_start3A_96 = tpu.memref_slice %arg11[%dma_start3A_90] : memref<25x!tpu.dma_semaphore, #tpu.memory_space<semaphore_mem>> -> memref<1x!tpu.dma_semaphore, #tpu.memory_space<semaphore_mem>>
    %dma_start3A_97 = tpu.memref_squeeze %dma_start3A_96 : memref<1x!tpu.dma_semaphore, #tpu.memory_space<semaphore_mem>> -> memref<!tpu.dma_semaphore, #tpu.memory_space<semaphore_mem>>
    %dma_start3A_98 = arith.constant 0 : i32
    %dma_start3A_99 = tpu.memref_slice %arg7[%dma_start3A_89, %dma_start3A_98] : memref<25x128xi32, #tpu.memory_space<vmem>> -> memref<1x128xi32, #tpu.memory_space<vmem>>
    %dma_start3A_100 = tpu.memref_squeeze %dma_start3A_99 : memref<1x128xi32, #tpu.memory_space<vmem>> -> memref<128xi32, #tpu.memory_space<vmem>>
    %dma_start3A_101 = tpu.memref_slice %arg3[%dma_start3A_88, %multiple_of3A_87] : memref<2x50000xi32, #tpu.memory_space<hbm>> -> memref<1x128xi32, #tpu.memory_space<hbm>>
    %dma_start3A_102 = tpu.memref_squeeze %dma_start3A_101 : memref<1x128xi32, #tpu.memory_space<hbm>> -> memref<128xi32, #tpu.memory_space<hbm>>
    tpu.enqueue_dma source(%dma_start3A_102 : memref<128xi32, #tpu.memory_space<hbm>>) target(%dma_start3A_100 : memref<128xi32, #tpu.memory_space<vmem>>) target_semaphore(%dma_start3A_97 : memref<!tpu.dma_semaphore, #tpu.memory_space<semaphore_mem>>)
    %dma_start3A_103 = arith.constant 1 : i32
    %dma_start3A_104 = arith.constant 2 : i32
    %dma_start3A_105 = arith.constant 2 : i32
    %dma_start3A_106 = arith.constant 0 : i32
    %dma_start3A_107 = tpu.memref_slice %arg8[%dma_start3A_104, %dma_start3A_106] : memref<25x128xi32, #tpu.memory_space<vmem>> -> memref<1x128xi32, #tpu.memory_space<vmem>>
    %dma_start3A_108 = tpu.memref_squeeze %dma_start3A_107 : memref<1x128xi32, #tpu.memory_space<vmem>> -> memref<128xi32, #tpu.memory_space<vmem>>
    %dma_start3A_109 = tpu.memref_slice %arg3[%dma_start3A_103, %multiple_of3A_87] : memref<2x50000xi32, #tpu.memory_space<hbm>> -> memref<1x128xi32, #tpu.memory_space<hbm>>
    %dma_start3A_110 = tpu.memref_squeeze %dma_start3A_109 : memref<1x128xi32, #tpu.memory_space<hbm>> -> memref<128xi32, #tpu.memory_space<hbm>>
    %dma_start3A_111 = tpu.memref_slice %arg11[%dma_start3A_105] : memref<25x!tpu.dma_semaphore, #tpu.memory_space<semaphore_mem>> -> memref<1x!tpu.dma_semaphore, #tpu.memory_space<semaphore_mem>>
    %dma_start3A_112 = tpu.memref_squeeze %dma_start3A_111 : memref<1x!tpu.dma_semaphore, #tpu.memory_space<semaphore_mem>> -> memref<!tpu.dma_semaphore, #tpu.memory_space<semaphore_mem>>
    %dma_start3A_113 = arith.constant 0 : i32
    %dma_start3A_114 = tpu.memref_slice %arg8[%dma_start3A_104, %dma_start3A_113] : memref<25x128xi32, #tpu.memory_space<vmem>> -> memref<1x128xi32, #tpu.memory_space<vmem>>
    %dma_start3A_115 = tpu.memref_squeeze %dma_start3A_114 : memref<1x128xi32, #tpu.memory_space<vmem>> -> memref<128xi32, #tpu.memory_space<vmem>>
    %dma_start3A_116 = tpu.memref_slice %arg3[%dma_start3A_103, %multiple_of3A_87] : memref<2x50000xi32, #tpu.memory_space<hbm>> -> memref<1x128xi32, #tpu.memory_space<hbm>>
    %dma_start3A_117 = tpu.memref_squeeze %dma_start3A_116 : memref<1x128xi32, #tpu.memory_space<hbm>> -> memref<128xi32, #tpu.memory_space<hbm>>
    tpu.enqueue_dma source(%dma_start3A_117 : memref<128xi32, #tpu.memory_space<hbm>>) target(%dma_start3A_115 : memref<128xi32, #tpu.memory_space<vmem>>) target_semaphore(%dma_start3A_112 : memref<!tpu.dma_semaphore, #tpu.memory_space<semaphore_mem>>)
    %add3A_118 = arith.constant 48 : i32
    %add3A_119 = arith.addi %add3A_118, %arg1 : i32
    %ge3A_120 = arith.constant 390 : i32
    %ge3A_121 = arith.cmpi sge, %add3A_119, %ge3A_120 : i32
    %mul3A_122 = arith.constant 128 : i32
    %mul3A_123 = arith.muli %add3A_119, %mul3A_122 : i32
    %jit3A_124 = arith.constant 49872 : i32
    %select_n3A_125 = arith.select %ge3A_121, %jit3A_124, %mul3A_123 : i32
    %multiple_of3A_126 = tpu.assume_multiple %select_n3A_125, 8 : i32
    %dma_start3A_127 = arith.constant 0 : i32
    %dma_start3A_128 = arith.constant 3 : i32
    %dma_start3A_129 = arith.constant 3 : i32
    %dma_start3A_130 = arith.constant 0 : i32
    %dma_start3A_131 = tpu.memref_slice %arg7[%dma_start3A_128, %dma_start3A_130] : memref<25x128xi32, #tpu.memory_space<vmem>> -> memref<1x128xi32, #tpu.memory_space<vmem>>
    %dma_start3A_132 = tpu.memref_squeeze %dma_start3A_131 : memref<1x128xi32, #tpu.memory_space<vmem>> -> memref<128xi32, #tpu.memory_space<vmem>>
    %dma_start3A_133 = tpu.memref_slice %arg3[%dma_start3A_127, %multiple_of3A_126] : memref<2x50000xi32, #tpu.memory_space<hbm>> -> memref<1x128xi32, #tpu.memory_space<hbm>>
    %dma_start3A_134 = tpu.memref_squeeze %dma_start3A_133 : memref<1x128xi32, #tpu.memory_space<hbm>> -> memref<128xi32, #tpu.memory_space<hbm>>
    %dma_start3A_135 = tpu.memref_slice %arg11[%dma_start3A_129] : memref<25x!tpu.dma_semaphore, #tpu.memory_space<semaphore_mem>> -> memref<1x!tpu.dma_semaphore, #tpu.memory_space<semaphore_mem>>
    %dma_start3A_136 = tpu.memref_squeeze %dma_start3A_135 : memref<1x!tpu.dma_semaphore, #tpu.memory_space<semaphore_mem>> -> memref<!tpu.dma_semaphore, #tpu.memory_space<semaphore_mem>>
    %dma_start3A_137 = arith.constant 0 : i32
    %dma_start3A_138 = tpu.memref_slice %arg7[%dma_start3A_128, %dma_start3A_137] : memref<25x128xi32, #tpu.memory_space<vmem>> -> memref<1x128xi32, #tpu.memory_space<vmem>>
    %dma_start3A_139 = tpu.memref_squeeze %dma_start3A_138 : memref<1x128xi32, #tpu.memory_space<vmem>> -> memref<128xi32, #tpu.memory_space<vmem>>
    %dma_start3A_140 = tpu.memref_slice %arg3[%dma_start3A_127, %multiple_of3A_126] : memref<2x50000xi32, #tpu.memory_space<hbm>> -> memref<1x128xi32, #tpu.memory_space<hbm>>
    %dma_start3A_141 = tpu.memref_squeeze %dma_start3A_140 : memref<1x128xi32, #tpu.memory_space<hbm>> -> memref<128xi32, #tpu.memory_space<hbm>>
    tpu.enqueue_dma source(%dma_start3A_141 : memref<128xi32, #tpu.memory_space<hbm>>) target(%dma_start3A_139 : memref<128xi32, #tpu.memory_space<vmem>>) target_semaphore(%dma_start3A_136 : memref<!tpu.dma_semaphore, #tpu.memory_space<semaphore_mem>>)
    %dma_start3A_142 = arith.constant 1 : i32
    %dma_start3A_143 = arith.constant 3 : i32
    %dma_start3A_144 = arith.constant 3 : i32
    %dma_start3A_145 = arith.constant 0 : i32
    %dma_start3A_146 = tpu.memref_slice %arg8[%dma_start3A_143, %dma_start3A_145] : memref<25x128xi32, #tpu.memory_space<vmem>> -> memref<1x128xi32, #tpu.memory_space<vmem>>
    %dma_start3A_147 = tpu.memref_squeeze %dma_start3A_146 : memref<1x128xi32, #tpu.memory_space<vmem>> -> memref<128xi32, #tpu.memory_space<vmem>>
    %dma_start3A_148 = tpu.memref_slice %arg3[%dma_start3A_142, %multiple_of3A_126] : memref<2x50000xi32, #tpu.memory_space<hbm>> -> memref<1x128xi32, #tpu.memory_space<hbm>>
    %dma_start3A_149 = tpu.memref_squeeze %dma_start3A_148 : memref<1x128xi32, #tpu.memory_space<hbm>> -> memref<128xi32, #tpu.memory_space<hbm>>
    %dma_start3A_150 = tpu.memref_slice %arg11[%dma_start3A_144] : memref<25x!tpu.dma_semaphore, #tpu.memory_space<semaphore_mem>> -> memref<1x!tpu.dma_semaphore, #tpu.memory_space<semaphore_mem>>
    %dma_start3A_151 = tpu.memref_squeeze %dma_start3A_150 : memref<1x!tpu.dma_semaphore, #tpu.memory_space<semaphore_mem>> -> memref<!tpu.dma_semaphore, #tpu.memory_space<semaphore_mem>>
    %dma_start3A_152 = arith.constant 0 : i32
    %dma_start3A_153 = tpu.memref_slice %arg8[%dma_start3A_143, %dma_start3A_152] : memref<25x128xi32, #tpu.memory_space<vmem>> -> memref<1x128xi32, #tpu.memory_space<vmem>>
    %dma_start3A_154 = tpu.memref_squeeze %dma_start3A_153 : memref<1x128xi32, #tpu.memory_space<vmem>> -> memref<128xi32, #tpu.memory_space<vmem>>
    %dma_start3A_155 = tpu.memref_slice %arg3[%dma_start3A_142, %multiple_of3A_126] : memref<2x50000xi32, #tpu.memory_space<hbm>> -> memref<1x128xi32, #tpu.memory_space<hbm>>
    %dma_start3A_156 = tpu.memref_squeeze %dma_start3A_155 : memref<1x128xi32, #tpu.memory_space<hbm>> -> memref<128xi32, #tpu.memory_space<hbm>>
    tpu.enqueue_dma source(%dma_start3A_156 : memref<128xi32, #tpu.memory_space<hbm>>) target(%dma_start3A_154 : memref<128xi32, #tpu.memory_space<vmem>>) target_semaphore(%dma_start3A_151 : memref<!tpu.dma_semaphore, #tpu.memory_space<semaphore_mem>>)
    %add3A_157 = arith.constant 64 : i32
    %add3A_158 = arith.addi %add3A_157, %arg1 : i32
    %ge3A_159 = arith.constant 390 : i32
    %ge3A_160 = arith.cmpi sge, %add3A_158, %ge3A_159 : i32
    %mul3A_161 = arith.constant 128 : i32
    %mul3A_162 = arith.muli %add3A_158, %mul3A_161 : i32
    %jit3A_163 = arith.constant 49872 : i32
    %select_n3A_164 = arith.select %ge3A_160, %jit3A_163, %mul3A_162 : i32
    %multiple_of3A_165 = tpu.assume_multiple %select_n3A_164, 8 : i32
    %dma_start3A_166 = arith.constant 0 : i32
    %dma_start3A_167 = arith.constant 4 : i32
    %dma_start3A_168 = arith.constant 4 : i32
    %dma_start3A_169 = arith.constant 0 : i32
    %dma_start3A_170 = tpu.memref_slice %arg7[%dma_start3A_167, %dma_start3A_169] : memref<25x128xi32, #tpu.memory_space<vmem>> -> memref<1x128xi32, #tpu.memory_space<vmem>>
    %dma_start3A_171 = tpu.memref_squeeze %dma_start3A_170 : memref<1x128xi32, #tpu.memory_space<vmem>> -> memref<128xi32, #tpu.memory_space<vmem>>
    %dma_start3A_172 = tpu.memref_slice %arg3[%dma_start3A_166, %multiple_of3A_165] : memref<2x50000xi32, #tpu.memory_space<hbm>> -> memref<1x128xi32, #tpu.memory_space<hbm>>
    %dma_start3A_173 = tpu.memref_squeeze %dma_start3A_172 : memref<1x128xi32, #tpu.memory_space<hbm>> -> memref<128xi32, #tpu.memory_space<hbm>>
    %dma_start3A_174 = tpu.memref_slice %arg11[%dma_start3A_168] : memref<25x!tpu.dma_semaphore, #tpu.memory_space<semaphore_mem>> -> memref<1x!tpu.dma_semaphore, #tpu.memory_space<semaphore_mem>>
    %dma_start3A_175 = tpu.memref_squeeze %dma_start3A_174 : memref<1x!tpu.dma_semaphore, #tpu.memory_space<semaphore_mem>> -> memref<!tpu.dma_semaphore, #tpu.memory_space<semaphore_mem>>
    %dma_start3A_176 = arith.constant 0 : i32
    %dma_start3A_177 = tpu.memref_slice %arg7[%dma_start3A_167, %dma_start3A_176] : memref<25x128xi32, #tpu.memory_space<vmem>> -> memref<1x128xi32, #tpu.memory_space<vmem>>
    %dma_start3A_178 = tpu.memref_squeeze %dma_start3A_177 : memref<1x128xi32, #tpu.memory_space<vmem>> -> memref<128xi32, #tpu.memory_space<vmem>>
    %dma_start3A_179 = tpu.memref_slice %arg3[%dma_start3A_166, %multiple_of3A_165] : memref<2x50000xi32, #tpu.memory_space<hbm>> -> memref<1x128xi32, #tpu.memory_space<hbm>>
    %dma_start3A_180 = tpu.memref_squeeze %dma_start3A_179 : memref<1x128xi32, #tpu.memory_space<hbm>> -> memref<128xi32, #tpu.memory_space<hbm>>
    tpu.enqueue_dma source(%dma_start3A_180 : memref<128xi32, #tpu.memory_space<hbm>>) target(%dma_start3A_178 : memref<128xi32, #tpu.memory_space<vmem>>) target_semaphore(%dma_start3A_175 : memref<!tpu.dma_semaphore, #tpu.memory_space<semaphore_mem>>)
    %dma_start3A_181 = arith.constant 1 : i32
    %dma_start3A_182 = arith.constant 4 : i32
    %dma_start3A_183 = arith.constant 4 : i32
    %dma_start3A_184 = arith.constant 0 : i32
    %dma_start3A_185 = tpu.memref_slice %arg8[%dma_start3A_182, %dma_start3A_184] : memref<25x128xi32, #tpu.memory_space<vmem>> -> memref<1x128xi32, #tpu.memory_space<vmem>>
    %dma_start3A_186 = tpu.memref_squeeze %dma_start3A_185 : memref<1x128xi32, #tpu.memory_space<vmem>> -> memref<128xi32, #tpu.memory_space<vmem>>
    %dma_start3A_187 = tpu.memref_slice %arg3[%dma_start3A_181, %multiple_of3A_165] : memref<2x50000xi32, #tpu.memory_space<hbm>> -> memref<1x128xi32, #tpu.memory_space<hbm>>
    %dma_start3A_188 = tpu.memref_squeeze %dma_start3A_187 : memref<1x128xi32, #tpu.memory_space<hbm>> -> memref<128xi32, #tpu.memory_space<hbm>>
    %dma_start3A_189 = tpu.memref_slice %arg11[%dma_start3A_183] : memref<25x!tpu.dma_semaphore, #tpu.memory_space<semaphore_mem>> -> memref<1x!tpu.dma_semaphore, #tpu.memory_space<semaphore_mem>>
    %dma_start3A_190 = tpu.memref_squeeze %dma_start3A_189 : memref<1x!tpu.dma_semaphore, #tpu.memory_space<semaphore_mem>> -> memref<!tpu.dma_semaphore, #tpu.memory_space<semaphore_mem>>
    %dma_start3A_191 = arith.constant 0 : i32
    %dma_start3A_192 = tpu.memref_slice %arg8[%dma_start3A_182, %dma_start3A_191] : memref<25x128xi32, #tpu.memory_space<vmem>> -> memref<1x128xi32, #tpu.memory_space<vmem>>
    %dma_start3A_193 = tpu.memref_squeeze %dma_start3A_192 : memref<1x128xi32, #tpu.memory_space<vmem>> -> memref<128xi32, #tpu.memory_space<vmem>>
    %dma_start3A_194 = tpu.memref_slice %arg3[%dma_start3A_181, %multiple_of3A_165] : memref<2x50000xi32, #tpu.memory_space<hbm>> -> memref<1x128xi32, #tpu.memory_space<hbm>>
    %dma_start3A_195 = tpu.memref_squeeze %dma_start3A_194 : memref<1x128xi32, #tpu.memory_space<hbm>> -> memref<128xi32, #tpu.memory_space<hbm>>
    tpu.enqueue_dma source(%dma_start3A_195 : memref<128xi32, #tpu.memory_space<hbm>>) target(%dma_start3A_193 : memref<128xi32, #tpu.memory_space<vmem>>) target_semaphore(%dma_start3A_190 : memref<!tpu.dma_semaphore, #tpu.memory_space<semaphore_mem>>)
    %add3A_196 = arith.constant 80 : i32
    %add3A_197 = arith.addi %add3A_196, %arg1 : i32
    %ge3A_198 = arith.constant 390 : i32
    %ge3A_199 = arith.cmpi sge, %add3A_197, %ge3A_198 : i32
    %mul3A_200 = arith.constant 128 : i32
    %mul3A_201 = arith.muli %add3A_197, %mul3A_200 : i32
    %jit3A_202 = arith.constant 49872 : i32
    %select_n3A_203 = arith.select %ge3A_199, %jit3A_202, %mul3A_201 : i32
    %multiple_of3A_204 = tpu.assume_multiple %select_n3A_203, 8 : i32
    %dma_start3A_205 = arith.constant 0 : i32
    %dma_start3A_206 = arith.constant 5 : i32
    %dma_start3A_207 = arith.constant 5 : i32
    %dma_start3A_208 = arith.constant 0 : i32
    %dma_start3A_209 = tpu.memref_slice %arg7[%dma_start3A_206, %dma_start3A_208] : memref<25x128xi32, #tpu.memory_space<vmem>> -> memref<1x128xi32, #tpu.memory_space<vmem>>
    %dma_start3A_210 = tpu.memref_squeeze %dma_start3A_209 : memref<1x128xi32, #tpu.memory_space<vmem>> -> memref<128xi32, #tpu.memory_space<vmem>>
    %dma_start3A_211 = tpu.memref_slice %arg3[%dma_start3A_205, %multiple_of3A_204] : memref<2x50000xi32, #tpu.memory_space<hbm>> -> memref<1x128xi32, #tpu.memory_space<hbm>>
    %dma_start3A_212 = tpu.memref_squeeze %dma_start3A_211 : memref<1x128xi32, #tpu.memory_space<hbm>> -> memref<128xi32, #tpu.memory_space<hbm>>
    %dma_start3A_213 = tpu.memref_slice %arg11[%dma_start3A_207] : memref<25x!tpu.dma_semaphore, #tpu.memory_space<semaphore_mem>> -> memref<1x!tpu.dma_semaphore, #tpu.memory_space<semaphore_mem>>
    %dma_start3A_214 = tpu.memref_squeeze %dma_start3A_213 : memref<1x!tpu.dma_semaphore, #tpu.memory_space<semaphore_mem>> -> memref<!tpu.dma_semaphore, #tpu.memory_space<semaphore_mem>>
    %dma_start3A_215 = arith.constant 0 : i32
    %dma_start3A_216 = tpu.memref_slice %arg7[%dma_start3A_206, %dma_start3A_215] : memref<25x128xi32, #tpu.memory_space<vmem>> -> memref<1x128xi32, #tpu.memory_space<vmem>>
    %dma_start3A_217 = tpu.memref_squeeze %dma_start3A_216 : memref<1x128xi32, #tpu.memory_space<vmem>> -> memref<128xi32, #tpu.memory_space<vmem>>
    %dma_start3A_218 = tpu.memref_slice %arg3[%dma_start3A_205, %multiple_of3A_204] : memref<2x50000xi32, #tpu.memory_space<hbm>> -> memref<1x128xi32, #tpu.memory_space<hbm>>
    %dma_start3A_219 = tpu.memref_squeeze %dma_start3A_218 : memref<1x128xi32, #tpu.memory_space<hbm>> -> memref<128xi32, #tpu.memory_space<hbm>>
    tpu.enqueue_dma source(%dma_start3A_219 : memref<128xi32, #tpu.memory_space<hbm>>) target(%dma_start3A_217 : memref<128xi32, #tpu.memory_space<vmem>>) target_semaphore(%dma_start3A_214 : memref<!tpu.dma_semaphore, #tpu.memory_space<semaphore_mem>>)
    %dma_start3A_220 = arith.constant 1 : i32
    %dma_start3A_221 = arith.constant 5 : i32
    %dma_start3A_222 = arith.constant 5 : i32
    %dma_start3A_223 = arith.constant 0 : i32
    %dma_start3A_224 = tpu.memref_slice %arg8[%dma_start3A_221, %dma_start3A_223] : memref<25x128xi32, #tpu.memory_space<vmem>> -> memref<1x128xi32, #tpu.memory_space<vmem>>
    %dma_start3A_225 = tpu.memref_squeeze %dma_start3A_224 : memref<1x128xi32, #tpu.memory_space<vmem>> -> memref<128xi32, #tpu.memory_space<vmem>>
    %dma_start3A_226 = tpu.memref_slice %arg3[%dma_start3A_220, %multiple_of3A_204] : memref<2x50000xi32, #tpu.memory_space<hbm>> -> memref<1x128xi32, #tpu.memory_space<hbm>>
    %dma_start3A_227 = tpu.memref_squeeze %dma_start3A_226 : memref<1x128xi32, #tpu.memory_space<hbm>> -> memref<128xi32, #tpu.memory_space<hbm>>
    %dma_start3A_228 = tpu.memref_slice %arg11[%dma_start3A_222] : memref<25x!tpu.dma_semaphore, #tpu.memory_space<semaphore_mem>> -> memref<1x!tpu.dma_semaphore, #tpu.memory_space<semaphore_mem>>
    %dma_start3A_229 = tpu.memref_squeeze %dma_start3A_228 : memref<1x!tpu.dma_semaphore, #tpu.memory_space<semaphore_mem>> -> memref<!tpu.dma_semaphore, #tpu.memory_space<semaphore_mem>>
    %dma_start3A_230 = arith.constant 0 : i32
    %dma_start3A_231 = tpu.memref_slice %arg8[%dma_start3A_221, %dma_start3A_230] : memref<25x128xi32, #tpu.memory_space<vmem>> -> memref<1x128xi32, #tpu.memory_space<vmem>>
    %dma_start3A_232 = tpu.memref_squeeze %dma_start3A_231 : memref<1x128xi32, #tpu.memory_space<vmem>> -> memref<128xi32, #tpu.memory_space<vmem>>
    %dma_start3A_233 = tpu.memref_slice %arg3[%dma_start3A_220, %multiple_of3A_204] : memref<2x50000xi32, #tpu.memory_space<hbm>> -> memref<1x128xi32, #tpu.memory_space<hbm>>
    %dma_start3A_234 = tpu.memref_squeeze %dma_start3A_233 : memref<1x128xi32, #tpu.memory_space<hbm>> -> memref<128xi32, #tpu.memory_space<hbm>>
    tpu.enqueue_dma source(%dma_start3A_234 : memref<128xi32, #tpu.memory_space<hbm>>) target(%dma_start3A_232 : memref<128xi32, #tpu.memory_space<vmem>>) target_semaphore(%dma_start3A_229 : memref<!tpu.dma_semaphore, #tpu.memory_space<semaphore_mem>>)
    %add3A_235 = arith.constant 96 : i32
    %add3A_236 = arith.addi %add3A_235, %arg1 : i32
    %ge3A_237 = arith.constant 390 : i32
    %ge3A_238 = arith.cmpi sge, %add3A_236, %ge3A_237 : i32
    %mul3A_239 = arith.constant 128 : i32
    %mul3A_240 = arith.muli %add3A_236, %mul3A_239 : i32
    %jit3A_241 = arith.constant 49872 : i32
    %select_n3A_242 = arith.select %ge3A_238, %jit3A_241, %mul3A_240 : i32
    %multiple_of3A_243 = tpu.assume_multiple %select_n3A_242, 8 : i32
    %dma_start3A_244 = arith.constant 0 : i32
    %dma_start3A_245 = arith.constant 6 : i32
    %dma_start3A_246 = arith.constant 6 : i32
    %dma_start3A_247 = arith.constant 0 : i32
    %dma_start3A_248 = tpu.memref_slice %arg7[%dma_start3A_245, %dma_start3A_247] : memref<25x128xi32, #tpu.memory_space<vmem>> -> memref<1x128xi32, #tpu.memory_space<vmem>>
    %dma_start3A_249 = tpu.memref_squeeze %dma_start3A_248 : memref<1x128xi32, #tpu.memory_space<vmem>> -> memref<128xi32, #tpu.memory_space<vmem>>
    %dma_start3A_250 = tpu.memref_slice %arg3[%dma_start3A_244, %multiple_of3A_243] : memref<2x50000xi32, #tpu.memory_space<hbm>> -> memref<1x128xi32, #tpu.memory_space<hbm>>
    %dma_start3A_251 = tpu.memref_squeeze %dma_start3A_250 : memref<1x128xi32, #tpu.memory_space<hbm>> -> memref<128xi32, #tpu.memory_space<hbm>>
    %dma_start3A_252 = tpu.memref_slice %arg11[%dma_start3A_246] : memref<25x!tpu.dma_semaphore, #tpu.memory_space<semaphore_mem>> -> memref<1x!tpu.dma_semaphore, #tpu.memory_space<semaphore_mem>>
    %dma_start3A_253 = tpu.memref_squeeze %dma_start3A_252 : memref<1x!tpu.dma_semaphore, #tpu.memory_space<semaphore_mem>> -> memref<!tpu.dma_semaphore, #tpu.memory_space<semaphore_mem>>
    %dma_start3A_254 = arith.constant 0 : i32
    %dma_start3A_255 = tpu.memref_slice %arg7[%dma_start3A_245, %dma_start3A_254] : memref<25x128xi32, #tpu.memory_space<vmem>> -> memref<1x128xi32, #tpu.memory_space<vmem>>
    %dma_start3A_256 = tpu.memref_squeeze %dma_start3A_255 : memref<1x128xi32, #tpu.memory_space<vmem>> -> memref<128xi32, #tpu.memory_space<vmem>>
    %dma_start3A_257 = tpu.memref_slice %arg3[%dma_start3A_244, %multiple_of3A_243] : memref<2x50000xi32, #tpu.memory_space<hbm>> -> memref<1x128xi32, #tpu.memory_space<hbm>>
    %dma_start3A_258 = tpu.memref_squeeze %dma_start3A_257 : memref<1x128xi32, #tpu.memory_space<hbm>> -> memref<128xi32, #tpu.memory_space<hbm>>
    tpu.enqueue_dma source(%dma_start3A_258 : memref<128xi32, #tpu.memory_space<hbm>>) target(%dma_start3A_256 : memref<128xi32, #tpu.memory_space<vmem>>) target_semaphore(%dma_start3A_253 : memref<!tpu.dma_semaphore, #tpu.memory_space<semaphore_mem>>)
    %dma_start3A_259 = arith.constant 1 : i32
    %dma_start3A_260 = arith.constant 6 : i32
    %dma_start3A_261 = arith.constant 6 : i32
    %dma_start3A_262 = arith.constant 0 : i32
    %dma_start3A_263 = tpu.memref_slice %arg8[%dma_start3A_260, %dma_start3A_262] : memref<25x128xi32, #tpu.memory_space<vmem>> -> memref<1x128xi32, #tpu.memory_space<vmem>>
    %dma_start3A_264 = tpu.memref_squeeze %dma_start3A_263 : memref<1x128xi32, #tpu.memory_space<vmem>> -> memref<128xi32, #tpu.memory_space<vmem>>
    %dma_start3A_265 = tpu.memref_slice %arg3[%dma_start3A_259, %multiple_of3A_243] : memref<2x50000xi32, #tpu.memory_space<hbm>> -> memref<1x128xi32, #tpu.memory_space<hbm>>
    %dma_start3A_266 = tpu.memref_squeeze %dma_start3A_265 : memref<1x128xi32, #tpu.memory_space<hbm>> -> memref<128xi32, #tpu.memory_space<hbm>>
    %dma_start3A_267 = tpu.memref_slice %arg11[%dma_start3A_261] : memref<25x!tpu.dma_semaphore, #tpu.memory_space<semaphore_mem>> -> memref<1x!tpu.dma_semaphore, #tpu.memory_space<semaphore_mem>>
    %dma_start3A_268 = tpu.memref_squeeze %dma_start3A_267 : memref<1x!tpu.dma_semaphore, #tpu.memory_space<semaphore_mem>> -> memref<!tpu.dma_semaphore, #tpu.memory_space<semaphore_mem>>
    %dma_start3A_269 = arith.constant 0 : i32
    %dma_start3A_270 = tpu.memref_slice %arg8[%dma_start3A_260, %dma_start3A_269] : memref<25x128xi32, #tpu.memory_space<vmem>> -> memref<1x128xi32, #tpu.memory_space<vmem>>
    %dma_start3A_271 = tpu.memref_squeeze %dma_start3A_270 : memref<1x128xi32, #tpu.memory_space<vmem>> -> memref<128xi32, #tpu.memory_space<vmem>>
    %dma_start3A_272 = tpu.memref_slice %arg3[%dma_start3A_259, %multiple_of3A_243] : memref<2x50000xi32, #tpu.memory_space<hbm>> -> memref<1x128xi32, #tpu.memory_space<hbm>>
    %dma_start3A_273 = tpu.memref_squeeze %dma_start3A_272 : memref<1x128xi32, #tpu.memory_space<hbm>> -> memref<128xi32, #tpu.memory_space<hbm>>
    tpu.enqueue_dma source(%dma_start3A_273 : memref<128xi32, #tpu.memory_space<hbm>>) target(%dma_start3A_271 : memref<128xi32, #tpu.memory_space<vmem>>) target_semaphore(%dma_start3A_268 : memref<!tpu.dma_semaphore, #tpu.memory_space<semaphore_mem>>)
    %add3A_274 = arith.constant 112 : i32
    %add3A_275 = arith.addi %add3A_274, %arg1 : i32
    %ge3A_276 = arith.constant 390 : i32
    %ge3A_277 = arith.cmpi sge, %add3A_275, %ge3A_276 : i32
    %mul3A_278 = arith.constant 128 : i32
    %mul3A_279 = arith.muli %add3A_275, %mul3A_278 : i32
    %jit3A_280 = arith.constant 49872 : i32
    %select_n3A_281 = arith.select %ge3A_277, %jit3A_280, %mul3A_279 : i32
    %multiple_of3A_282 = tpu.assume_multiple %select_n3A_281, 8 : i32
    %dma_start3A_283 = arith.constant 0 : i32
    %dma_start3A_284 = arith.constant 7 : i32
    %dma_start3A_285 = arith.constant 7 : i32
    %dma_start3A_286 = arith.constant 0 : i32
    %dma_start3A_287 = tpu.memref_slice %arg7[%dma_start3A_284, %dma_start3A_286] : memref<25x128xi32, #tpu.memory_space<vmem>> -> memref<1x128xi32, #tpu.memory_space<vmem>>
    %dma_start3A_288 = tpu.memref_squeeze %dma_start3A_287 : memref<1x128xi32, #tpu.memory_space<vmem>> -> memref<128xi32, #tpu.memory_space<vmem>>
    %dma_start3A_289 = tpu.memref_slice %arg3[%dma_start3A_283, %multiple_of3A_282] : memref<2x50000xi32, #tpu.memory_space<hbm>> -> memref<1x128xi32, #tpu.memory_space<hbm>>
    %dma_start3A_290 = tpu.memref_squeeze %dma_start3A_289 : memref<1x128xi32, #tpu.memory_space<hbm>> -> memref<128xi32, #tpu.memory_space<hbm>>
    %dma_start3A_291 = tpu.memref_slice %arg11[%dma_start3A_285] : memref<25x!tpu.dma_semaphore, #tpu.memory_space<semaphore_mem>> -> memref<1x!tpu.dma_semaphore, #tpu.memory_space<semaphore_mem>>
    %dma_start3A_292 = tpu.memref_squeeze %dma_start3A_291 : memref<1x!tpu.dma_semaphore, #tpu.memory_space<semaphore_mem>> -> memref<!tpu.dma_semaphore, #tpu.memory_space<semaphore_mem>>
    %dma_start3A_293 = arith.constant 0 : i32
    %dma_start3A_294 = tpu.memref_slice %arg7[%dma_start3A_284, %dma_start3A_293] : memref<25x128xi32, #tpu.memory_space<vmem>> -> memref<1x128xi32, #tpu.memory_space<vmem>>
    %dma_start3A_295 = tpu.memref_squeeze %dma_start3A_294 : memref<1x128xi32, #tpu.memory_space<vmem>> -> memref<128xi32, #tpu.memory_space<vmem>>
    %dma_start3A_296 = tpu.memref_slice %arg3[%dma_start3A_283, %multiple_of3A_282] : memref<2x50000xi32, #tpu.memory_space<hbm>> -> memref<1x128xi32, #tpu.memory_space<hbm>>
    %dma_start3A_297 = tpu.memref_squeeze %dma_start3A_296 : memref<1x128xi32, #tpu.memory_space<hbm>> -> memref<128xi32, #tpu.memory_space<hbm>>
    tpu.enqueue_dma source(%dma_start3A_297 : memref<128xi32, #tpu.memory_space<hbm>>) target(%dma_start3A_295 : memref<128xi32, #tpu.memory_space<vmem>>) target_semaphore(%dma_start3A_292 : memref<!tpu.dma_semaphore, #tpu.memory_space<semaphore_mem>>)
    %dma_start3A_298 = arith.constant 1 : i32
    %dma_start3A_299 = arith.constant 7 : i32
    %dma_start3A_300 = arith.constant 7 : i32
    %dma_start3A_301 = arith.constant 0 : i32
    %dma_start3A_302 = tpu.memref_slice %arg8[%dma_start3A_299, %dma_start3A_301] : memref<25x128xi32, #tpu.memory_space<vmem>> -> memref<1x128xi32, #tpu.memory_space<vmem>>
    %dma_start3A_303 = tpu.memref_squeeze %dma_start3A_302 : memref<1x128xi32, #tpu.memory_space<vmem>> -> memref<128xi32, #tpu.memory_space<vmem>>
    %dma_start3A_304 = tpu.memref_slice %arg3[%dma_start3A_298, %multiple_of3A_282] : memref<2x50000xi32, #tpu.memory_space<hbm>> -> memref<1x128xi32, #tpu.memory_space<hbm>>
    %dma_start3A_305 = tpu.memref_squeeze %dma_start3A_304 : memref<1x128xi32, #tpu.memory_space<hbm>> -> memref<128xi32, #tpu.memory_space<hbm>>
    %dma_start3A_306 = tpu.memref_slice %arg11[%dma_start3A_300] : memref<25x!tpu.dma_semaphore, #tpu.memory_space<semaphore_mem>> -> memref<1x!tpu.dma_semaphore, #tpu.memory_space<semaphore_mem>>
    %dma_start3A_307 = tpu.memref_squeeze %dma_start3A_306 : memref<1x!tpu.dma_semaphore, #tpu.memory_space<semaphore_mem>> -> memref<!tpu.dma_semaphore, #tpu.memory_space<semaphore_mem>>
    %dma_start3A_308 = arith.constant 0 : i32
    %dma_start3A_309 = tpu.memref_slice %arg8[%dma_start3A_299, %dma_start3A_308] : memref<25x128xi32, #tpu.memory_space<vmem>> -> memref<1x128xi32, #tpu.memory_space<vmem>>
    %dma_start3A_310 = tpu.memref_squeeze %dma_start3A_309 : memref<1x128xi32, #tpu.memory_space<vmem>> -> memref<128xi32, #tpu.memory_space<vmem>>
    %dma_start3A_311 = tpu.memref_slice %arg3[%dma_start3A_298, %multiple_of3A_282] : memref<2x50000xi32, #tpu.memory_space<hbm>> -> memref<1x128xi32, #tpu.memory_space<hbm>>
    %dma_start3A_312 = tpu.memref_squeeze %dma_start3A_311 : memref<1x128xi32, #tpu.memory_space<hbm>> -> memref<128xi32, #tpu.memory_space<hbm>>
    tpu.enqueue_dma source(%dma_start3A_312 : memref<128xi32, #tpu.memory_space<hbm>>) target(%dma_start3A_310 : memref<128xi32, #tpu.memory_space<vmem>>) target_semaphore(%dma_start3A_307 : memref<!tpu.dma_semaphore, #tpu.memory_space<semaphore_mem>>)
    %add3A_313 = arith.constant 128 : i32
    %add3A_314 = arith.addi %add3A_313, %arg1 : i32
    %ge3A_315 = arith.constant 390 : i32
    %ge3A_316 = arith.cmpi sge, %add3A_314, %ge3A_315 : i32
    %mul3A_317 = arith.constant 128 : i32
    %mul3A_318 = arith.muli %add3A_314, %mul3A_317 : i32
    %jit3A_319 = arith.constant 49872 : i32
    %select_n3A_320 = arith.select %ge3A_316, %jit3A_319, %mul3A_318 : i32
    %multiple_of3A_321 = tpu.assume_multiple %select_n3A_320, 8 : i32
    %dma_start3A_322 = arith.constant 0 : i32
    %dma_start3A_323 = arith.constant 8 : i32
    %dma_start3A_324 = arith.constant 8 : i32
    %dma_start3A_325 = arith.constant 0 : i32
    %dma_start3A_326 = tpu.memref_slice %arg7[%dma_start3A_323, %dma_start3A_325] : memref<25x128xi32, #tpu.memory_space<vmem>> -> memref<1x128xi32, #tpu.memory_space<vmem>>
    %dma_start3A_327 = tpu.memref_squeeze %dma_start3A_326 : memref<1x128xi32, #tpu.memory_space<vmem>> -> memref<128xi32, #tpu.memory_space<vmem>>
    %dma_start3A_328 = tpu.memref_slice %arg3[%dma_start3A_322, %multiple_of3A_321] : memref<2x50000xi32, #tpu.memory_space<hbm>> -> memref<1x128xi32, #tpu.memory_space<hbm>>
    %dma_start3A_329 = tpu.memref_squeeze %dma_start3A_328 : memref<1x128xi32, #tpu.memory_space<hbm>> -> memref<128xi32, #tpu.memory_space<hbm>>
    %dma_start3A_330 = tpu.memref_slice %arg11[%dma_start3A_324] : memref<25x!tpu.dma_semaphore, #tpu.memory_space<semaphore_mem>> -> memref<1x!tpu.dma_semaphore, #tpu.memory_space<semaphore_mem>>
    %dma_start3A_331 = tpu.memref_squeeze %dma_start3A_330 : memref<1x!tpu.dma_semaphore, #tpu.memory_space<semaphore_mem>> -> memref<!tpu.dma_semaphore, #tpu.memory_space<semaphore_mem>>
    %dma_start3A_332 = arith.constant 0 : i32
    %dma_start3A_333 = tpu.memref_slice %arg7[%dma_start3A_323, %dma_start3A_332] : memref<25x128xi32, #tpu.memory_space<vmem>> -> memref<1x128xi32, #tpu.memory_space<vmem>>
    %dma_start3A_334 = tpu.memref_squeeze %dma_start3A_333 : memref<1x128xi32, #tpu.memory_space<vmem>> -> memref<128xi32, #tpu.memory_space<vmem>>
    %dma_start3A_335 = tpu.memref_slice %arg3[%dma_start3A_322, %multiple_of3A_321] : memref<2x50000xi32, #tpu.memory_space<hbm>> -> memref<1x128xi32, #tpu.memory_space<hbm>>
    %dma_start3A_336 = tpu.memref_squeeze %dma_start3A_335 : memref<1x128xi32, #tpu.memory_space<hbm>> -> memref<128xi32, #tpu.memory_space<hbm>>
    tpu.enqueue_dma source(%dma_start3A_336 : memref<128xi32, #tpu.memory_space<hbm>>) target(%dma_start3A_334 : memref<128xi32, #tpu.memory_space<vmem>>) target_semaphore(%dma_start3A_331 : memref<!tpu.dma_semaphore, #tpu.memory_space<semaphore_mem>>)
    %dma_start3A_337 = arith.constant 1 : i32
    %dma_start3A_338 = arith.constant 8 : i32
    %dma_start3A_339 = arith.constant 8 : i32
    %dma_start3A_340 = arith.constant 0 : i32
    %dma_start3A_341 = tpu.memref_slice %arg8[%dma_start3A_338, %dma_start3A_340] : memref<25x128xi32, #tpu.memory_space<vmem>> -> memref<1x128xi32, #tpu.memory_space<vmem>>
    %dma_start3A_342 = tpu.memref_squeeze %dma_start3A_341 : memref<1x128xi32, #tpu.memory_space<vmem>> -> memref<128xi32, #tpu.memory_space<vmem>>
    %dma_start3A_343 = tpu.memref_slice %arg3[%dma_start3A_337, %multiple_of3A_321] : memref<2x50000xi32, #tpu.memory_space<hbm>> -> memref<1x128xi32, #tpu.memory_space<hbm>>
    %dma_start3A_344 = tpu.memref_squeeze %dma_start3A_343 : memref<1x128xi32, #tpu.memory_space<hbm>> -> memref<128xi32, #tpu.memory_space<hbm>>
    %dma_start3A_345 = tpu.memref_slice %arg11[%dma_start3A_339] : memref<25x!tpu.dma_semaphore, #tpu.memory_space<semaphore_mem>> -> memref<1x!tpu.dma_semaphore, #tpu.memory_space<semaphore_mem>>
    %dma_start3A_346 = tpu.memref_squeeze %dma_start3A_345 : memref<1x!tpu.dma_semaphore, #tpu.memory_space<semaphore_mem>> -> memref<!tpu.dma_semaphore, #tpu.memory_space<semaphore_mem>>
    %dma_start3A_347 = arith.constant 0 : i32
    %dma_start3A_348 = tpu.memref_slice %arg8[%dma_start3A_338, %dma_start3A_347] : memref<25x128xi32, #tpu.memory_space<vmem>> -> memref<1x128xi32, #tpu.memory_space<vmem>>
    %dma_start3A_349 = tpu.memref_squeeze %dma_start3A_348 : memref<1x128xi32, #tpu.memory_space<vmem>> -> memref<128xi32, #tpu.memory_space<vmem>>
    %dma_start3A_350 = tpu.memref_slice %arg3[%dma_start3A_337, %multiple_of3A_321] : memref<2x50000xi32, #tpu.memory_space<hbm>> -> memref<1x128xi32, #tpu.memory_space<hbm>>
    %dma_start3A_351 = tpu.memref_squeeze %dma_start3A_350 : memref<1x128xi32, #tpu.memory_space<hbm>> -> memref<128xi32, #tpu.memory_space<hbm>>
    tpu.enqueue_dma source(%dma_start3A_351 : memref<128xi32, #tpu.memory_space<hbm>>) target(%dma_start3A_349 : memref<128xi32, #tpu.memory_space<vmem>>) target_semaphore(%dma_start3A_346 : memref<!tpu.dma_semaphore, #tpu.memory_space<semaphore_mem>>)
    %add3A_352 = arith.constant 144 : i32
    %add3A_353 = arith.addi %add3A_352, %arg1 : i32
    %ge3A_354 = arith.constant 390 : i32
    %ge3A_355 = arith.cmpi sge, %add3A_353, %ge3A_354 : i32
    %mul3A_356 = arith.constant 128 : i32
    %mul3A_357 = arith.muli %add3A_353, %mul3A_356 : i32
    %jit3A_358 = arith.constant 49872 : i32
    %select_n3A_359 = arith.select %ge3A_355, %jit3A_358, %mul3A_357 : i32
    %multiple_of3A_360 = tpu.assume_multiple %select_n3A_359, 8 : i32
    %dma_start3A_361 = arith.constant 0 : i32
    %dma_start3A_362 = arith.constant 9 : i32
    %dma_start3A_363 = arith.constant 9 : i32
    %dma_start3A_364 = arith.constant 0 : i32
    %dma_start3A_365 = tpu.memref_slice %arg7[%dma_start3A_362, %dma_start3A_364] : memref<25x128xi32, #tpu.memory_space<vmem>> -> memref<1x128xi32, #tpu.memory_space<vmem>>
    %dma_start3A_366 = tpu.memref_squeeze %dma_start3A_365 : memref<1x128xi32, #tpu.memory_space<vmem>> -> memref<128xi32, #tpu.memory_space<vmem>>
    %dma_start3A_367 = tpu.memref_slice %arg3[%dma_start3A_361, %multiple_of3A_360] : memref<2x50000xi32, #tpu.memory_space<hbm>> -> memref<1x128xi32, #tpu.memory_space<hbm>>
    %dma_start3A_368 = tpu.memref_squeeze %dma_start3A_367 : memref<1x128xi32, #tpu.memory_space<hbm>> -> memref<128xi32, #tpu.memory_space<hbm>>
    %dma_start3A_369 = tpu.memref_slice %arg11[%dma_start3A_363] : memref<25x!tpu.dma_semaphore, #tpu.memory_space<semaphore_mem>> -> memref<1x!tpu.dma_semaphore, #tpu.memory_space<semaphore_mem>>
    %dma_start3A_370 = tpu.memref_squeeze %dma_start3A_369 : memref<1x!tpu.dma_semaphore, #tpu.memory_space<semaphore_mem>> -> memref<!tpu.dma_semaphore, #tpu.memory_space<semaphore_mem>>
    %dma_start3A_371 = arith.constant 0 : i32
    %dma_start3A_372 = tpu.memref_slice %arg7[%dma_start3A_362, %dma_start3A_371] : memref<25x128xi32, #tpu.memory_space<vmem>> -> memref<1x128xi32, #tpu.memory_space<vmem>>
    %dma_start3A_373 = tpu.memref_squeeze %dma_start3A_372 : memref<1x128xi32, #tpu.memory_space<vmem>> -> memref<128xi32, #tpu.memory_space<vmem>>
    %dma_start3A_374 = tpu.memref_slice %arg3[%dma_start3A_361, %multiple_of3A_360] : memref<2x50000xi32, #tpu.memory_space<hbm>> -> memref<1x128xi32, #tpu.memory_space<hbm>>
    %dma_start3A_375 = tpu.memref_squeeze %dma_start3A_374 : memref<1x128xi32, #tpu.memory_space<hbm>> -> memref<128xi32, #tpu.memory_space<hbm>>
    tpu.enqueue_dma source(%dma_start3A_375 : memref<128xi32, #tpu.memory_space<hbm>>) target(%dma_start3A_373 : memref<128xi32, #tpu.memory_space<vmem>>) target_semaphore(%dma_start3A_370 : memref<!tpu.dma_semaphore, #tpu.memory_space<semaphore_mem>>)
    %dma_start3A_376 = arith.constant 1 : i32
    %dma_start3A_377 = arith.constant 9 : i32
    %dma_start3A_378 = arith.constant 9 : i32
    %dma_start3A_379 = arith.constant 0 : i32
    %dma_start3A_380 = tpu.memref_slice %arg8[%dma_start3A_377, %dma_start3A_379] : memref<25x128xi32, #tpu.memory_space<vmem>> -> memref<1x128xi32, #tpu.memory_space<vmem>>
    %dma_start3A_381 = tpu.memref_squeeze %dma_start3A_380 : memref<1x128xi32, #tpu.memory_space<vmem>> -> memref<128xi32, #tpu.memory_space<vmem>>
    %dma_start3A_382 = tpu.memref_slice %arg3[%dma_start3A_376, %multiple_of3A_360] : memref<2x50000xi32, #tpu.memory_space<hbm>> -> memref<1x128xi32, #tpu.memory_space<hbm>>
    %dma_start3A_383 = tpu.memref_squeeze %dma_start3A_382 : memref<1x128xi32, #tpu.memory_space<hbm>> -> memref<128xi32, #tpu.memory_space<hbm>>
    %dma_start3A_384 = tpu.memref_slice %arg11[%dma_start3A_378] : memref<25x!tpu.dma_semaphore, #tpu.memory_space<semaphore_mem>> -> memref<1x!tpu.dma_semaphore, #tpu.memory_space<semaphore_mem>>
    %dma_start3A_385 = tpu.memref_squeeze %dma_start3A_384 : memref<1x!tpu.dma_semaphore, #tpu.memory_space<semaphore_mem>> -> memref<!tpu.dma_semaphore, #tpu.memory_space<semaphore_mem>>
    %dma_start3A_386 = arith.constant 0 : i32
    %dma_start3A_387 = tpu.memref_slice %arg8[%dma_start3A_377, %dma_start3A_386] : memref<25x128xi32, #tpu.memory_space<vmem>> -> memref<1x128xi32, #tpu.memory_space<vmem>>
    %dma_start3A_388 = tpu.memref_squeeze %dma_start3A_387 : memref<1x128xi32, #tpu.memory_space<vmem>> -> memref<128xi32, #tpu.memory_space<vmem>>
    %dma_start3A_389 = tpu.memref_slice %arg3[%dma_start3A_376, %multiple_of3A_360] : memref<2x50000xi32, #tpu.memory_space<hbm>> -> memref<1x128xi32, #tpu.memory_space<hbm>>
    %dma_start3A_390 = tpu.memref_squeeze %dma_start3A_389 : memref<1x128xi32, #tpu.memory_space<hbm>> -> memref<128xi32, #tpu.memory_space<hbm>>
    tpu.enqueue_dma source(%dma_start3A_390 : memref<128xi32, #tpu.memory_space<hbm>>) target(%dma_start3A_388 : memref<128xi32, #tpu.memory_space<vmem>>) target_semaphore(%dma_start3A_385 : memref<!tpu.dma_semaphore, #tpu.memory_space<semaphore_mem>>)
    %add3A_391 = arith.constant 160 : i32
    %add3A_392 = arith.addi %add3A_391, %arg1 : i32
    %ge3A_393 = arith.constant 390 : i32
    %ge3A_394 = arith.cmpi sge, %add3A_392, %ge3A_393 : i32
    %mul3A_395 = arith.constant 128 : i32
    %mul3A_396 = arith.muli %add3A_392, %mul3A_395 : i32
    %jit3A_397 = arith.constant 49872 : i32
    %select_n3A_398 = arith.select %ge3A_394, %jit3A_397, %mul3A_396 : i32
    %multiple_of3A_399 = tpu.assume_multiple %select_n3A_398, 8 : i32
    %dma_start3A_400 = arith.constant 0 : i32
    %dma_start3A_401 = arith.constant 10 : i32
    %dma_start3A_402 = arith.constant 10 : i32
    %dma_start3A_403 = arith.constant 0 : i32
    %dma_start3A_404 = tpu.memref_slice %arg7[%dma_start3A_401, %dma_start3A_403] : memref<25x128xi32, #tpu.memory_space<vmem>> -> memref<1x128xi32, #tpu.memory_space<vmem>>
    %dma_start3A_405 = tpu.memref_squeeze %dma_start3A_404 : memref<1x128xi32, #tpu.memory_space<vmem>> -> memref<128xi32, #tpu.memory_space<vmem>>
    %dma_start3A_406 = tpu.memref_slice %arg3[%dma_start3A_400, %multiple_of3A_399] : memref<2x50000xi32, #tpu.memory_space<hbm>> -> memref<1x128xi32, #tpu.memory_space<hbm>>
    %dma_start3A_407 = tpu.memref_squeeze %dma_start3A_406 : memref<1x128xi32, #tpu.memory_space<hbm>> -> memref<128xi32, #tpu.memory_space<hbm>>
    %dma_start3A_408 = tpu.memref_slice %arg11[%dma_start3A_402] : memref<25x!tpu.dma_semaphore, #tpu.memory_space<semaphore_mem>> -> memref<1x!tpu.dma_semaphore, #tpu.memory_space<semaphore_mem>>
    %dma_start3A_409 = tpu.memref_squeeze %dma_start3A_408 : memref<1x!tpu.dma_semaphore, #tpu.memory_space<semaphore_mem>> -> memref<!tpu.dma_semaphore, #tpu.memory_space<semaphore_mem>>
    %dma_start3A_410 = arith.constant 0 : i32
    %dma_start3A_411 = tpu.memref_slice %arg7[%dma_start3A_401, %dma_start3A_410] : memref<25x128xi32, #tpu.memory_space<vmem>> -> memref<1x128xi32, #tpu.memory_space<vmem>>
    %dma_start3A_412 = tpu.memref_squeeze %dma_start3A_411 : memref<1x128xi32, #tpu.memory_space<vmem>> -> memref<128xi32, #tpu.memory_space<vmem>>
    %dma_start3A_413 = tpu.memref_slice %arg3[%dma_start3A_400, %multiple_of3A_399] : memref<2x50000xi32, #tpu.memory_space<hbm>> -> memref<1x128xi32, #tpu.memory_space<hbm>>
    %dma_start3A_414 = tpu.memref_squeeze %dma_start3A_413 : memref<1x128xi32, #tpu.memory_space<hbm>> -> memref<128xi32, #tpu.memory_space<hbm>>
    tpu.enqueue_dma source(%dma_start3A_414 : memref<128xi32, #tpu.memory_space<hbm>>) target(%dma_start3A_412 : memref<128xi32, #tpu.memory_space<vmem>>) target_semaphore(%dma_start3A_409 : memref<!tpu.dma_semaphore, #tpu.memory_space<semaphore_mem>>)
    %dma_start3A_415 = arith.constant 1 : i32
    %dma_start3A_416 = arith.constant 10 : i32
    %dma_start3A_417 = arith.constant 10 : i32
    %dma_start3A_418 = arith.constant 0 : i32
    %dma_start3A_419 = tpu.memref_slice %arg8[%dma_start3A_416, %dma_start3A_418] : memref<25x128xi32, #tpu.memory_space<vmem>> -> memref<1x128xi32, #tpu.memory_space<vmem>>
    %dma_start3A_420 = tpu.memref_squeeze %dma_start3A_419 : memref<1x128xi32, #tpu.memory_space<vmem>> -> memref<128xi32, #tpu.memory_space<vmem>>
    %dma_start3A_421 = tpu.memref_slice %arg3[%dma_start3A_415, %multiple_of3A_399] : memref<2x50000xi32, #tpu.memory_space<hbm>> -> memref<1x128xi32, #tpu.memory_space<hbm>>
    %dma_start3A_422 = tpu.memref_squeeze %dma_start3A_421 : memref<1x128xi32, #tpu.memory_space<hbm>> -> memref<128xi32, #tpu.memory_space<hbm>>
    %dma_start3A_423 = tpu.memref_slice %arg11[%dma_start3A_417] : memref<25x!tpu.dma_semaphore, #tpu.memory_space<semaphore_mem>> -> memref<1x!tpu.dma_semaphore, #tpu.memory_space<semaphore_mem>>
    %dma_start3A_424 = tpu.memref_squeeze %dma_start3A_423 : memref<1x!tpu.dma_semaphore, #tpu.memory_space<semaphore_mem>> -> memref<!tpu.dma_semaphore, #tpu.memory_space<semaphore_mem>>
    %dma_start3A_425 = arith.constant 0 : i32
    %dma_start3A_426 = tpu.memref_slice %arg8[%dma_start3A_416, %dma_start3A_425] : memref<25x128xi32, #tpu.memory_space<vmem>> -> memref<1x128xi32, #tpu.memory_space<vmem>>
    %dma_start3A_427 = tpu.memref_squeeze %dma_start3A_426 : memref<1x128xi32, #tpu.memory_space<vmem>> -> memref<128xi32, #tpu.memory_space<vmem>>
    %dma_start3A_428 = tpu.memref_slice %arg3[%dma_start3A_415, %multiple_of3A_399] : memref<2x50000xi32, #tpu.memory_space<hbm>> -> memref<1x128xi32, #tpu.memory_space<hbm>>
    %dma_start3A_429 = tpu.memref_squeeze %dma_start3A_428 : memref<1x128xi32, #tpu.memory_space<hbm>> -> memref<128xi32, #tpu.memory_space<hbm>>
    tpu.enqueue_dma source(%dma_start3A_429 : memref<128xi32, #tpu.memory_space<hbm>>) target(%dma_start3A_427 : memref<128xi32, #tpu.memory_space<vmem>>) target_semaphore(%dma_start3A_424 : memref<!tpu.dma_semaphore, #tpu.memory_space<semaphore_mem>>)
    %add3A_430 = arith.constant 176 : i32
    %add3A_431 = arith.addi %add3A_430, %arg1 : i32
    %ge3A_432 = arith.constant 390 : i32
    %ge3A_433 = arith.cmpi sge, %add3A_431, %ge3A_432 : i32
    %mul3A_434 = arith.constant 128 : i32
    %mul3A_435 = arith.muli %add3A_431, %mul3A_434 : i32
    %jit3A_436 = arith.constant 49872 : i32
    %select_n3A_437 = arith.select %ge3A_433, %jit3A_436, %mul3A_435 : i32
    %multiple_of3A_438 = tpu.assume_multiple %select_n3A_437, 8 : i32
    %dma_start3A_439 = arith.constant 0 : i32
    %dma_start3A_440 = arith.constant 11 : i32
    %dma_start3A_441 = arith.constant 11 : i32
    %dma_start3A_442 = arith.constant 0 : i32
    %dma_start3A_443 = tpu.memref_slice %arg7[%dma_start3A_440, %dma_start3A_442] : memref<25x128xi32, #tpu.memory_space<vmem>> -> memref<1x128xi32, #tpu.memory_space<vmem>>
    %dma_start3A_444 = tpu.memref_squeeze %dma_start3A_443 : memref<1x128xi32, #tpu.memory_space<vmem>> -> memref<128xi32, #tpu.memory_space<vmem>>
    %dma_start3A_445 = tpu.memref_slice %arg3[%dma_start3A_439, %multiple_of3A_438] : memref<2x50000xi32, #tpu.memory_space<hbm>> -> memref<1x128xi32, #tpu.memory_space<hbm>>
    %dma_start3A_446 = tpu.memref_squeeze %dma_start3A_445 : memref<1x128xi32, #tpu.memory_space<hbm>> -> memref<128xi32, #tpu.memory_space<hbm>>
    %dma_start3A_447 = tpu.memref_slice %arg11[%dma_start3A_441] : memref<25x!tpu.dma_semaphore, #tpu.memory_space<semaphore_mem>> -> memref<1x!tpu.dma_semaphore, #tpu.memory_space<semaphore_mem>>
    %dma_start3A_448 = tpu.memref_squeeze %dma_start3A_447 : memref<1x!tpu.dma_semaphore, #tpu.memory_space<semaphore_mem>> -> memref<!tpu.dma_semaphore, #tpu.memory_space<semaphore_mem>>
    %dma_start3A_449 = arith.constant 0 : i32
    %dma_start3A_450 = tpu.memref_slice %arg7[%dma_start3A_440, %dma_start3A_449] : memref<25x128xi32, #tpu.memory_space<vmem>> -> memref<1x128xi32, #tpu.memory_space<vmem>>
    %dma_start3A_451 = tpu.memref_squeeze %dma_start3A_450 : memref<1x128xi32, #tpu.memory_space<vmem>> -> memref<128xi32, #tpu.memory_space<vmem>>
    %dma_start3A_452 = tpu.memref_slice %arg3[%dma_start3A_439, %multiple_of3A_438] : memref<2x50000xi32, #tpu.memory_space<hbm>> -> memref<1x128xi32, #tpu.memory_space<hbm>>
    %dma_start3A_453 = tpu.memref_squeeze %dma_start3A_452 : memref<1x128xi32, #tpu.memory_space<hbm>> -> memref<128xi32, #tpu.memory_space<hbm>>
    tpu.enqueue_dma source(%dma_start3A_453 : memref<128xi32, #tpu.memory_space<hbm>>) target(%dma_start3A_451 : memref<128xi32, #tpu.memory_space<vmem>>) target_semaphore(%dma_start3A_448 : memref<!tpu.dma_semaphore, #tpu.memory_space<semaphore_mem>>)
    %dma_start3A_454 = arith.constant 1 : i32
    %dma_start3A_455 = arith.constant 11 : i32
    %dma_start3A_456 = arith.constant 11 : i32
    %dma_start3A_457 = arith.constant 0 : i32
    %dma_start3A_458 = tpu.memref_slice %arg8[%dma_start3A_455, %dma_start3A_457] : memref<25x128xi32, #tpu.memory_space<vmem>> -> memref<1x128xi32, #tpu.memory_space<vmem>>
    %dma_start3A_459 = tpu.memref_squeeze %dma_start3A_458 : memref<1x128xi32, #tpu.memory_space<vmem>> -> memref<128xi32, #tpu.memory_space<vmem>>
    %dma_start3A_460 = tpu.memref_slice %arg3[%dma_start3A_454, %multiple_of3A_438] : memref<2x50000xi32, #tpu.memory_space<hbm>> -> memref<1x128xi32, #tpu.memory_space<hbm>>
    %dma_start3A_461 = tpu.memref_squeeze %dma_start3A_460 : memref<1x128xi32, #tpu.memory_space<hbm>> -> memref<128xi32, #tpu.memory_space<hbm>>
    %dma_start3A_462 = tpu.memref_slice %arg11[%dma_start3A_456] : memref<25x!tpu.dma_semaphore, #tpu.memory_space<semaphore_mem>> -> memref<1x!tpu.dma_semaphore, #tpu.memory_space<semaphore_mem>>
    %dma_start3A_463 = tpu.memref_squeeze %dma_start3A_462 : memref<1x!tpu.dma_semaphore, #tpu.memory_space<semaphore_mem>> -> memref<!tpu.dma_semaphore, #tpu.memory_space<semaphore_mem>>
    %dma_start3A_464 = arith.constant 0 : i32
    %dma_start3A_465 = tpu.memref_slice %arg8[%dma_start3A_455, %dma_start3A_464] : memref<25x128xi32, #tpu.memory_space<vmem>> -> memref<1x128xi32, #tpu.memory_space<vmem>>
    %dma_start3A_466 = tpu.memref_squeeze %dma_start3A_465 : memref<1x128xi32, #tpu.memory_space<vmem>> -> memref<128xi32, #tpu.memory_space<vmem>>
    %dma_start3A_467 = tpu.memref_slice %arg3[%dma_start3A_454, %multiple_of3A_438] : memref<2x50000xi32, #tpu.memory_space<hbm>> -> memref<1x128xi32, #tpu.memory_space<hbm>>
    %dma_start3A_468 = tpu.memref_squeeze %dma_start3A_467 : memref<1x128xi32, #tpu.memory_space<hbm>> -> memref<128xi32, #tpu.memory_space<hbm>>
    tpu.enqueue_dma source(%dma_start3A_468 : memref<128xi32, #tpu.memory_space<hbm>>) target(%dma_start3A_466 : memref<128xi32, #tpu.memory_space<vmem>>) target_semaphore(%dma_start3A_463 : memref<!tpu.dma_semaphore, #tpu.memory_space<semaphore_mem>>)
    %add3A_469 = arith.constant 192 : i32
    %add3A_470 = arith.addi %add3A_469, %arg1 : i32
    %ge3A_471 = arith.constant 390 : i32
    %ge3A_472 = arith.cmpi sge, %add3A_470, %ge3A_471 : i32
    %mul3A_473 = arith.constant 128 : i32
    %mul3A_474 = arith.muli %add3A_470, %mul3A_473 : i32
    %jit3A_475 = arith.constant 49872 : i32
    %select_n3A_476 = arith.select %ge3A_472, %jit3A_475, %mul3A_474 : i32
    %multiple_of3A_477 = tpu.assume_multiple %select_n3A_476, 8 : i32
    %dma_start3A_478 = arith.constant 0 : i32
    %dma_start3A_479 = arith.constant 12 : i32
    %dma_start3A_480 = arith.constant 12 : i32
    %dma_start3A_481 = arith.constant 0 : i32
    %dma_start3A_482 = tpu.memref_slice %arg7[%dma_start3A_479, %dma_start3A_481] : memref<25x128xi32, #tpu.memory_space<vmem>> -> memref<1x128xi32, #tpu.memory_space<vmem>>
    %dma_start3A_483 = tpu.memref_squeeze %dma_start3A_482 : memref<1x128xi32, #tpu.memory_space<vmem>> -> memref<128xi32, #tpu.memory_space<vmem>>
    %dma_start3A_484 = tpu.memref_slice %arg3[%dma_start3A_478, %multiple_of3A_477] : memref<2x50000xi32, #tpu.memory_space<hbm>> -> memref<1x128xi32, #tpu.memory_space<hbm>>
    %dma_start3A_485 = tpu.memref_squeeze %dma_start3A_484 : memref<1x128xi32, #tpu.memory_space<hbm>> -> memref<128xi32, #tpu.memory_space<hbm>>
    %dma_start3A_486 = tpu.memref_slice %arg11[%dma_start3A_480] : memref<25x!tpu.dma_semaphore, #tpu.memory_space<semaphore_mem>> -> memref<1x!tpu.dma_semaphore, #tpu.memory_space<semaphore_mem>>
    %dma_start3A_487 = tpu.memref_squeeze %dma_start3A_486 : memref<1x!tpu.dma_semaphore, #tpu.memory_space<semaphore_mem>> -> memref<!tpu.dma_semaphore, #tpu.memory_space<semaphore_mem>>
    %dma_start3A_488 = arith.constant 0 : i32
    %dma_start3A_489 = tpu.memref_slice %arg7[%dma_start3A_479, %dma_start3A_488] : memref<25x128xi32, #tpu.memory_space<vmem>> -> memref<1x128xi32, #tpu.memory_space<vmem>>
    %dma_start3A_490 = tpu.memref_squeeze %dma_start3A_489 : memref<1x128xi32, #tpu.memory_space<vmem>> -> memref<128xi32, #tpu.memory_space<vmem>>
    %dma_start3A_491 = tpu.memref_slice %arg3[%dma_start3A_478, %multiple_of3A_477] : memref<2x50000xi32, #tpu.memory_space<hbm>> -> memref<1x128xi32, #tpu.memory_space<hbm>>
    %dma_start3A_492 = tpu.memref_squeeze %dma_start3A_491 : memref<1x128xi32, #tpu.memory_space<hbm>> -> memref<128xi32, #tpu.memory_space<hbm>>
    tpu.enqueue_dma source(%dma_start3A_492 : memref<128xi32, #tpu.memory_space<hbm>>) target(%dma_start3A_490 : memref<128xi32, #tpu.memory_space<vmem>>) target_semaphore(%dma_start3A_487 : memref<!tpu.dma_semaphore, #tpu.memory_space<semaphore_mem>>)
    %dma_start3A_493 = arith.constant 1 : i32
    %dma_start3A_494 = arith.constant 12 : i32
    %dma_start3A_495 = arith.constant 12 : i32
    %dma_start3A_496 = arith.constant 0 : i32
    %dma_start3A_497 = tpu.memref_slice %arg8[%dma_start3A_494, %dma_start3A_496] : memref<25x128xi32, #tpu.memory_space<vmem>> -> memref<1x128xi32, #tpu.memory_space<vmem>>
    %dma_start3A_498 = tpu.memref_squeeze %dma_start3A_497 : memref<1x128xi32, #tpu.memory_space<vmem>> -> memref<128xi32, #tpu.memory_space<vmem>>
    %dma_start3A_499 = tpu.memref_slice %arg3[%dma_start3A_493, %multiple_of3A_477] : memref<2x50000xi32, #tpu.memory_space<hbm>> -> memref<1x128xi32, #tpu.memory_space<hbm>>
    %dma_start3A_500 = tpu.memref_squeeze %dma_start3A_499 : memref<1x128xi32, #tpu.memory_space<hbm>> -> memref<128xi32, #tpu.memory_space<hbm>>
    %dma_start3A_501 = tpu.memref_slice %arg11[%dma_start3A_495] : memref<25x!tpu.dma_semaphore, #tpu.memory_space<semaphore_mem>> -> memref<1x!tpu.dma_semaphore, #tpu.memory_space<semaphore_mem>>
    %dma_start3A_502 = tpu.memref_squeeze %dma_start3A_501 : memref<1x!tpu.dma_semaphore, #tpu.memory_space<semaphore_mem>> -> memref<!tpu.dma_semaphore, #tpu.memory_space<semaphore_mem>>
    %dma_start3A_503 = arith.constant 0 : i32
    %dma_start3A_504 = tpu.memref_slice %arg8[%dma_start3A_494, %dma_start3A_503] : memref<25x128xi32, #tpu.memory_space<vmem>> -> memref<1x128xi32, #tpu.memory_space<vmem>>
    %dma_start3A_505 = tpu.memref_squeeze %dma_start3A_504 : memref<1x128xi32, #tpu.memory_space<vmem>> -> memref<128xi32, #tpu.memory_space<vmem>>
    %dma_start3A_506 = tpu.memref_slice %arg3[%dma_start3A_493, %multiple_of3A_477] : memref<2x50000xi32, #tpu.memory_space<hbm>> -> memref<1x128xi32, #tpu.memory_space<hbm>>
    %dma_start3A_507 = tpu.memref_squeeze %dma_start3A_506 : memref<1x128xi32, #tpu.memory_space<hbm>> -> memref<128xi32, #tpu.memory_space<hbm>>
    tpu.enqueue_dma source(%dma_start3A_507 : memref<128xi32, #tpu.memory_space<hbm>>) target(%dma_start3A_505 : memref<128xi32, #tpu.memory_space<vmem>>) target_semaphore(%dma_start3A_502 : memref<!tpu.dma_semaphore, #tpu.memory_space<semaphore_mem>>)
    %add3A_508 = arith.constant 208 : i32
    %add3A_509 = arith.addi %add3A_508, %arg1 : i32
    %ge3A_510 = arith.constant 390 : i32
    %ge3A_511 = arith.cmpi sge, %add3A_509, %ge3A_510 : i32
    %mul3A_512 = arith.constant 128 : i32
    %mul3A_513 = arith.muli %add3A_509, %mul3A_512 : i32
    %jit3A_514 = arith.constant 49872 : i32
    %select_n3A_515 = arith.select %ge3A_511, %jit3A_514, %mul3A_513 : i32
    %multiple_of3A_516 = tpu.assume_multiple %select_n3A_515, 8 : i32
    %dma_start3A_517 = arith.constant 0 : i32
    %dma_start3A_518 = arith.constant 13 : i32
    %dma_start3A_519 = arith.constant 13 : i32
    %dma_start3A_520 = arith.constant 0 : i32
    %dma_start3A_521 = tpu.memref_slice %arg7[%dma_start3A_518, %dma_start3A_520] : memref<25x128xi32, #tpu.memory_space<vmem>> -> memref<1x128xi32, #tpu.memory_space<vmem>>
    %dma_start3A_522 = tpu.memref_squeeze %dma_start3A_521 : memref<1x128xi32, #tpu.memory_space<vmem>> -> memref<128xi32, #tpu.memory_space<vmem>>
    %dma_start3A_523 = tpu.memref_slice %arg3[%dma_start3A_517, %multiple_of3A_516] : memref<2x50000xi32, #tpu.memory_space<hbm>> -> memref<1x128xi32, #tpu.memory_space<hbm>>
    %dma_start3A_524 = tpu.memref_squeeze %dma_start3A_523 : memref<1x128xi32, #tpu.memory_space<hbm>> -> memref<128xi32, #tpu.memory_space<hbm>>
    %dma_start3A_525 = tpu.memref_slice %arg11[%dma_start3A_519] : memref<25x!tpu.dma_semaphore, #tpu.memory_space<semaphore_mem>> -> memref<1x!tpu.dma_semaphore, #tpu.memory_space<semaphore_mem>>
    %dma_start3A_526 = tpu.memref_squeeze %dma_start3A_525 : memref<1x!tpu.dma_semaphore, #tpu.memory_space<semaphore_mem>> -> memref<!tpu.dma_semaphore, #tpu.memory_space<semaphore_mem>>
    %dma_start3A_527 = arith.constant 0 : i32
    %dma_start3A_528 = tpu.memref_slice %arg7[%dma_start3A_518, %dma_start3A_527] : memref<25x128xi32, #tpu.memory_space<vmem>> -> memref<1x128xi32, #tpu.memory_space<vmem>>
    %dma_start3A_529 = tpu.memref_squeeze %dma_start3A_528 : memref<1x128xi32, #tpu.memory_space<vmem>> -> memref<128xi32, #tpu.memory_space<vmem>>
    %dma_start3A_530 = tpu.memref_slice %arg3[%dma_start3A_517, %multiple_of3A_516] : memref<2x50000xi32, #tpu.memory_space<hbm>> -> memref<1x128xi32, #tpu.memory_space<hbm>>
    %dma_start3A_531 = tpu.memref_squeeze %dma_start3A_530 : memref<1x128xi32, #tpu.memory_space<hbm>> -> memref<128xi32, #tpu.memory_space<hbm>>
    tpu.enqueue_dma source(%dma_start3A_531 : memref<128xi32, #tpu.memory_space<hbm>>) target(%dma_start3A_529 : memref<128xi32, #tpu.memory_space<vmem>>) target_semaphore(%dma_start3A_526 : memref<!tpu.dma_semaphore, #tpu.memory_space<semaphore_mem>>)
    %dma_start3A_532 = arith.constant 1 : i32
    %dma_start3A_533 = arith.constant 13 : i32
    %dma_start3A_534 = arith.constant 13 : i32
    %dma_start3A_535 = arith.constant 0 : i32
    %dma_start3A_536 = tpu.memref_slice %arg8[%dma_start3A_533, %dma_start3A_535] : memref<25x128xi32, #tpu.memory_space<vmem>> -> memref<1x128xi32, #tpu.memory_space<vmem>>
    %dma_start3A_537 = tpu.memref_squeeze %dma_start3A_536 : memref<1x128xi32, #tpu.memory_space<vmem>> -> memref<128xi32, #tpu.memory_space<vmem>>
    %dma_start3A_538 = tpu.memref_slice %arg3[%dma_start3A_532, %multiple_of3A_516] : memref<2x50000xi32, #tpu.memory_space<hbm>> -> memref<1x128xi32, #tpu.memory_space<hbm>>
    %dma_start3A_539 = tpu.memref_squeeze %dma_start3A_538 : memref<1x128xi32, #tpu.memory_space<hbm>> -> memref<128xi32, #tpu.memory_space<hbm>>
    %dma_start3A_540 = tpu.memref_slice %arg11[%dma_start3A_534] : memref<25x!tpu.dma_semaphore, #tpu.memory_space<semaphore_mem>> -> memref<1x!tpu.dma_semaphore, #tpu.memory_space<semaphore_mem>>
    %dma_start3A_541 = tpu.memref_squeeze %dma_start3A_540 : memref<1x!tpu.dma_semaphore, #tpu.memory_space<semaphore_mem>> -> memref<!tpu.dma_semaphore, #tpu.memory_space<semaphore_mem>>
    %dma_start3A_542 = arith.constant 0 : i32
    %dma_start3A_543 = tpu.memref_slice %arg8[%dma_start3A_533, %dma_start3A_542] : memref<25x128xi32, #tpu.memory_space<vmem>> -> memref<1x128xi32, #tpu.memory_space<vmem>>
    %dma_start3A_544 = tpu.memref_squeeze %dma_start3A_543 : memref<1x128xi32, #tpu.memory_space<vmem>> -> memref<128xi32, #tpu.memory_space<vmem>>
    %dma_start3A_545 = tpu.memref_slice %arg3[%dma_start3A_532, %multiple_of3A_516] : memref<2x50000xi32, #tpu.memory_space<hbm>> -> memref<1x128xi32, #tpu.memory_space<hbm>>
    %dma_start3A_546 = tpu.memref_squeeze %dma_start3A_545 : memref<1x128xi32, #tpu.memory_space<hbm>> -> memref<128xi32, #tpu.memory_space<hbm>>
    tpu.enqueue_dma source(%dma_start3A_546 : memref<128xi32, #tpu.memory_space<hbm>>) target(%dma_start3A_544 : memref<128xi32, #tpu.memory_space<vmem>>) target_semaphore(%dma_start3A_541 : memref<!tpu.dma_semaphore, #tpu.memory_space<semaphore_mem>>)
    %add3A_547 = arith.constant 224 : i32
    %add3A_548 = arith.addi %add3A_547, %arg1 : i32
    %ge3A_549 = arith.constant 390 : i32
    %ge3A_550 = arith.cmpi sge, %add3A_548, %ge3A_549 : i32
    %mul3A_551 = arith.constant 128 : i32
    %mul3A_552 = arith.muli %add3A_548, %mul3A_551 : i32
    %jit3A_553 = arith.constant 49872 : i32
    %select_n3A_554 = arith.select %ge3A_550, %jit3A_553, %mul3A_552 : i32
    %multiple_of3A_555 = tpu.assume_multiple %select_n3A_554, 8 : i32
    %dma_start3A_556 = arith.constant 0 : i32
    %dma_start3A_557 = arith.constant 14 : i32
    %dma_start3A_558 = arith.constant 14 : i32
    %dma_start3A_559 = arith.constant 0 : i32
    %dma_start3A_560 = tpu.memref_slice %arg7[%dma_start3A_557, %dma_start3A_559] : memref<25x128xi32, #tpu.memory_space<vmem>> -> memref<1x128xi32, #tpu.memory_space<vmem>>
    %dma_start3A_561 = tpu.memref_squeeze %dma_start3A_560 : memref<1x128xi32, #tpu.memory_space<vmem>> -> memref<128xi32, #tpu.memory_space<vmem>>
    %dma_start3A_562 = tpu.memref_slice %arg3[%dma_start3A_556, %multiple_of3A_555] : memref<2x50000xi32, #tpu.memory_space<hbm>> -> memref<1x128xi32, #tpu.memory_space<hbm>>
    %dma_start3A_563 = tpu.memref_squeeze %dma_start3A_562 : memref<1x128xi32, #tpu.memory_space<hbm>> -> memref<128xi32, #tpu.memory_space<hbm>>
    %dma_start3A_564 = tpu.memref_slice %arg11[%dma_start3A_558] : memref<25x!tpu.dma_semaphore, #tpu.memory_space<semaphore_mem>> -> memref<1x!tpu.dma_semaphore, #tpu.memory_space<semaphore_mem>>
    %dma_start3A_565 = tpu.memref_squeeze %dma_start3A_564 : memref<1x!tpu.dma_semaphore, #tpu.memory_space<semaphore_mem>> -> memref<!tpu.dma_semaphore, #tpu.memory_space<semaphore_mem>>
    %dma_start3A_566 = arith.constant 0 : i32
    %dma_start3A_567 = tpu.memref_slice %arg7[%dma_start3A_557, %dma_start3A_566] : memref<25x128xi32, #tpu.memory_space<vmem>> -> memref<1x128xi32, #tpu.memory_space<vmem>>
    %dma_start3A_568 = tpu.memref_squeeze %dma_start3A_567 : memref<1x128xi32, #tpu.memory_space<vmem>> -> memref<128xi32, #tpu.memory_space<vmem>>
    %dma_start3A_569 = tpu.memref_slice %arg3[%dma_start3A_556, %multiple_of3A_555] : memref<2x50000xi32, #tpu.memory_space<hbm>> -> memref<1x128xi32, #tpu.memory_space<hbm>>
    %dma_start3A_570 = tpu.memref_squeeze %dma_start3A_569 : memref<1x128xi32, #tpu.memory_space<hbm>> -> memref<128xi32, #tpu.memory_space<hbm>>
    tpu.enqueue_dma source(%dma_start3A_570 : memref<128xi32, #tpu.memory_space<hbm>>) target(%dma_start3A_568 : memref<128xi32, #tpu.memory_space<vmem>>) target_semaphore(%dma_start3A_565 : memref<!tpu.dma_semaphore, #tpu.memory_space<semaphore_mem>>)
    %dma_start3A_571 = arith.constant 1 : i32
    %dma_start3A_572 = arith.constant 14 : i32
    %dma_start3A_573 = arith.constant 14 : i32
    %dma_start3A_574 = arith.constant 0 : i32
    %dma_start3A_575 = tpu.memref_slice %arg8[%dma_start3A_572, %dma_start3A_574] : memref<25x128xi32, #tpu.memory_space<vmem>> -> memref<1x128xi32, #tpu.memory_space<vmem>>
    %dma_start3A_576 = tpu.memref_squeeze %dma_start3A_575 : memref<1x128xi32, #tpu.memory_space<vmem>> -> memref<128xi32, #tpu.memory_space<vmem>>
    %dma_start3A_577 = tpu.memref_slice %arg3[%dma_start3A_571, %multiple_of3A_555] : memref<2x50000xi32, #tpu.memory_space<hbm>> -> memref<1x128xi32, #tpu.memory_space<hbm>>
    %dma_start3A_578 = tpu.memref_squeeze %dma_start3A_577 : memref<1x128xi32, #tpu.memory_space<hbm>> -> memref<128xi32, #tpu.memory_space<hbm>>
    %dma_start3A_579 = tpu.memref_slice %arg11[%dma_start3A_573] : memref<25x!tpu.dma_semaphore, #tpu.memory_space<semaphore_mem>> -> memref<1x!tpu.dma_semaphore, #tpu.memory_space<semaphore_mem>>
    %dma_start3A_580 = tpu.memref_squeeze %dma_start3A_579 : memref<1x!tpu.dma_semaphore, #tpu.memory_space<semaphore_mem>> -> memref<!tpu.dma_semaphore, #tpu.memory_space<semaphore_mem>>
    %dma_start3A_581 = arith.constant 0 : i32
    %dma_start3A_582 = tpu.memref_slice %arg8[%dma_start3A_572, %dma_start3A_581] : memref<25x128xi32, #tpu.memory_space<vmem>> -> memref<1x128xi32, #tpu.memory_space<vmem>>
    %dma_start3A_583 = tpu.memref_squeeze %dma_start3A_582 : memref<1x128xi32, #tpu.memory_space<vmem>> -> memref<128xi32, #tpu.memory_space<vmem>>
    %dma_start3A_584 = tpu.memref_slice %arg3[%dma_start3A_571, %multiple_of3A_555] : memref<2x50000xi32, #tpu.memory_space<hbm>> -> memref<1x128xi32, #tpu.memory_space<hbm>>
    %dma_start3A_585 = tpu.memref_squeeze %dma_start3A_584 : memref<1x128xi32, #tpu.memory_space<hbm>> -> memref<128xi32, #tpu.memory_space<hbm>>
    tpu.enqueue_dma source(%dma_start3A_585 : memref<128xi32, #tpu.memory_space<hbm>>) target(%dma_start3A_583 : memref<128xi32, #tpu.memory_space<vmem>>) target_semaphore(%dma_start3A_580 : memref<!tpu.dma_semaphore, #tpu.memory_space<semaphore_mem>>)
    %add3A_586 = arith.constant 240 : i32
    %add3A_587 = arith.addi %add3A_586, %arg1 : i32
    %ge3A_588 = arith.constant 390 : i32
    %ge3A_589 = arith.cmpi sge, %add3A_587, %ge3A_588 : i32
    %mul3A_590 = arith.constant 128 : i32
    %mul3A_591 = arith.muli %add3A_587, %mul3A_590 : i32
    %jit3A_592 = arith.constant 49872 : i32
    %select_n3A_593 = arith.select %ge3A_589, %jit3A_592, %mul3A_591 : i32
    %multiple_of3A_594 = tpu.assume_multiple %select_n3A_593, 8 : i32
    %dma_start3A_595 = arith.constant 0 : i32
    %dma_start3A_596 = arith.constant 15 : i32
    %dma_start3A_597 = arith.constant 15 : i32
    %dma_start3A_598 = arith.constant 0 : i32
    %dma_start3A_599 = tpu.memref_slice %arg7[%dma_start3A_596, %dma_start3A_598] : memref<25x128xi32, #tpu.memory_space<vmem>> -> memref<1x128xi32, #tpu.memory_space<vmem>>
    %dma_start3A_600 = tpu.memref_squeeze %dma_start3A_599 : memref<1x128xi32, #tpu.memory_space<vmem>> -> memref<128xi32, #tpu.memory_space<vmem>>
    %dma_start3A_601 = tpu.memref_slice %arg3[%dma_start3A_595, %multiple_of3A_594] : memref<2x50000xi32, #tpu.memory_space<hbm>> -> memref<1x128xi32, #tpu.memory_space<hbm>>
    %dma_start3A_602 = tpu.memref_squeeze %dma_start3A_601 : memref<1x128xi32, #tpu.memory_space<hbm>> -> memref<128xi32, #tpu.memory_space<hbm>>
    %dma_start3A_603 = tpu.memref_slice %arg11[%dma_start3A_597] : memref<25x!tpu.dma_semaphore, #tpu.memory_space<semaphore_mem>> -> memref<1x!tpu.dma_semaphore, #tpu.memory_space<semaphore_mem>>
    %dma_start3A_604 = tpu.memref_squeeze %dma_start3A_603 : memref<1x!tpu.dma_semaphore, #tpu.memory_space<semaphore_mem>> -> memref<!tpu.dma_semaphore, #tpu.memory_space<semaphore_mem>>
    %dma_start3A_605 = arith.constant 0 : i32
    %dma_start3A_606 = tpu.memref_slice %arg7[%dma_start3A_596, %dma_start3A_605] : memref<25x128xi32, #tpu.memory_space<vmem>> -> memref<1x128xi32, #tpu.memory_space<vmem>>
    %dma_start3A_607 = tpu.memref_squeeze %dma_start3A_606 : memref<1x128xi32, #tpu.memory_space<vmem>> -> memref<128xi32, #tpu.memory_space<vmem>>
    %dma_start3A_608 = tpu.memref_slice %arg3[%dma_start3A_595, %multiple_of3A_594] : memref<2x50000xi32, #tpu.memory_space<hbm>> -> memref<1x128xi32, #tpu.memory_space<hbm>>
    %dma_start3A_609 = tpu.memref_squeeze %dma_start3A_608 : memref<1x128xi32, #tpu.memory_space<hbm>> -> memref<128xi32, #tpu.memory_space<hbm>>
    tpu.enqueue_dma source(%dma_start3A_609 : memref<128xi32, #tpu.memory_space<hbm>>) target(%dma_start3A_607 : memref<128xi32, #tpu.memory_space<vmem>>) target_semaphore(%dma_start3A_604 : memref<!tpu.dma_semaphore, #tpu.memory_space<semaphore_mem>>)
    %dma_start3A_610 = arith.constant 1 : i32
    %dma_start3A_611 = arith.constant 15 : i32
    %dma_start3A_612 = arith.constant 15 : i32
    %dma_start3A_613 = arith.constant 0 : i32
    %dma_start3A_614 = tpu.memref_slice %arg8[%dma_start3A_611, %dma_start3A_613] : memref<25x128xi32, #tpu.memory_space<vmem>> -> memref<1x128xi32, #tpu.memory_space<vmem>>
    %dma_start3A_615 = tpu.memref_squeeze %dma_start3A_614 : memref<1x128xi32, #tpu.memory_space<vmem>> -> memref<128xi32, #tpu.memory_space<vmem>>
    %dma_start3A_616 = tpu.memref_slice %arg3[%dma_start3A_610, %multiple_of3A_594] : memref<2x50000xi32, #tpu.memory_space<hbm>> -> memref<1x128xi32, #tpu.memory_space<hbm>>
    %dma_start3A_617 = tpu.memref_squeeze %dma_start3A_616 : memref<1x128xi32, #tpu.memory_space<hbm>> -> memref<128xi32, #tpu.memory_space<hbm>>
    %dma_start3A_618 = tpu.memref_slice %arg11[%dma_start3A_612] : memref<25x!tpu.dma_semaphore, #tpu.memory_space<semaphore_mem>> -> memref<1x!tpu.dma_semaphore, #tpu.memory_space<semaphore_mem>>
    %dma_start3A_619 = tpu.memref_squeeze %dma_start3A_618 : memref<1x!tpu.dma_semaphore, #tpu.memory_space<semaphore_mem>> -> memref<!tpu.dma_semaphore, #tpu.memory_space<semaphore_mem>>
    %dma_start3A_620 = arith.constant 0 : i32
    %dma_start3A_621 = tpu.memref_slice %arg8[%dma_start3A_611, %dma_start3A_620] : memref<25x128xi32, #tpu.memory_space<vmem>> -> memref<1x128xi32, #tpu.memory_space<vmem>>
    %dma_start3A_622 = tpu.memref_squeeze %dma_start3A_621 : memref<1x128xi32, #tpu.memory_space<vmem>> -> memref<128xi32, #tpu.memory_space<vmem>>
    %dma_start3A_623 = tpu.memref_slice %arg3[%dma_start3A_610, %multiple_of3A_594] : memref<2x50000xi32, #tpu.memory_space<hbm>> -> memref<1x128xi32, #tpu.memory_space<hbm>>
    %dma_start3A_624 = tpu.memref_squeeze %dma_start3A_623 : memref<1x128xi32, #tpu.memory_space<hbm>> -> memref<128xi32, #tpu.memory_space<hbm>>
    tpu.enqueue_dma source(%dma_start3A_624 : memref<128xi32, #tpu.memory_space<hbm>>) target(%dma_start3A_622 : memref<128xi32, #tpu.memory_space<vmem>>) target_semaphore(%dma_start3A_619 : memref<!tpu.dma_semaphore, #tpu.memory_space<semaphore_mem>>)
    %add3A_625 = arith.constant 256 : i32
    %add3A_626 = arith.addi %add3A_625, %arg1 : i32
    %ge3A_627 = arith.constant 390 : i32
    %ge3A_628 = arith.cmpi sge, %add3A_626, %ge3A_627 : i32
    %mul3A_629 = arith.constant 128 : i32
    %mul3A_630 = arith.muli %add3A_626, %mul3A_629 : i32
    %jit3A_631 = arith.constant 49872 : i32
    %select_n3A_632 = arith.select %ge3A_628, %jit3A_631, %mul3A_630 : i32
    %multiple_of3A_633 = tpu.assume_multiple %select_n3A_632, 8 : i32
    %dma_start3A_634 = arith.constant 0 : i32
    %dma_start3A_635 = arith.constant 16 : i32
    %dma_start3A_636 = arith.constant 16 : i32
    %dma_start3A_637 = arith.constant 0 : i32
    %dma_start3A_638 = tpu.memref_slice %arg7[%dma_start3A_635, %dma_start3A_637] : memref<25x128xi32, #tpu.memory_space<vmem>> -> memref<1x128xi32, #tpu.memory_space<vmem>>
    %dma_start3A_639 = tpu.memref_squeeze %dma_start3A_638 : memref<1x128xi32, #tpu.memory_space<vmem>> -> memref<128xi32, #tpu.memory_space<vmem>>
    %dma_start3A_640 = tpu.memref_slice %arg3[%dma_start3A_634, %multiple_of3A_633] : memref<2x50000xi32, #tpu.memory_space<hbm>> -> memref<1x128xi32, #tpu.memory_space<hbm>>
    %dma_start3A_641 = tpu.memref_squeeze %dma_start3A_640 : memref<1x128xi32, #tpu.memory_space<hbm>> -> memref<128xi32, #tpu.memory_space<hbm>>
    %dma_start3A_642 = tpu.memref_slice %arg11[%dma_start3A_636] : memref<25x!tpu.dma_semaphore, #tpu.memory_space<semaphore_mem>> -> memref<1x!tpu.dma_semaphore, #tpu.memory_space<semaphore_mem>>
    %dma_start3A_643 = tpu.memref_squeeze %dma_start3A_642 : memref<1x!tpu.dma_semaphore, #tpu.memory_space<semaphore_mem>> -> memref<!tpu.dma_semaphore, #tpu.memory_space<semaphore_mem>>
    %dma_start3A_644 = arith.constant 0 : i32
    %dma_start3A_645 = tpu.memref_slice %arg7[%dma_start3A_635, %dma_start3A_644] : memref<25x128xi32, #tpu.memory_space<vmem>> -> memref<1x128xi32, #tpu.memory_space<vmem>>
    %dma_start3A_646 = tpu.memref_squeeze %dma_start3A_645 : memref<1x128xi32, #tpu.memory_space<vmem>> -> memref<128xi32, #tpu.memory_space<vmem>>
    %dma_start3A_647 = tpu.memref_slice %arg3[%dma_start3A_634, %multiple_of3A_633] : memref<2x50000xi32, #tpu.memory_space<hbm>> -> memref<1x128xi32, #tpu.memory_space<hbm>>
    %dma_start3A_648 = tpu.memref_squeeze %dma_start3A_647 : memref<1x128xi32, #tpu.memory_space<hbm>> -> memref<128xi32, #tpu.memory_space<hbm>>
    tpu.enqueue_dma source(%dma_start3A_648 : memref<128xi32, #tpu.memory_space<hbm>>) target(%dma_start3A_646 : memref<128xi32, #tpu.memory_space<vmem>>) target_semaphore(%dma_start3A_643 : memref<!tpu.dma_semaphore, #tpu.memory_space<semaphore_mem>>)
    %dma_start3A_649 = arith.constant 1 : i32
    %dma_start3A_650 = arith.constant 16 : i32
    %dma_start3A_651 = arith.constant 16 : i32
    %dma_start3A_652 = arith.constant 0 : i32
    %dma_start3A_653 = tpu.memref_slice %arg8[%dma_start3A_650, %dma_start3A_652] : memref<25x128xi32, #tpu.memory_space<vmem>> -> memref<1x128xi32, #tpu.memory_space<vmem>>
    %dma_start3A_654 = tpu.memref_squeeze %dma_start3A_653 : memref<1x128xi32, #tpu.memory_space<vmem>> -> memref<128xi32, #tpu.memory_space<vmem>>
    %dma_start3A_655 = tpu.memref_slice %arg3[%dma_start3A_649, %multiple_of3A_633] : memref<2x50000xi32, #tpu.memory_space<hbm>> -> memref<1x128xi32, #tpu.memory_space<hbm>>
    %dma_start3A_656 = tpu.memref_squeeze %dma_start3A_655 : memref<1x128xi32, #tpu.memory_space<hbm>> -> memref<128xi32, #tpu.memory_space<hbm>>
    %dma_start3A_657 = tpu.memref_slice %arg11[%dma_start3A_651] : memref<25x!tpu.dma_semaphore, #tpu.memory_space<semaphore_mem>> -> memref<1x!tpu.dma_semaphore, #tpu.memory_space<semaphore_mem>>
    %dma_start3A_658 = tpu.memref_squeeze %dma_start3A_657 : memref<1x!tpu.dma_semaphore, #tpu.memory_space<semaphore_mem>> -> memref<!tpu.dma_semaphore, #tpu.memory_space<semaphore_mem>>
    %dma_start3A_659 = arith.constant 0 : i32
    %dma_start3A_660 = tpu.memref_slice %arg8[%dma_start3A_650, %dma_start3A_659] : memref<25x128xi32, #tpu.memory_space<vmem>> -> memref<1x128xi32, #tpu.memory_space<vmem>>
    %dma_start3A_661 = tpu.memref_squeeze %dma_start3A_660 : memref<1x128xi32, #tpu.memory_space<vmem>> -> memref<128xi32, #tpu.memory_space<vmem>>
    %dma_start3A_662 = tpu.memref_slice %arg3[%dma_start3A_649, %multiple_of3A_633] : memref<2x50000xi32, #tpu.memory_space<hbm>> -> memref<1x128xi32, #tpu.memory_space<hbm>>
    %dma_start3A_663 = tpu.memref_squeeze %dma_start3A_662 : memref<1x128xi32, #tpu.memory_space<hbm>> -> memref<128xi32, #tpu.memory_space<hbm>>
    tpu.enqueue_dma source(%dma_start3A_663 : memref<128xi32, #tpu.memory_space<hbm>>) target(%dma_start3A_661 : memref<128xi32, #tpu.memory_space<vmem>>) target_semaphore(%dma_start3A_658 : memref<!tpu.dma_semaphore, #tpu.memory_space<semaphore_mem>>)
    %add3A_664 = arith.constant 272 : i32
    %add3A_665 = arith.addi %add3A_664, %arg1 : i32
    %ge3A_666 = arith.constant 390 : i32
    %ge3A_667 = arith.cmpi sge, %add3A_665, %ge3A_666 : i32
    %mul3A_668 = arith.constant 128 : i32
    %mul3A_669 = arith.muli %add3A_665, %mul3A_668 : i32
    %jit3A_670 = arith.constant 49872 : i32
    %select_n3A_671 = arith.select %ge3A_667, %jit3A_670, %mul3A_669 : i32
    %multiple_of3A_672 = tpu.assume_multiple %select_n3A_671, 8 : i32
    %dma_start3A_673 = arith.constant 0 : i32
    %dma_start3A_674 = arith.constant 17 : i32
    %dma_start3A_675 = arith.constant 17 : i32
    %dma_start3A_676 = arith.constant 0 : i32
    %dma_start3A_677 = tpu.memref_slice %arg7[%dma_start3A_674, %dma_start3A_676] : memref<25x128xi32, #tpu.memory_space<vmem>> -> memref<1x128xi32, #tpu.memory_space<vmem>>
    %dma_start3A_678 = tpu.memref_squeeze %dma_start3A_677 : memref<1x128xi32, #tpu.memory_space<vmem>> -> memref<128xi32, #tpu.memory_space<vmem>>
    %dma_start3A_679 = tpu.memref_slice %arg3[%dma_start3A_673, %multiple_of3A_672] : memref<2x50000xi32, #tpu.memory_space<hbm>> -> memref<1x128xi32, #tpu.memory_space<hbm>>
    %dma_start3A_680 = tpu.memref_squeeze %dma_start3A_679 : memref<1x128xi32, #tpu.memory_space<hbm>> -> memref<128xi32, #tpu.memory_space<hbm>>
    %dma_start3A_681 = tpu.memref_slice %arg11[%dma_start3A_675] : memref<25x!tpu.dma_semaphore, #tpu.memory_space<semaphore_mem>> -> memref<1x!tpu.dma_semaphore, #tpu.memory_space<semaphore_mem>>
    %dma_start3A_682 = tpu.memref_squeeze %dma_start3A_681 : memref<1x!tpu.dma_semaphore, #tpu.memory_space<semaphore_mem>> -> memref<!tpu.dma_semaphore, #tpu.memory_space<semaphore_mem>>
    %dma_start3A_683 = arith.constant 0 : i32
    %dma_start3A_684 = tpu.memref_slice %arg7[%dma_start3A_674, %dma_start3A_683] : memref<25x128xi32, #tpu.memory_space<vmem>> -> memref<1x128xi32, #tpu.memory_space<vmem>>
    %dma_start3A_685 = tpu.memref_squeeze %dma_start3A_684 : memref<1x128xi32, #tpu.memory_space<vmem>> -> memref<128xi32, #tpu.memory_space<vmem>>
    %dma_start3A_686 = tpu.memref_slice %arg3[%dma_start3A_673, %multiple_of3A_672] : memref<2x50000xi32, #tpu.memory_space<hbm>> -> memref<1x128xi32, #tpu.memory_space<hbm>>
    %dma_start3A_687 = tpu.memref_squeeze %dma_start3A_686 : memref<1x128xi32, #tpu.memory_space<hbm>> -> memref<128xi32, #tpu.memory_space<hbm>>
    tpu.enqueue_dma source(%dma_start3A_687 : memref<128xi32, #tpu.memory_space<hbm>>) target(%dma_start3A_685 : memref<128xi32, #tpu.memory_space<vmem>>) target_semaphore(%dma_start3A_682 : memref<!tpu.dma_semaphore, #tpu.memory_space<semaphore_mem>>)
    %dma_start3A_688 = arith.constant 1 : i32
    %dma_start3A_689 = arith.constant 17 : i32
    %dma_start3A_690 = arith.constant 17 : i32
    %dma_start3A_691 = arith.constant 0 : i32
    %dma_start3A_692 = tpu.memref_slice %arg8[%dma_start3A_689, %dma_start3A_691] : memref<25x128xi32, #tpu.memory_space<vmem>> -> memref<1x128xi32, #tpu.memory_space<vmem>>
    %dma_start3A_693 = tpu.memref_squeeze %dma_start3A_692 : memref<1x128xi32, #tpu.memory_space<vmem>> -> memref<128xi32, #tpu.memory_space<vmem>>
    %dma_start3A_694 = tpu.memref_slice %arg3[%dma_start3A_688, %multiple_of3A_672] : memref<2x50000xi32, #tpu.memory_space<hbm>> -> memref<1x128xi32, #tpu.memory_space<hbm>>
    %dma_start3A_695 = tpu.memref_squeeze %dma_start3A_694 : memref<1x128xi32, #tpu.memory_space<hbm>> -> memref<128xi32, #tpu.memory_space<hbm>>
    %dma_start3A_696 = tpu.memref_slice %arg11[%dma_start3A_690] : memref<25x!tpu.dma_semaphore, #tpu.memory_space<semaphore_mem>> -> memref<1x!tpu.dma_semaphore, #tpu.memory_space<semaphore_mem>>
    %dma_start3A_697 = tpu.memref_squeeze %dma_start3A_696 : memref<1x!tpu.dma_semaphore, #tpu.memory_space<semaphore_mem>> -> memref<!tpu.dma_semaphore, #tpu.memory_space<semaphore_mem>>
    %dma_start3A_698 = arith.constant 0 : i32
    %dma_start3A_699 = tpu.memref_slice %arg8[%dma_start3A_689, %dma_start3A_698] : memref<25x128xi32, #tpu.memory_space<vmem>> -> memref<1x128xi32, #tpu.memory_space<vmem>>
    %dma_start3A_700 = tpu.memref_squeeze %dma_start3A_699 : memref<1x128xi32, #tpu.memory_space<vmem>> -> memref<128xi32, #tpu.memory_space<vmem>>
    %dma_start3A_701 = tpu.memref_slice %arg3[%dma_start3A_688, %multiple_of3A_672] : memref<2x50000xi32, #tpu.memory_space<hbm>> -> memref<1x128xi32, #tpu.memory_space<hbm>>
    %dma_start3A_702 = tpu.memref_squeeze %dma_start3A_701 : memref<1x128xi32, #tpu.memory_space<hbm>> -> memref<128xi32, #tpu.memory_space<hbm>>
    tpu.enqueue_dma source(%dma_start3A_702 : memref<128xi32, #tpu.memory_space<hbm>>) target(%dma_start3A_700 : memref<128xi32, #tpu.memory_space<vmem>>) target_semaphore(%dma_start3A_697 : memref<!tpu.dma_semaphore, #tpu.memory_space<semaphore_mem>>)
    %add3A_703 = arith.constant 288 : i32
    %add3A_704 = arith.addi %add3A_703, %arg1 : i32
    %ge3A_705 = arith.constant 390 : i32
    %ge3A_706 = arith.cmpi sge, %add3A_704, %ge3A_705 : i32
    %mul3A_707 = arith.constant 128 : i32
    %mul3A_708 = arith.muli %add3A_704, %mul3A_707 : i32
    %jit3A_709 = arith.constant 49872 : i32
    %select_n3A_710 = arith.select %ge3A_706, %jit3A_709, %mul3A_708 : i32
    %multiple_of3A_711 = tpu.assume_multiple %select_n3A_710, 8 : i32
    %dma_start3A_712 = arith.constant 0 : i32
    %dma_start3A_713 = arith.constant 18 : i32
    %dma_start3A_714 = arith.constant 18 : i32
    %dma_start3A_715 = arith.constant 0 : i32
    %dma_start3A_716 = tpu.memref_slice %arg7[%dma_start3A_713, %dma_start3A_715] : memref<25x128xi32, #tpu.memory_space<vmem>> -> memref<1x128xi32, #tpu.memory_space<vmem>>
    %dma_start3A_717 = tpu.memref_squeeze %dma_start3A_716 : memref<1x128xi32, #tpu.memory_space<vmem>> -> memref<128xi32, #tpu.memory_space<vmem>>
    %dma_start3A_718 = tpu.memref_slice %arg3[%dma_start3A_712, %multiple_of3A_711] : memref<2x50000xi32, #tpu.memory_space<hbm>> -> memref<1x128xi32, #tpu.memory_space<hbm>>
    %dma_start3A_719 = tpu.memref_squeeze %dma_start3A_718 : memref<1x128xi32, #tpu.memory_space<hbm>> -> memref<128xi32, #tpu.memory_space<hbm>>
    %dma_start3A_720 = tpu.memref_slice %arg11[%dma_start3A_714] : memref<25x!tpu.dma_semaphore, #tpu.memory_space<semaphore_mem>> -> memref<1x!tpu.dma_semaphore, #tpu.memory_space<semaphore_mem>>
    %dma_start3A_721 = tpu.memref_squeeze %dma_start3A_720 : memref<1x!tpu.dma_semaphore, #tpu.memory_space<semaphore_mem>> -> memref<!tpu.dma_semaphore, #tpu.memory_space<semaphore_mem>>
    %dma_start3A_722 = arith.constant 0 : i32
    %dma_start3A_723 = tpu.memref_slice %arg7[%dma_start3A_713, %dma_start3A_722] : memref<25x128xi32, #tpu.memory_space<vmem>> -> memref<1x128xi32, #tpu.memory_space<vmem>>
    %dma_start3A_724 = tpu.memref_squeeze %dma_start3A_723 : memref<1x128xi32, #tpu.memory_space<vmem>> -> memref<128xi32, #tpu.memory_space<vmem>>
    %dma_start3A_725 = tpu.memref_slice %arg3[%dma_start3A_712, %multiple_of3A_711] : memref<2x50000xi32, #tpu.memory_space<hbm>> -> memref<1x128xi32, #tpu.memory_space<hbm>>
    %dma_start3A_726 = tpu.memref_squeeze %dma_start3A_725 : memref<1x128xi32, #tpu.memory_space<hbm>> -> memref<128xi32, #tpu.memory_space<hbm>>
    tpu.enqueue_dma source(%dma_start3A_726 : memref<128xi32, #tpu.memory_space<hbm>>) target(%dma_start3A_724 : memref<128xi32, #tpu.memory_space<vmem>>) target_semaphore(%dma_start3A_721 : memref<!tpu.dma_semaphore, #tpu.memory_space<semaphore_mem>>)
    %dma_start3A_727 = arith.constant 1 : i32
    %dma_start3A_728 = arith.constant 18 : i32
    %dma_start3A_729 = arith.constant 18 : i32
    %dma_start3A_730 = arith.constant 0 : i32
    %dma_start3A_731 = tpu.memref_slice %arg8[%dma_start3A_728, %dma_start3A_730] : memref<25x128xi32, #tpu.memory_space<vmem>> -> memref<1x128xi32, #tpu.memory_space<vmem>>
    %dma_start3A_732 = tpu.memref_squeeze %dma_start3A_731 : memref<1x128xi32, #tpu.memory_space<vmem>> -> memref<128xi32, #tpu.memory_space<vmem>>
    %dma_start3A_733 = tpu.memref_slice %arg3[%dma_start3A_727, %multiple_of3A_711] : memref<2x50000xi32, #tpu.memory_space<hbm>> -> memref<1x128xi32, #tpu.memory_space<hbm>>
    %dma_start3A_734 = tpu.memref_squeeze %dma_start3A_733 : memref<1x128xi32, #tpu.memory_space<hbm>> -> memref<128xi32, #tpu.memory_space<hbm>>
    %dma_start3A_735 = tpu.memref_slice %arg11[%dma_start3A_729] : memref<25x!tpu.dma_semaphore, #tpu.memory_space<semaphore_mem>> -> memref<1x!tpu.dma_semaphore, #tpu.memory_space<semaphore_mem>>
    %dma_start3A_736 = tpu.memref_squeeze %dma_start3A_735 : memref<1x!tpu.dma_semaphore, #tpu.memory_space<semaphore_mem>> -> memref<!tpu.dma_semaphore, #tpu.memory_space<semaphore_mem>>
    %dma_start3A_737 = arith.constant 0 : i32
    %dma_start3A_738 = tpu.memref_slice %arg8[%dma_start3A_728, %dma_start3A_737] : memref<25x128xi32, #tpu.memory_space<vmem>> -> memref<1x128xi32, #tpu.memory_space<vmem>>
    %dma_start3A_739 = tpu.memref_squeeze %dma_start3A_738 : memref<1x128xi32, #tpu.memory_space<vmem>> -> memref<128xi32, #tpu.memory_space<vmem>>
    %dma_start3A_740 = tpu.memref_slice %arg3[%dma_start3A_727, %multiple_of3A_711] : memref<2x50000xi32, #tpu.memory_space<hbm>> -> memref<1x128xi32, #tpu.memory_space<hbm>>
    %dma_start3A_741 = tpu.memref_squeeze %dma_start3A_740 : memref<1x128xi32, #tpu.memory_space<hbm>> -> memref<128xi32, #tpu.memory_space<hbm>>
    tpu.enqueue_dma source(%dma_start3A_741 : memref<128xi32, #tpu.memory_space<hbm>>) target(%dma_start3A_739 : memref<128xi32, #tpu.memory_space<vmem>>) target_semaphore(%dma_start3A_736 : memref<!tpu.dma_semaphore, #tpu.memory_space<semaphore_mem>>)
    %add3A_742 = arith.constant 304 : i32
    %add3A_743 = arith.addi %add3A_742, %arg1 : i32
    %ge3A_744 = arith.constant 390 : i32
    %ge3A_745 = arith.cmpi sge, %add3A_743, %ge3A_744 : i32
    %mul3A_746 = arith.constant 128 : i32
    %mul3A_747 = arith.muli %add3A_743, %mul3A_746 : i32
    %jit3A_748 = arith.constant 49872 : i32
    %select_n3A_749 = arith.select %ge3A_745, %jit3A_748, %mul3A_747 : i32
    %multiple_of3A_750 = tpu.assume_multiple %select_n3A_749, 8 : i32
    %dma_start3A_751 = arith.constant 0 : i32
    %dma_start3A_752 = arith.constant 19 : i32
    %dma_start3A_753 = arith.constant 19 : i32
    %dma_start3A_754 = arith.constant 0 : i32
    %dma_start3A_755 = tpu.memref_slice %arg7[%dma_start3A_752, %dma_start3A_754] : memref<25x128xi32, #tpu.memory_space<vmem>> -> memref<1x128xi32, #tpu.memory_space<vmem>>
    %dma_start3A_756 = tpu.memref_squeeze %dma_start3A_755 : memref<1x128xi32, #tpu.memory_space<vmem>> -> memref<128xi32, #tpu.memory_space<vmem>>
    %dma_start3A_757 = tpu.memref_slice %arg3[%dma_start3A_751, %multiple_of3A_750] : memref<2x50000xi32, #tpu.memory_space<hbm>> -> memref<1x128xi32, #tpu.memory_space<hbm>>
    %dma_start3A_758 = tpu.memref_squeeze %dma_start3A_757 : memref<1x128xi32, #tpu.memory_space<hbm>> -> memref<128xi32, #tpu.memory_space<hbm>>
    %dma_start3A_759 = tpu.memref_slice %arg11[%dma_start3A_753] : memref<25x!tpu.dma_semaphore, #tpu.memory_space<semaphore_mem>> -> memref<1x!tpu.dma_semaphore, #tpu.memory_space<semaphore_mem>>
    %dma_start3A_760 = tpu.memref_squeeze %dma_start3A_759 : memref<1x!tpu.dma_semaphore, #tpu.memory_space<semaphore_mem>> -> memref<!tpu.dma_semaphore, #tpu.memory_space<semaphore_mem>>
    %dma_start3A_761 = arith.constant 0 : i32
    %dma_start3A_762 = tpu.memref_slice %arg7[%dma_start3A_752, %dma_start3A_761] : memref<25x128xi32, #tpu.memory_space<vmem>> -> memref<1x128xi32, #tpu.memory_space<vmem>>
    %dma_start3A_763 = tpu.memref_squeeze %dma_start3A_762 : memref<1x128xi32, #tpu.memory_space<vmem>> -> memref<128xi32, #tpu.memory_space<vmem>>
    %dma_start3A_764 = tpu.memref_slice %arg3[%dma_start3A_751, %multiple_of3A_750] : memref<2x50000xi32, #tpu.memory_space<hbm>> -> memref<1x128xi32, #tpu.memory_space<hbm>>
    %dma_start3A_765 = tpu.memref_squeeze %dma_start3A_764 : memref<1x128xi32, #tpu.memory_space<hbm>> -> memref<128xi32, #tpu.memory_space<hbm>>
    tpu.enqueue_dma source(%dma_start3A_765 : memref<128xi32, #tpu.memory_space<hbm>>) target(%dma_start3A_763 : memref<128xi32, #tpu.memory_space<vmem>>) target_semaphore(%dma_start3A_760 : memref<!tpu.dma_semaphore, #tpu.memory_space<semaphore_mem>>)
    %dma_start3A_766 = arith.constant 1 : i32
    %dma_start3A_767 = arith.constant 19 : i32
    %dma_start3A_768 = arith.constant 19 : i32
    %dma_start3A_769 = arith.constant 0 : i32
    %dma_start3A_770 = tpu.memref_slice %arg8[%dma_start3A_767, %dma_start3A_769] : memref<25x128xi32, #tpu.memory_space<vmem>> -> memref<1x128xi32, #tpu.memory_space<vmem>>
    %dma_start3A_771 = tpu.memref_squeeze %dma_start3A_770 : memref<1x128xi32, #tpu.memory_space<vmem>> -> memref<128xi32, #tpu.memory_space<vmem>>
    %dma_start3A_772 = tpu.memref_slice %arg3[%dma_start3A_766, %multiple_of3A_750] : memref<2x50000xi32, #tpu.memory_space<hbm>> -> memref<1x128xi32, #tpu.memory_space<hbm>>
    %dma_start3A_773 = tpu.memref_squeeze %dma_start3A_772 : memref<1x128xi32, #tpu.memory_space<hbm>> -> memref<128xi32, #tpu.memory_space<hbm>>
    %dma_start3A_774 = tpu.memref_slice %arg11[%dma_start3A_768] : memref<25x!tpu.dma_semaphore, #tpu.memory_space<semaphore_mem>> -> memref<1x!tpu.dma_semaphore, #tpu.memory_space<semaphore_mem>>
    %dma_start3A_775 = tpu.memref_squeeze %dma_start3A_774 : memref<1x!tpu.dma_semaphore, #tpu.memory_space<semaphore_mem>> -> memref<!tpu.dma_semaphore, #tpu.memory_space<semaphore_mem>>
    %dma_start3A_776 = arith.constant 0 : i32
    %dma_start3A_777 = tpu.memref_slice %arg8[%dma_start3A_767, %dma_start3A_776] : memref<25x128xi32, #tpu.memory_space<vmem>> -> memref<1x128xi32, #tpu.memory_space<vmem>>
    %dma_start3A_778 = tpu.memref_squeeze %dma_start3A_777 : memref<1x128xi32, #tpu.memory_space<vmem>> -> memref<128xi32, #tpu.memory_space<vmem>>
    %dma_start3A_779 = tpu.memref_slice %arg3[%dma_start3A_766, %multiple_of3A_750] : memref<2x50000xi32, #tpu.memory_space<hbm>> -> memref<1x128xi32, #tpu.memory_space<hbm>>
    %dma_start3A_780 = tpu.memref_squeeze %dma_start3A_779 : memref<1x128xi32, #tpu.memory_space<hbm>> -> memref<128xi32, #tpu.memory_space<hbm>>
    tpu.enqueue_dma source(%dma_start3A_780 : memref<128xi32, #tpu.memory_space<hbm>>) target(%dma_start3A_778 : memref<128xi32, #tpu.memory_space<vmem>>) target_semaphore(%dma_start3A_775 : memref<!tpu.dma_semaphore, #tpu.memory_space<semaphore_mem>>)
    %add3A_781 = arith.constant 320 : i32
    %add3A_782 = arith.addi %add3A_781, %arg1 : i32
    %ge3A_783 = arith.constant 390 : i32
    %ge3A_784 = arith.cmpi sge, %add3A_782, %ge3A_783 : i32
    %mul3A_785 = arith.constant 128 : i32
    %mul3A_786 = arith.muli %add3A_782, %mul3A_785 : i32
    %jit3A_787 = arith.constant 49872 : i32
    %select_n3A_788 = arith.select %ge3A_784, %jit3A_787, %mul3A_786 : i32
    %multiple_of3A_789 = tpu.assume_multiple %select_n3A_788, 8 : i32
    %dma_start3A_790 = arith.constant 0 : i32
    %dma_start3A_791 = arith.constant 20 : i32
    %dma_start3A_792 = arith.constant 20 : i32
    %dma_start3A_793 = arith.constant 0 : i32
    %dma_start3A_794 = tpu.memref_slice %arg7[%dma_start3A_791, %dma_start3A_793] : memref<25x128xi32, #tpu.memory_space<vmem>> -> memref<1x128xi32, #tpu.memory_space<vmem>>
    %dma_start3A_795 = tpu.memref_squeeze %dma_start3A_794 : memref<1x128xi32, #tpu.memory_space<vmem>> -> memref<128xi32, #tpu.memory_space<vmem>>
    %dma_start3A_796 = tpu.memref_slice %arg3[%dma_start3A_790, %multiple_of3A_789] : memref<2x50000xi32, #tpu.memory_space<hbm>> -> memref<1x128xi32, #tpu.memory_space<hbm>>
    %dma_start3A_797 = tpu.memref_squeeze %dma_start3A_796 : memref<1x128xi32, #tpu.memory_space<hbm>> -> memref<128xi32, #tpu.memory_space<hbm>>
    %dma_start3A_798 = tpu.memref_slice %arg11[%dma_start3A_792] : memref<25x!tpu.dma_semaphore, #tpu.memory_space<semaphore_mem>> -> memref<1x!tpu.dma_semaphore, #tpu.memory_space<semaphore_mem>>
    %dma_start3A_799 = tpu.memref_squeeze %dma_start3A_798 : memref<1x!tpu.dma_semaphore, #tpu.memory_space<semaphore_mem>> -> memref<!tpu.dma_semaphore, #tpu.memory_space<semaphore_mem>>
    %dma_start3A_800 = arith.constant 0 : i32
    %dma_start3A_801 = tpu.memref_slice %arg7[%dma_start3A_791, %dma_start3A_800] : memref<25x128xi32, #tpu.memory_space<vmem>> -> memref<1x128xi32, #tpu.memory_space<vmem>>
    %dma_start3A_802 = tpu.memref_squeeze %dma_start3A_801 : memref<1x128xi32, #tpu.memory_space<vmem>> -> memref<128xi32, #tpu.memory_space<vmem>>
    %dma_start3A_803 = tpu.memref_slice %arg3[%dma_start3A_790, %multiple_of3A_789] : memref<2x50000xi32, #tpu.memory_space<hbm>> -> memref<1x128xi32, #tpu.memory_space<hbm>>
    %dma_start3A_804 = tpu.memref_squeeze %dma_start3A_803 : memref<1x128xi32, #tpu.memory_space<hbm>> -> memref<128xi32, #tpu.memory_space<hbm>>
    tpu.enqueue_dma source(%dma_start3A_804 : memref<128xi32, #tpu.memory_space<hbm>>) target(%dma_start3A_802 : memref<128xi32, #tpu.memory_space<vmem>>) target_semaphore(%dma_start3A_799 : memref<!tpu.dma_semaphore, #tpu.memory_space<semaphore_mem>>)
    %dma_start3A_805 = arith.constant 1 : i32
    %dma_start3A_806 = arith.constant 20 : i32
    %dma_start3A_807 = arith.constant 20 : i32
    %dma_start3A_808 = arith.constant 0 : i32
    %dma_start3A_809 = tpu.memref_slice %arg8[%dma_start3A_806, %dma_start3A_808] : memref<25x128xi32, #tpu.memory_space<vmem>> -> memref<1x128xi32, #tpu.memory_space<vmem>>
    %dma_start3A_810 = tpu.memref_squeeze %dma_start3A_809 : memref<1x128xi32, #tpu.memory_space<vmem>> -> memref<128xi32, #tpu.memory_space<vmem>>
    %dma_start3A_811 = tpu.memref_slice %arg3[%dma_start3A_805, %multiple_of3A_789] : memref<2x50000xi32, #tpu.memory_space<hbm>> -> memref<1x128xi32, #tpu.memory_space<hbm>>
    %dma_start3A_812 = tpu.memref_squeeze %dma_start3A_811 : memref<1x128xi32, #tpu.memory_space<hbm>> -> memref<128xi32, #tpu.memory_space<hbm>>
    %dma_start3A_813 = tpu.memref_slice %arg11[%dma_start3A_807] : memref<25x!tpu.dma_semaphore, #tpu.memory_space<semaphore_mem>> -> memref<1x!tpu.dma_semaphore, #tpu.memory_space<semaphore_mem>>
    %dma_start3A_814 = tpu.memref_squeeze %dma_start3A_813 : memref<1x!tpu.dma_semaphore, #tpu.memory_space<semaphore_mem>> -> memref<!tpu.dma_semaphore, #tpu.memory_space<semaphore_mem>>
    %dma_start3A_815 = arith.constant 0 : i32
    %dma_start3A_816 = tpu.memref_slice %arg8[%dma_start3A_806, %dma_start3A_815] : memref<25x128xi32, #tpu.memory_space<vmem>> -> memref<1x128xi32, #tpu.memory_space<vmem>>
    %dma_start3A_817 = tpu.memref_squeeze %dma_start3A_816 : memref<1x128xi32, #tpu.memory_space<vmem>> -> memref<128xi32, #tpu.memory_space<vmem>>
    %dma_start3A_818 = tpu.memref_slice %arg3[%dma_start3A_805, %multiple_of3A_789] : memref<2x50000xi32, #tpu.memory_space<hbm>> -> memref<1x128xi32, #tpu.memory_space<hbm>>
    %dma_start3A_819 = tpu.memref_squeeze %dma_start3A_818 : memref<1x128xi32, #tpu.memory_space<hbm>> -> memref<128xi32, #tpu.memory_space<hbm>>
    tpu.enqueue_dma source(%dma_start3A_819 : memref<128xi32, #tpu.memory_space<hbm>>) target(%dma_start3A_817 : memref<128xi32, #tpu.memory_space<vmem>>) target_semaphore(%dma_start3A_814 : memref<!tpu.dma_semaphore, #tpu.memory_space<semaphore_mem>>)
    %add3A_820 = arith.constant 336 : i32
    %add3A_821 = arith.addi %add3A_820, %arg1 : i32
    %ge3A_822 = arith.constant 390 : i32
    %ge3A_823 = arith.cmpi sge, %add3A_821, %ge3A_822 : i32
    %mul3A_824 = arith.constant 128 : i32
    %mul3A_825 = arith.muli %add3A_821, %mul3A_824 : i32
    %jit3A_826 = arith.constant 49872 : i32
    %select_n3A_827 = arith.select %ge3A_823, %jit3A_826, %mul3A_825 : i32
    %multiple_of3A_828 = tpu.assume_multiple %select_n3A_827, 8 : i32
    %dma_start3A_829 = arith.constant 0 : i32
    %dma_start3A_830 = arith.constant 21 : i32
    %dma_start3A_831 = arith.constant 21 : i32
    %dma_start3A_832 = arith.constant 0 : i32
    %dma_start3A_833 = tpu.memref_slice %arg7[%dma_start3A_830, %dma_start3A_832] : memref<25x128xi32, #tpu.memory_space<vmem>> -> memref<1x128xi32, #tpu.memory_space<vmem>>
    %dma_start3A_834 = tpu.memref_squeeze %dma_start3A_833 : memref<1x128xi32, #tpu.memory_space<vmem>> -> memref<128xi32, #tpu.memory_space<vmem>>
    %dma_start3A_835 = tpu.memref_slice %arg3[%dma_start3A_829, %multiple_of3A_828] : memref<2x50000xi32, #tpu.memory_space<hbm>> -> memref<1x128xi32, #tpu.memory_space<hbm>>
    %dma_start3A_836 = tpu.memref_squeeze %dma_start3A_835 : memref<1x128xi32, #tpu.memory_space<hbm>> -> memref<128xi32, #tpu.memory_space<hbm>>
    %dma_start3A_837 = tpu.memref_slice %arg11[%dma_start3A_831] : memref<25x!tpu.dma_semaphore, #tpu.memory_space<semaphore_mem>> -> memref<1x!tpu.dma_semaphore, #tpu.memory_space<semaphore_mem>>
    %dma_start3A_838 = tpu.memref_squeeze %dma_start3A_837 : memref<1x!tpu.dma_semaphore, #tpu.memory_space<semaphore_mem>> -> memref<!tpu.dma_semaphore, #tpu.memory_space<semaphore_mem>>
    %dma_start3A_839 = arith.constant 0 : i32
    %dma_start3A_840 = tpu.memref_slice %arg7[%dma_start3A_830, %dma_start3A_839] : memref<25x128xi32, #tpu.memory_space<vmem>> -> memref<1x128xi32, #tpu.memory_space<vmem>>
    %dma_start3A_841 = tpu.memref_squeeze %dma_start3A_840 : memref<1x128xi32, #tpu.memory_space<vmem>> -> memref<128xi32, #tpu.memory_space<vmem>>
    %dma_start3A_842 = tpu.memref_slice %arg3[%dma_start3A_829, %multiple_of3A_828] : memref<2x50000xi32, #tpu.memory_space<hbm>> -> memref<1x128xi32, #tpu.memory_space<hbm>>
    %dma_start3A_843 = tpu.memref_squeeze %dma_start3A_842 : memref<1x128xi32, #tpu.memory_space<hbm>> -> memref<128xi32, #tpu.memory_space<hbm>>
    tpu.enqueue_dma source(%dma_start3A_843 : memref<128xi32, #tpu.memory_space<hbm>>) target(%dma_start3A_841 : memref<128xi32, #tpu.memory_space<vmem>>) target_semaphore(%dma_start3A_838 : memref<!tpu.dma_semaphore, #tpu.memory_space<semaphore_mem>>)
    %dma_start3A_844 = arith.constant 1 : i32
    %dma_start3A_845 = arith.constant 21 : i32
    %dma_start3A_846 = arith.constant 21 : i32
    %dma_start3A_847 = arith.constant 0 : i32
    %dma_start3A_848 = tpu.memref_slice %arg8[%dma_start3A_845, %dma_start3A_847] : memref<25x128xi32, #tpu.memory_space<vmem>> -> memref<1x128xi32, #tpu.memory_space<vmem>>
    %dma_start3A_849 = tpu.memref_squeeze %dma_start3A_848 : memref<1x128xi32, #tpu.memory_space<vmem>> -> memref<128xi32, #tpu.memory_space<vmem>>
    %dma_start3A_850 = tpu.memref_slice %arg3[%dma_start3A_844, %multiple_of3A_828] : memref<2x50000xi32, #tpu.memory_space<hbm>> -> memref<1x128xi32, #tpu.memory_space<hbm>>
    %dma_start3A_851 = tpu.memref_squeeze %dma_start3A_850 : memref<1x128xi32, #tpu.memory_space<hbm>> -> memref<128xi32, #tpu.memory_space<hbm>>
    %dma_start3A_852 = tpu.memref_slice %arg11[%dma_start3A_846] : memref<25x!tpu.dma_semaphore, #tpu.memory_space<semaphore_mem>> -> memref<1x!tpu.dma_semaphore, #tpu.memory_space<semaphore_mem>>
    %dma_start3A_853 = tpu.memref_squeeze %dma_start3A_852 : memref<1x!tpu.dma_semaphore, #tpu.memory_space<semaphore_mem>> -> memref<!tpu.dma_semaphore, #tpu.memory_space<semaphore_mem>>
    %dma_start3A_854 = arith.constant 0 : i32
    %dma_start3A_855 = tpu.memref_slice %arg8[%dma_start3A_845, %dma_start3A_854] : memref<25x128xi32, #tpu.memory_space<vmem>> -> memref<1x128xi32, #tpu.memory_space<vmem>>
    %dma_start3A_856 = tpu.memref_squeeze %dma_start3A_855 : memref<1x128xi32, #tpu.memory_space<vmem>> -> memref<128xi32, #tpu.memory_space<vmem>>
    %dma_start3A_857 = tpu.memref_slice %arg3[%dma_start3A_844, %multiple_of3A_828] : memref<2x50000xi32, #tpu.memory_space<hbm>> -> memref<1x128xi32, #tpu.memory_space<hbm>>
    %dma_start3A_858 = tpu.memref_squeeze %dma_start3A_857 : memref<1x128xi32, #tpu.memory_space<hbm>> -> memref<128xi32, #tpu.memory_space<hbm>>
    tpu.enqueue_dma source(%dma_start3A_858 : memref<128xi32, #tpu.memory_space<hbm>>) target(%dma_start3A_856 : memref<128xi32, #tpu.memory_space<vmem>>) target_semaphore(%dma_start3A_853 : memref<!tpu.dma_semaphore, #tpu.memory_space<semaphore_mem>>)
    %add3A_859 = arith.constant 352 : i32
    %add3A_860 = arith.addi %add3A_859, %arg1 : i32
    %ge3A_861 = arith.constant 390 : i32
    %ge3A_862 = arith.cmpi sge, %add3A_860, %ge3A_861 : i32
    %mul3A_863 = arith.constant 128 : i32
    %mul3A_864 = arith.muli %add3A_860, %mul3A_863 : i32
    %jit3A_865 = arith.constant 49872 : i32
    %select_n3A_866 = arith.select %ge3A_862, %jit3A_865, %mul3A_864 : i32
    %multiple_of3A_867 = tpu.assume_multiple %select_n3A_866, 8 : i32
    %dma_start3A_868 = arith.constant 0 : i32
    %dma_start3A_869 = arith.constant 22 : i32
    %dma_start3A_870 = arith.constant 22 : i32
    %dma_start3A_871 = arith.constant 0 : i32
    %dma_start3A_872 = tpu.memref_slice %arg7[%dma_start3A_869, %dma_start3A_871] : memref<25x128xi32, #tpu.memory_space<vmem>> -> memref<1x128xi32, #tpu.memory_space<vmem>>
    %dma_start3A_873 = tpu.memref_squeeze %dma_start3A_872 : memref<1x128xi32, #tpu.memory_space<vmem>> -> memref<128xi32, #tpu.memory_space<vmem>>
    %dma_start3A_874 = tpu.memref_slice %arg3[%dma_start3A_868, %multiple_of3A_867] : memref<2x50000xi32, #tpu.memory_space<hbm>> -> memref<1x128xi32, #tpu.memory_space<hbm>>
    %dma_start3A_875 = tpu.memref_squeeze %dma_start3A_874 : memref<1x128xi32, #tpu.memory_space<hbm>> -> memref<128xi32, #tpu.memory_space<hbm>>
    %dma_start3A_876 = tpu.memref_slice %arg11[%dma_start3A_870] : memref<25x!tpu.dma_semaphore, #tpu.memory_space<semaphore_mem>> -> memref<1x!tpu.dma_semaphore, #tpu.memory_space<semaphore_mem>>
    %dma_start3A_877 = tpu.memref_squeeze %dma_start3A_876 : memref<1x!tpu.dma_semaphore, #tpu.memory_space<semaphore_mem>> -> memref<!tpu.dma_semaphore, #tpu.memory_space<semaphore_mem>>
    %dma_start3A_878 = arith.constant 0 : i32
    %dma_start3A_879 = tpu.memref_slice %arg7[%dma_start3A_869, %dma_start3A_878] : memref<25x128xi32, #tpu.memory_space<vmem>> -> memref<1x128xi32, #tpu.memory_space<vmem>>
    %dma_start3A_880 = tpu.memref_squeeze %dma_start3A_879 : memref<1x128xi32, #tpu.memory_space<vmem>> -> memref<128xi32, #tpu.memory_space<vmem>>
    %dma_start3A_881 = tpu.memref_slice %arg3[%dma_start3A_868, %multiple_of3A_867] : memref<2x50000xi32, #tpu.memory_space<hbm>> -> memref<1x128xi32, #tpu.memory_space<hbm>>
    %dma_start3A_882 = tpu.memref_squeeze %dma_start3A_881 : memref<1x128xi32, #tpu.memory_space<hbm>> -> memref<128xi32, #tpu.memory_space<hbm>>
    tpu.enqueue_dma source(%dma_start3A_882 : memref<128xi32, #tpu.memory_space<hbm>>) target(%dma_start3A_880 : memref<128xi32, #tpu.memory_space<vmem>>) target_semaphore(%dma_start3A_877 : memref<!tpu.dma_semaphore, #tpu.memory_space<semaphore_mem>>)
    %dma_start3A_883 = arith.constant 1 : i32
    %dma_start3A_884 = arith.constant 22 : i32
    %dma_start3A_885 = arith.constant 22 : i32
    %dma_start3A_886 = arith.constant 0 : i32
    %dma_start3A_887 = tpu.memref_slice %arg8[%dma_start3A_884, %dma_start3A_886] : memref<25x128xi32, #tpu.memory_space<vmem>> -> memref<1x128xi32, #tpu.memory_space<vmem>>
    %dma_start3A_888 = tpu.memref_squeeze %dma_start3A_887 : memref<1x128xi32, #tpu.memory_space<vmem>> -> memref<128xi32, #tpu.memory_space<vmem>>
    %dma_start3A_889 = tpu.memref_slice %arg3[%dma_start3A_883, %multiple_of3A_867] : memref<2x50000xi32, #tpu.memory_space<hbm>> -> memref<1x128xi32, #tpu.memory_space<hbm>>
    %dma_start3A_890 = tpu.memref_squeeze %dma_start3A_889 : memref<1x128xi32, #tpu.memory_space<hbm>> -> memref<128xi32, #tpu.memory_space<hbm>>
    %dma_start3A_891 = tpu.memref_slice %arg11[%dma_start3A_885] : memref<25x!tpu.dma_semaphore, #tpu.memory_space<semaphore_mem>> -> memref<1x!tpu.dma_semaphore, #tpu.memory_space<semaphore_mem>>
    %dma_start3A_892 = tpu.memref_squeeze %dma_start3A_891 : memref<1x!tpu.dma_semaphore, #tpu.memory_space<semaphore_mem>> -> memref<!tpu.dma_semaphore, #tpu.memory_space<semaphore_mem>>
    %dma_start3A_893 = arith.constant 0 : i32
    %dma_start3A_894 = tpu.memref_slice %arg8[%dma_start3A_884, %dma_start3A_893] : memref<25x128xi32, #tpu.memory_space<vmem>> -> memref<1x128xi32, #tpu.memory_space<vmem>>
    %dma_start3A_895 = tpu.memref_squeeze %dma_start3A_894 : memref<1x128xi32, #tpu.memory_space<vmem>> -> memref<128xi32, #tpu.memory_space<vmem>>
    %dma_start3A_896 = tpu.memref_slice %arg3[%dma_start3A_883, %multiple_of3A_867] : memref<2x50000xi32, #tpu.memory_space<hbm>> -> memref<1x128xi32, #tpu.memory_space<hbm>>
    %dma_start3A_897 = tpu.memref_squeeze %dma_start3A_896 : memref<1x128xi32, #tpu.memory_space<hbm>> -> memref<128xi32, #tpu.memory_space<hbm>>
    tpu.enqueue_dma source(%dma_start3A_897 : memref<128xi32, #tpu.memory_space<hbm>>) target(%dma_start3A_895 : memref<128xi32, #tpu.memory_space<vmem>>) target_semaphore(%dma_start3A_892 : memref<!tpu.dma_semaphore, #tpu.memory_space<semaphore_mem>>)
    %add3A_898 = arith.constant 368 : i32
    %add3A_899 = arith.addi %add3A_898, %arg1 : i32
    %ge3A_900 = arith.constant 390 : i32
    %ge3A_901 = arith.cmpi sge, %add3A_899, %ge3A_900 : i32
    %mul3A_902 = arith.constant 128 : i32
    %mul3A_903 = arith.muli %add3A_899, %mul3A_902 : i32
    %jit3A_904 = arith.constant 49872 : i32
    %select_n3A_905 = arith.select %ge3A_901, %jit3A_904, %mul3A_903 : i32
    %multiple_of3A_906 = tpu.assume_multiple %select_n3A_905, 8 : i32
    %dma_start3A_907 = arith.constant 0 : i32
    %dma_start3A_908 = arith.constant 23 : i32
    %dma_start3A_909 = arith.constant 23 : i32
    %dma_start3A_910 = arith.constant 0 : i32
    %dma_start3A_911 = tpu.memref_slice %arg7[%dma_start3A_908, %dma_start3A_910] : memref<25x128xi32, #tpu.memory_space<vmem>> -> memref<1x128xi32, #tpu.memory_space<vmem>>
    %dma_start3A_912 = tpu.memref_squeeze %dma_start3A_911 : memref<1x128xi32, #tpu.memory_space<vmem>> -> memref<128xi32, #tpu.memory_space<vmem>>
    %dma_start3A_913 = tpu.memref_slice %arg3[%dma_start3A_907, %multiple_of3A_906] : memref<2x50000xi32, #tpu.memory_space<hbm>> -> memref<1x128xi32, #tpu.memory_space<hbm>>
    %dma_start3A_914 = tpu.memref_squeeze %dma_start3A_913 : memref<1x128xi32, #tpu.memory_space<hbm>> -> memref<128xi32, #tpu.memory_space<hbm>>
    %dma_start3A_915 = tpu.memref_slice %arg11[%dma_start3A_909] : memref<25x!tpu.dma_semaphore, #tpu.memory_space<semaphore_mem>> -> memref<1x!tpu.dma_semaphore, #tpu.memory_space<semaphore_mem>>
    %dma_start3A_916 = tpu.memref_squeeze %dma_start3A_915 : memref<1x!tpu.dma_semaphore, #tpu.memory_space<semaphore_mem>> -> memref<!tpu.dma_semaphore, #tpu.memory_space<semaphore_mem>>
    %dma_start3A_917 = arith.constant 0 : i32
    %dma_start3A_918 = tpu.memref_slice %arg7[%dma_start3A_908, %dma_start3A_917] : memref<25x128xi32, #tpu.memory_space<vmem>> -> memref<1x128xi32, #tpu.memory_space<vmem>>
    %dma_start3A_919 = tpu.memref_squeeze %dma_start3A_918 : memref<1x128xi32, #tpu.memory_space<vmem>> -> memref<128xi32, #tpu.memory_space<vmem>>
    %dma_start3A_920 = tpu.memref_slice %arg3[%dma_start3A_907, %multiple_of3A_906] : memref<2x50000xi32, #tpu.memory_space<hbm>> -> memref<1x128xi32, #tpu.memory_space<hbm>>
    %dma_start3A_921 = tpu.memref_squeeze %dma_start3A_920 : memref<1x128xi32, #tpu.memory_space<hbm>> -> memref<128xi32, #tpu.memory_space<hbm>>
    tpu.enqueue_dma source(%dma_start3A_921 : memref<128xi32, #tpu.memory_space<hbm>>) target(%dma_start3A_919 : memref<128xi32, #tpu.memory_space<vmem>>) target_semaphore(%dma_start3A_916 : memref<!tpu.dma_semaphore, #tpu.memory_space<semaphore_mem>>)
    %dma_start3A_922 = arith.constant 1 : i32
    %dma_start3A_923 = arith.constant 23 : i32
    %dma_start3A_924 = arith.constant 23 : i32
    %dma_start3A_925 = arith.constant 0 : i32
    %dma_start3A_926 = tpu.memref_slice %arg8[%dma_start3A_923, %dma_start3A_925] : memref<25x128xi32, #tpu.memory_space<vmem>> -> memref<1x128xi32, #tpu.memory_space<vmem>>
    %dma_start3A_927 = tpu.memref_squeeze %dma_start3A_926 : memref<1x128xi32, #tpu.memory_space<vmem>> -> memref<128xi32, #tpu.memory_space<vmem>>
    %dma_start3A_928 = tpu.memref_slice %arg3[%dma_start3A_922, %multiple_of3A_906] : memref<2x50000xi32, #tpu.memory_space<hbm>> -> memref<1x128xi32, #tpu.memory_space<hbm>>
    %dma_start3A_929 = tpu.memref_squeeze %dma_start3A_928 : memref<1x128xi32, #tpu.memory_space<hbm>> -> memref<128xi32, #tpu.memory_space<hbm>>
    %dma_start3A_930 = tpu.memref_slice %arg11[%dma_start3A_924] : memref<25x!tpu.dma_semaphore, #tpu.memory_space<semaphore_mem>> -> memref<1x!tpu.dma_semaphore, #tpu.memory_space<semaphore_mem>>
    %dma_start3A_931 = tpu.memref_squeeze %dma_start3A_930 : memref<1x!tpu.dma_semaphore, #tpu.memory_space<semaphore_mem>> -> memref<!tpu.dma_semaphore, #tpu.memory_space<semaphore_mem>>
    %dma_start3A_932 = arith.constant 0 : i32
    %dma_start3A_933 = tpu.memref_slice %arg8[%dma_start3A_923, %dma_start3A_932] : memref<25x128xi32, #tpu.memory_space<vmem>> -> memref<1x128xi32, #tpu.memory_space<vmem>>
    %dma_start3A_934 = tpu.memref_squeeze %dma_start3A_933 : memref<1x128xi32, #tpu.memory_space<vmem>> -> memref<128xi32, #tpu.memory_space<vmem>>
    %dma_start3A_935 = tpu.memref_slice %arg3[%dma_start3A_922, %multiple_of3A_906] : memref<2x50000xi32, #tpu.memory_space<hbm>> -> memref<1x128xi32, #tpu.memory_space<hbm>>
    %dma_start3A_936 = tpu.memref_squeeze %dma_start3A_935 : memref<1x128xi32, #tpu.memory_space<hbm>> -> memref<128xi32, #tpu.memory_space<hbm>>
    tpu.enqueue_dma source(%dma_start3A_936 : memref<128xi32, #tpu.memory_space<hbm>>) target(%dma_start3A_934 : memref<128xi32, #tpu.memory_space<vmem>>) target_semaphore(%dma_start3A_931 : memref<!tpu.dma_semaphore, #tpu.memory_space<semaphore_mem>>)
    %add3A_937 = arith.constant 384 : i32
    %add3A_938 = arith.addi %add3A_937, %arg1 : i32
    %ge3A_939 = arith.constant 390 : i32
    %ge3A_940 = arith.cmpi sge, %add3A_938, %ge3A_939 : i32
    %mul3A_941 = arith.constant 128 : i32
    %mul3A_942 = arith.muli %add3A_938, %mul3A_941 : i32
    %jit3A_943 = arith.constant 49872 : i32
    %select_n3A_944 = arith.select %ge3A_940, %jit3A_943, %mul3A_942 : i32
    %multiple_of3A_945 = tpu.assume_multiple %select_n3A_944, 8 : i32
    %dma_start3A_946 = arith.constant 0 : i32
    %dma_start3A_947 = arith.constant 24 : i32
    %dma_start3A_948 = arith.constant 24 : i32
    %dma_start3A_949 = arith.constant 0 : i32
    %dma_start3A_950 = tpu.memref_slice %arg7[%dma_start3A_947, %dma_start3A_949] : memref<25x128xi32, #tpu.memory_space<vmem>> -> memref<1x128xi32, #tpu.memory_space<vmem>>
    %dma_start3A_951 = tpu.memref_squeeze %dma_start3A_950 : memref<1x128xi32, #tpu.memory_space<vmem>> -> memref<128xi32, #tpu.memory_space<vmem>>
    %dma_start3A_952 = tpu.memref_slice %arg3[%dma_start3A_946, %multiple_of3A_945] : memref<2x50000xi32, #tpu.memory_space<hbm>> -> memref<1x128xi32, #tpu.memory_space<hbm>>
    %dma_start3A_953 = tpu.memref_squeeze %dma_start3A_952 : memref<1x128xi32, #tpu.memory_space<hbm>> -> memref<128xi32, #tpu.memory_space<hbm>>
    %dma_start3A_954 = tpu.memref_slice %arg11[%dma_start3A_948] : memref<25x!tpu.dma_semaphore, #tpu.memory_space<semaphore_mem>> -> memref<1x!tpu.dma_semaphore, #tpu.memory_space<semaphore_mem>>
    %dma_start3A_955 = tpu.memref_squeeze %dma_start3A_954 : memref<1x!tpu.dma_semaphore, #tpu.memory_space<semaphore_mem>> -> memref<!tpu.dma_semaphore, #tpu.memory_space<semaphore_mem>>
    %dma_start3A_956 = arith.constant 0 : i32
    %dma_start3A_957 = tpu.memref_slice %arg7[%dma_start3A_947, %dma_start3A_956] : memref<25x128xi32, #tpu.memory_space<vmem>> -> memref<1x128xi32, #tpu.memory_space<vmem>>
    %dma_start3A_958 = tpu.memref_squeeze %dma_start3A_957 : memref<1x128xi32, #tpu.memory_space<vmem>> -> memref<128xi32, #tpu.memory_space<vmem>>
    %dma_start3A_959 = tpu.memref_slice %arg3[%dma_start3A_946, %multiple_of3A_945] : memref<2x50000xi32, #tpu.memory_space<hbm>> -> memref<1x128xi32, #tpu.memory_space<hbm>>
    %dma_start3A_960 = tpu.memref_squeeze %dma_start3A_959 : memref<1x128xi32, #tpu.memory_space<hbm>> -> memref<128xi32, #tpu.memory_space<hbm>>
    tpu.enqueue_dma source(%dma_start3A_960 : memref<128xi32, #tpu.memory_space<hbm>>) target(%dma_start3A_958 : memref<128xi32, #tpu.memory_space<vmem>>) target_semaphore(%dma_start3A_955 : memref<!tpu.dma_semaphore, #tpu.memory_space<semaphore_mem>>)
    %dma_start3A_961 = arith.constant 1 : i32
    %dma_start3A_962 = arith.constant 24 : i32
    %dma_start3A_963 = arith.constant 24 : i32
    %dma_start3A_964 = arith.constant 0 : i32
    %dma_start3A_965 = tpu.memref_slice %arg8[%dma_start3A_962, %dma_start3A_964] : memref<25x128xi32, #tpu.memory_space<vmem>> -> memref<1x128xi32, #tpu.memory_space<vmem>>
    %dma_start3A_966 = tpu.memref_squeeze %dma_start3A_965 : memref<1x128xi32, #tpu.memory_space<vmem>> -> memref<128xi32, #tpu.memory_space<vmem>>
    %dma_start3A_967 = tpu.memref_slice %arg3[%dma_start3A_961, %multiple_of3A_945] : memref<2x50000xi32, #tpu.memory_space<hbm>> -> memref<1x128xi32, #tpu.memory_space<hbm>>
    %dma_start3A_968 = tpu.memref_squeeze %dma_start3A_967 : memref<1x128xi32, #tpu.memory_space<hbm>> -> memref<128xi32, #tpu.memory_space<hbm>>
    %dma_start3A_969 = tpu.memref_slice %arg11[%dma_start3A_963] : memref<25x!tpu.dma_semaphore, #tpu.memory_space<semaphore_mem>> -> memref<1x!tpu.dma_semaphore, #tpu.memory_space<semaphore_mem>>
    %dma_start3A_970 = tpu.memref_squeeze %dma_start3A_969 : memref<1x!tpu.dma_semaphore, #tpu.memory_space<semaphore_mem>> -> memref<!tpu.dma_semaphore, #tpu.memory_space<semaphore_mem>>
    %dma_start3A_971 = arith.constant 0 : i32
    %dma_start3A_972 = tpu.memref_slice %arg8[%dma_start3A_962, %dma_start3A_971] : memref<25x128xi32, #tpu.memory_space<vmem>> -> memref<1x128xi32, #tpu.memory_space<vmem>>
    %dma_start3A_973 = tpu.memref_squeeze %dma_start3A_972 : memref<1x128xi32, #tpu.memory_space<vmem>> -> memref<128xi32, #tpu.memory_space<vmem>>
    %dma_start3A_974 = tpu.memref_slice %arg3[%dma_start3A_961, %multiple_of3A_945] : memref<2x50000xi32, #tpu.memory_space<hbm>> -> memref<1x128xi32, #tpu.memory_space<hbm>>
    %dma_start3A_975 = tpu.memref_squeeze %dma_start3A_974 : memref<1x128xi32, #tpu.memory_space<hbm>> -> memref<128xi32, #tpu.memory_space<hbm>>
    tpu.enqueue_dma source(%dma_start3A_975 : memref<128xi32, #tpu.memory_space<hbm>>) target(%dma_start3A_973 : memref<128xi32, #tpu.memory_space<vmem>>) target_semaphore(%dma_start3A_970 : memref<!tpu.dma_semaphore, #tpu.memory_space<semaphore_mem>>)
    %scan3A = arith.constant 0 : i32
    %scan3A_976 = arith.constant 0 : i32
    %scan3A_977 = arith.constant 632 : i32
    %scan3A_978 = arith.addi %scan3A_976, %scan3A_977 : i32
    %scan3A_979 = arith.constant 1 : i32
    scf.for %scan3A_2807 = %scan3A_976 to %scan3A_978 step %scan3A_979  : i32 {
      %broadcast_in_dim3A_2808 = arith.constant 0.000000e+00 : f32
      %broadcast_in_dim3A_2809 = vector.broadcast %broadcast_in_dim3A_2808 : f32 to vector<16xf32>
      %swap3A_2810 = arith.index_cast %scan3A_2807 : i32 to index
      %swap3A_2811 = arith.constant 0 : index
      %swap3A_2812 = tpu.vector_load %arg10[%swap3A_2810, %swap3A_2811] {strides = array<i32>} : memref<632x16xf32, #tpu.memory_space<vmem>>, vector<1x16xf32>,
      %swap3A_2813 = vector.shape_cast %swap3A_2812 : vector<1x16xf32> to vector<16xf32>
      %swap3A_2814 = vector.shape_cast %broadcast_in_dim3A_2809 : vector<16xf32> to vector<1x16xf32>
      tpu.vector_store %arg10[%swap3A_2810, %swap3A_2811], %swap3A_2814 {strides = array<i32>} : memref<632x16xf32, #tpu.memory_space<vmem>>, vector<1x16xf32>,
    }
    %scan3A_980 = arith.constant 632 : i32
    %mul3A_981 = arith.constant 632 : i32
    %mul3A_982 = arith.muli %arg1, %mul3A_981 : i32
    "tpu.region"() ({
      %run_scoped3A_2807 = tpu.sem_alloc : memref<!tpu.dma_semaphore, #tpu.memory_space<semaphore_mem>>
      %dma_start3A_2808 = arith.constant 0 : i32
      %dma_start3A_2809 = tpu.memref_slice %arg5[%mul3A_982, %dma_start3A_2808] : memref<10112x16xf32, #tpu.memory_space<vmem_shared>> -> memref<632x16xf32, #tpu.memory_space<vmem_shared>>
      %dma_start3A_2810 = arith.constant 0 : i32
      %dma_start3A_2811 = tpu.memref_slice %arg5[%mul3A_982, %dma_start3A_2810] : memref<10112x16xf32, #tpu.memory_space<vmem_shared>> -> memref<632x16xf32, #tpu.memory_space<vmem_shared>>
      tpu.enqueue_dma source(%arg10 : memref<632x16xf32, #tpu.memory_space<vmem>>) target(%dma_start3A_2811 : memref<632x16xf32, #tpu.memory_space<vmem_shared>>) target_semaphore(%run_scoped3A_2807 : memref<!tpu.dma_semaphore, #tpu.memory_space<semaphore_mem>>)
      %dma_wait3A_2812 = arith.constant 0 : i32
      %dma_wait3A_2813 = tpu.memref_slice %arg5[%mul3A_982, %dma_wait3A_2812] : memref<10112x16xf32, #tpu.memory_space<vmem_shared>> -> memref<632x16xf32, #tpu.memory_space<vmem_shared>>
      %dma_wait3A_2814 = arith.constant 0 : i32
      %dma_wait3A_2815 = tpu.memref_slice %arg5[%mul3A_982, %dma_wait3A_2814] : memref<10112x16xf32, #tpu.memory_space<vmem_shared>> -> memref<632x16xf32, #tpu.memory_space<vmem_shared>>
      tpu.wait_dma2 semaphore(%run_scoped3A_2807 : memref<!tpu.dma_semaphore, #tpu.memory_space<semaphore_mem>>) src(%arg10 : memref<632x16xf32, #tpu.memory_space<vmem>>) dst(%dma_wait3A_2815 : memref<632x16xf32, #tpu.memory_space<vmem_shared>>)
      tpu.yield
    }) : () -> ()
    %lt3A_983 = arith.constant 15 : i32
    %lt3A_984 = arith.cmpi slt, %arg1, %lt3A_983 : i32
    %convert_element_type3A_985 = arith.extui %lt3A_984 : i1 to i32
    %cond3A_986 = arith.constant 0 : i32
    %cond3A_987 = arith.cmpi ne, %convert_element_type3A_985, %cond3A_986 : i32
    scf.if %cond3A_987 {
      %dma_wait3A_2807 = arith.constant 0 : i32
      %dma_wait3A_2808 = tpu.memref_slice %arg6[%mul3A_0, %dma_wait3A_2807] : memref<10112x16xf32, #tpu.memory_space<vmem_shared>> -> memref<632x16xf32, #tpu.memory_space<vmem_shared>>
      %dma_wait3A_2809 = arith.constant 0 : i32
      %dma_wait3A_2810 = tpu.memref_slice %arg2[%mul3A_0, %dma_wait3A_2809] : memref<10000x16xf32, #tpu.memory_space<hbm>> -> memref<632x16xf32, #tpu.memory_space<hbm>>
      tpu.wait_dma2 semaphore(%arg12 : memref<!tpu.dma_semaphore, #tpu.memory_space<semaphore_mem>>) src(%dma_wait3A_2810 : memref<632x16xf32, #tpu.memory_space<hbm>>) dst(%dma_wait3A_2808 : memref<632x16xf32, #tpu.memory_space<vmem_shared>>)
    } else {
    }
    %eq3A_988 = arith.constant 15 : i32
    %eq3A_989 = arith.cmpi eq, %arg1, %eq3A_988 : i32
    %convert_element_type3A_990 = arith.extui %eq3A_989 : i1 to i32
    %cond3A_991 = arith.constant 0 : i32
    %cond3A_992 = arith.cmpi ne, %convert_element_type3A_990, %cond3A_991 : i32
    scf.if %cond3A_992 {
      %dma_wait3A_2807 = arith.constant 9480 : i32
      %dma_wait3A_2808 = arith.constant 0 : i32
      %dma_wait3A_2809 = tpu.memref_slice %arg6[%dma_wait3A_2807, %dma_wait3A_2808] : memref<10112x16xf32, #tpu.memory_space<vmem_shared>> -> memref<520x16xf32, #tpu.memory_space<vmem_shared>>
      %dma_wait3A_2810 = arith.constant 9480 : i32
      %dma_wait3A_2811 = arith.constant 0 : i32
      %dma_wait3A_2812 = tpu.memref_slice %arg2[%dma_wait3A_2810, %dma_wait3A_2811] : memref<10000x16xf32, #tpu.memory_space<hbm>> -> memref<520x16xf32, #tpu.memory_space<hbm>>
      tpu.wait_dma2 semaphore(%arg12 : memref<!tpu.dma_semaphore, #tpu.memory_space<semaphore_mem>>) src(%dma_wait3A_2812 : memref<520x16xf32, #tpu.memory_space<hbm>>) dst(%dma_wait3A_2809 : memref<520x16xf32, #tpu.memory_space<vmem_shared>>)
    } else {
    }
    %barrier3A = arith.constant 0 : index
    tpu.barrier barrier_id(%barrier3A)
    %add3A_993 = arith.constant 0 : i32
    %add3A_994 = arith.addi %add3A_993, %arg1 : i32
    %ge3A_995 = arith.constant 390 : i32
    %ge3A_996 = arith.cmpi sge, %add3A_994, %ge3A_995 : i32
    %mul3A_997 = arith.constant 128 : i32
    %mul3A_998 = arith.muli %add3A_994, %mul3A_997 : i32
    %jit3A_999 = arith.constant 49872 : i32
    %select_n3A_1000 = arith.select %ge3A_996, %jit3A_999, %mul3A_998 : i32
    %multiple_of3A_1001 = tpu.assume_multiple %select_n3A_1000, 8 : i32
    %dma_wait3A = arith.constant 0 : i32
    %dma_wait3A_1002 = arith.constant 0 : i32
    %dma_wait3A_1003 = arith.constant 0 : i32
    %dma_wait3A_1004 = arith.constant 0 : i32
    %dma_wait3A_1005 = tpu.memref_slice %arg7[%dma_wait3A_1002, %dma_wait3A_1004] : memref<25x128xi32, #tpu.memory_space<vmem>> -> memref<1x128xi32, #tpu.memory_space<vmem>>
    %dma_wait3A_1006 = tpu.memref_squeeze %dma_wait3A_1005 : memref<1x128xi32, #tpu.memory_space<vmem>> -> memref<128xi32, #tpu.memory_space<vmem>>
    %dma_wait3A_1007 = tpu.memref_slice %arg3[%dma_wait3A, %multiple_of3A_1001] : memref<2x50000xi32, #tpu.memory_space<hbm>> -> memref<1x128xi32, #tpu.memory_space<hbm>>
    %dma_wait3A_1008 = tpu.memref_squeeze %dma_wait3A_1007 : memref<1x128xi32, #tpu.memory_space<hbm>> -> memref<128xi32, #tpu.memory_space<hbm>>
    %dma_wait3A_1009 = tpu.memref_slice %arg11[%dma_wait3A_1003] : memref<25x!tpu.dma_semaphore, #tpu.memory_space<semaphore_mem>> -> memref<1x!tpu.dma_semaphore, #tpu.memory_space<semaphore_mem>>
    %dma_wait3A_1010 = tpu.memref_squeeze %dma_wait3A_1009 : memref<1x!tpu.dma_semaphore, #tpu.memory_space<semaphore_mem>> -> memref<!tpu.dma_semaphore, #tpu.memory_space<semaphore_mem>>
    %dma_wait3A_1011 = arith.constant 0 : i32
    %dma_wait3A_1012 = tpu.memref_slice %arg7[%dma_wait3A_1002, %dma_wait3A_1011] : memref<25x128xi32, #tpu.memory_space<vmem>> -> memref<1x128xi32, #tpu.memory_space<vmem>>
    %dma_wait3A_1013 = tpu.memref_squeeze %dma_wait3A_1012 : memref<1x128xi32, #tpu.memory_space<vmem>> -> memref<128xi32, #tpu.memory_space<vmem>>
    %dma_wait3A_1014 = tpu.memref_slice %arg3[%dma_wait3A, %multiple_of3A_1001] : memref<2x50000xi32, #tpu.memory_space<hbm>> -> memref<1x128xi32, #tpu.memory_space<hbm>>
    %dma_wait3A_1015 = tpu.memref_squeeze %dma_wait3A_1014 : memref<1x128xi32, #tpu.memory_space<hbm>> -> memref<128xi32, #tpu.memory_space<hbm>>
    tpu.wait_dma2 semaphore(%dma_wait3A_1010 : memref<!tpu.dma_semaphore, #tpu.memory_space<semaphore_mem>>) src(%dma_wait3A_1015 : memref<128xi32, #tpu.memory_space<hbm>>) dst(%dma_wait3A_1013 : memref<128xi32, #tpu.memory_space<vmem>>)
    %dma_wait3A_1016 = arith.constant 1 : i32
    %dma_wait3A_1017 = arith.constant 0 : i32
    %dma_wait3A_1018 = arith.constant 0 : i32
    %dma_wait3A_1019 = arith.constant 0 : i32
    %dma_wait3A_1020 = tpu.memref_slice %arg8[%dma_wait3A_1017, %dma_wait3A_1019] : memref<25x128xi32, #tpu.memory_space<vmem>> -> memref<1x128xi32, #tpu.memory_space<vmem>>
    %dma_wait3A_1021 = tpu.memref_squeeze %dma_wait3A_1020 : memref<1x128xi32, #tpu.memory_space<vmem>> -> memref<128xi32, #tpu.memory_space<vmem>>
    %dma_wait3A_1022 = tpu.memref_slice %arg3[%dma_wait3A_1016, %multiple_of3A_1001] : memref<2x50000xi32, #tpu.memory_space<hbm>> -> memref<1x128xi32, #tpu.memory_space<hbm>>
    %dma_wait3A_1023 = tpu.memref_squeeze %dma_wait3A_1022 : memref<1x128xi32, #tpu.memory_space<hbm>> -> memref<128xi32, #tpu.memory_space<hbm>>
    %dma_wait3A_1024 = tpu.memref_slice %arg11[%dma_wait3A_1018] : memref<25x!tpu.dma_semaphore, #tpu.memory_space<semaphore_mem>> -> memref<1x!tpu.dma_semaphore, #tpu.memory_space<semaphore_mem>>
    %dma_wait3A_1025 = tpu.memref_squeeze %dma_wait3A_1024 : memref<1x!tpu.dma_semaphore, #tpu.memory_space<semaphore_mem>> -> memref<!tpu.dma_semaphore, #tpu.memory_space<semaphore_mem>>
    %dma_wait3A_1026 = arith.constant 0 : i32
    %dma_wait3A_1027 = tpu.memref_slice %arg8[%dma_wait3A_1017, %dma_wait3A_1026] : memref<25x128xi32, #tpu.memory_space<vmem>> -> memref<1x128xi32, #tpu.memory_space<vmem>>
    %dma_wait3A_1028 = tpu.memref_squeeze %dma_wait3A_1027 : memref<1x128xi32, #tpu.memory_space<vmem>> -> memref<128xi32, #tpu.memory_space<vmem>>
    %dma_wait3A_1029 = tpu.memref_slice %arg3[%dma_wait3A_1016, %multiple_of3A_1001] : memref<2x50000xi32, #tpu.memory_space<hbm>> -> memref<1x128xi32, #tpu.memory_space<hbm>>
    %dma_wait3A_1030 = tpu.memref_squeeze %dma_wait3A_1029 : memref<1x128xi32, #tpu.memory_space<hbm>> -> memref<128xi32, #tpu.memory_space<hbm>>
    tpu.wait_dma2 semaphore(%dma_wait3A_1025 : memref<!tpu.dma_semaphore, #tpu.memory_space<semaphore_mem>>) src(%dma_wait3A_1030 : memref<128xi32, #tpu.memory_space<hbm>>) dst(%dma_wait3A_1028 : memref<128xi32, #tpu.memory_space<vmem>>)
    %dma_start3A_1031 = arith.constant 0 : i32
    %dma_start3A_1032 = arith.constant 0 : i32
    %dma_start3A_1033 = arith.constant 0 : i32
    %dma_start3A_1034 = arith.constant 0 : i32
    %dma_start3A_1035 = tpu.memref_slice %arg9[%dma_start3A_1033, %dma_start3A_1034] : memref<3200x16xf32, #tpu.memory_space<vmem>> -> memref<128x16xf32, #tpu.memory_space<vmem>>
    %dma_start3A_1036 = arith.constant 0 : i32
    %dma_start3A_1037 = tpu.memref_slice %arg7[%dma_start3A_1031, %dma_start3A_1036] : memref<25x128xi32, #tpu.memory_space<vmem>> -> memref<1x128xi32, #tpu.memory_space<vmem>>
    %dma_start3A_1038 = tpu.memref_squeeze %dma_start3A_1037 : memref<1x128xi32, #tpu.memory_space<vmem>> -> memref<128xi32, #tpu.memory_space<vmem>>
    %dma_start3A_1039 = arith.constant 0 : i32
    %dma_start3A_1040 = arith.constant 0 : i32
    %dma_start3A_1041 = tpu.memref_slice %arg6[%dma_start3A_1039, %dma_start3A_1040] : memref<10112x16xf32, #tpu.memory_space<vmem_shared>> -> memref<10112x16xf32, #tpu.memory_space<vmem_shared>>
    %dma_start3A_1042 = tpu.memref_slice %arg11[%dma_start3A_1032] : memref<25x!tpu.dma_semaphore, #tpu.memory_space<semaphore_mem>> -> memref<1x!tpu.dma_semaphore, #tpu.memory_space<semaphore_mem>>
    %dma_start3A_1043 = tpu.memref_squeeze %dma_start3A_1042 : memref<1x!tpu.dma_semaphore, #tpu.memory_space<semaphore_mem>> -> memref<!tpu.dma_semaphore, #tpu.memory_space<semaphore_mem>>
    tpu.enqueue_indirect_dma source(%dma_start3A_1041 : memref<10112x16xf32, #tpu.memory_space<vmem_shared>>) target(%dma_start3A_1035 : memref<128x16xf32, #tpu.memory_space<vmem>>) offsets(%dma_start3A_1038 : memref<128xi32, #tpu.memory_space<vmem>>) semaphore(%dma_start3A_1043 : memref<!tpu.dma_semaphore, #tpu.memory_space<semaphore_mem>>)
    %add3A_1044 = arith.constant 16 : i32
    %add3A_1045 = arith.addi %add3A_1044, %arg1 : i32
    %ge3A_1046 = arith.constant 390 : i32
    %ge3A_1047 = arith.cmpi sge, %add3A_1045, %ge3A_1046 : i32
    %mul3A_1048 = arith.constant 128 : i32
    %mul3A_1049 = arith.muli %add3A_1045, %mul3A_1048 : i32
    %jit3A_1050 = arith.constant 49872 : i32
    %select_n3A_1051 = arith.select %ge3A_1047, %jit3A_1050, %mul3A_1049 : i32
    %multiple_of3A_1052 = tpu.assume_multiple %select_n3A_1051, 8 : i32
    %dma_wait3A_1053 = arith.constant 0 : i32
    %dma_wait3A_1054 = arith.constant 1 : i32
    %dma_wait3A_1055 = arith.constant 1 : i32
    %dma_wait3A_1056 = arith.constant 0 : i32
    %dma_wait3A_1057 = tpu.memref_slice %arg7[%dma_wait3A_1054, %dma_wait3A_1056] : memref<25x128xi32, #tpu.memory_space<vmem>> -> memref<1x128xi32, #tpu.memory_space<vmem>>
    %dma_wait3A_1058 = tpu.memref_squeeze %dma_wait3A_1057 : memref<1x128xi32, #tpu.memory_space<vmem>> -> memref<128xi32, #tpu.memory_space<vmem>>
    %dma_wait3A_1059 = tpu.memref_slice %arg3[%dma_wait3A_1053, %multiple_of3A_1052] : memref<2x50000xi32, #tpu.memory_space<hbm>> -> memref<1x128xi32, #tpu.memory_space<hbm>>
    %dma_wait3A_1060 = tpu.memref_squeeze %dma_wait3A_1059 : memref<1x128xi32, #tpu.memory_space<hbm>> -> memref<128xi32, #tpu.memory_space<hbm>>
    %dma_wait3A_1061 = tpu.memref_slice %arg11[%dma_wait3A_1055] : memref<25x!tpu.dma_semaphore, #tpu.memory_space<semaphore_mem>> -> memref<1x!tpu.dma_semaphore, #tpu.memory_space<semaphore_mem>>
    %dma_wait3A_1062 = tpu.memref_squeeze %dma_wait3A_1061 : memref<1x!tpu.dma_semaphore, #tpu.memory_space<semaphore_mem>> -> memref<!tpu.dma_semaphore, #tpu.memory_space<semaphore_mem>>
    %dma_wait3A_1063 = arith.constant 0 : i32
    %dma_wait3A_1064 = tpu.memref_slice %arg7[%dma_wait3A_1054, %dma_wait3A_1063] : memref<25x128xi32, #tpu.memory_space<vmem>> -> memref<1x128xi32, #tpu.memory_space<vmem>>
    %dma_wait3A_1065 = tpu.memref_squeeze %dma_wait3A_1064 : memref<1x128xi32, #tpu.memory_space<vmem>> -> memref<128xi32, #tpu.memory_space<vmem>>
    %dma_wait3A_1066 = tpu.memref_slice %arg3[%dma_wait3A_1053, %multiple_of3A_1052] : memref<2x50000xi32, #tpu.memory_space<hbm>> -> memref<1x128xi32, #tpu.memory_space<hbm>>
    %dma_wait3A_1067 = tpu.memref_squeeze %dma_wait3A_1066 : memref<1x128xi32, #tpu.memory_space<hbm>> -> memref<128xi32, #tpu.memory_space<hbm>>
    tpu.wait_dma2 semaphore(%dma_wait3A_1062 : memref<!tpu.dma_semaphore, #tpu.memory_space<semaphore_mem>>) src(%dma_wait3A_1067 : memref<128xi32, #tpu.memory_space<hbm>>) dst(%dma_wait3A_1065 : memref<128xi32, #tpu.memory_space<vmem>>)
    %dma_wait3A_1068 = arith.constant 1 : i32
    %dma_wait3A_1069 = arith.constant 1 : i32
    %dma_wait3A_1070 = arith.constant 1 : i32
    %dma_wait3A_1071 = arith.constant 0 : i32
    %dma_wait3A_1072 = tpu.memref_slice %arg8[%dma_wait3A_1069, %dma_wait3A_1071] : memref<25x128xi32, #tpu.memory_space<vmem>> -> memref<1x128xi32, #tpu.memory_space<vmem>>
    %dma_wait3A_1073 = tpu.memref_squeeze %dma_wait3A_1072 : memref<1x128xi32, #tpu.memory_space<vmem>> -> memref<128xi32, #tpu.memory_space<vmem>>
    %dma_wait3A_1074 = tpu.memref_slice %arg3[%dma_wait3A_1068, %multiple_of3A_1052] : memref<2x50000xi32, #tpu.memory_space<hbm>> -> memref<1x128xi32, #tpu.memory_space<hbm>>
    %dma_wait3A_1075 = tpu.memref_squeeze %dma_wait3A_1074 : memref<1x128xi32, #tpu.memory_space<hbm>> -> memref<128xi32, #tpu.memory_space<hbm>>
    %dma_wait3A_1076 = tpu.memref_slice %arg11[%dma_wait3A_1070] : memref<25x!tpu.dma_semaphore, #tpu.memory_space<semaphore_mem>> -> memref<1x!tpu.dma_semaphore, #tpu.memory_space<semaphore_mem>>
    %dma_wait3A_1077 = tpu.memref_squeeze %dma_wait3A_1076 : memref<1x!tpu.dma_semaphore, #tpu.memory_space<semaphore_mem>> -> memref<!tpu.dma_semaphore, #tpu.memory_space<semaphore_mem>>
    %dma_wait3A_1078 = arith.constant 0 : i32
    %dma_wait3A_1079 = tpu.memref_slice %arg8[%dma_wait3A_1069, %dma_wait3A_1078] : memref<25x128xi32, #tpu.memory_space<vmem>> -> memref<1x128xi32, #tpu.memory_space<vmem>>
    %dma_wait3A_1080 = tpu.memref_squeeze %dma_wait3A_1079 : memref<1x128xi32, #tpu.memory_space<vmem>> -> memref<128xi32, #tpu.memory_space<vmem>>
    %dma_wait3A_1081 = tpu.memref_slice %arg3[%dma_wait3A_1068, %multiple_of3A_1052] : memref<2x50000xi32, #tpu.memory_space<hbm>> -> memref<1x128xi32, #tpu.memory_space<hbm>>
    %dma_wait3A_1082 = tpu.memref_squeeze %dma_wait3A_1081 : memref<1x128xi32, #tpu.memory_space<hbm>> -> memref<128xi32, #tpu.memory_space<hbm>>
    tpu.wait_dma2 semaphore(%dma_wait3A_1077 : memref<!tpu.dma_semaphore, #tpu.memory_space<semaphore_mem>>) src(%dma_wait3A_1082 : memref<128xi32, #tpu.memory_space<hbm>>) dst(%dma_wait3A_1080 : memref<128xi32, #tpu.memory_space<vmem>>)
    %dma_start3A_1083 = arith.constant 1 : i32
    %dma_start3A_1084 = arith.constant 1 : i32
    %dma_start3A_1085 = arith.constant 128 : i32
    %dma_start3A_1086 = arith.constant 0 : i32
    %dma_start3A_1087 = tpu.memref_slice %arg9[%dma_start3A_1085, %dma_start3A_1086] : memref<3200x16xf32, #tpu.memory_space<vmem>> -> memref<128x16xf32, #tpu.memory_space<vmem>>
    %dma_start3A_1088 = arith.constant 0 : i32
    %dma_start3A_1089 = tpu.memref_slice %arg7[%dma_start3A_1083, %dma_start3A_1088] : memref<25x128xi32, #tpu.memory_space<vmem>> -> memref<1x128xi32, #tpu.memory_space<vmem>>
    %dma_start3A_1090 = tpu.memref_squeeze %dma_start3A_1089 : memref<1x128xi32, #tpu.memory_space<vmem>> -> memref<128xi32, #tpu.memory_space<vmem>>
    %dma_start3A_1091 = arith.constant 0 : i32
    %dma_start3A_1092 = arith.constant 0 : i32
    %dma_start3A_1093 = tpu.memref_slice %arg6[%dma_start3A_1091, %dma_start3A_1092] : memref<10112x16xf32, #tpu.memory_space<vmem_shared>> -> memref<10112x16xf32, #tpu.memory_space<vmem_shared>>
    %dma_start3A_1094 = tpu.memref_slice %arg11[%dma_start3A_1084] : memref<25x!tpu.dma_semaphore, #tpu.memory_space<semaphore_mem>> -> memref<1x!tpu.dma_semaphore, #tpu.memory_space<semaphore_mem>>
    %dma_start3A_1095 = tpu.memref_squeeze %dma_start3A_1094 : memref<1x!tpu.dma_semaphore, #tpu.memory_space<semaphore_mem>> -> memref<!tpu.dma_semaphore, #tpu.memory_space<semaphore_mem>>
    tpu.enqueue_indirect_dma source(%dma_start3A_1093 : memref<10112x16xf32, #tpu.memory_space<vmem_shared>>) target(%dma_start3A_1087 : memref<128x16xf32, #tpu.memory_space<vmem>>) offsets(%dma_start3A_1090 : memref<128xi32, #tpu.memory_space<vmem>>) semaphore(%dma_start3A_1095 : memref<!tpu.dma_semaphore, #tpu.memory_space<semaphore_mem>>)
    %add3A_1096 = arith.constant 32 : i32
    %add3A_1097 = arith.addi %add3A_1096, %arg1 : i32
    %ge3A_1098 = arith.constant 390 : i32
    %ge3A_1099 = arith.cmpi sge, %add3A_1097, %ge3A_1098 : i32
    %mul3A_1100 = arith.constant 128 : i32
    %mul3A_1101 = arith.muli %add3A_1097, %mul3A_1100 : i32
    %jit3A_1102 = arith.constant 49872 : i32
    %select_n3A_1103 = arith.select %ge3A_1099, %jit3A_1102, %mul3A_1101 : i32
    %multiple_of3A_1104 = tpu.assume_multiple %select_n3A_1103, 8 : i32
    %dma_wait3A_1105 = arith.constant 0 : i32
    %dma_wait3A_1106 = arith.constant 2 : i32
    %dma_wait3A_1107 = arith.constant 2 : i32
    %dma_wait3A_1108 = arith.constant 0 : i32
    %dma_wait3A_1109 = tpu.memref_slice %arg7[%dma_wait3A_1106, %dma_wait3A_1108] : memref<25x128xi32, #tpu.memory_space<vmem>> -> memref<1x128xi32, #tpu.memory_space<vmem>>
    %dma_wait3A_1110 = tpu.memref_squeeze %dma_wait3A_1109 : memref<1x128xi32, #tpu.memory_space<vmem>> -> memref<128xi32, #tpu.memory_space<vmem>>
    %dma_wait3A_1111 = tpu.memref_slice %arg3[%dma_wait3A_1105, %multiple_of3A_1104] : memref<2x50000xi32, #tpu.memory_space<hbm>> -> memref<1x128xi32, #tpu.memory_space<hbm>>
    %dma_wait3A_1112 = tpu.memref_squeeze %dma_wait3A_1111 : memref<1x128xi32, #tpu.memory_space<hbm>> -> memref<128xi32, #tpu.memory_space<hbm>>
    %dma_wait3A_1113 = tpu.memref_slice %arg11[%dma_wait3A_1107] : memref<25x!tpu.dma_semaphore, #tpu.memory_space<semaphore_mem>> -> memref<1x!tpu.dma_semaphore, #tpu.memory_space<semaphore_mem>>
    %dma_wait3A_1114 = tpu.memref_squeeze %dma_wait3A_1113 : memref<1x!tpu.dma_semaphore, #tpu.memory_space<semaphore_mem>> -> memref<!tpu.dma_semaphore, #tpu.memory_space<semaphore_mem>>
    %dma_wait3A_1115 = arith.constant 0 : i32
    %dma_wait3A_1116 = tpu.memref_slice %arg7[%dma_wait3A_1106, %dma_wait3A_1115] : memref<25x128xi32, #tpu.memory_space<vmem>> -> memref<1x128xi32, #tpu.memory_space<vmem>>
    %dma_wait3A_1117 = tpu.memref_squeeze %dma_wait3A_1116 : memref<1x128xi32, #tpu.memory_space<vmem>> -> memref<128xi32, #tpu.memory_space<vmem>>
    %dma_wait3A_1118 = tpu.memref_slice %arg3[%dma_wait3A_1105, %multiple_of3A_1104] : memref<2x50000xi32, #tpu.memory_space<hbm>> -> memref<1x128xi32, #tpu.memory_space<hbm>>
    %dma_wait3A_1119 = tpu.memref_squeeze %dma_wait3A_1118 : memref<1x128xi32, #tpu.memory_space<hbm>> -> memref<128xi32, #tpu.memory_space<hbm>>
    tpu.wait_dma2 semaphore(%dma_wait3A_1114 : memref<!tpu.dma_semaphore, #tpu.memory_space<semaphore_mem>>) src(%dma_wait3A_1119 : memref<128xi32, #tpu.memory_space<hbm>>) dst(%dma_wait3A_1117 : memref<128xi32, #tpu.memory_space<vmem>>)
    %dma_wait3A_1120 = arith.constant 1 : i32
    %dma_wait3A_1121 = arith.constant 2 : i32
    %dma_wait3A_1122 = arith.constant 2 : i32
    %dma_wait3A_1123 = arith.constant 0 : i32
    %dma_wait3A_1124 = tpu.memref_slice %arg8[%dma_wait3A_1121, %dma_wait3A_1123] : memref<25x128xi32, #tpu.memory_space<vmem>> -> memref<1x128xi32, #tpu.memory_space<vmem>>
    %dma_wait3A_1125 = tpu.memref_squeeze %dma_wait3A_1124 : memref<1x128xi32, #tpu.memory_space<vmem>> -> memref<128xi32, #tpu.memory_space<vmem>>
    %dma_wait3A_1126 = tpu.memref_slice %arg3[%dma_wait3A_1120, %multiple_of3A_1104] : memref<2x50000xi32, #tpu.memory_space<hbm>> -> memref<1x128xi32, #tpu.memory_space<hbm>>
    %dma_wait3A_1127 = tpu.memref_squeeze %dma_wait3A_1126 : memref<1x128xi32, #tpu.memory_space<hbm>> -> memref<128xi32, #tpu.memory_space<hbm>>
    %dma_wait3A_1128 = tpu.memref_slice %arg11[%dma_wait3A_1122] : memref<25x!tpu.dma_semaphore, #tpu.memory_space<semaphore_mem>> -> memref<1x!tpu.dma_semaphore, #tpu.memory_space<semaphore_mem>>
    %dma_wait3A_1129 = tpu.memref_squeeze %dma_wait3A_1128 : memref<1x!tpu.dma_semaphore, #tpu.memory_space<semaphore_mem>> -> memref<!tpu.dma_semaphore, #tpu.memory_space<semaphore_mem>>
    %dma_wait3A_1130 = arith.constant 0 : i32
    %dma_wait3A_1131 = tpu.memref_slice %arg8[%dma_wait3A_1121, %dma_wait3A_1130] : memref<25x128xi32, #tpu.memory_space<vmem>> -> memref<1x128xi32, #tpu.memory_space<vmem>>
    %dma_wait3A_1132 = tpu.memref_squeeze %dma_wait3A_1131 : memref<1x128xi32, #tpu.memory_space<vmem>> -> memref<128xi32, #tpu.memory_space<vmem>>
    %dma_wait3A_1133 = tpu.memref_slice %arg3[%dma_wait3A_1120, %multiple_of3A_1104] : memref<2x50000xi32, #tpu.memory_space<hbm>> -> memref<1x128xi32, #tpu.memory_space<hbm>>
    %dma_wait3A_1134 = tpu.memref_squeeze %dma_wait3A_1133 : memref<1x128xi32, #tpu.memory_space<hbm>> -> memref<128xi32, #tpu.memory_space<hbm>>
    tpu.wait_dma2 semaphore(%dma_wait3A_1129 : memref<!tpu.dma_semaphore, #tpu.memory_space<semaphore_mem>>) src(%dma_wait3A_1134 : memref<128xi32, #tpu.memory_space<hbm>>) dst(%dma_wait3A_1132 : memref<128xi32, #tpu.memory_space<vmem>>)
    %dma_start3A_1135 = arith.constant 2 : i32
    %dma_start3A_1136 = arith.constant 2 : i32
    %dma_start3A_1137 = arith.constant 256 : i32
    %dma_start3A_1138 = arith.constant 0 : i32
    %dma_start3A_1139 = tpu.memref_slice %arg9[%dma_start3A_1137, %dma_start3A_1138] : memref<3200x16xf32, #tpu.memory_space<vmem>> -> memref<128x16xf32, #tpu.memory_space<vmem>>
    %dma_start3A_1140 = arith.constant 0 : i32
    %dma_start3A_1141 = tpu.memref_slice %arg7[%dma_start3A_1135, %dma_start3A_1140] : memref<25x128xi32, #tpu.memory_space<vmem>> -> memref<1x128xi32, #tpu.memory_space<vmem>>
    %dma_start3A_1142 = tpu.memref_squeeze %dma_start3A_1141 : memref<1x128xi32, #tpu.memory_space<vmem>> -> memref<128xi32, #tpu.memory_space<vmem>>
    %dma_start3A_1143 = arith.constant 0 : i32
    %dma_start3A_1144 = arith.constant 0 : i32
    %dma_start3A_1145 = tpu.memref_slice %arg6[%dma_start3A_1143, %dma_start3A_1144] : memref<10112x16xf32, #tpu.memory_space<vmem_shared>> -> memref<10112x16xf32, #tpu.memory_space<vmem_shared>>
    %dma_start3A_1146 = tpu.memref_slice %arg11[%dma_start3A_1136] : memref<25x!tpu.dma_semaphore, #tpu.memory_space<semaphore_mem>> -> memref<1x!tpu.dma_semaphore, #tpu.memory_space<semaphore_mem>>
    %dma_start3A_1147 = tpu.memref_squeeze %dma_start3A_1146 : memref<1x!tpu.dma_semaphore, #tpu.memory_space<semaphore_mem>> -> memref<!tpu.dma_semaphore, #tpu.memory_space<semaphore_mem>>
    tpu.enqueue_indirect_dma source(%dma_start3A_1145 : memref<10112x16xf32, #tpu.memory_space<vmem_shared>>) target(%dma_start3A_1139 : memref<128x16xf32, #tpu.memory_space<vmem>>) offsets(%dma_start3A_1142 : memref<128xi32, #tpu.memory_space<vmem>>) semaphore(%dma_start3A_1147 : memref<!tpu.dma_semaphore, #tpu.memory_space<semaphore_mem>>)
    %add3A_1148 = arith.constant 48 : i32
    %add3A_1149 = arith.addi %add3A_1148, %arg1 : i32
    %ge3A_1150 = arith.constant 390 : i32
    %ge3A_1151 = arith.cmpi sge, %add3A_1149, %ge3A_1150 : i32
    %mul3A_1152 = arith.constant 128 : i32
    %mul3A_1153 = arith.muli %add3A_1149, %mul3A_1152 : i32
    %jit3A_1154 = arith.constant 49872 : i32
    %select_n3A_1155 = arith.select %ge3A_1151, %jit3A_1154, %mul3A_1153 : i32
    %multiple_of3A_1156 = tpu.assume_multiple %select_n3A_1155, 8 : i32
    %dma_wait3A_1157 = arith.constant 0 : i32
    %dma_wait3A_1158 = arith.constant 3 : i32
    %dma_wait3A_1159 = arith.constant 3 : i32
    %dma_wait3A_1160 = arith.constant 0 : i32
    %dma_wait3A_1161 = tpu.memref_slice %arg7[%dma_wait3A_1158, %dma_wait3A_1160] : memref<25x128xi32, #tpu.memory_space<vmem>> -> memref<1x128xi32, #tpu.memory_space<vmem>>
    %dma_wait3A_1162 = tpu.memref_squeeze %dma_wait3A_1161 : memref<1x128xi32, #tpu.memory_space<vmem>> -> memref<128xi32, #tpu.memory_space<vmem>>
    %dma_wait3A_1163 = tpu.memref_slice %arg3[%dma_wait3A_1157, %multiple_of3A_1156] : memref<2x50000xi32, #tpu.memory_space<hbm>> -> memref<1x128xi32, #tpu.memory_space<hbm>>
    %dma_wait3A_1164 = tpu.memref_squeeze %dma_wait3A_1163 : memref<1x128xi32, #tpu.memory_space<hbm>> -> memref<128xi32, #tpu.memory_space<hbm>>
    %dma_wait3A_1165 = tpu.memref_slice %arg11[%dma_wait3A_1159] : memref<25x!tpu.dma_semaphore, #tpu.memory_space<semaphore_mem>> -> memref<1x!tpu.dma_semaphore, #tpu.memory_space<semaphore_mem>>
    %dma_wait3A_1166 = tpu.memref_squeeze %dma_wait3A_1165 : memref<1x!tpu.dma_semaphore, #tpu.memory_space<semaphore_mem>> -> memref<!tpu.dma_semaphore, #tpu.memory_space<semaphore_mem>>
    %dma_wait3A_1167 = arith.constant 0 : i32
    %dma_wait3A_1168 = tpu.memref_slice %arg7[%dma_wait3A_1158, %dma_wait3A_1167] : memref<25x128xi32, #tpu.memory_space<vmem>> -> memref<1x128xi32, #tpu.memory_space<vmem>>
    %dma_wait3A_1169 = tpu.memref_squeeze %dma_wait3A_1168 : memref<1x128xi32, #tpu.memory_space<vmem>> -> memref<128xi32, #tpu.memory_space<vmem>>
    %dma_wait3A_1170 = tpu.memref_slice %arg3[%dma_wait3A_1157, %multiple_of3A_1156] : memref<2x50000xi32, #tpu.memory_space<hbm>> -> memref<1x128xi32, #tpu.memory_space<hbm>>
    %dma_wait3A_1171 = tpu.memref_squeeze %dma_wait3A_1170 : memref<1x128xi32, #tpu.memory_space<hbm>> -> memref<128xi32, #tpu.memory_space<hbm>>
    tpu.wait_dma2 semaphore(%dma_wait3A_1166 : memref<!tpu.dma_semaphore, #tpu.memory_space<semaphore_mem>>) src(%dma_wait3A_1171 : memref<128xi32, #tpu.memory_space<hbm>>) dst(%dma_wait3A_1169 : memref<128xi32, #tpu.memory_space<vmem>>)
    %dma_wait3A_1172 = arith.constant 1 : i32
    %dma_wait3A_1173 = arith.constant 3 : i32
    %dma_wait3A_1174 = arith.constant 3 : i32
    %dma_wait3A_1175 = arith.constant 0 : i32
    %dma_wait3A_1176 = tpu.memref_slice %arg8[%dma_wait3A_1173, %dma_wait3A_1175] : memref<25x128xi32, #tpu.memory_space<vmem>> -> memref<1x128xi32, #tpu.memory_space<vmem>>
    %dma_wait3A_1177 = tpu.memref_squeeze %dma_wait3A_1176 : memref<1x128xi32, #tpu.memory_space<vmem>> -> memref<128xi32, #tpu.memory_space<vmem>>
    %dma_wait3A_1178 = tpu.memref_slice %arg3[%dma_wait3A_1172, %multiple_of3A_1156] : memref<2x50000xi32, #tpu.memory_space<hbm>> -> memref<1x128xi32, #tpu.memory_space<hbm>>
    %dma_wait3A_1179 = tpu.memref_squeeze %dma_wait3A_1178 : memref<1x128xi32, #tpu.memory_space<hbm>> -> memref<128xi32, #tpu.memory_space<hbm>>
    %dma_wait3A_1180 = tpu.memref_slice %arg11[%dma_wait3A_1174] : memref<25x!tpu.dma_semaphore, #tpu.memory_space<semaphore_mem>> -> memref<1x!tpu.dma_semaphore, #tpu.memory_space<semaphore_mem>>
    %dma_wait3A_1181 = tpu.memref_squeeze %dma_wait3A_1180 : memref<1x!tpu.dma_semaphore, #tpu.memory_space<semaphore_mem>> -> memref<!tpu.dma_semaphore, #tpu.memory_space<semaphore_mem>>
    %dma_wait3A_1182 = arith.constant 0 : i32
    %dma_wait3A_1183 = tpu.memref_slice %arg8[%dma_wait3A_1173, %dma_wait3A_1182] : memref<25x128xi32, #tpu.memory_space<vmem>> -> memref<1x128xi32, #tpu.memory_space<vmem>>
    %dma_wait3A_1184 = tpu.memref_squeeze %dma_wait3A_1183 : memref<1x128xi32, #tpu.memory_space<vmem>> -> memref<128xi32, #tpu.memory_space<vmem>>
    %dma_wait3A_1185 = tpu.memref_slice %arg3[%dma_wait3A_1172, %multiple_of3A_1156] : memref<2x50000xi32, #tpu.memory_space<hbm>> -> memref<1x128xi32, #tpu.memory_space<hbm>>
    %dma_wait3A_1186 = tpu.memref_squeeze %dma_wait3A_1185 : memref<1x128xi32, #tpu.memory_space<hbm>> -> memref<128xi32, #tpu.memory_space<hbm>>
    tpu.wait_dma2 semaphore(%dma_wait3A_1181 : memref<!tpu.dma_semaphore, #tpu.memory_space<semaphore_mem>>) src(%dma_wait3A_1186 : memref<128xi32, #tpu.memory_space<hbm>>) dst(%dma_wait3A_1184 : memref<128xi32, #tpu.memory_space<vmem>>)
    %dma_start3A_1187 = arith.constant 3 : i32
    %dma_start3A_1188 = arith.constant 3 : i32
    %dma_start3A_1189 = arith.constant 384 : i32
    %dma_start3A_1190 = arith.constant 0 : i32
    %dma_start3A_1191 = tpu.memref_slice %arg9[%dma_start3A_1189, %dma_start3A_1190] : memref<3200x16xf32, #tpu.memory_space<vmem>> -> memref<128x16xf32, #tpu.memory_space<vmem>>
    %dma_start3A_1192 = arith.constant 0 : i32
    %dma_start3A_1193 = tpu.memref_slice %arg7[%dma_start3A_1187, %dma_start3A_1192] : memref<25x128xi32, #tpu.memory_space<vmem>> -> memref<1x128xi32, #tpu.memory_space<vmem>>
    %dma_start3A_1194 = tpu.memref_squeeze %dma_start3A_1193 : memref<1x128xi32, #tpu.memory_space<vmem>> -> memref<128xi32, #tpu.memory_space<vmem>>
    %dma_start3A_1195 = arith.constant 0 : i32
    %dma_start3A_1196 = arith.constant 0 : i32
    %dma_start3A_1197 = tpu.memref_slice %arg6[%dma_start3A_1195, %dma_start3A_1196] : memref<10112x16xf32, #tpu.memory_space<vmem_shared>> -> memref<10112x16xf32, #tpu.memory_space<vmem_shared>>
    %dma_start3A_1198 = tpu.memref_slice %arg11[%dma_start3A_1188] : memref<25x!tpu.dma_semaphore, #tpu.memory_space<semaphore_mem>> -> memref<1x!tpu.dma_semaphore, #tpu.memory_space<semaphore_mem>>
    %dma_start3A_1199 = tpu.memref_squeeze %dma_start3A_1198 : memref<1x!tpu.dma_semaphore, #tpu.memory_space<semaphore_mem>> -> memref<!tpu.dma_semaphore, #tpu.memory_space<semaphore_mem>>
    tpu.enqueue_indirect_dma source(%dma_start3A_1197 : memref<10112x16xf32, #tpu.memory_space<vmem_shared>>) target(%dma_start3A_1191 : memref<128x16xf32, #tpu.memory_space<vmem>>) offsets(%dma_start3A_1194 : memref<128xi32, #tpu.memory_space<vmem>>) semaphore(%dma_start3A_1199 : memref<!tpu.dma_semaphore, #tpu.memory_space<semaphore_mem>>)
    %add3A_1200 = arith.constant 64 : i32
    %add3A_1201 = arith.addi %add3A_1200, %arg1 : i32
    %ge3A_1202 = arith.constant 390 : i32
    %ge3A_1203 = arith.cmpi sge, %add3A_1201, %ge3A_1202 : i32
    %mul3A_1204 = arith.constant 128 : i32
    %mul3A_1205 = arith.muli %add3A_1201, %mul3A_1204 : i32
    %jit3A_1206 = arith.constant 49872 : i32
    %select_n3A_1207 = arith.select %ge3A_1203, %jit3A_1206, %mul3A_1205 : i32
    %multiple_of3A_1208 = tpu.assume_multiple %select_n3A_1207, 8 : i32
    %dma_wait3A_1209 = arith.constant 0 : i32
    %dma_wait3A_1210 = arith.constant 4 : i32
    %dma_wait3A_1211 = arith.constant 4 : i32
    %dma_wait3A_1212 = arith.constant 0 : i32
    %dma_wait3A_1213 = tpu.memref_slice %arg7[%dma_wait3A_1210, %dma_wait3A_1212] : memref<25x128xi32, #tpu.memory_space<vmem>> -> memref<1x128xi32, #tpu.memory_space<vmem>>
    %dma_wait3A_1214 = tpu.memref_squeeze %dma_wait3A_1213 : memref<1x128xi32, #tpu.memory_space<vmem>> -> memref<128xi32, #tpu.memory_space<vmem>>
    %dma_wait3A_1215 = tpu.memref_slice %arg3[%dma_wait3A_1209, %multiple_of3A_1208] : memref<2x50000xi32, #tpu.memory_space<hbm>> -> memref<1x128xi32, #tpu.memory_space<hbm>>
    %dma_wait3A_1216 = tpu.memref_squeeze %dma_wait3A_1215 : memref<1x128xi32, #tpu.memory_space<hbm>> -> memref<128xi32, #tpu.memory_space<hbm>>
    %dma_wait3A_1217 = tpu.memref_slice %arg11[%dma_wait3A_1211] : memref<25x!tpu.dma_semaphore, #tpu.memory_space<semaphore_mem>> -> memref<1x!tpu.dma_semaphore, #tpu.memory_space<semaphore_mem>>
    %dma_wait3A_1218 = tpu.memref_squeeze %dma_wait3A_1217 : memref<1x!tpu.dma_semaphore, #tpu.memory_space<semaphore_mem>> -> memref<!tpu.dma_semaphore, #tpu.memory_space<semaphore_mem>>
    %dma_wait3A_1219 = arith.constant 0 : i32
    %dma_wait3A_1220 = tpu.memref_slice %arg7[%dma_wait3A_1210, %dma_wait3A_1219] : memref<25x128xi32, #tpu.memory_space<vmem>> -> memref<1x128xi32, #tpu.memory_space<vmem>>
    %dma_wait3A_1221 = tpu.memref_squeeze %dma_wait3A_1220 : memref<1x128xi32, #tpu.memory_space<vmem>> -> memref<128xi32, #tpu.memory_space<vmem>>
    %dma_wait3A_1222 = tpu.memref_slice %arg3[%dma_wait3A_1209, %multiple_of3A_1208] : memref<2x50000xi32, #tpu.memory_space<hbm>> -> memref<1x128xi32, #tpu.memory_space<hbm>>
    %dma_wait3A_1223 = tpu.memref_squeeze %dma_wait3A_1222 : memref<1x128xi32, #tpu.memory_space<hbm>> -> memref<128xi32, #tpu.memory_space<hbm>>
    tpu.wait_dma2 semaphore(%dma_wait3A_1218 : memref<!tpu.dma_semaphore, #tpu.memory_space<semaphore_mem>>) src(%dma_wait3A_1223 : memref<128xi32, #tpu.memory_space<hbm>>) dst(%dma_wait3A_1221 : memref<128xi32, #tpu.memory_space<vmem>>)
    %dma_wait3A_1224 = arith.constant 1 : i32
    %dma_wait3A_1225 = arith.constant 4 : i32
    %dma_wait3A_1226 = arith.constant 4 : i32
    %dma_wait3A_1227 = arith.constant 0 : i32
    %dma_wait3A_1228 = tpu.memref_slice %arg8[%dma_wait3A_1225, %dma_wait3A_1227] : memref<25x128xi32, #tpu.memory_space<vmem>> -> memref<1x128xi32, #tpu.memory_space<vmem>>
    %dma_wait3A_1229 = tpu.memref_squeeze %dma_wait3A_1228 : memref<1x128xi32, #tpu.memory_space<vmem>> -> memref<128xi32, #tpu.memory_space<vmem>>
    %dma_wait3A_1230 = tpu.memref_slice %arg3[%dma_wait3A_1224, %multiple_of3A_1208] : memref<2x50000xi32, #tpu.memory_space<hbm>> -> memref<1x128xi32, #tpu.memory_space<hbm>>
    %dma_wait3A_1231 = tpu.memref_squeeze %dma_wait3A_1230 : memref<1x128xi32, #tpu.memory_space<hbm>> -> memref<128xi32, #tpu.memory_space<hbm>>
    %dma_wait3A_1232 = tpu.memref_slice %arg11[%dma_wait3A_1226] : memref<25x!tpu.dma_semaphore, #tpu.memory_space<semaphore_mem>> -> memref<1x!tpu.dma_semaphore, #tpu.memory_space<semaphore_mem>>
    %dma_wait3A_1233 = tpu.memref_squeeze %dma_wait3A_1232 : memref<1x!tpu.dma_semaphore, #tpu.memory_space<semaphore_mem>> -> memref<!tpu.dma_semaphore, #tpu.memory_space<semaphore_mem>>
    %dma_wait3A_1234 = arith.constant 0 : i32
    %dma_wait3A_1235 = tpu.memref_slice %arg8[%dma_wait3A_1225, %dma_wait3A_1234] : memref<25x128xi32, #tpu.memory_space<vmem>> -> memref<1x128xi32, #tpu.memory_space<vmem>>
    %dma_wait3A_1236 = tpu.memref_squeeze %dma_wait3A_1235 : memref<1x128xi32, #tpu.memory_space<vmem>> -> memref<128xi32, #tpu.memory_space<vmem>>
    %dma_wait3A_1237 = tpu.memref_slice %arg3[%dma_wait3A_1224, %multiple_of3A_1208] : memref<2x50000xi32, #tpu.memory_space<hbm>> -> memref<1x128xi32, #tpu.memory_space<hbm>>
    %dma_wait3A_1238 = tpu.memref_squeeze %dma_wait3A_1237 : memref<1x128xi32, #tpu.memory_space<hbm>> -> memref<128xi32, #tpu.memory_space<hbm>>
    tpu.wait_dma2 semaphore(%dma_wait3A_1233 : memref<!tpu.dma_semaphore, #tpu.memory_space<semaphore_mem>>) src(%dma_wait3A_1238 : memref<128xi32, #tpu.memory_space<hbm>>) dst(%dma_wait3A_1236 : memref<128xi32, #tpu.memory_space<vmem>>)
    %dma_start3A_1239 = arith.constant 4 : i32
    %dma_start3A_1240 = arith.constant 4 : i32
    %dma_start3A_1241 = arith.constant 512 : i32
    %dma_start3A_1242 = arith.constant 0 : i32
    %dma_start3A_1243 = tpu.memref_slice %arg9[%dma_start3A_1241, %dma_start3A_1242] : memref<3200x16xf32, #tpu.memory_space<vmem>> -> memref<128x16xf32, #tpu.memory_space<vmem>>
    %dma_start3A_1244 = arith.constant 0 : i32
    %dma_start3A_1245 = tpu.memref_slice %arg7[%dma_start3A_1239, %dma_start3A_1244] : memref<25x128xi32, #tpu.memory_space<vmem>> -> memref<1x128xi32, #tpu.memory_space<vmem>>
    %dma_start3A_1246 = tpu.memref_squeeze %dma_start3A_1245 : memref<1x128xi32, #tpu.memory_space<vmem>> -> memref<128xi32, #tpu.memory_space<vmem>>
    %dma_start3A_1247 = arith.constant 0 : i32
    %dma_start3A_1248 = arith.constant 0 : i32
    %dma_start3A_1249 = tpu.memref_slice %arg6[%dma_start3A_1247, %dma_start3A_1248] : memref<10112x16xf32, #tpu.memory_space<vmem_shared>> -> memref<10112x16xf32, #tpu.memory_space<vmem_shared>>
    %dma_start3A_1250 = tpu.memref_slice %arg11[%dma_start3A_1240] : memref<25x!tpu.dma_semaphore, #tpu.memory_space<semaphore_mem>> -> memref<1x!tpu.dma_semaphore, #tpu.memory_space<semaphore_mem>>
    %dma_start3A_1251 = tpu.memref_squeeze %dma_start3A_1250 : memref<1x!tpu.dma_semaphore, #tpu.memory_space<semaphore_mem>> -> memref<!tpu.dma_semaphore, #tpu.memory_space<semaphore_mem>>
    tpu.enqueue_indirect_dma source(%dma_start3A_1249 : memref<10112x16xf32, #tpu.memory_space<vmem_shared>>) target(%dma_start3A_1243 : memref<128x16xf32, #tpu.memory_space<vmem>>) offsets(%dma_start3A_1246 : memref<128xi32, #tpu.memory_space<vmem>>) semaphore(%dma_start3A_1251 : memref<!tpu.dma_semaphore, #tpu.memory_space<semaphore_mem>>)
    %add3A_1252 = arith.constant 80 : i32
    %add3A_1253 = arith.addi %add3A_1252, %arg1 : i32
    %ge3A_1254 = arith.constant 390 : i32
    %ge3A_1255 = arith.cmpi sge, %add3A_1253, %ge3A_1254 : i32
    %mul3A_1256 = arith.constant 128 : i32
    %mul3A_1257 = arith.muli %add3A_1253, %mul3A_1256 : i32
    %jit3A_1258 = arith.constant 49872 : i32
    %select_n3A_1259 = arith.select %ge3A_1255, %jit3A_1258, %mul3A_1257 : i32
    %multiple_of3A_1260 = tpu.assume_multiple %select_n3A_1259, 8 : i32
    %dma_wait3A_1261 = arith.constant 0 : i32
    %dma_wait3A_1262 = arith.constant 5 : i32
    %dma_wait3A_1263 = arith.constant 5 : i32
    %dma_wait3A_1264 = arith.constant 0 : i32
    %dma_wait3A_1265 = tpu.memref_slice %arg7[%dma_wait3A_1262, %dma_wait3A_1264] : memref<25x128xi32, #tpu.memory_space<vmem>> -> memref<1x128xi32, #tpu.memory_space<vmem>>
    %dma_wait3A_1266 = tpu.memref_squeeze %dma_wait3A_1265 : memref<1x128xi32, #tpu.memory_space<vmem>> -> memref<128xi32, #tpu.memory_space<vmem>>
    %dma_wait3A_1267 = tpu.memref_slice %arg3[%dma_wait3A_1261, %multiple_of3A_1260] : memref<2x50000xi32, #tpu.memory_space<hbm>> -> memref<1x128xi32, #tpu.memory_space<hbm>>
    %dma_wait3A_1268 = tpu.memref_squeeze %dma_wait3A_1267 : memref<1x128xi32, #tpu.memory_space<hbm>> -> memref<128xi32, #tpu.memory_space<hbm>>
    %dma_wait3A_1269 = tpu.memref_slice %arg11[%dma_wait3A_1263] : memref<25x!tpu.dma_semaphore, #tpu.memory_space<semaphore_mem>> -> memref<1x!tpu.dma_semaphore, #tpu.memory_space<semaphore_mem>>
    %dma_wait3A_1270 = tpu.memref_squeeze %dma_wait3A_1269 : memref<1x!tpu.dma_semaphore, #tpu.memory_space<semaphore_mem>> -> memref<!tpu.dma_semaphore, #tpu.memory_space<semaphore_mem>>
    %dma_wait3A_1271 = arith.constant 0 : i32
    %dma_wait3A_1272 = tpu.memref_slice %arg7[%dma_wait3A_1262, %dma_wait3A_1271] : memref<25x128xi32, #tpu.memory_space<vmem>> -> memref<1x128xi32, #tpu.memory_space<vmem>>
    %dma_wait3A_1273 = tpu.memref_squeeze %dma_wait3A_1272 : memref<1x128xi32, #tpu.memory_space<vmem>> -> memref<128xi32, #tpu.memory_space<vmem>>
    %dma_wait3A_1274 = tpu.memref_slice %arg3[%dma_wait3A_1261, %multiple_of3A_1260] : memref<2x50000xi32, #tpu.memory_space<hbm>> -> memref<1x128xi32, #tpu.memory_space<hbm>>
    %dma_wait3A_1275 = tpu.memref_squeeze %dma_wait3A_1274 : memref<1x128xi32, #tpu.memory_space<hbm>> -> memref<128xi32, #tpu.memory_space<hbm>>
    tpu.wait_dma2 semaphore(%dma_wait3A_1270 : memref<!tpu.dma_semaphore, #tpu.memory_space<semaphore_mem>>) src(%dma_wait3A_1275 : memref<128xi32, #tpu.memory_space<hbm>>) dst(%dma_wait3A_1273 : memref<128xi32, #tpu.memory_space<vmem>>)
    %dma_wait3A_1276 = arith.constant 1 : i32
    %dma_wait3A_1277 = arith.constant 5 : i32
    %dma_wait3A_1278 = arith.constant 5 : i32
    %dma_wait3A_1279 = arith.constant 0 : i32
    %dma_wait3A_1280 = tpu.memref_slice %arg8[%dma_wait3A_1277, %dma_wait3A_1279] : memref<25x128xi32, #tpu.memory_space<vmem>> -> memref<1x128xi32, #tpu.memory_space<vmem>>
    %dma_wait3A_1281 = tpu.memref_squeeze %dma_wait3A_1280 : memref<1x128xi32, #tpu.memory_space<vmem>> -> memref<128xi32, #tpu.memory_space<vmem>>
    %dma_wait3A_1282 = tpu.memref_slice %arg3[%dma_wait3A_1276, %multiple_of3A_1260] : memref<2x50000xi32, #tpu.memory_space<hbm>> -> memref<1x128xi32, #tpu.memory_space<hbm>>
    %dma_wait3A_1283 = tpu.memref_squeeze %dma_wait3A_1282 : memref<1x128xi32, #tpu.memory_space<hbm>> -> memref<128xi32, #tpu.memory_space<hbm>>
    %dma_wait3A_1284 = tpu.memref_slice %arg11[%dma_wait3A_1278] : memref<25x!tpu.dma_semaphore, #tpu.memory_space<semaphore_mem>> -> memref<1x!tpu.dma_semaphore, #tpu.memory_space<semaphore_mem>>
    %dma_wait3A_1285 = tpu.memref_squeeze %dma_wait3A_1284 : memref<1x!tpu.dma_semaphore, #tpu.memory_space<semaphore_mem>> -> memref<!tpu.dma_semaphore, #tpu.memory_space<semaphore_mem>>
    %dma_wait3A_1286 = arith.constant 0 : i32
    %dma_wait3A_1287 = tpu.memref_slice %arg8[%dma_wait3A_1277, %dma_wait3A_1286] : memref<25x128xi32, #tpu.memory_space<vmem>> -> memref<1x128xi32, #tpu.memory_space<vmem>>
    %dma_wait3A_1288 = tpu.memref_squeeze %dma_wait3A_1287 : memref<1x128xi32, #tpu.memory_space<vmem>> -> memref<128xi32, #tpu.memory_space<vmem>>
    %dma_wait3A_1289 = tpu.memref_slice %arg3[%dma_wait3A_1276, %multiple_of3A_1260] : memref<2x50000xi32, #tpu.memory_space<hbm>> -> memref<1x128xi32, #tpu.memory_space<hbm>>
    %dma_wait3A_1290 = tpu.memref_squeeze %dma_wait3A_1289 : memref<1x128xi32, #tpu.memory_space<hbm>> -> memref<128xi32, #tpu.memory_space<hbm>>
    tpu.wait_dma2 semaphore(%dma_wait3A_1285 : memref<!tpu.dma_semaphore, #tpu.memory_space<semaphore_mem>>) src(%dma_wait3A_1290 : memref<128xi32, #tpu.memory_space<hbm>>) dst(%dma_wait3A_1288 : memref<128xi32, #tpu.memory_space<vmem>>)
    %dma_start3A_1291 = arith.constant 5 : i32
    %dma_start3A_1292 = arith.constant 5 : i32
    %dma_start3A_1293 = arith.constant 640 : i32
    %dma_start3A_1294 = arith.constant 0 : i32
    %dma_start3A_1295 = tpu.memref_slice %arg9[%dma_start3A_1293, %dma_start3A_1294] : memref<3200x16xf32, #tpu.memory_space<vmem>> -> memref<128x16xf32, #tpu.memory_space<vmem>>
    %dma_start3A_1296 = arith.constant 0 : i32
    %dma_start3A_1297 = tpu.memref_slice %arg7[%dma_start3A_1291, %dma_start3A_1296] : memref<25x128xi32, #tpu.memory_space<vmem>> -> memref<1x128xi32, #tpu.memory_space<vmem>>
    %dma_start3A_1298 = tpu.memref_squeeze %dma_start3A_1297 : memref<1x128xi32, #tpu.memory_space<vmem>> -> memref<128xi32, #tpu.memory_space<vmem>>
    %dma_start3A_1299 = arith.constant 0 : i32
    %dma_start3A_1300 = arith.constant 0 : i32
    %dma_start3A_1301 = tpu.memref_slice %arg6[%dma_start3A_1299, %dma_start3A_1300] : memref<10112x16xf32, #tpu.memory_space<vmem_shared>> -> memref<10112x16xf32, #tpu.memory_space<vmem_shared>>
    %dma_start3A_1302 = tpu.memref_slice %arg11[%dma_start3A_1292] : memref<25x!tpu.dma_semaphore, #tpu.memory_space<semaphore_mem>> -> memref<1x!tpu.dma_semaphore, #tpu.memory_space<semaphore_mem>>
    %dma_start3A_1303 = tpu.memref_squeeze %dma_start3A_1302 : memref<1x!tpu.dma_semaphore, #tpu.memory_space<semaphore_mem>> -> memref<!tpu.dma_semaphore, #tpu.memory_space<semaphore_mem>>
    tpu.enqueue_indirect_dma source(%dma_start3A_1301 : memref<10112x16xf32, #tpu.memory_space<vmem_shared>>) target(%dma_start3A_1295 : memref<128x16xf32, #tpu.memory_space<vmem>>) offsets(%dma_start3A_1298 : memref<128xi32, #tpu.memory_space<vmem>>) semaphore(%dma_start3A_1303 : memref<!tpu.dma_semaphore, #tpu.memory_space<semaphore_mem>>)
    %add3A_1304 = arith.constant 96 : i32
    %add3A_1305 = arith.addi %add3A_1304, %arg1 : i32
    %ge3A_1306 = arith.constant 390 : i32
    %ge3A_1307 = arith.cmpi sge, %add3A_1305, %ge3A_1306 : i32
    %mul3A_1308 = arith.constant 128 : i32
    %mul3A_1309 = arith.muli %add3A_1305, %mul3A_1308 : i32
    %jit3A_1310 = arith.constant 49872 : i32
    %select_n3A_1311 = arith.select %ge3A_1307, %jit3A_1310, %mul3A_1309 : i32
    %multiple_of3A_1312 = tpu.assume_multiple %select_n3A_1311, 8 : i32
    %dma_wait3A_1313 = arith.constant 0 : i32
    %dma_wait3A_1314 = arith.constant 6 : i32
    %dma_wait3A_1315 = arith.constant 6 : i32
    %dma_wait3A_1316 = arith.constant 0 : i32
    %dma_wait3A_1317 = tpu.memref_slice %arg7[%dma_wait3A_1314, %dma_wait3A_1316] : memref<25x128xi32, #tpu.memory_space<vmem>> -> memref<1x128xi32, #tpu.memory_space<vmem>>
    %dma_wait3A_1318 = tpu.memref_squeeze %dma_wait3A_1317 : memref<1x128xi32, #tpu.memory_space<vmem>> -> memref<128xi32, #tpu.memory_space<vmem>>
    %dma_wait3A_1319 = tpu.memref_slice %arg3[%dma_wait3A_1313, %multiple_of3A_1312] : memref<2x50000xi32, #tpu.memory_space<hbm>> -> memref<1x128xi32, #tpu.memory_space<hbm>>
    %dma_wait3A_1320 = tpu.memref_squeeze %dma_wait3A_1319 : memref<1x128xi32, #tpu.memory_space<hbm>> -> memref<128xi32, #tpu.memory_space<hbm>>
    %dma_wait3A_1321 = tpu.memref_slice %arg11[%dma_wait3A_1315] : memref<25x!tpu.dma_semaphore, #tpu.memory_space<semaphore_mem>> -> memref<1x!tpu.dma_semaphore, #tpu.memory_space<semaphore_mem>>
    %dma_wait3A_1322 = tpu.memref_squeeze %dma_wait3A_1321 : memref<1x!tpu.dma_semaphore, #tpu.memory_space<semaphore_mem>> -> memref<!tpu.dma_semaphore, #tpu.memory_space<semaphore_mem>>
    %dma_wait3A_1323 = arith.constant 0 : i32
    %dma_wait3A_1324 = tpu.memref_slice %arg7[%dma_wait3A_1314, %dma_wait3A_1323] : memref<25x128xi32, #tpu.memory_space<vmem>> -> memref<1x128xi32, #tpu.memory_space<vmem>>
    %dma_wait3A_1325 = tpu.memref_squeeze %dma_wait3A_1324 : memref<1x128xi32, #tpu.memory_space<vmem>> -> memref<128xi32, #tpu.memory_space<vmem>>
    %dma_wait3A_1326 = tpu.memref_slice %arg3[%dma_wait3A_1313, %multiple_of3A_1312] : memref<2x50000xi32, #tpu.memory_space<hbm>> -> memref<1x128xi32, #tpu.memory_space<hbm>>
    %dma_wait3A_1327 = tpu.memref_squeeze %dma_wait3A_1326 : memref<1x128xi32, #tpu.memory_space<hbm>> -> memref<128xi32, #tpu.memory_space<hbm>>
    tpu.wait_dma2 semaphore(%dma_wait3A_1322 : memref<!tpu.dma_semaphore, #tpu.memory_space<semaphore_mem>>) src(%dma_wait3A_1327 : memref<128xi32, #tpu.memory_space<hbm>>) dst(%dma_wait3A_1325 : memref<128xi32, #tpu.memory_space<vmem>>)
    %dma_wait3A_1328 = arith.constant 1 : i32
    %dma_wait3A_1329 = arith.constant 6 : i32
    %dma_wait3A_1330 = arith.constant 6 : i32
    %dma_wait3A_1331 = arith.constant 0 : i32
    %dma_wait3A_1332 = tpu.memref_slice %arg8[%dma_wait3A_1329, %dma_wait3A_1331] : memref<25x128xi32, #tpu.memory_space<vmem>> -> memref<1x128xi32, #tpu.memory_space<vmem>>
    %dma_wait3A_1333 = tpu.memref_squeeze %dma_wait3A_1332 : memref<1x128xi32, #tpu.memory_space<vmem>> -> memref<128xi32, #tpu.memory_space<vmem>>
    %dma_wait3A_1334 = tpu.memref_slice %arg3[%dma_wait3A_1328, %multiple_of3A_1312] : memref<2x50000xi32, #tpu.memory_space<hbm>> -> memref<1x128xi32, #tpu.memory_space<hbm>>
    %dma_wait3A_1335 = tpu.memref_squeeze %dma_wait3A_1334 : memref<1x128xi32, #tpu.memory_space<hbm>> -> memref<128xi32, #tpu.memory_space<hbm>>
    %dma_wait3A_1336 = tpu.memref_slice %arg11[%dma_wait3A_1330] : memref<25x!tpu.dma_semaphore, #tpu.memory_space<semaphore_mem>> -> memref<1x!tpu.dma_semaphore, #tpu.memory_space<semaphore_mem>>
    %dma_wait3A_1337 = tpu.memref_squeeze %dma_wait3A_1336 : memref<1x!tpu.dma_semaphore, #tpu.memory_space<semaphore_mem>> -> memref<!tpu.dma_semaphore, #tpu.memory_space<semaphore_mem>>
    %dma_wait3A_1338 = arith.constant 0 : i32
    %dma_wait3A_1339 = tpu.memref_slice %arg8[%dma_wait3A_1329, %dma_wait3A_1338] : memref<25x128xi32, #tpu.memory_space<vmem>> -> memref<1x128xi32, #tpu.memory_space<vmem>>
    %dma_wait3A_1340 = tpu.memref_squeeze %dma_wait3A_1339 : memref<1x128xi32, #tpu.memory_space<vmem>> -> memref<128xi32, #tpu.memory_space<vmem>>
    %dma_wait3A_1341 = tpu.memref_slice %arg3[%dma_wait3A_1328, %multiple_of3A_1312] : memref<2x50000xi32, #tpu.memory_space<hbm>> -> memref<1x128xi32, #tpu.memory_space<hbm>>
    %dma_wait3A_1342 = tpu.memref_squeeze %dma_wait3A_1341 : memref<1x128xi32, #tpu.memory_space<hbm>> -> memref<128xi32, #tpu.memory_space<hbm>>
    tpu.wait_dma2 semaphore(%dma_wait3A_1337 : memref<!tpu.dma_semaphore, #tpu.memory_space<semaphore_mem>>) src(%dma_wait3A_1342 : memref<128xi32, #tpu.memory_space<hbm>>) dst(%dma_wait3A_1340 : memref<128xi32, #tpu.memory_space<vmem>>)
    %dma_start3A_1343 = arith.constant 6 : i32
    %dma_start3A_1344 = arith.constant 6 : i32
    %dma_start3A_1345 = arith.constant 768 : i32
    %dma_start3A_1346 = arith.constant 0 : i32
    %dma_start3A_1347 = tpu.memref_slice %arg9[%dma_start3A_1345, %dma_start3A_1346] : memref<3200x16xf32, #tpu.memory_space<vmem>> -> memref<128x16xf32, #tpu.memory_space<vmem>>
    %dma_start3A_1348 = arith.constant 0 : i32
    %dma_start3A_1349 = tpu.memref_slice %arg7[%dma_start3A_1343, %dma_start3A_1348] : memref<25x128xi32, #tpu.memory_space<vmem>> -> memref<1x128xi32, #tpu.memory_space<vmem>>
    %dma_start3A_1350 = tpu.memref_squeeze %dma_start3A_1349 : memref<1x128xi32, #tpu.memory_space<vmem>> -> memref<128xi32, #tpu.memory_space<vmem>>
    %dma_start3A_1351 = arith.constant 0 : i32
    %dma_start3A_1352 = arith.constant 0 : i32
    %dma_start3A_1353 = tpu.memref_slice %arg6[%dma_start3A_1351, %dma_start3A_1352] : memref<10112x16xf32, #tpu.memory_space<vmem_shared>> -> memref<10112x16xf32, #tpu.memory_space<vmem_shared>>
    %dma_start3A_1354 = tpu.memref_slice %arg11[%dma_start3A_1344] : memref<25x!tpu.dma_semaphore, #tpu.memory_space<semaphore_mem>> -> memref<1x!tpu.dma_semaphore, #tpu.memory_space<semaphore_mem>>
    %dma_start3A_1355 = tpu.memref_squeeze %dma_start3A_1354 : memref<1x!tpu.dma_semaphore, #tpu.memory_space<semaphore_mem>> -> memref<!tpu.dma_semaphore, #tpu.memory_space<semaphore_mem>>
    tpu.enqueue_indirect_dma source(%dma_start3A_1353 : memref<10112x16xf32, #tpu.memory_space<vmem_shared>>) target(%dma_start3A_1347 : memref<128x16xf32, #tpu.memory_space<vmem>>) offsets(%dma_start3A_1350 : memref<128xi32, #tpu.memory_space<vmem>>) semaphore(%dma_start3A_1355 : memref<!tpu.dma_semaphore, #tpu.memory_space<semaphore_mem>>)
    %add3A_1356 = arith.constant 112 : i32
    %add3A_1357 = arith.addi %add3A_1356, %arg1 : i32
    %ge3A_1358 = arith.constant 390 : i32
    %ge3A_1359 = arith.cmpi sge, %add3A_1357, %ge3A_1358 : i32
    %mul3A_1360 = arith.constant 128 : i32
    %mul3A_1361 = arith.muli %add3A_1357, %mul3A_1360 : i32
    %jit3A_1362 = arith.constant 49872 : i32
    %select_n3A_1363 = arith.select %ge3A_1359, %jit3A_1362, %mul3A_1361 : i32
    %multiple_of3A_1364 = tpu.assume_multiple %select_n3A_1363, 8 : i32
    %dma_wait3A_1365 = arith.constant 0 : i32
    %dma_wait3A_1366 = arith.constant 7 : i32
    %dma_wait3A_1367 = arith.constant 7 : i32
    %dma_wait3A_1368 = arith.constant 0 : i32
    %dma_wait3A_1369 = tpu.memref_slice %arg7[%dma_wait3A_1366, %dma_wait3A_1368] : memref<25x128xi32, #tpu.memory_space<vmem>> -> memref<1x128xi32, #tpu.memory_space<vmem>>
    %dma_wait3A_1370 = tpu.memref_squeeze %dma_wait3A_1369 : memref<1x128xi32, #tpu.memory_space<vmem>> -> memref<128xi32, #tpu.memory_space<vmem>>
    %dma_wait3A_1371 = tpu.memref_slice %arg3[%dma_wait3A_1365, %multiple_of3A_1364] : memref<2x50000xi32, #tpu.memory_space<hbm>> -> memref<1x128xi32, #tpu.memory_space<hbm>>
    %dma_wait3A_1372 = tpu.memref_squeeze %dma_wait3A_1371 : memref<1x128xi32, #tpu.memory_space<hbm>> -> memref<128xi32, #tpu.memory_space<hbm>>
    %dma_wait3A_1373 = tpu.memref_slice %arg11[%dma_wait3A_1367] : memref<25x!tpu.dma_semaphore, #tpu.memory_space<semaphore_mem>> -> memref<1x!tpu.dma_semaphore, #tpu.memory_space<semaphore_mem>>
    %dma_wait3A_1374 = tpu.memref_squeeze %dma_wait3A_1373 : memref<1x!tpu.dma_semaphore, #tpu.memory_space<semaphore_mem>> -> memref<!tpu.dma_semaphore, #tpu.memory_space<semaphore_mem>>
    %dma_wait3A_1375 = arith.constant 0 : i32
    %dma_wait3A_1376 = tpu.memref_slice %arg7[%dma_wait3A_1366, %dma_wait3A_1375] : memref<25x128xi32, #tpu.memory_space<vmem>> -> memref<1x128xi32, #tpu.memory_space<vmem>>
    %dma_wait3A_1377 = tpu.memref_squeeze %dma_wait3A_1376 : memref<1x128xi32, #tpu.memory_space<vmem>> -> memref<128xi32, #tpu.memory_space<vmem>>
    %dma_wait3A_1378 = tpu.memref_slice %arg3[%dma_wait3A_1365, %multiple_of3A_1364] : memref<2x50000xi32, #tpu.memory_space<hbm>> -> memref<1x128xi32, #tpu.memory_space<hbm>>
    %dma_wait3A_1379 = tpu.memref_squeeze %dma_wait3A_1378 : memref<1x128xi32, #tpu.memory_space<hbm>> -> memref<128xi32, #tpu.memory_space<hbm>>
    tpu.wait_dma2 semaphore(%dma_wait3A_1374 : memref<!tpu.dma_semaphore, #tpu.memory_space<semaphore_mem>>) src(%dma_wait3A_1379 : memref<128xi32, #tpu.memory_space<hbm>>) dst(%dma_wait3A_1377 : memref<128xi32, #tpu.memory_space<vmem>>)
    %dma_wait3A_1380 = arith.constant 1 : i32
    %dma_wait3A_1381 = arith.constant 7 : i32
    %dma_wait3A_1382 = arith.constant 7 : i32
    %dma_wait3A_1383 = arith.constant 0 : i32
    %dma_wait3A_1384 = tpu.memref_slice %arg8[%dma_wait3A_1381, %dma_wait3A_1383] : memref<25x128xi32, #tpu.memory_space<vmem>> -> memref<1x128xi32, #tpu.memory_space<vmem>>
    %dma_wait3A_1385 = tpu.memref_squeeze %dma_wait3A_1384 : memref<1x128xi32, #tpu.memory_space<vmem>> -> memref<128xi32, #tpu.memory_space<vmem>>
    %dma_wait3A_1386 = tpu.memref_slice %arg3[%dma_wait3A_1380, %multiple_of3A_1364] : memref<2x50000xi32, #tpu.memory_space<hbm>> -> memref<1x128xi32, #tpu.memory_space<hbm>>
    %dma_wait3A_1387 = tpu.memref_squeeze %dma_wait3A_1386 : memref<1x128xi32, #tpu.memory_space<hbm>> -> memref<128xi32, #tpu.memory_space<hbm>>
    %dma_wait3A_1388 = tpu.memref_slice %arg11[%dma_wait3A_1382] : memref<25x!tpu.dma_semaphore, #tpu.memory_space<semaphore_mem>> -> memref<1x!tpu.dma_semaphore, #tpu.memory_space<semaphore_mem>>
    %dma_wait3A_1389 = tpu.memref_squeeze %dma_wait3A_1388 : memref<1x!tpu.dma_semaphore, #tpu.memory_space<semaphore_mem>> -> memref<!tpu.dma_semaphore, #tpu.memory_space<semaphore_mem>>
    %dma_wait3A_1390 = arith.constant 0 : i32
    %dma_wait3A_1391 = tpu.memref_slice %arg8[%dma_wait3A_1381, %dma_wait3A_1390] : memref<25x128xi32, #tpu.memory_space<vmem>> -> memref<1x128xi32, #tpu.memory_space<vmem>>
    %dma_wait3A_1392 = tpu.memref_squeeze %dma_wait3A_1391 : memref<1x128xi32, #tpu.memory_space<vmem>> -> memref<128xi32, #tpu.memory_space<vmem>>
    %dma_wait3A_1393 = tpu.memref_slice %arg3[%dma_wait3A_1380, %multiple_of3A_1364] : memref<2x50000xi32, #tpu.memory_space<hbm>> -> memref<1x128xi32, #tpu.memory_space<hbm>>
    %dma_wait3A_1394 = tpu.memref_squeeze %dma_wait3A_1393 : memref<1x128xi32, #tpu.memory_space<hbm>> -> memref<128xi32, #tpu.memory_space<hbm>>
    tpu.wait_dma2 semaphore(%dma_wait3A_1389 : memref<!tpu.dma_semaphore, #tpu.memory_space<semaphore_mem>>) src(%dma_wait3A_1394 : memref<128xi32, #tpu.memory_space<hbm>>) dst(%dma_wait3A_1392 : memref<128xi32, #tpu.memory_space<vmem>>)
    %dma_start3A_1395 = arith.constant 7 : i32
    %dma_start3A_1396 = arith.constant 7 : i32
    %dma_start3A_1397 = arith.constant 896 : i32
    %dma_start3A_1398 = arith.constant 0 : i32
    %dma_start3A_1399 = tpu.memref_slice %arg9[%dma_start3A_1397, %dma_start3A_1398] : memref<3200x16xf32, #tpu.memory_space<vmem>> -> memref<128x16xf32, #tpu.memory_space<vmem>>
    %dma_start3A_1400 = arith.constant 0 : i32
    %dma_start3A_1401 = tpu.memref_slice %arg7[%dma_start3A_1395, %dma_start3A_1400] : memref<25x128xi32, #tpu.memory_space<vmem>> -> memref<1x128xi32, #tpu.memory_space<vmem>>
    %dma_start3A_1402 = tpu.memref_squeeze %dma_start3A_1401 : memref<1x128xi32, #tpu.memory_space<vmem>> -> memref<128xi32, #tpu.memory_space<vmem>>
    %dma_start3A_1403 = arith.constant 0 : i32
    %dma_start3A_1404 = arith.constant 0 : i32
    %dma_start3A_1405 = tpu.memref_slice %arg6[%dma_start3A_1403, %dma_start3A_1404] : memref<10112x16xf32, #tpu.memory_space<vmem_shared>> -> memref<10112x16xf32, #tpu.memory_space<vmem_shared>>
    %dma_start3A_1406 = tpu.memref_slice %arg11[%dma_start3A_1396] : memref<25x!tpu.dma_semaphore, #tpu.memory_space<semaphore_mem>> -> memref<1x!tpu.dma_semaphore, #tpu.memory_space<semaphore_mem>>
    %dma_start3A_1407 = tpu.memref_squeeze %dma_start3A_1406 : memref<1x!tpu.dma_semaphore, #tpu.memory_space<semaphore_mem>> -> memref<!tpu.dma_semaphore, #tpu.memory_space<semaphore_mem>>
    tpu.enqueue_indirect_dma source(%dma_start3A_1405 : memref<10112x16xf32, #tpu.memory_space<vmem_shared>>) target(%dma_start3A_1399 : memref<128x16xf32, #tpu.memory_space<vmem>>) offsets(%dma_start3A_1402 : memref<128xi32, #tpu.memory_space<vmem>>) semaphore(%dma_start3A_1407 : memref<!tpu.dma_semaphore, #tpu.memory_space<semaphore_mem>>)
    %add3A_1408 = arith.constant 128 : i32
    %add3A_1409 = arith.addi %add3A_1408, %arg1 : i32
    %ge3A_1410 = arith.constant 390 : i32
    %ge3A_1411 = arith.cmpi sge, %add3A_1409, %ge3A_1410 : i32
    %mul3A_1412 = arith.constant 128 : i32
    %mul3A_1413 = arith.muli %add3A_1409, %mul3A_1412 : i32
    %jit3A_1414 = arith.constant 49872 : i32
    %select_n3A_1415 = arith.select %ge3A_1411, %jit3A_1414, %mul3A_1413 : i32
    %multiple_of3A_1416 = tpu.assume_multiple %select_n3A_1415, 8 : i32
    %dma_wait3A_1417 = arith.constant 0 : i32
    %dma_wait3A_1418 = arith.constant 8 : i32
    %dma_wait3A_1419 = arith.constant 8 : i32
    %dma_wait3A_1420 = arith.constant 0 : i32
    %dma_wait3A_1421 = tpu.memref_slice %arg7[%dma_wait3A_1418, %dma_wait3A_1420] : memref<25x128xi32, #tpu.memory_space<vmem>> -> memref<1x128xi32, #tpu.memory_space<vmem>>
    %dma_wait3A_1422 = tpu.memref_squeeze %dma_wait3A_1421 : memref<1x128xi32, #tpu.memory_space<vmem>> -> memref<128xi32, #tpu.memory_space<vmem>>
    %dma_wait3A_1423 = tpu.memref_slice %arg3[%dma_wait3A_1417, %multiple_of3A_1416] : memref<2x50000xi32, #tpu.memory_space<hbm>> -> memref<1x128xi32, #tpu.memory_space<hbm>>
    %dma_wait3A_1424 = tpu.memref_squeeze %dma_wait3A_1423 : memref<1x128xi32, #tpu.memory_space<hbm>> -> memref<128xi32, #tpu.memory_space<hbm>>
    %dma_wait3A_1425 = tpu.memref_slice %arg11[%dma_wait3A_1419] : memref<25x!tpu.dma_semaphore, #tpu.memory_space<semaphore_mem>> -> memref<1x!tpu.dma_semaphore, #tpu.memory_space<semaphore_mem>>
    %dma_wait3A_1426 = tpu.memref_squeeze %dma_wait3A_1425 : memref<1x!tpu.dma_semaphore, #tpu.memory_space<semaphore_mem>> -> memref<!tpu.dma_semaphore, #tpu.memory_space<semaphore_mem>>
    %dma_wait3A_1427 = arith.constant 0 : i32
    %dma_wait3A_1428 = tpu.memref_slice %arg7[%dma_wait3A_1418, %dma_wait3A_1427] : memref<25x128xi32, #tpu.memory_space<vmem>> -> memref<1x128xi32, #tpu.memory_space<vmem>>
    %dma_wait3A_1429 = tpu.memref_squeeze %dma_wait3A_1428 : memref<1x128xi32, #tpu.memory_space<vmem>> -> memref<128xi32, #tpu.memory_space<vmem>>
    %dma_wait3A_1430 = tpu.memref_slice %arg3[%dma_wait3A_1417, %multiple_of3A_1416] : memref<2x50000xi32, #tpu.memory_space<hbm>> -> memref<1x128xi32, #tpu.memory_space<hbm>>
    %dma_wait3A_1431 = tpu.memref_squeeze %dma_wait3A_1430 : memref<1x128xi32, #tpu.memory_space<hbm>> -> memref<128xi32, #tpu.memory_space<hbm>>
    tpu.wait_dma2 semaphore(%dma_wait3A_1426 : memref<!tpu.dma_semaphore, #tpu.memory_space<semaphore_mem>>) src(%dma_wait3A_1431 : memref<128xi32, #tpu.memory_space<hbm>>) dst(%dma_wait3A_1429 : memref<128xi32, #tpu.memory_space<vmem>>)
    %dma_wait3A_1432 = arith.constant 1 : i32
    %dma_wait3A_1433 = arith.constant 8 : i32
    %dma_wait3A_1434 = arith.constant 8 : i32
    %dma_wait3A_1435 = arith.constant 0 : i32
    %dma_wait3A_1436 = tpu.memref_slice %arg8[%dma_wait3A_1433, %dma_wait3A_1435] : memref<25x128xi32, #tpu.memory_space<vmem>> -> memref<1x128xi32, #tpu.memory_space<vmem>>
    %dma_wait3A_1437 = tpu.memref_squeeze %dma_wait3A_1436 : memref<1x128xi32, #tpu.memory_space<vmem>> -> memref<128xi32, #tpu.memory_space<vmem>>
    %dma_wait3A_1438 = tpu.memref_slice %arg3[%dma_wait3A_1432, %multiple_of3A_1416] : memref<2x50000xi32, #tpu.memory_space<hbm>> -> memref<1x128xi32, #tpu.memory_space<hbm>>
    %dma_wait3A_1439 = tpu.memref_squeeze %dma_wait3A_1438 : memref<1x128xi32, #tpu.memory_space<hbm>> -> memref<128xi32, #tpu.memory_space<hbm>>
    %dma_wait3A_1440 = tpu.memref_slice %arg11[%dma_wait3A_1434] : memref<25x!tpu.dma_semaphore, #tpu.memory_space<semaphore_mem>> -> memref<1x!tpu.dma_semaphore, #tpu.memory_space<semaphore_mem>>
    %dma_wait3A_1441 = tpu.memref_squeeze %dma_wait3A_1440 : memref<1x!tpu.dma_semaphore, #tpu.memory_space<semaphore_mem>> -> memref<!tpu.dma_semaphore, #tpu.memory_space<semaphore_mem>>
    %dma_wait3A_1442 = arith.constant 0 : i32
    %dma_wait3A_1443 = tpu.memref_slice %arg8[%dma_wait3A_1433, %dma_wait3A_1442] : memref<25x128xi32, #tpu.memory_space<vmem>> -> memref<1x128xi32, #tpu.memory_space<vmem>>
    %dma_wait3A_1444 = tpu.memref_squeeze %dma_wait3A_1443 : memref<1x128xi32, #tpu.memory_space<vmem>> -> memref<128xi32, #tpu.memory_space<vmem>>
    %dma_wait3A_1445 = tpu.memref_slice %arg3[%dma_wait3A_1432, %multiple_of3A_1416] : memref<2x50000xi32, #tpu.memory_space<hbm>> -> memref<1x128xi32, #tpu.memory_space<hbm>>
    %dma_wait3A_1446 = tpu.memref_squeeze %dma_wait3A_1445 : memref<1x128xi32, #tpu.memory_space<hbm>> -> memref<128xi32, #tpu.memory_space<hbm>>
    tpu.wait_dma2 semaphore(%dma_wait3A_1441 : memref<!tpu.dma_semaphore, #tpu.memory_space<semaphore_mem>>) src(%dma_wait3A_1446 : memref<128xi32, #tpu.memory_space<hbm>>) dst(%dma_wait3A_1444 : memref<128xi32, #tpu.memory_space<vmem>>)
    %dma_start3A_1447 = arith.constant 8 : i32
    %dma_start3A_1448 = arith.constant 8 : i32
    %dma_start3A_1449 = arith.constant 1024 : i32
    %dma_start3A_1450 = arith.constant 0 : i32
    %dma_start3A_1451 = tpu.memref_slice %arg9[%dma_start3A_1449, %dma_start3A_1450] : memref<3200x16xf32, #tpu.memory_space<vmem>> -> memref<128x16xf32, #tpu.memory_space<vmem>>
    %dma_start3A_1452 = arith.constant 0 : i32
    %dma_start3A_1453 = tpu.memref_slice %arg7[%dma_start3A_1447, %dma_start3A_1452] : memref<25x128xi32, #tpu.memory_space<vmem>> -> memref<1x128xi32, #tpu.memory_space<vmem>>
    %dma_start3A_1454 = tpu.memref_squeeze %dma_start3A_1453 : memref<1x128xi32, #tpu.memory_space<vmem>> -> memref<128xi32, #tpu.memory_space<vmem>>
    %dma_start3A_1455 = arith.constant 0 : i32
    %dma_start3A_1456 = arith.constant 0 : i32
    %dma_start3A_1457 = tpu.memref_slice %arg6[%dma_start3A_1455, %dma_start3A_1456] : memref<10112x16xf32, #tpu.memory_space<vmem_shared>> -> memref<10112x16xf32, #tpu.memory_space<vmem_shared>>
    %dma_start3A_1458 = tpu.memref_slice %arg11[%dma_start3A_1448] : memref<25x!tpu.dma_semaphore, #tpu.memory_space<semaphore_mem>> -> memref<1x!tpu.dma_semaphore, #tpu.memory_space<semaphore_mem>>
    %dma_start3A_1459 = tpu.memref_squeeze %dma_start3A_1458 : memref<1x!tpu.dma_semaphore, #tpu.memory_space<semaphore_mem>> -> memref<!tpu.dma_semaphore, #tpu.memory_space<semaphore_mem>>
    tpu.enqueue_indirect_dma source(%dma_start3A_1457 : memref<10112x16xf32, #tpu.memory_space<vmem_shared>>) target(%dma_start3A_1451 : memref<128x16xf32, #tpu.memory_space<vmem>>) offsets(%dma_start3A_1454 : memref<128xi32, #tpu.memory_space<vmem>>) semaphore(%dma_start3A_1459 : memref<!tpu.dma_semaphore, #tpu.memory_space<semaphore_mem>>)
    %add3A_1460 = arith.constant 144 : i32
    %add3A_1461 = arith.addi %add3A_1460, %arg1 : i32
    %ge3A_1462 = arith.constant 390 : i32
    %ge3A_1463 = arith.cmpi sge, %add3A_1461, %ge3A_1462 : i32
    %mul3A_1464 = arith.constant 128 : i32
    %mul3A_1465 = arith.muli %add3A_1461, %mul3A_1464 : i32
    %jit3A_1466 = arith.constant 49872 : i32
    %select_n3A_1467 = arith.select %ge3A_1463, %jit3A_1466, %mul3A_1465 : i32
    %multiple_of3A_1468 = tpu.assume_multiple %select_n3A_1467, 8 : i32
    %dma_wait3A_1469 = arith.constant 0 : i32
    %dma_wait3A_1470 = arith.constant 9 : i32
    %dma_wait3A_1471 = arith.constant 9 : i32
    %dma_wait3A_1472 = arith.constant 0 : i32
    %dma_wait3A_1473 = tpu.memref_slice %arg7[%dma_wait3A_1470, %dma_wait3A_1472] : memref<25x128xi32, #tpu.memory_space<vmem>> -> memref<1x128xi32, #tpu.memory_space<vmem>>
    %dma_wait3A_1474 = tpu.memref_squeeze %dma_wait3A_1473 : memref<1x128xi32, #tpu.memory_space<vmem>> -> memref<128xi32, #tpu.memory_space<vmem>>
    %dma_wait3A_1475 = tpu.memref_slice %arg3[%dma_wait3A_1469, %multiple_of3A_1468] : memref<2x50000xi32, #tpu.memory_space<hbm>> -> memref<1x128xi32, #tpu.memory_space<hbm>>
    %dma_wait3A_1476 = tpu.memref_squeeze %dma_wait3A_1475 : memref<1x128xi32, #tpu.memory_space<hbm>> -> memref<128xi32, #tpu.memory_space<hbm>>
    %dma_wait3A_1477 = tpu.memref_slice %arg11[%dma_wait3A_1471] : memref<25x!tpu.dma_semaphore, #tpu.memory_space<semaphore_mem>> -> memref<1x!tpu.dma_semaphore, #tpu.memory_space<semaphore_mem>>
    %dma_wait3A_1478 = tpu.memref_squeeze %dma_wait3A_1477 : memref<1x!tpu.dma_semaphore, #tpu.memory_space<semaphore_mem>> -> memref<!tpu.dma_semaphore, #tpu.memory_space<semaphore_mem>>
    %dma_wait3A_1479 = arith.constant 0 : i32
    %dma_wait3A_1480 = tpu.memref_slice %arg7[%dma_wait3A_1470, %dma_wait3A_1479] : memref<25x128xi32, #tpu.memory_space<vmem>> -> memref<1x128xi32, #tpu.memory_space<vmem>>
    %dma_wait3A_1481 = tpu.memref_squeeze %dma_wait3A_1480 : memref<1x128xi32, #tpu.memory_space<vmem>> -> memref<128xi32, #tpu.memory_space<vmem>>
    %dma_wait3A_1482 = tpu.memref_slice %arg3[%dma_wait3A_1469, %multiple_of3A_1468] : memref<2x50000xi32, #tpu.memory_space<hbm>> -> memref<1x128xi32, #tpu.memory_space<hbm>>
    %dma_wait3A_1483 = tpu.memref_squeeze %dma_wait3A_1482 : memref<1x128xi32, #tpu.memory_space<hbm>> -> memref<128xi32, #tpu.memory_space<hbm>>
    tpu.wait_dma2 semaphore(%dma_wait3A_1478 : memref<!tpu.dma_semaphore, #tpu.memory_space<semaphore_mem>>) src(%dma_wait3A_1483 : memref<128xi32, #tpu.memory_space<hbm>>) dst(%dma_wait3A_1481 : memref<128xi32, #tpu.memory_space<vmem>>)
    %dma_wait3A_1484 = arith.constant 1 : i32
    %dma_wait3A_1485 = arith.constant 9 : i32
    %dma_wait3A_1486 = arith.constant 9 : i32
    %dma_wait3A_1487 = arith.constant 0 : i32
    %dma_wait3A_1488 = tpu.memref_slice %arg8[%dma_wait3A_1485, %dma_wait3A_1487] : memref<25x128xi32, #tpu.memory_space<vmem>> -> memref<1x128xi32, #tpu.memory_space<vmem>>
    %dma_wait3A_1489 = tpu.memref_squeeze %dma_wait3A_1488 : memref<1x128xi32, #tpu.memory_space<vmem>> -> memref<128xi32, #tpu.memory_space<vmem>>
    %dma_wait3A_1490 = tpu.memref_slice %arg3[%dma_wait3A_1484, %multiple_of3A_1468] : memref<2x50000xi32, #tpu.memory_space<hbm>> -> memref<1x128xi32, #tpu.memory_space<hbm>>
    %dma_wait3A_1491 = tpu.memref_squeeze %dma_wait3A_1490 : memref<1x128xi32, #tpu.memory_space<hbm>> -> memref<128xi32, #tpu.memory_space<hbm>>
    %dma_wait3A_1492 = tpu.memref_slice %arg11[%dma_wait3A_1486] : memref<25x!tpu.dma_semaphore, #tpu.memory_space<semaphore_mem>> -> memref<1x!tpu.dma_semaphore, #tpu.memory_space<semaphore_mem>>
    %dma_wait3A_1493 = tpu.memref_squeeze %dma_wait3A_1492 : memref<1x!tpu.dma_semaphore, #tpu.memory_space<semaphore_mem>> -> memref<!tpu.dma_semaphore, #tpu.memory_space<semaphore_mem>>
    %dma_wait3A_1494 = arith.constant 0 : i32
    %dma_wait3A_1495 = tpu.memref_slice %arg8[%dma_wait3A_1485, %dma_wait3A_1494] : memref<25x128xi32, #tpu.memory_space<vmem>> -> memref<1x128xi32, #tpu.memory_space<vmem>>
    %dma_wait3A_1496 = tpu.memref_squeeze %dma_wait3A_1495 : memref<1x128xi32, #tpu.memory_space<vmem>> -> memref<128xi32, #tpu.memory_space<vmem>>
    %dma_wait3A_1497 = tpu.memref_slice %arg3[%dma_wait3A_1484, %multiple_of3A_1468] : memref<2x50000xi32, #tpu.memory_space<hbm>> -> memref<1x128xi32, #tpu.memory_space<hbm>>
    %dma_wait3A_1498 = tpu.memref_squeeze %dma_wait3A_1497 : memref<1x128xi32, #tpu.memory_space<hbm>> -> memref<128xi32, #tpu.memory_space<hbm>>
    tpu.wait_dma2 semaphore(%dma_wait3A_1493 : memref<!tpu.dma_semaphore, #tpu.memory_space<semaphore_mem>>) src(%dma_wait3A_1498 : memref<128xi32, #tpu.memory_space<hbm>>) dst(%dma_wait3A_1496 : memref<128xi32, #tpu.memory_space<vmem>>)
    %dma_start3A_1499 = arith.constant 9 : i32
    %dma_start3A_1500 = arith.constant 9 : i32
    %dma_start3A_1501 = arith.constant 1152 : i32
    %dma_start3A_1502 = arith.constant 0 : i32
    %dma_start3A_1503 = tpu.memref_slice %arg9[%dma_start3A_1501, %dma_start3A_1502] : memref<3200x16xf32, #tpu.memory_space<vmem>> -> memref<128x16xf32, #tpu.memory_space<vmem>>
    %dma_start3A_1504 = arith.constant 0 : i32
    %dma_start3A_1505 = tpu.memref_slice %arg7[%dma_start3A_1499, %dma_start3A_1504] : memref<25x128xi32, #tpu.memory_space<vmem>> -> memref<1x128xi32, #tpu.memory_space<vmem>>
    %dma_start3A_1506 = tpu.memref_squeeze %dma_start3A_1505 : memref<1x128xi32, #tpu.memory_space<vmem>> -> memref<128xi32, #tpu.memory_space<vmem>>
    %dma_start3A_1507 = arith.constant 0 : i32
    %dma_start3A_1508 = arith.constant 0 : i32
    %dma_start3A_1509 = tpu.memref_slice %arg6[%dma_start3A_1507, %dma_start3A_1508] : memref<10112x16xf32, #tpu.memory_space<vmem_shared>> -> memref<10112x16xf32, #tpu.memory_space<vmem_shared>>
    %dma_start3A_1510 = tpu.memref_slice %arg11[%dma_start3A_1500] : memref<25x!tpu.dma_semaphore, #tpu.memory_space<semaphore_mem>> -> memref<1x!tpu.dma_semaphore, #tpu.memory_space<semaphore_mem>>
    %dma_start3A_1511 = tpu.memref_squeeze %dma_start3A_1510 : memref<1x!tpu.dma_semaphore, #tpu.memory_space<semaphore_mem>> -> memref<!tpu.dma_semaphore, #tpu.memory_space<semaphore_mem>>
    tpu.enqueue_indirect_dma source(%dma_start3A_1509 : memref<10112x16xf32, #tpu.memory_space<vmem_shared>>) target(%dma_start3A_1503 : memref<128x16xf32, #tpu.memory_space<vmem>>) offsets(%dma_start3A_1506 : memref<128xi32, #tpu.memory_space<vmem>>) semaphore(%dma_start3A_1511 : memref<!tpu.dma_semaphore, #tpu.memory_space<semaphore_mem>>)
    %add3A_1512 = arith.constant 160 : i32
    %add3A_1513 = arith.addi %add3A_1512, %arg1 : i32
    %ge3A_1514 = arith.constant 390 : i32
    %ge3A_1515 = arith.cmpi sge, %add3A_1513, %ge3A_1514 : i32
    %mul3A_1516 = arith.constant 128 : i32
    %mul3A_1517 = arith.muli %add3A_1513, %mul3A_1516 : i32
    %jit3A_1518 = arith.constant 49872 : i32
    %select_n3A_1519 = arith.select %ge3A_1515, %jit3A_1518, %mul3A_1517 : i32
    %multiple_of3A_1520 = tpu.assume_multiple %select_n3A_1519, 8 : i32
    %dma_wait3A_1521 = arith.constant 0 : i32
    %dma_wait3A_1522 = arith.constant 10 : i32
    %dma_wait3A_1523 = arith.constant 10 : i32
    %dma_wait3A_1524 = arith.constant 0 : i32
    %dma_wait3A_1525 = tpu.memref_slice %arg7[%dma_wait3A_1522, %dma_wait3A_1524] : memref<25x128xi32, #tpu.memory_space<vmem>> -> memref<1x128xi32, #tpu.memory_space<vmem>>
    %dma_wait3A_1526 = tpu.memref_squeeze %dma_wait3A_1525 : memref<1x128xi32, #tpu.memory_space<vmem>> -> memref<128xi32, #tpu.memory_space<vmem>>
    %dma_wait3A_1527 = tpu.memref_slice %arg3[%dma_wait3A_1521, %multiple_of3A_1520] : memref<2x50000xi32, #tpu.memory_space<hbm>> -> memref<1x128xi32, #tpu.memory_space<hbm>>
    %dma_wait3A_1528 = tpu.memref_squeeze %dma_wait3A_1527 : memref<1x128xi32, #tpu.memory_space<hbm>> -> memref<128xi32, #tpu.memory_space<hbm>>
    %dma_wait3A_1529 = tpu.memref_slice %arg11[%dma_wait3A_1523] : memref<25x!tpu.dma_semaphore, #tpu.memory_space<semaphore_mem>> -> memref<1x!tpu.dma_semaphore, #tpu.memory_space<semaphore_mem>>
    %dma_wait3A_1530 = tpu.memref_squeeze %dma_wait3A_1529 : memref<1x!tpu.dma_semaphore, #tpu.memory_space<semaphore_mem>> -> memref<!tpu.dma_semaphore, #tpu.memory_space<semaphore_mem>>
    %dma_wait3A_1531 = arith.constant 0 : i32
    %dma_wait3A_1532 = tpu.memref_slice %arg7[%dma_wait3A_1522, %dma_wait3A_1531] : memref<25x128xi32, #tpu.memory_space<vmem>> -> memref<1x128xi32, #tpu.memory_space<vmem>>
    %dma_wait3A_1533 = tpu.memref_squeeze %dma_wait3A_1532 : memref<1x128xi32, #tpu.memory_space<vmem>> -> memref<128xi32, #tpu.memory_space<vmem>>
    %dma_wait3A_1534 = tpu.memref_slice %arg3[%dma_wait3A_1521, %multiple_of3A_1520] : memref<2x50000xi32, #tpu.memory_space<hbm>> -> memref<1x128xi32, #tpu.memory_space<hbm>>
    %dma_wait3A_1535 = tpu.memref_squeeze %dma_wait3A_1534 : memref<1x128xi32, #tpu.memory_space<hbm>> -> memref<128xi32, #tpu.memory_space<hbm>>
    tpu.wait_dma2 semaphore(%dma_wait3A_1530 : memref<!tpu.dma_semaphore, #tpu.memory_space<semaphore_mem>>) src(%dma_wait3A_1535 : memref<128xi32, #tpu.memory_space<hbm>>) dst(%dma_wait3A_1533 : memref<128xi32, #tpu.memory_space<vmem>>)
    %dma_wait3A_1536 = arith.constant 1 : i32
    %dma_wait3A_1537 = arith.constant 10 : i32
    %dma_wait3A_1538 = arith.constant 10 : i32
    %dma_wait3A_1539 = arith.constant 0 : i32
    %dma_wait3A_1540 = tpu.memref_slice %arg8[%dma_wait3A_1537, %dma_wait3A_1539] : memref<25x128xi32, #tpu.memory_space<vmem>> -> memref<1x128xi32, #tpu.memory_space<vmem>>
    %dma_wait3A_1541 = tpu.memref_squeeze %dma_wait3A_1540 : memref<1x128xi32, #tpu.memory_space<vmem>> -> memref<128xi32, #tpu.memory_space<vmem>>
    %dma_wait3A_1542 = tpu.memref_slice %arg3[%dma_wait3A_1536, %multiple_of3A_1520] : memref<2x50000xi32, #tpu.memory_space<hbm>> -> memref<1x128xi32, #tpu.memory_space<hbm>>
    %dma_wait3A_1543 = tpu.memref_squeeze %dma_wait3A_1542 : memref<1x128xi32, #tpu.memory_space<hbm>> -> memref<128xi32, #tpu.memory_space<hbm>>
    %dma_wait3A_1544 = tpu.memref_slice %arg11[%dma_wait3A_1538] : memref<25x!tpu.dma_semaphore, #tpu.memory_space<semaphore_mem>> -> memref<1x!tpu.dma_semaphore, #tpu.memory_space<semaphore_mem>>
    %dma_wait3A_1545 = tpu.memref_squeeze %dma_wait3A_1544 : memref<1x!tpu.dma_semaphore, #tpu.memory_space<semaphore_mem>> -> memref<!tpu.dma_semaphore, #tpu.memory_space<semaphore_mem>>
    %dma_wait3A_1546 = arith.constant 0 : i32
    %dma_wait3A_1547 = tpu.memref_slice %arg8[%dma_wait3A_1537, %dma_wait3A_1546] : memref<25x128xi32, #tpu.memory_space<vmem>> -> memref<1x128xi32, #tpu.memory_space<vmem>>
    %dma_wait3A_1548 = tpu.memref_squeeze %dma_wait3A_1547 : memref<1x128xi32, #tpu.memory_space<vmem>> -> memref<128xi32, #tpu.memory_space<vmem>>
    %dma_wait3A_1549 = tpu.memref_slice %arg3[%dma_wait3A_1536, %multiple_of3A_1520] : memref<2x50000xi32, #tpu.memory_space<hbm>> -> memref<1x128xi32, #tpu.memory_space<hbm>>
    %dma_wait3A_1550 = tpu.memref_squeeze %dma_wait3A_1549 : memref<1x128xi32, #tpu.memory_space<hbm>> -> memref<128xi32, #tpu.memory_space<hbm>>
    tpu.wait_dma2 semaphore(%dma_wait3A_1545 : memref<!tpu.dma_semaphore, #tpu.memory_space<semaphore_mem>>) src(%dma_wait3A_1550 : memref<128xi32, #tpu.memory_space<hbm>>) dst(%dma_wait3A_1548 : memref<128xi32, #tpu.memory_space<vmem>>)
    %dma_start3A_1551 = arith.constant 10 : i32
    %dma_start3A_1552 = arith.constant 10 : i32
    %dma_start3A_1553 = arith.constant 1280 : i32
    %dma_start3A_1554 = arith.constant 0 : i32
    %dma_start3A_1555 = tpu.memref_slice %arg9[%dma_start3A_1553, %dma_start3A_1554] : memref<3200x16xf32, #tpu.memory_space<vmem>> -> memref<128x16xf32, #tpu.memory_space<vmem>>
    %dma_start3A_1556 = arith.constant 0 : i32
    %dma_start3A_1557 = tpu.memref_slice %arg7[%dma_start3A_1551, %dma_start3A_1556] : memref<25x128xi32, #tpu.memory_space<vmem>> -> memref<1x128xi32, #tpu.memory_space<vmem>>
    %dma_start3A_1558 = tpu.memref_squeeze %dma_start3A_1557 : memref<1x128xi32, #tpu.memory_space<vmem>> -> memref<128xi32, #tpu.memory_space<vmem>>
    %dma_start3A_1559 = arith.constant 0 : i32
    %dma_start3A_1560 = arith.constant 0 : i32
    %dma_start3A_1561 = tpu.memref_slice %arg6[%dma_start3A_1559, %dma_start3A_1560] : memref<10112x16xf32, #tpu.memory_space<vmem_shared>> -> memref<10112x16xf32, #tpu.memory_space<vmem_shared>>
    %dma_start3A_1562 = tpu.memref_slice %arg11[%dma_start3A_1552] : memref<25x!tpu.dma_semaphore, #tpu.memory_space<semaphore_mem>> -> memref<1x!tpu.dma_semaphore, #tpu.memory_space<semaphore_mem>>
    %dma_start3A_1563 = tpu.memref_squeeze %dma_start3A_1562 : memref<1x!tpu.dma_semaphore, #tpu.memory_space<semaphore_mem>> -> memref<!tpu.dma_semaphore, #tpu.memory_space<semaphore_mem>>
    tpu.enqueue_indirect_dma source(%dma_start3A_1561 : memref<10112x16xf32, #tpu.memory_space<vmem_shared>>) target(%dma_start3A_1555 : memref<128x16xf32, #tpu.memory_space<vmem>>) offsets(%dma_start3A_1558 : memref<128xi32, #tpu.memory_space<vmem>>) semaphore(%dma_start3A_1563 : memref<!tpu.dma_semaphore, #tpu.memory_space<semaphore_mem>>)
    %add3A_1564 = arith.constant 176 : i32
    %add3A_1565 = arith.addi %add3A_1564, %arg1 : i32
    %ge3A_1566 = arith.constant 390 : i32
    %ge3A_1567 = arith.cmpi sge, %add3A_1565, %ge3A_1566 : i32
    %mul3A_1568 = arith.constant 128 : i32
    %mul3A_1569 = arith.muli %add3A_1565, %mul3A_1568 : i32
    %jit3A_1570 = arith.constant 49872 : i32
    %select_n3A_1571 = arith.select %ge3A_1567, %jit3A_1570, %mul3A_1569 : i32
    %multiple_of3A_1572 = tpu.assume_multiple %select_n3A_1571, 8 : i32
    %dma_wait3A_1573 = arith.constant 0 : i32
    %dma_wait3A_1574 = arith.constant 11 : i32
    %dma_wait3A_1575 = arith.constant 11 : i32
    %dma_wait3A_1576 = arith.constant 0 : i32
    %dma_wait3A_1577 = tpu.memref_slice %arg7[%dma_wait3A_1574, %dma_wait3A_1576] : memref<25x128xi32, #tpu.memory_space<vmem>> -> memref<1x128xi32, #tpu.memory_space<vmem>>
    %dma_wait3A_1578 = tpu.memref_squeeze %dma_wait3A_1577 : memref<1x128xi32, #tpu.memory_space<vmem>> -> memref<128xi32, #tpu.memory_space<vmem>>
    %dma_wait3A_1579 = tpu.memref_slice %arg3[%dma_wait3A_1573, %multiple_of3A_1572] : memref<2x50000xi32, #tpu.memory_space<hbm>> -> memref<1x128xi32, #tpu.memory_space<hbm>>
    %dma_wait3A_1580 = tpu.memref_squeeze %dma_wait3A_1579 : memref<1x128xi32, #tpu.memory_space<hbm>> -> memref<128xi32, #tpu.memory_space<hbm>>
    %dma_wait3A_1581 = tpu.memref_slice %arg11[%dma_wait3A_1575] : memref<25x!tpu.dma_semaphore, #tpu.memory_space<semaphore_mem>> -> memref<1x!tpu.dma_semaphore, #tpu.memory_space<semaphore_mem>>
    %dma_wait3A_1582 = tpu.memref_squeeze %dma_wait3A_1581 : memref<1x!tpu.dma_semaphore, #tpu.memory_space<semaphore_mem>> -> memref<!tpu.dma_semaphore, #tpu.memory_space<semaphore_mem>>
    %dma_wait3A_1583 = arith.constant 0 : i32
    %dma_wait3A_1584 = tpu.memref_slice %arg7[%dma_wait3A_1574, %dma_wait3A_1583] : memref<25x128xi32, #tpu.memory_space<vmem>> -> memref<1x128xi32, #tpu.memory_space<vmem>>
    %dma_wait3A_1585 = tpu.memref_squeeze %dma_wait3A_1584 : memref<1x128xi32, #tpu.memory_space<vmem>> -> memref<128xi32, #tpu.memory_space<vmem>>
    %dma_wait3A_1586 = tpu.memref_slice %arg3[%dma_wait3A_1573, %multiple_of3A_1572] : memref<2x50000xi32, #tpu.memory_space<hbm>> -> memref<1x128xi32, #tpu.memory_space<hbm>>
    %dma_wait3A_1587 = tpu.memref_squeeze %dma_wait3A_1586 : memref<1x128xi32, #tpu.memory_space<hbm>> -> memref<128xi32, #tpu.memory_space<hbm>>
    tpu.wait_dma2 semaphore(%dma_wait3A_1582 : memref<!tpu.dma_semaphore, #tpu.memory_space<semaphore_mem>>) src(%dma_wait3A_1587 : memref<128xi32, #tpu.memory_space<hbm>>) dst(%dma_wait3A_1585 : memref<128xi32, #tpu.memory_space<vmem>>)
    %dma_wait3A_1588 = arith.constant 1 : i32
    %dma_wait3A_1589 = arith.constant 11 : i32
    %dma_wait3A_1590 = arith.constant 11 : i32
    %dma_wait3A_1591 = arith.constant 0 : i32
    %dma_wait3A_1592 = tpu.memref_slice %arg8[%dma_wait3A_1589, %dma_wait3A_1591] : memref<25x128xi32, #tpu.memory_space<vmem>> -> memref<1x128xi32, #tpu.memory_space<vmem>>
    %dma_wait3A_1593 = tpu.memref_squeeze %dma_wait3A_1592 : memref<1x128xi32, #tpu.memory_space<vmem>> -> memref<128xi32, #tpu.memory_space<vmem>>
    %dma_wait3A_1594 = tpu.memref_slice %arg3[%dma_wait3A_1588, %multiple_of3A_1572] : memref<2x50000xi32, #tpu.memory_space<hbm>> -> memref<1x128xi32, #tpu.memory_space<hbm>>
    %dma_wait3A_1595 = tpu.memref_squeeze %dma_wait3A_1594 : memref<1x128xi32, #tpu.memory_space<hbm>> -> memref<128xi32, #tpu.memory_space<hbm>>
    %dma_wait3A_1596 = tpu.memref_slice %arg11[%dma_wait3A_1590] : memref<25x!tpu.dma_semaphore, #tpu.memory_space<semaphore_mem>> -> memref<1x!tpu.dma_semaphore, #tpu.memory_space<semaphore_mem>>
    %dma_wait3A_1597 = tpu.memref_squeeze %dma_wait3A_1596 : memref<1x!tpu.dma_semaphore, #tpu.memory_space<semaphore_mem>> -> memref<!tpu.dma_semaphore, #tpu.memory_space<semaphore_mem>>
    %dma_wait3A_1598 = arith.constant 0 : i32
    %dma_wait3A_1599 = tpu.memref_slice %arg8[%dma_wait3A_1589, %dma_wait3A_1598] : memref<25x128xi32, #tpu.memory_space<vmem>> -> memref<1x128xi32, #tpu.memory_space<vmem>>
    %dma_wait3A_1600 = tpu.memref_squeeze %dma_wait3A_1599 : memref<1x128xi32, #tpu.memory_space<vmem>> -> memref<128xi32, #tpu.memory_space<vmem>>
    %dma_wait3A_1601 = tpu.memref_slice %arg3[%dma_wait3A_1588, %multiple_of3A_1572] : memref<2x50000xi32, #tpu.memory_space<hbm>> -> memref<1x128xi32, #tpu.memory_space<hbm>>
    %dma_wait3A_1602 = tpu.memref_squeeze %dma_wait3A_1601 : memref<1x128xi32, #tpu.memory_space<hbm>> -> memref<128xi32, #tpu.memory_space<hbm>>
    tpu.wait_dma2 semaphore(%dma_wait3A_1597 : memref<!tpu.dma_semaphore, #tpu.memory_space<semaphore_mem>>) src(%dma_wait3A_1602 : memref<128xi32, #tpu.memory_space<hbm>>) dst(%dma_wait3A_1600 : memref<128xi32, #tpu.memory_space<vmem>>)
    %dma_start3A_1603 = arith.constant 11 : i32
    %dma_start3A_1604 = arith.constant 11 : i32
    %dma_start3A_1605 = arith.constant 1408 : i32
    %dma_start3A_1606 = arith.constant 0 : i32
    %dma_start3A_1607 = tpu.memref_slice %arg9[%dma_start3A_1605, %dma_start3A_1606] : memref<3200x16xf32, #tpu.memory_space<vmem>> -> memref<128x16xf32, #tpu.memory_space<vmem>>
    %dma_start3A_1608 = arith.constant 0 : i32
    %dma_start3A_1609 = tpu.memref_slice %arg7[%dma_start3A_1603, %dma_start3A_1608] : memref<25x128xi32, #tpu.memory_space<vmem>> -> memref<1x128xi32, #tpu.memory_space<vmem>>
    %dma_start3A_1610 = tpu.memref_squeeze %dma_start3A_1609 : memref<1x128xi32, #tpu.memory_space<vmem>> -> memref<128xi32, #tpu.memory_space<vmem>>
    %dma_start3A_1611 = arith.constant 0 : i32
    %dma_start3A_1612 = arith.constant 0 : i32
    %dma_start3A_1613 = tpu.memref_slice %arg6[%dma_start3A_1611, %dma_start3A_1612] : memref<10112x16xf32, #tpu.memory_space<vmem_shared>> -> memref<10112x16xf32, #tpu.memory_space<vmem_shared>>
    %dma_start3A_1614 = tpu.memref_slice %arg11[%dma_start3A_1604] : memref<25x!tpu.dma_semaphore, #tpu.memory_space<semaphore_mem>> -> memref<1x!tpu.dma_semaphore, #tpu.memory_space<semaphore_mem>>
    %dma_start3A_1615 = tpu.memref_squeeze %dma_start3A_1614 : memref<1x!tpu.dma_semaphore, #tpu.memory_space<semaphore_mem>> -> memref<!tpu.dma_semaphore, #tpu.memory_space<semaphore_mem>>
    tpu.enqueue_indirect_dma source(%dma_start3A_1613 : memref<10112x16xf32, #tpu.memory_space<vmem_shared>>) target(%dma_start3A_1607 : memref<128x16xf32, #tpu.memory_space<vmem>>) offsets(%dma_start3A_1610 : memref<128xi32, #tpu.memory_space<vmem>>) semaphore(%dma_start3A_1615 : memref<!tpu.dma_semaphore, #tpu.memory_space<semaphore_mem>>)
    %add3A_1616 = arith.constant 192 : i32
    %add3A_1617 = arith.addi %add3A_1616, %arg1 : i32
    %ge3A_1618 = arith.constant 390 : i32
    %ge3A_1619 = arith.cmpi sge, %add3A_1617, %ge3A_1618 : i32
    %mul3A_1620 = arith.constant 128 : i32
    %mul3A_1621 = arith.muli %add3A_1617, %mul3A_1620 : i32
    %jit3A_1622 = arith.constant 49872 : i32
    %select_n3A_1623 = arith.select %ge3A_1619, %jit3A_1622, %mul3A_1621 : i32
    %multiple_of3A_1624 = tpu.assume_multiple %select_n3A_1623, 8 : i32
    %dma_wait3A_1625 = arith.constant 0 : i32
    %dma_wait3A_1626 = arith.constant 12 : i32
    %dma_wait3A_1627 = arith.constant 12 : i32
    %dma_wait3A_1628 = arith.constant 0 : i32
    %dma_wait3A_1629 = tpu.memref_slice %arg7[%dma_wait3A_1626, %dma_wait3A_1628] : memref<25x128xi32, #tpu.memory_space<vmem>> -> memref<1x128xi32, #tpu.memory_space<vmem>>
    %dma_wait3A_1630 = tpu.memref_squeeze %dma_wait3A_1629 : memref<1x128xi32, #tpu.memory_space<vmem>> -> memref<128xi32, #tpu.memory_space<vmem>>
    %dma_wait3A_1631 = tpu.memref_slice %arg3[%dma_wait3A_1625, %multiple_of3A_1624] : memref<2x50000xi32, #tpu.memory_space<hbm>> -> memref<1x128xi32, #tpu.memory_space<hbm>>
    %dma_wait3A_1632 = tpu.memref_squeeze %dma_wait3A_1631 : memref<1x128xi32, #tpu.memory_space<hbm>> -> memref<128xi32, #tpu.memory_space<hbm>>
    %dma_wait3A_1633 = tpu.memref_slice %arg11[%dma_wait3A_1627] : memref<25x!tpu.dma_semaphore, #tpu.memory_space<semaphore_mem>> -> memref<1x!tpu.dma_semaphore, #tpu.memory_space<semaphore_mem>>
    %dma_wait3A_1634 = tpu.memref_squeeze %dma_wait3A_1633 : memref<1x!tpu.dma_semaphore, #tpu.memory_space<semaphore_mem>> -> memref<!tpu.dma_semaphore, #tpu.memory_space<semaphore_mem>>
    %dma_wait3A_1635 = arith.constant 0 : i32
    %dma_wait3A_1636 = tpu.memref_slice %arg7[%dma_wait3A_1626, %dma_wait3A_1635] : memref<25x128xi32, #tpu.memory_space<vmem>> -> memref<1x128xi32, #tpu.memory_space<vmem>>
    %dma_wait3A_1637 = tpu.memref_squeeze %dma_wait3A_1636 : memref<1x128xi32, #tpu.memory_space<vmem>> -> memref<128xi32, #tpu.memory_space<vmem>>
    %dma_wait3A_1638 = tpu.memref_slice %arg3[%dma_wait3A_1625, %multiple_of3A_1624] : memref<2x50000xi32, #tpu.memory_space<hbm>> -> memref<1x128xi32, #tpu.memory_space<hbm>>
    %dma_wait3A_1639 = tpu.memref_squeeze %dma_wait3A_1638 : memref<1x128xi32, #tpu.memory_space<hbm>> -> memref<128xi32, #tpu.memory_space<hbm>>
    tpu.wait_dma2 semaphore(%dma_wait3A_1634 : memref<!tpu.dma_semaphore, #tpu.memory_space<semaphore_mem>>) src(%dma_wait3A_1639 : memref<128xi32, #tpu.memory_space<hbm>>) dst(%dma_wait3A_1637 : memref<128xi32, #tpu.memory_space<vmem>>)
    %dma_wait3A_1640 = arith.constant 1 : i32
    %dma_wait3A_1641 = arith.constant 12 : i32
    %dma_wait3A_1642 = arith.constant 12 : i32
    %dma_wait3A_1643 = arith.constant 0 : i32
    %dma_wait3A_1644 = tpu.memref_slice %arg8[%dma_wait3A_1641, %dma_wait3A_1643] : memref<25x128xi32, #tpu.memory_space<vmem>> -> memref<1x128xi32, #tpu.memory_space<vmem>>
    %dma_wait3A_1645 = tpu.memref_squeeze %dma_wait3A_1644 : memref<1x128xi32, #tpu.memory_space<vmem>> -> memref<128xi32, #tpu.memory_space<vmem>>
    %dma_wait3A_1646 = tpu.memref_slice %arg3[%dma_wait3A_1640, %multiple_of3A_1624] : memref<2x50000xi32, #tpu.memory_space<hbm>> -> memref<1x128xi32, #tpu.memory_space<hbm>>
    %dma_wait3A_1647 = tpu.memref_squeeze %dma_wait3A_1646 : memref<1x128xi32, #tpu.memory_space<hbm>> -> memref<128xi32, #tpu.memory_space<hbm>>
    %dma_wait3A_1648 = tpu.memref_slice %arg11[%dma_wait3A_1642] : memref<25x!tpu.dma_semaphore, #tpu.memory_space<semaphore_mem>> -> memref<1x!tpu.dma_semaphore, #tpu.memory_space<semaphore_mem>>
    %dma_wait3A_1649 = tpu.memref_squeeze %dma_wait3A_1648 : memref<1x!tpu.dma_semaphore, #tpu.memory_space<semaphore_mem>> -> memref<!tpu.dma_semaphore, #tpu.memory_space<semaphore_mem>>
    %dma_wait3A_1650 = arith.constant 0 : i32
    %dma_wait3A_1651 = tpu.memref_slice %arg8[%dma_wait3A_1641, %dma_wait3A_1650] : memref<25x128xi32, #tpu.memory_space<vmem>> -> memref<1x128xi32, #tpu.memory_space<vmem>>
    %dma_wait3A_1652 = tpu.memref_squeeze %dma_wait3A_1651 : memref<1x128xi32, #tpu.memory_space<vmem>> -> memref<128xi32, #tpu.memory_space<vmem>>
    %dma_wait3A_1653 = tpu.memref_slice %arg3[%dma_wait3A_1640, %multiple_of3A_1624] : memref<2x50000xi32, #tpu.memory_space<hbm>> -> memref<1x128xi32, #tpu.memory_space<hbm>>
    %dma_wait3A_1654 = tpu.memref_squeeze %dma_wait3A_1653 : memref<1x128xi32, #tpu.memory_space<hbm>> -> memref<128xi32, #tpu.memory_space<hbm>>
    tpu.wait_dma2 semaphore(%dma_wait3A_1649 : memref<!tpu.dma_semaphore, #tpu.memory_space<semaphore_mem>>) src(%dma_wait3A_1654 : memref<128xi32, #tpu.memory_space<hbm>>) dst(%dma_wait3A_1652 : memref<128xi32, #tpu.memory_space<vmem>>)
    %dma_start3A_1655 = arith.constant 12 : i32
    %dma_start3A_1656 = arith.constant 12 : i32
    %dma_start3A_1657 = arith.constant 1536 : i32
    %dma_start3A_1658 = arith.constant 0 : i32
    %dma_start3A_1659 = tpu.memref_slice %arg9[%dma_start3A_1657, %dma_start3A_1658] : memref<3200x16xf32, #tpu.memory_space<vmem>> -> memref<128x16xf32, #tpu.memory_space<vmem>>
    %dma_start3A_1660 = arith.constant 0 : i32
    %dma_start3A_1661 = tpu.memref_slice %arg7[%dma_start3A_1655, %dma_start3A_1660] : memref<25x128xi32, #tpu.memory_space<vmem>> -> memref<1x128xi32, #tpu.memory_space<vmem>>
    %dma_start3A_1662 = tpu.memref_squeeze %dma_start3A_1661 : memref<1x128xi32, #tpu.memory_space<vmem>> -> memref<128xi32, #tpu.memory_space<vmem>>
    %dma_start3A_1663 = arith.constant 0 : i32
    %dma_start3A_1664 = arith.constant 0 : i32
    %dma_start3A_1665 = tpu.memref_slice %arg6[%dma_start3A_1663, %dma_start3A_1664] : memref<10112x16xf32, #tpu.memory_space<vmem_shared>> -> memref<10112x16xf32, #tpu.memory_space<vmem_shared>>
    %dma_start3A_1666 = tpu.memref_slice %arg11[%dma_start3A_1656] : memref<25x!tpu.dma_semaphore, #tpu.memory_space<semaphore_mem>> -> memref<1x!tpu.dma_semaphore, #tpu.memory_space<semaphore_mem>>
    %dma_start3A_1667 = tpu.memref_squeeze %dma_start3A_1666 : memref<1x!tpu.dma_semaphore, #tpu.memory_space<semaphore_mem>> -> memref<!tpu.dma_semaphore, #tpu.memory_space<semaphore_mem>>
    tpu.enqueue_indirect_dma source(%dma_start3A_1665 : memref<10112x16xf32, #tpu.memory_space<vmem_shared>>) target(%dma_start3A_1659 : memref<128x16xf32, #tpu.memory_space<vmem>>) offsets(%dma_start3A_1662 : memref<128xi32, #tpu.memory_space<vmem>>) semaphore(%dma_start3A_1667 : memref<!tpu.dma_semaphore, #tpu.memory_space<semaphore_mem>>)
    %add3A_1668 = arith.constant 208 : i32
    %add3A_1669 = arith.addi %add3A_1668, %arg1 : i32
    %ge3A_1670 = arith.constant 390 : i32
    %ge3A_1671 = arith.cmpi sge, %add3A_1669, %ge3A_1670 : i32
    %mul3A_1672 = arith.constant 128 : i32
    %mul3A_1673 = arith.muli %add3A_1669, %mul3A_1672 : i32
    %jit3A_1674 = arith.constant 49872 : i32
    %select_n3A_1675 = arith.select %ge3A_1671, %jit3A_1674, %mul3A_1673 : i32
    %multiple_of3A_1676 = tpu.assume_multiple %select_n3A_1675, 8 : i32
    %dma_wait3A_1677 = arith.constant 0 : i32
    %dma_wait3A_1678 = arith.constant 13 : i32
    %dma_wait3A_1679 = arith.constant 13 : i32
    %dma_wait3A_1680 = arith.constant 0 : i32
    %dma_wait3A_1681 = tpu.memref_slice %arg7[%dma_wait3A_1678, %dma_wait3A_1680] : memref<25x128xi32, #tpu.memory_space<vmem>> -> memref<1x128xi32, #tpu.memory_space<vmem>>
    %dma_wait3A_1682 = tpu.memref_squeeze %dma_wait3A_1681 : memref<1x128xi32, #tpu.memory_space<vmem>> -> memref<128xi32, #tpu.memory_space<vmem>>
    %dma_wait3A_1683 = tpu.memref_slice %arg3[%dma_wait3A_1677, %multiple_of3A_1676] : memref<2x50000xi32, #tpu.memory_space<hbm>> -> memref<1x128xi32, #tpu.memory_space<hbm>>
    %dma_wait3A_1684 = tpu.memref_squeeze %dma_wait3A_1683 : memref<1x128xi32, #tpu.memory_space<hbm>> -> memref<128xi32, #tpu.memory_space<hbm>>
    %dma_wait3A_1685 = tpu.memref_slice %arg11[%dma_wait3A_1679] : memref<25x!tpu.dma_semaphore, #tpu.memory_space<semaphore_mem>> -> memref<1x!tpu.dma_semaphore, #tpu.memory_space<semaphore_mem>>
    %dma_wait3A_1686 = tpu.memref_squeeze %dma_wait3A_1685 : memref<1x!tpu.dma_semaphore, #tpu.memory_space<semaphore_mem>> -> memref<!tpu.dma_semaphore, #tpu.memory_space<semaphore_mem>>
    %dma_wait3A_1687 = arith.constant 0 : i32
    %dma_wait3A_1688 = tpu.memref_slice %arg7[%dma_wait3A_1678, %dma_wait3A_1687] : memref<25x128xi32, #tpu.memory_space<vmem>> -> memref<1x128xi32, #tpu.memory_space<vmem>>
    %dma_wait3A_1689 = tpu.memref_squeeze %dma_wait3A_1688 : memref<1x128xi32, #tpu.memory_space<vmem>> -> memref<128xi32, #tpu.memory_space<vmem>>
    %dma_wait3A_1690 = tpu.memref_slice %arg3[%dma_wait3A_1677, %multiple_of3A_1676] : memref<2x50000xi32, #tpu.memory_space<hbm>> -> memref<1x128xi32, #tpu.memory_space<hbm>>
    %dma_wait3A_1691 = tpu.memref_squeeze %dma_wait3A_1690 : memref<1x128xi32, #tpu.memory_space<hbm>> -> memref<128xi32, #tpu.memory_space<hbm>>
    tpu.wait_dma2 semaphore(%dma_wait3A_1686 : memref<!tpu.dma_semaphore, #tpu.memory_space<semaphore_mem>>) src(%dma_wait3A_1691 : memref<128xi32, #tpu.memory_space<hbm>>) dst(%dma_wait3A_1689 : memref<128xi32, #tpu.memory_space<vmem>>)
    %dma_wait3A_1692 = arith.constant 1 : i32
    %dma_wait3A_1693 = arith.constant 13 : i32
    %dma_wait3A_1694 = arith.constant 13 : i32
    %dma_wait3A_1695 = arith.constant 0 : i32
    %dma_wait3A_1696 = tpu.memref_slice %arg8[%dma_wait3A_1693, %dma_wait3A_1695] : memref<25x128xi32, #tpu.memory_space<vmem>> -> memref<1x128xi32, #tpu.memory_space<vmem>>
    %dma_wait3A_1697 = tpu.memref_squeeze %dma_wait3A_1696 : memref<1x128xi32, #tpu.memory_space<vmem>> -> memref<128xi32, #tpu.memory_space<vmem>>
    %dma_wait3A_1698 = tpu.memref_slice %arg3[%dma_wait3A_1692, %multiple_of3A_1676] : memref<2x50000xi32, #tpu.memory_space<hbm>> -> memref<1x128xi32, #tpu.memory_space<hbm>>
    %dma_wait3A_1699 = tpu.memref_squeeze %dma_wait3A_1698 : memref<1x128xi32, #tpu.memory_space<hbm>> -> memref<128xi32, #tpu.memory_space<hbm>>
    %dma_wait3A_1700 = tpu.memref_slice %arg11[%dma_wait3A_1694] : memref<25x!tpu.dma_semaphore, #tpu.memory_space<semaphore_mem>> -> memref<1x!tpu.dma_semaphore, #tpu.memory_space<semaphore_mem>>
    %dma_wait3A_1701 = tpu.memref_squeeze %dma_wait3A_1700 : memref<1x!tpu.dma_semaphore, #tpu.memory_space<semaphore_mem>> -> memref<!tpu.dma_semaphore, #tpu.memory_space<semaphore_mem>>
    %dma_wait3A_1702 = arith.constant 0 : i32
    %dma_wait3A_1703 = tpu.memref_slice %arg8[%dma_wait3A_1693, %dma_wait3A_1702] : memref<25x128xi32, #tpu.memory_space<vmem>> -> memref<1x128xi32, #tpu.memory_space<vmem>>
    %dma_wait3A_1704 = tpu.memref_squeeze %dma_wait3A_1703 : memref<1x128xi32, #tpu.memory_space<vmem>> -> memref<128xi32, #tpu.memory_space<vmem>>
    %dma_wait3A_1705 = tpu.memref_slice %arg3[%dma_wait3A_1692, %multiple_of3A_1676] : memref<2x50000xi32, #tpu.memory_space<hbm>> -> memref<1x128xi32, #tpu.memory_space<hbm>>
    %dma_wait3A_1706 = tpu.memref_squeeze %dma_wait3A_1705 : memref<1x128xi32, #tpu.memory_space<hbm>> -> memref<128xi32, #tpu.memory_space<hbm>>
    tpu.wait_dma2 semaphore(%dma_wait3A_1701 : memref<!tpu.dma_semaphore, #tpu.memory_space<semaphore_mem>>) src(%dma_wait3A_1706 : memref<128xi32, #tpu.memory_space<hbm>>) dst(%dma_wait3A_1704 : memref<128xi32, #tpu.memory_space<vmem>>)
    %dma_start3A_1707 = arith.constant 13 : i32
    %dma_start3A_1708 = arith.constant 13 : i32
    %dma_start3A_1709 = arith.constant 1664 : i32
    %dma_start3A_1710 = arith.constant 0 : i32
    %dma_start3A_1711 = tpu.memref_slice %arg9[%dma_start3A_1709, %dma_start3A_1710] : memref<3200x16xf32, #tpu.memory_space<vmem>> -> memref<128x16xf32, #tpu.memory_space<vmem>>
    %dma_start3A_1712 = arith.constant 0 : i32
    %dma_start3A_1713 = tpu.memref_slice %arg7[%dma_start3A_1707, %dma_start3A_1712] : memref<25x128xi32, #tpu.memory_space<vmem>> -> memref<1x128xi32, #tpu.memory_space<vmem>>
    %dma_start3A_1714 = tpu.memref_squeeze %dma_start3A_1713 : memref<1x128xi32, #tpu.memory_space<vmem>> -> memref<128xi32, #tpu.memory_space<vmem>>
    %dma_start3A_1715 = arith.constant 0 : i32
    %dma_start3A_1716 = arith.constant 0 : i32
    %dma_start3A_1717 = tpu.memref_slice %arg6[%dma_start3A_1715, %dma_start3A_1716] : memref<10112x16xf32, #tpu.memory_space<vmem_shared>> -> memref<10112x16xf32, #tpu.memory_space<vmem_shared>>
    %dma_start3A_1718 = tpu.memref_slice %arg11[%dma_start3A_1708] : memref<25x!tpu.dma_semaphore, #tpu.memory_space<semaphore_mem>> -> memref<1x!tpu.dma_semaphore, #tpu.memory_space<semaphore_mem>>
    %dma_start3A_1719 = tpu.memref_squeeze %dma_start3A_1718 : memref<1x!tpu.dma_semaphore, #tpu.memory_space<semaphore_mem>> -> memref<!tpu.dma_semaphore, #tpu.memory_space<semaphore_mem>>
    tpu.enqueue_indirect_dma source(%dma_start3A_1717 : memref<10112x16xf32, #tpu.memory_space<vmem_shared>>) target(%dma_start3A_1711 : memref<128x16xf32, #tpu.memory_space<vmem>>) offsets(%dma_start3A_1714 : memref<128xi32, #tpu.memory_space<vmem>>) semaphore(%dma_start3A_1719 : memref<!tpu.dma_semaphore, #tpu.memory_space<semaphore_mem>>)
    %add3A_1720 = arith.constant 224 : i32
    %add3A_1721 = arith.addi %add3A_1720, %arg1 : i32
    %ge3A_1722 = arith.constant 390 : i32
    %ge3A_1723 = arith.cmpi sge, %add3A_1721, %ge3A_1722 : i32
    %mul3A_1724 = arith.constant 128 : i32
    %mul3A_1725 = arith.muli %add3A_1721, %mul3A_1724 : i32
    %jit3A_1726 = arith.constant 49872 : i32
    %select_n3A_1727 = arith.select %ge3A_1723, %jit3A_1726, %mul3A_1725 : i32
    %multiple_of3A_1728 = tpu.assume_multiple %select_n3A_1727, 8 : i32
    %dma_wait3A_1729 = arith.constant 0 : i32
    %dma_wait3A_1730 = arith.constant 14 : i32
    %dma_wait3A_1731 = arith.constant 14 : i32
    %dma_wait3A_1732 = arith.constant 0 : i32
    %dma_wait3A_1733 = tpu.memref_slice %arg7[%dma_wait3A_1730, %dma_wait3A_1732] : memref<25x128xi32, #tpu.memory_space<vmem>> -> memref<1x128xi32, #tpu.memory_space<vmem>>
    %dma_wait3A_1734 = tpu.memref_squeeze %dma_wait3A_1733 : memref<1x128xi32, #tpu.memory_space<vmem>> -> memref<128xi32, #tpu.memory_space<vmem>>
    %dma_wait3A_1735 = tpu.memref_slice %arg3[%dma_wait3A_1729, %multiple_of3A_1728] : memref<2x50000xi32, #tpu.memory_space<hbm>> -> memref<1x128xi32, #tpu.memory_space<hbm>>
    %dma_wait3A_1736 = tpu.memref_squeeze %dma_wait3A_1735 : memref<1x128xi32, #tpu.memory_space<hbm>> -> memref<128xi32, #tpu.memory_space<hbm>>
    %dma_wait3A_1737 = tpu.memref_slice %arg11[%dma_wait3A_1731] : memref<25x!tpu.dma_semaphore, #tpu.memory_space<semaphore_mem>> -> memref<1x!tpu.dma_semaphore, #tpu.memory_space<semaphore_mem>>
    %dma_wait3A_1738 = tpu.memref_squeeze %dma_wait3A_1737 : memref<1x!tpu.dma_semaphore, #tpu.memory_space<semaphore_mem>> -> memref<!tpu.dma_semaphore, #tpu.memory_space<semaphore_mem>>
    %dma_wait3A_1739 = arith.constant 0 : i32
    %dma_wait3A_1740 = tpu.memref_slice %arg7[%dma_wait3A_1730, %dma_wait3A_1739] : memref<25x128xi32, #tpu.memory_space<vmem>> -> memref<1x128xi32, #tpu.memory_space<vmem>>
    %dma_wait3A_1741 = tpu.memref_squeeze %dma_wait3A_1740 : memref<1x128xi32, #tpu.memory_space<vmem>> -> memref<128xi32, #tpu.memory_space<vmem>>
    %dma_wait3A_1742 = tpu.memref_slice %arg3[%dma_wait3A_1729, %multiple_of3A_1728] : memref<2x50000xi32, #tpu.memory_space<hbm>> -> memref<1x128xi32, #tpu.memory_space<hbm>>
    %dma_wait3A_1743 = tpu.memref_squeeze %dma_wait3A_1742 : memref<1x128xi32, #tpu.memory_space<hbm>> -> memref<128xi32, #tpu.memory_space<hbm>>
    tpu.wait_dma2 semaphore(%dma_wait3A_1738 : memref<!tpu.dma_semaphore, #tpu.memory_space<semaphore_mem>>) src(%dma_wait3A_1743 : memref<128xi32, #tpu.memory_space<hbm>>) dst(%dma_wait3A_1741 : memref<128xi32, #tpu.memory_space<vmem>>)
    %dma_wait3A_1744 = arith.constant 1 : i32
    %dma_wait3A_1745 = arith.constant 14 : i32
    %dma_wait3A_1746 = arith.constant 14 : i32
    %dma_wait3A_1747 = arith.constant 0 : i32
    %dma_wait3A_1748 = tpu.memref_slice %arg8[%dma_wait3A_1745, %dma_wait3A_1747] : memref<25x128xi32, #tpu.memory_space<vmem>> -> memref<1x128xi32, #tpu.memory_space<vmem>>
    %dma_wait3A_1749 = tpu.memref_squeeze %dma_wait3A_1748 : memref<1x128xi32, #tpu.memory_space<vmem>> -> memref<128xi32, #tpu.memory_space<vmem>>
    %dma_wait3A_1750 = tpu.memref_slice %arg3[%dma_wait3A_1744, %multiple_of3A_1728] : memref<2x50000xi32, #tpu.memory_space<hbm>> -> memref<1x128xi32, #tpu.memory_space<hbm>>
    %dma_wait3A_1751 = tpu.memref_squeeze %dma_wait3A_1750 : memref<1x128xi32, #tpu.memory_space<hbm>> -> memref<128xi32, #tpu.memory_space<hbm>>
    %dma_wait3A_1752 = tpu.memref_slice %arg11[%dma_wait3A_1746] : memref<25x!tpu.dma_semaphore, #tpu.memory_space<semaphore_mem>> -> memref<1x!tpu.dma_semaphore, #tpu.memory_space<semaphore_mem>>
    %dma_wait3A_1753 = tpu.memref_squeeze %dma_wait3A_1752 : memref<1x!tpu.dma_semaphore, #tpu.memory_space<semaphore_mem>> -> memref<!tpu.dma_semaphore, #tpu.memory_space<semaphore_mem>>
    %dma_wait3A_1754 = arith.constant 0 : i32
    %dma_wait3A_1755 = tpu.memref_slice %arg8[%dma_wait3A_1745, %dma_wait3A_1754] : memref<25x128xi32, #tpu.memory_space<vmem>> -> memref<1x128xi32, #tpu.memory_space<vmem>>
    %dma_wait3A_1756 = tpu.memref_squeeze %dma_wait3A_1755 : memref<1x128xi32, #tpu.memory_space<vmem>> -> memref<128xi32, #tpu.memory_space<vmem>>
    %dma_wait3A_1757 = tpu.memref_slice %arg3[%dma_wait3A_1744, %multiple_of3A_1728] : memref<2x50000xi32, #tpu.memory_space<hbm>> -> memref<1x128xi32, #tpu.memory_space<hbm>>
    %dma_wait3A_1758 = tpu.memref_squeeze %dma_wait3A_1757 : memref<1x128xi32, #tpu.memory_space<hbm>> -> memref<128xi32, #tpu.memory_space<hbm>>
    tpu.wait_dma2 semaphore(%dma_wait3A_1753 : memref<!tpu.dma_semaphore, #tpu.memory_space<semaphore_mem>>) src(%dma_wait3A_1758 : memref<128xi32, #tpu.memory_space<hbm>>) dst(%dma_wait3A_1756 : memref<128xi32, #tpu.memory_space<vmem>>)
    %dma_start3A_1759 = arith.constant 14 : i32
    %dma_start3A_1760 = arith.constant 14 : i32
    %dma_start3A_1761 = arith.constant 1792 : i32
    %dma_start3A_1762 = arith.constant 0 : i32
    %dma_start3A_1763 = tpu.memref_slice %arg9[%dma_start3A_1761, %dma_start3A_1762] : memref<3200x16xf32, #tpu.memory_space<vmem>> -> memref<128x16xf32, #tpu.memory_space<vmem>>
    %dma_start3A_1764 = arith.constant 0 : i32
    %dma_start3A_1765 = tpu.memref_slice %arg7[%dma_start3A_1759, %dma_start3A_1764] : memref<25x128xi32, #tpu.memory_space<vmem>> -> memref<1x128xi32, #tpu.memory_space<vmem>>
    %dma_start3A_1766 = tpu.memref_squeeze %dma_start3A_1765 : memref<1x128xi32, #tpu.memory_space<vmem>> -> memref<128xi32, #tpu.memory_space<vmem>>
    %dma_start3A_1767 = arith.constant 0 : i32
    %dma_start3A_1768 = arith.constant 0 : i32
    %dma_start3A_1769 = tpu.memref_slice %arg6[%dma_start3A_1767, %dma_start3A_1768] : memref<10112x16xf32, #tpu.memory_space<vmem_shared>> -> memref<10112x16xf32, #tpu.memory_space<vmem_shared>>
    %dma_start3A_1770 = tpu.memref_slice %arg11[%dma_start3A_1760] : memref<25x!tpu.dma_semaphore, #tpu.memory_space<semaphore_mem>> -> memref<1x!tpu.dma_semaphore, #tpu.memory_space<semaphore_mem>>
    %dma_start3A_1771 = tpu.memref_squeeze %dma_start3A_1770 : memref<1x!tpu.dma_semaphore, #tpu.memory_space<semaphore_mem>> -> memref<!tpu.dma_semaphore, #tpu.memory_space<semaphore_mem>>
    tpu.enqueue_indirect_dma source(%dma_start3A_1769 : memref<10112x16xf32, #tpu.memory_space<vmem_shared>>) target(%dma_start3A_1763 : memref<128x16xf32, #tpu.memory_space<vmem>>) offsets(%dma_start3A_1766 : memref<128xi32, #tpu.memory_space<vmem>>) semaphore(%dma_start3A_1771 : memref<!tpu.dma_semaphore, #tpu.memory_space<semaphore_mem>>)
    %add3A_1772 = arith.constant 240 : i32
    %add3A_1773 = arith.addi %add3A_1772, %arg1 : i32
    %ge3A_1774 = arith.constant 390 : i32
    %ge3A_1775 = arith.cmpi sge, %add3A_1773, %ge3A_1774 : i32
    %mul3A_1776 = arith.constant 128 : i32
    %mul3A_1777 = arith.muli %add3A_1773, %mul3A_1776 : i32
    %jit3A_1778 = arith.constant 49872 : i32
    %select_n3A_1779 = arith.select %ge3A_1775, %jit3A_1778, %mul3A_1777 : i32
    %multiple_of3A_1780 = tpu.assume_multiple %select_n3A_1779, 8 : i32
    %dma_wait3A_1781 = arith.constant 0 : i32
    %dma_wait3A_1782 = arith.constant 15 : i32
    %dma_wait3A_1783 = arith.constant 15 : i32
    %dma_wait3A_1784 = arith.constant 0 : i32
    %dma_wait3A_1785 = tpu.memref_slice %arg7[%dma_wait3A_1782, %dma_wait3A_1784] : memref<25x128xi32, #tpu.memory_space<vmem>> -> memref<1x128xi32, #tpu.memory_space<vmem>>
    %dma_wait3A_1786 = tpu.memref_squeeze %dma_wait3A_1785 : memref<1x128xi32, #tpu.memory_space<vmem>> -> memref<128xi32, #tpu.memory_space<vmem>>
    %dma_wait3A_1787 = tpu.memref_slice %arg3[%dma_wait3A_1781, %multiple_of3A_1780] : memref<2x50000xi32, #tpu.memory_space<hbm>> -> memref<1x128xi32, #tpu.memory_space<hbm>>
    %dma_wait3A_1788 = tpu.memref_squeeze %dma_wait3A_1787 : memref<1x128xi32, #tpu.memory_space<hbm>> -> memref<128xi32, #tpu.memory_space<hbm>>
    %dma_wait3A_1789 = tpu.memref_slice %arg11[%dma_wait3A_1783] : memref<25x!tpu.dma_semaphore, #tpu.memory_space<semaphore_mem>> -> memref<1x!tpu.dma_semaphore, #tpu.memory_space<semaphore_mem>>
    %dma_wait3A_1790 = tpu.memref_squeeze %dma_wait3A_1789 : memref<1x!tpu.dma_semaphore, #tpu.memory_space<semaphore_mem>> -> memref<!tpu.dma_semaphore, #tpu.memory_space<semaphore_mem>>
    %dma_wait3A_1791 = arith.constant 0 : i32
    %dma_wait3A_1792 = tpu.memref_slice %arg7[%dma_wait3A_1782, %dma_wait3A_1791] : memref<25x128xi32, #tpu.memory_space<vmem>> -> memref<1x128xi32, #tpu.memory_space<vmem>>
    %dma_wait3A_1793 = tpu.memref_squeeze %dma_wait3A_1792 : memref<1x128xi32, #tpu.memory_space<vmem>> -> memref<128xi32, #tpu.memory_space<vmem>>
    %dma_wait3A_1794 = tpu.memref_slice %arg3[%dma_wait3A_1781, %multiple_of3A_1780] : memref<2x50000xi32, #tpu.memory_space<hbm>> -> memref<1x128xi32, #tpu.memory_space<hbm>>
    %dma_wait3A_1795 = tpu.memref_squeeze %dma_wait3A_1794 : memref<1x128xi32, #tpu.memory_space<hbm>> -> memref<128xi32, #tpu.memory_space<hbm>>
    tpu.wait_dma2 semaphore(%dma_wait3A_1790 : memref<!tpu.dma_semaphore, #tpu.memory_space<semaphore_mem>>) src(%dma_wait3A_1795 : memref<128xi32, #tpu.memory_space<hbm>>) dst(%dma_wait3A_1793 : memref<128xi32, #tpu.memory_space<vmem>>)
    %dma_wait3A_1796 = arith.constant 1 : i32
    %dma_wait3A_1797 = arith.constant 15 : i32
    %dma_wait3A_1798 = arith.constant 15 : i32
    %dma_wait3A_1799 = arith.constant 0 : i32
    %dma_wait3A_1800 = tpu.memref_slice %arg8[%dma_wait3A_1797, %dma_wait3A_1799] : memref<25x128xi32, #tpu.memory_space<vmem>> -> memref<1x128xi32, #tpu.memory_space<vmem>>
    %dma_wait3A_1801 = tpu.memref_squeeze %dma_wait3A_1800 : memref<1x128xi32, #tpu.memory_space<vmem>> -> memref<128xi32, #tpu.memory_space<vmem>>
    %dma_wait3A_1802 = tpu.memref_slice %arg3[%dma_wait3A_1796, %multiple_of3A_1780] : memref<2x50000xi32, #tpu.memory_space<hbm>> -> memref<1x128xi32, #tpu.memory_space<hbm>>
    %dma_wait3A_1803 = tpu.memref_squeeze %dma_wait3A_1802 : memref<1x128xi32, #tpu.memory_space<hbm>> -> memref<128xi32, #tpu.memory_space<hbm>>
    %dma_wait3A_1804 = tpu.memref_slice %arg11[%dma_wait3A_1798] : memref<25x!tpu.dma_semaphore, #tpu.memory_space<semaphore_mem>> -> memref<1x!tpu.dma_semaphore, #tpu.memory_space<semaphore_mem>>
    %dma_wait3A_1805 = tpu.memref_squeeze %dma_wait3A_1804 : memref<1x!tpu.dma_semaphore, #tpu.memory_space<semaphore_mem>> -> memref<!tpu.dma_semaphore, #tpu.memory_space<semaphore_mem>>
    %dma_wait3A_1806 = arith.constant 0 : i32
    %dma_wait3A_1807 = tpu.memref_slice %arg8[%dma_wait3A_1797, %dma_wait3A_1806] : memref<25x128xi32, #tpu.memory_space<vmem>> -> memref<1x128xi32, #tpu.memory_space<vmem>>
    %dma_wait3A_1808 = tpu.memref_squeeze %dma_wait3A_1807 : memref<1x128xi32, #tpu.memory_space<vmem>> -> memref<128xi32, #tpu.memory_space<vmem>>
    %dma_wait3A_1809 = tpu.memref_slice %arg3[%dma_wait3A_1796, %multiple_of3A_1780] : memref<2x50000xi32, #tpu.memory_space<hbm>> -> memref<1x128xi32, #tpu.memory_space<hbm>>
    %dma_wait3A_1810 = tpu.memref_squeeze %dma_wait3A_1809 : memref<1x128xi32, #tpu.memory_space<hbm>> -> memref<128xi32, #tpu.memory_space<hbm>>
    tpu.wait_dma2 semaphore(%dma_wait3A_1805 : memref<!tpu.dma_semaphore, #tpu.memory_space<semaphore_mem>>) src(%dma_wait3A_1810 : memref<128xi32, #tpu.memory_space<hbm>>) dst(%dma_wait3A_1808 : memref<128xi32, #tpu.memory_space<vmem>>)
    %dma_start3A_1811 = arith.constant 15 : i32
    %dma_start3A_1812 = arith.constant 15 : i32
    %dma_start3A_1813 = arith.constant 1920 : i32
    %dma_start3A_1814 = arith.constant 0 : i32
    %dma_start3A_1815 = tpu.memref_slice %arg9[%dma_start3A_1813, %dma_start3A_1814] : memref<3200x16xf32, #tpu.memory_space<vmem>> -> memref<128x16xf32, #tpu.memory_space<vmem>>
    %dma_start3A_1816 = arith.constant 0 : i32
    %dma_start3A_1817 = tpu.memref_slice %arg7[%dma_start3A_1811, %dma_start3A_1816] : memref<25x128xi32, #tpu.memory_space<vmem>> -> memref<1x128xi32, #tpu.memory_space<vmem>>
    %dma_start3A_1818 = tpu.memref_squeeze %dma_start3A_1817 : memref<1x128xi32, #tpu.memory_space<vmem>> -> memref<128xi32, #tpu.memory_space<vmem>>
    %dma_start3A_1819 = arith.constant 0 : i32
    %dma_start3A_1820 = arith.constant 0 : i32
    %dma_start3A_1821 = tpu.memref_slice %arg6[%dma_start3A_1819, %dma_start3A_1820] : memref<10112x16xf32, #tpu.memory_space<vmem_shared>> -> memref<10112x16xf32, #tpu.memory_space<vmem_shared>>
    %dma_start3A_1822 = tpu.memref_slice %arg11[%dma_start3A_1812] : memref<25x!tpu.dma_semaphore, #tpu.memory_space<semaphore_mem>> -> memref<1x!tpu.dma_semaphore, #tpu.memory_space<semaphore_mem>>
    %dma_start3A_1823 = tpu.memref_squeeze %dma_start3A_1822 : memref<1x!tpu.dma_semaphore, #tpu.memory_space<semaphore_mem>> -> memref<!tpu.dma_semaphore, #tpu.memory_space<semaphore_mem>>
    tpu.enqueue_indirect_dma source(%dma_start3A_1821 : memref<10112x16xf32, #tpu.memory_space<vmem_shared>>) target(%dma_start3A_1815 : memref<128x16xf32, #tpu.memory_space<vmem>>) offsets(%dma_start3A_1818 : memref<128xi32, #tpu.memory_space<vmem>>) semaphore(%dma_start3A_1823 : memref<!tpu.dma_semaphore, #tpu.memory_space<semaphore_mem>>)
    %add3A_1824 = arith.constant 256 : i32
    %add3A_1825 = arith.addi %add3A_1824, %arg1 : i32
    %ge3A_1826 = arith.constant 390 : i32
    %ge3A_1827 = arith.cmpi sge, %add3A_1825, %ge3A_1826 : i32
    %mul3A_1828 = arith.constant 128 : i32
    %mul3A_1829 = arith.muli %add3A_1825, %mul3A_1828 : i32
    %jit3A_1830 = arith.constant 49872 : i32
    %select_n3A_1831 = arith.select %ge3A_1827, %jit3A_1830, %mul3A_1829 : i32
    %multiple_of3A_1832 = tpu.assume_multiple %select_n3A_1831, 8 : i32
    %dma_wait3A_1833 = arith.constant 0 : i32
    %dma_wait3A_1834 = arith.constant 16 : i32
    %dma_wait3A_1835 = arith.constant 16 : i32
    %dma_wait3A_1836 = arith.constant 0 : i32
    %dma_wait3A_1837 = tpu.memref_slice %arg7[%dma_wait3A_1834, %dma_wait3A_1836] : memref<25x128xi32, #tpu.memory_space<vmem>> -> memref<1x128xi32, #tpu.memory_space<vmem>>
    %dma_wait3A_1838 = tpu.memref_squeeze %dma_wait3A_1837 : memref<1x128xi32, #tpu.memory_space<vmem>> -> memref<128xi32, #tpu.memory_space<vmem>>
    %dma_wait3A_1839 = tpu.memref_slice %arg3[%dma_wait3A_1833, %multiple_of3A_1832] : memref<2x50000xi32, #tpu.memory_space<hbm>> -> memref<1x128xi32, #tpu.memory_space<hbm>>
    %dma_wait3A_1840 = tpu.memref_squeeze %dma_wait3A_1839 : memref<1x128xi32, #tpu.memory_space<hbm>> -> memref<128xi32, #tpu.memory_space<hbm>>
    %dma_wait3A_1841 = tpu.memref_slice %arg11[%dma_wait3A_1835] : memref<25x!tpu.dma_semaphore, #tpu.memory_space<semaphore_mem>> -> memref<1x!tpu.dma_semaphore, #tpu.memory_space<semaphore_mem>>
    %dma_wait3A_1842 = tpu.memref_squeeze %dma_wait3A_1841 : memref<1x!tpu.dma_semaphore, #tpu.memory_space<semaphore_mem>> -> memref<!tpu.dma_semaphore, #tpu.memory_space<semaphore_mem>>
    %dma_wait3A_1843 = arith.constant 0 : i32
    %dma_wait3A_1844 = tpu.memref_slice %arg7[%dma_wait3A_1834, %dma_wait3A_1843] : memref<25x128xi32, #tpu.memory_space<vmem>> -> memref<1x128xi32, #tpu.memory_space<vmem>>
    %dma_wait3A_1845 = tpu.memref_squeeze %dma_wait3A_1844 : memref<1x128xi32, #tpu.memory_space<vmem>> -> memref<128xi32, #tpu.memory_space<vmem>>
    %dma_wait3A_1846 = tpu.memref_slice %arg3[%dma_wait3A_1833, %multiple_of3A_1832] : memref<2x50000xi32, #tpu.memory_space<hbm>> -> memref<1x128xi32, #tpu.memory_space<hbm>>
    %dma_wait3A_1847 = tpu.memref_squeeze %dma_wait3A_1846 : memref<1x128xi32, #tpu.memory_space<hbm>> -> memref<128xi32, #tpu.memory_space<hbm>>
    tpu.wait_dma2 semaphore(%dma_wait3A_1842 : memref<!tpu.dma_semaphore, #tpu.memory_space<semaphore_mem>>) src(%dma_wait3A_1847 : memref<128xi32, #tpu.memory_space<hbm>>) dst(%dma_wait3A_1845 : memref<128xi32, #tpu.memory_space<vmem>>)
    %dma_wait3A_1848 = arith.constant 1 : i32
    %dma_wait3A_1849 = arith.constant 16 : i32
    %dma_wait3A_1850 = arith.constant 16 : i32
    %dma_wait3A_1851 = arith.constant 0 : i32
    %dma_wait3A_1852 = tpu.memref_slice %arg8[%dma_wait3A_1849, %dma_wait3A_1851] : memref<25x128xi32, #tpu.memory_space<vmem>> -> memref<1x128xi32, #tpu.memory_space<vmem>>
    %dma_wait3A_1853 = tpu.memref_squeeze %dma_wait3A_1852 : memref<1x128xi32, #tpu.memory_space<vmem>> -> memref<128xi32, #tpu.memory_space<vmem>>
    %dma_wait3A_1854 = tpu.memref_slice %arg3[%dma_wait3A_1848, %multiple_of3A_1832] : memref<2x50000xi32, #tpu.memory_space<hbm>> -> memref<1x128xi32, #tpu.memory_space<hbm>>
    %dma_wait3A_1855 = tpu.memref_squeeze %dma_wait3A_1854 : memref<1x128xi32, #tpu.memory_space<hbm>> -> memref<128xi32, #tpu.memory_space<hbm>>
    %dma_wait3A_1856 = tpu.memref_slice %arg11[%dma_wait3A_1850] : memref<25x!tpu.dma_semaphore, #tpu.memory_space<semaphore_mem>> -> memref<1x!tpu.dma_semaphore, #tpu.memory_space<semaphore_mem>>
    %dma_wait3A_1857 = tpu.memref_squeeze %dma_wait3A_1856 : memref<1x!tpu.dma_semaphore, #tpu.memory_space<semaphore_mem>> -> memref<!tpu.dma_semaphore, #tpu.memory_space<semaphore_mem>>
    %dma_wait3A_1858 = arith.constant 0 : i32
    %dma_wait3A_1859 = tpu.memref_slice %arg8[%dma_wait3A_1849, %dma_wait3A_1858] : memref<25x128xi32, #tpu.memory_space<vmem>> -> memref<1x128xi32, #tpu.memory_space<vmem>>
    %dma_wait3A_1860 = tpu.memref_squeeze %dma_wait3A_1859 : memref<1x128xi32, #tpu.memory_space<vmem>> -> memref<128xi32, #tpu.memory_space<vmem>>
    %dma_wait3A_1861 = tpu.memref_slice %arg3[%dma_wait3A_1848, %multiple_of3A_1832] : memref<2x50000xi32, #tpu.memory_space<hbm>> -> memref<1x128xi32, #tpu.memory_space<hbm>>
    %dma_wait3A_1862 = tpu.memref_squeeze %dma_wait3A_1861 : memref<1x128xi32, #tpu.memory_space<hbm>> -> memref<128xi32, #tpu.memory_space<hbm>>
    tpu.wait_dma2 semaphore(%dma_wait3A_1857 : memref<!tpu.dma_semaphore, #tpu.memory_space<semaphore_mem>>) src(%dma_wait3A_1862 : memref<128xi32, #tpu.memory_space<hbm>>) dst(%dma_wait3A_1860 : memref<128xi32, #tpu.memory_space<vmem>>)
    %dma_start3A_1863 = arith.constant 16 : i32
    %dma_start3A_1864 = arith.constant 16 : i32
    %dma_start3A_1865 = arith.constant 2048 : i32
    %dma_start3A_1866 = arith.constant 0 : i32
    %dma_start3A_1867 = tpu.memref_slice %arg9[%dma_start3A_1865, %dma_start3A_1866] : memref<3200x16xf32, #tpu.memory_space<vmem>> -> memref<128x16xf32, #tpu.memory_space<vmem>>
    %dma_start3A_1868 = arith.constant 0 : i32
    %dma_start3A_1869 = tpu.memref_slice %arg7[%dma_start3A_1863, %dma_start3A_1868] : memref<25x128xi32, #tpu.memory_space<vmem>> -> memref<1x128xi32, #tpu.memory_space<vmem>>
    %dma_start3A_1870 = tpu.memref_squeeze %dma_start3A_1869 : memref<1x128xi32, #tpu.memory_space<vmem>> -> memref<128xi32, #tpu.memory_space<vmem>>
    %dma_start3A_1871 = arith.constant 0 : i32
    %dma_start3A_1872 = arith.constant 0 : i32
    %dma_start3A_1873 = tpu.memref_slice %arg6[%dma_start3A_1871, %dma_start3A_1872] : memref<10112x16xf32, #tpu.memory_space<vmem_shared>> -> memref<10112x16xf32, #tpu.memory_space<vmem_shared>>
    %dma_start3A_1874 = tpu.memref_slice %arg11[%dma_start3A_1864] : memref<25x!tpu.dma_semaphore, #tpu.memory_space<semaphore_mem>> -> memref<1x!tpu.dma_semaphore, #tpu.memory_space<semaphore_mem>>
    %dma_start3A_1875 = tpu.memref_squeeze %dma_start3A_1874 : memref<1x!tpu.dma_semaphore, #tpu.memory_space<semaphore_mem>> -> memref<!tpu.dma_semaphore, #tpu.memory_space<semaphore_mem>>
    tpu.enqueue_indirect_dma source(%dma_start3A_1873 : memref<10112x16xf32, #tpu.memory_space<vmem_shared>>) target(%dma_start3A_1867 : memref<128x16xf32, #tpu.memory_space<vmem>>) offsets(%dma_start3A_1870 : memref<128xi32, #tpu.memory_space<vmem>>) semaphore(%dma_start3A_1875 : memref<!tpu.dma_semaphore, #tpu.memory_space<semaphore_mem>>)
    %add3A_1876 = arith.constant 272 : i32
    %add3A_1877 = arith.addi %add3A_1876, %arg1 : i32
    %ge3A_1878 = arith.constant 390 : i32
    %ge3A_1879 = arith.cmpi sge, %add3A_1877, %ge3A_1878 : i32
    %mul3A_1880 = arith.constant 128 : i32
    %mul3A_1881 = arith.muli %add3A_1877, %mul3A_1880 : i32
    %jit3A_1882 = arith.constant 49872 : i32
    %select_n3A_1883 = arith.select %ge3A_1879, %jit3A_1882, %mul3A_1881 : i32
    %multiple_of3A_1884 = tpu.assume_multiple %select_n3A_1883, 8 : i32
    %dma_wait3A_1885 = arith.constant 0 : i32
    %dma_wait3A_1886 = arith.constant 17 : i32
    %dma_wait3A_1887 = arith.constant 17 : i32
    %dma_wait3A_1888 = arith.constant 0 : i32
    %dma_wait3A_1889 = tpu.memref_slice %arg7[%dma_wait3A_1886, %dma_wait3A_1888] : memref<25x128xi32, #tpu.memory_space<vmem>> -> memref<1x128xi32, #tpu.memory_space<vmem>>
    %dma_wait3A_1890 = tpu.memref_squeeze %dma_wait3A_1889 : memref<1x128xi32, #tpu.memory_space<vmem>> -> memref<128xi32, #tpu.memory_space<vmem>>
    %dma_wait3A_1891 = tpu.memref_slice %arg3[%dma_wait3A_1885, %multiple_of3A_1884] : memref<2x50000xi32, #tpu.memory_space<hbm>> -> memref<1x128xi32, #tpu.memory_space<hbm>>
    %dma_wait3A_1892 = tpu.memref_squeeze %dma_wait3A_1891 : memref<1x128xi32, #tpu.memory_space<hbm>> -> memref<128xi32, #tpu.memory_space<hbm>>
    %dma_wait3A_1893 = tpu.memref_slice %arg11[%dma_wait3A_1887] : memref<25x!tpu.dma_semaphore, #tpu.memory_space<semaphore_mem>> -> memref<1x!tpu.dma_semaphore, #tpu.memory_space<semaphore_mem>>
    %dma_wait3A_1894 = tpu.memref_squeeze %dma_wait3A_1893 : memref<1x!tpu.dma_semaphore, #tpu.memory_space<semaphore_mem>> -> memref<!tpu.dma_semaphore, #tpu.memory_space<semaphore_mem>>
    %dma_wait3A_1895 = arith.constant 0 : i32
    %dma_wait3A_1896 = tpu.memref_slice %arg7[%dma_wait3A_1886, %dma_wait3A_1895] : memref<25x128xi32, #tpu.memory_space<vmem>> -> memref<1x128xi32, #tpu.memory_space<vmem>>
    %dma_wait3A_1897 = tpu.memref_squeeze %dma_wait3A_1896 : memref<1x128xi32, #tpu.memory_space<vmem>> -> memref<128xi32, #tpu.memory_space<vmem>>
    %dma_wait3A_1898 = tpu.memref_slice %arg3[%dma_wait3A_1885, %multiple_of3A_1884] : memref<2x50000xi32, #tpu.memory_space<hbm>> -> memref<1x128xi32, #tpu.memory_space<hbm>>
    %dma_wait3A_1899 = tpu.memref_squeeze %dma_wait3A_1898 : memref<1x128xi32, #tpu.memory_space<hbm>> -> memref<128xi32, #tpu.memory_space<hbm>>
    tpu.wait_dma2 semaphore(%dma_wait3A_1894 : memref<!tpu.dma_semaphore, #tpu.memory_space<semaphore_mem>>) src(%dma_wait3A_1899 : memref<128xi32, #tpu.memory_space<hbm>>) dst(%dma_wait3A_1897 : memref<128xi32, #tpu.memory_space<vmem>>)
    %dma_wait3A_1900 = arith.constant 1 : i32
    %dma_wait3A_1901 = arith.constant 17 : i32
    %dma_wait3A_1902 = arith.constant 17 : i32
    %dma_wait3A_1903 = arith.constant 0 : i32
    %dma_wait3A_1904 = tpu.memref_slice %arg8[%dma_wait3A_1901, %dma_wait3A_1903] : memref<25x128xi32, #tpu.memory_space<vmem>> -> memref<1x128xi32, #tpu.memory_space<vmem>>
    %dma_wait3A_1905 = tpu.memref_squeeze %dma_wait3A_1904 : memref<1x128xi32, #tpu.memory_space<vmem>> -> memref<128xi32, #tpu.memory_space<vmem>>
    %dma_wait3A_1906 = tpu.memref_slice %arg3[%dma_wait3A_1900, %multiple_of3A_1884] : memref<2x50000xi32, #tpu.memory_space<hbm>> -> memref<1x128xi32, #tpu.memory_space<hbm>>
    %dma_wait3A_1907 = tpu.memref_squeeze %dma_wait3A_1906 : memref<1x128xi32, #tpu.memory_space<hbm>> -> memref<128xi32, #tpu.memory_space<hbm>>
    %dma_wait3A_1908 = tpu.memref_slice %arg11[%dma_wait3A_1902] : memref<25x!tpu.dma_semaphore, #tpu.memory_space<semaphore_mem>> -> memref<1x!tpu.dma_semaphore, #tpu.memory_space<semaphore_mem>>
    %dma_wait3A_1909 = tpu.memref_squeeze %dma_wait3A_1908 : memref<1x!tpu.dma_semaphore, #tpu.memory_space<semaphore_mem>> -> memref<!tpu.dma_semaphore, #tpu.memory_space<semaphore_mem>>
    %dma_wait3A_1910 = arith.constant 0 : i32
    %dma_wait3A_1911 = tpu.memref_slice %arg8[%dma_wait3A_1901, %dma_wait3A_1910] : memref<25x128xi32, #tpu.memory_space<vmem>> -> memref<1x128xi32, #tpu.memory_space<vmem>>
    %dma_wait3A_1912 = tpu.memref_squeeze %dma_wait3A_1911 : memref<1x128xi32, #tpu.memory_space<vmem>> -> memref<128xi32, #tpu.memory_space<vmem>>
    %dma_wait3A_1913 = tpu.memref_slice %arg3[%dma_wait3A_1900, %multiple_of3A_1884] : memref<2x50000xi32, #tpu.memory_space<hbm>> -> memref<1x128xi32, #tpu.memory_space<hbm>>
    %dma_wait3A_1914 = tpu.memref_squeeze %dma_wait3A_1913 : memref<1x128xi32, #tpu.memory_space<hbm>> -> memref<128xi32, #tpu.memory_space<hbm>>
    tpu.wait_dma2 semaphore(%dma_wait3A_1909 : memref<!tpu.dma_semaphore, #tpu.memory_space<semaphore_mem>>) src(%dma_wait3A_1914 : memref<128xi32, #tpu.memory_space<hbm>>) dst(%dma_wait3A_1912 : memref<128xi32, #tpu.memory_space<vmem>>)
    %dma_start3A_1915 = arith.constant 17 : i32
    %dma_start3A_1916 = arith.constant 17 : i32
    %dma_start3A_1917 = arith.constant 2176 : i32
    %dma_start3A_1918 = arith.constant 0 : i32
    %dma_start3A_1919 = tpu.memref_slice %arg9[%dma_start3A_1917, %dma_start3A_1918] : memref<3200x16xf32, #tpu.memory_space<vmem>> -> memref<128x16xf32, #tpu.memory_space<vmem>>
    %dma_start3A_1920 = arith.constant 0 : i32
    %dma_start3A_1921 = tpu.memref_slice %arg7[%dma_start3A_1915, %dma_start3A_1920] : memref<25x128xi32, #tpu.memory_space<vmem>> -> memref<1x128xi32, #tpu.memory_space<vmem>>
    %dma_start3A_1922 = tpu.memref_squeeze %dma_start3A_1921 : memref<1x128xi32, #tpu.memory_space<vmem>> -> memref<128xi32, #tpu.memory_space<vmem>>
    %dma_start3A_1923 = arith.constant 0 : i32
    %dma_start3A_1924 = arith.constant 0 : i32
    %dma_start3A_1925 = tpu.memref_slice %arg6[%dma_start3A_1923, %dma_start3A_1924] : memref<10112x16xf32, #tpu.memory_space<vmem_shared>> -> memref<10112x16xf32, #tpu.memory_space<vmem_shared>>
    %dma_start3A_1926 = tpu.memref_slice %arg11[%dma_start3A_1916] : memref<25x!tpu.dma_semaphore, #tpu.memory_space<semaphore_mem>> -> memref<1x!tpu.dma_semaphore, #tpu.memory_space<semaphore_mem>>
    %dma_start3A_1927 = tpu.memref_squeeze %dma_start3A_1926 : memref<1x!tpu.dma_semaphore, #tpu.memory_space<semaphore_mem>> -> memref<!tpu.dma_semaphore, #tpu.memory_space<semaphore_mem>>
    tpu.enqueue_indirect_dma source(%dma_start3A_1925 : memref<10112x16xf32, #tpu.memory_space<vmem_shared>>) target(%dma_start3A_1919 : memref<128x16xf32, #tpu.memory_space<vmem>>) offsets(%dma_start3A_1922 : memref<128xi32, #tpu.memory_space<vmem>>) semaphore(%dma_start3A_1927 : memref<!tpu.dma_semaphore, #tpu.memory_space<semaphore_mem>>)
    %add3A_1928 = arith.constant 288 : i32
    %add3A_1929 = arith.addi %add3A_1928, %arg1 : i32
    %ge3A_1930 = arith.constant 390 : i32
    %ge3A_1931 = arith.cmpi sge, %add3A_1929, %ge3A_1930 : i32
    %mul3A_1932 = arith.constant 128 : i32
    %mul3A_1933 = arith.muli %add3A_1929, %mul3A_1932 : i32
    %jit3A_1934 = arith.constant 49872 : i32
    %select_n3A_1935 = arith.select %ge3A_1931, %jit3A_1934, %mul3A_1933 : i32
    %multiple_of3A_1936 = tpu.assume_multiple %select_n3A_1935, 8 : i32
    %dma_wait3A_1937 = arith.constant 0 : i32
    %dma_wait3A_1938 = arith.constant 18 : i32
    %dma_wait3A_1939 = arith.constant 18 : i32
    %dma_wait3A_1940 = arith.constant 0 : i32
    %dma_wait3A_1941 = tpu.memref_slice %arg7[%dma_wait3A_1938, %dma_wait3A_1940] : memref<25x128xi32, #tpu.memory_space<vmem>> -> memref<1x128xi32, #tpu.memory_space<vmem>>
    %dma_wait3A_1942 = tpu.memref_squeeze %dma_wait3A_1941 : memref<1x128xi32, #tpu.memory_space<vmem>> -> memref<128xi32, #tpu.memory_space<vmem>>
    %dma_wait3A_1943 = tpu.memref_slice %arg3[%dma_wait3A_1937, %multiple_of3A_1936] : memref<2x50000xi32, #tpu.memory_space<hbm>> -> memref<1x128xi32, #tpu.memory_space<hbm>>
    %dma_wait3A_1944 = tpu.memref_squeeze %dma_wait3A_1943 : memref<1x128xi32, #tpu.memory_space<hbm>> -> memref<128xi32, #tpu.memory_space<hbm>>
    %dma_wait3A_1945 = tpu.memref_slice %arg11[%dma_wait3A_1939] : memref<25x!tpu.dma_semaphore, #tpu.memory_space<semaphore_mem>> -> memref<1x!tpu.dma_semaphore, #tpu.memory_space<semaphore_mem>>
    %dma_wait3A_1946 = tpu.memref_squeeze %dma_wait3A_1945 : memref<1x!tpu.dma_semaphore, #tpu.memory_space<semaphore_mem>> -> memref<!tpu.dma_semaphore, #tpu.memory_space<semaphore_mem>>
    %dma_wait3A_1947 = arith.constant 0 : i32
    %dma_wait3A_1948 = tpu.memref_slice %arg7[%dma_wait3A_1938, %dma_wait3A_1947] : memref<25x128xi32, #tpu.memory_space<vmem>> -> memref<1x128xi32, #tpu.memory_space<vmem>>
    %dma_wait3A_1949 = tpu.memref_squeeze %dma_wait3A_1948 : memref<1x128xi32, #tpu.memory_space<vmem>> -> memref<128xi32, #tpu.memory_space<vmem>>
    %dma_wait3A_1950 = tpu.memref_slice %arg3[%dma_wait3A_1937, %multiple_of3A_1936] : memref<2x50000xi32, #tpu.memory_space<hbm>> -> memref<1x128xi32, #tpu.memory_space<hbm>>
    %dma_wait3A_1951 = tpu.memref_squeeze %dma_wait3A_1950 : memref<1x128xi32, #tpu.memory_space<hbm>> -> memref<128xi32, #tpu.memory_space<hbm>>
    tpu.wait_dma2 semaphore(%dma_wait3A_1946 : memref<!tpu.dma_semaphore, #tpu.memory_space<semaphore_mem>>) src(%dma_wait3A_1951 : memref<128xi32, #tpu.memory_space<hbm>>) dst(%dma_wait3A_1949 : memref<128xi32, #tpu.memory_space<vmem>>)
    %dma_wait3A_1952 = arith.constant 1 : i32
    %dma_wait3A_1953 = arith.constant 18 : i32
    %dma_wait3A_1954 = arith.constant 18 : i32
    %dma_wait3A_1955 = arith.constant 0 : i32
    %dma_wait3A_1956 = tpu.memref_slice %arg8[%dma_wait3A_1953, %dma_wait3A_1955] : memref<25x128xi32, #tpu.memory_space<vmem>> -> memref<1x128xi32, #tpu.memory_space<vmem>>
    %dma_wait3A_1957 = tpu.memref_squeeze %dma_wait3A_1956 : memref<1x128xi32, #tpu.memory_space<vmem>> -> memref<128xi32, #tpu.memory_space<vmem>>
    %dma_wait3A_1958 = tpu.memref_slice %arg3[%dma_wait3A_1952, %multiple_of3A_1936] : memref<2x50000xi32, #tpu.memory_space<hbm>> -> memref<1x128xi32, #tpu.memory_space<hbm>>
    %dma_wait3A_1959 = tpu.memref_squeeze %dma_wait3A_1958 : memref<1x128xi32, #tpu.memory_space<hbm>> -> memref<128xi32, #tpu.memory_space<hbm>>
    %dma_wait3A_1960 = tpu.memref_slice %arg11[%dma_wait3A_1954] : memref<25x!tpu.dma_semaphore, #tpu.memory_space<semaphore_mem>> -> memref<1x!tpu.dma_semaphore, #tpu.memory_space<semaphore_mem>>
    %dma_wait3A_1961 = tpu.memref_squeeze %dma_wait3A_1960 : memref<1x!tpu.dma_semaphore, #tpu.memory_space<semaphore_mem>> -> memref<!tpu.dma_semaphore, #tpu.memory_space<semaphore_mem>>
    %dma_wait3A_1962 = arith.constant 0 : i32
    %dma_wait3A_1963 = tpu.memref_slice %arg8[%dma_wait3A_1953, %dma_wait3A_1962] : memref<25x128xi32, #tpu.memory_space<vmem>> -> memref<1x128xi32, #tpu.memory_space<vmem>>
    %dma_wait3A_1964 = tpu.memref_squeeze %dma_wait3A_1963 : memref<1x128xi32, #tpu.memory_space<vmem>> -> memref<128xi32, #tpu.memory_space<vmem>>
    %dma_wait3A_1965 = tpu.memref_slice %arg3[%dma_wait3A_1952, %multiple_of3A_1936] : memref<2x50000xi32, #tpu.memory_space<hbm>> -> memref<1x128xi32, #tpu.memory_space<hbm>>
    %dma_wait3A_1966 = tpu.memref_squeeze %dma_wait3A_1965 : memref<1x128xi32, #tpu.memory_space<hbm>> -> memref<128xi32, #tpu.memory_space<hbm>>
    tpu.wait_dma2 semaphore(%dma_wait3A_1961 : memref<!tpu.dma_semaphore, #tpu.memory_space<semaphore_mem>>) src(%dma_wait3A_1966 : memref<128xi32, #tpu.memory_space<hbm>>) dst(%dma_wait3A_1964 : memref<128xi32, #tpu.memory_space<vmem>>)
    %dma_start3A_1967 = arith.constant 18 : i32
    %dma_start3A_1968 = arith.constant 18 : i32
    %dma_start3A_1969 = arith.constant 2304 : i32
    %dma_start3A_1970 = arith.constant 0 : i32
    %dma_start3A_1971 = tpu.memref_slice %arg9[%dma_start3A_1969, %dma_start3A_1970] : memref<3200x16xf32, #tpu.memory_space<vmem>> -> memref<128x16xf32, #tpu.memory_space<vmem>>
    %dma_start3A_1972 = arith.constant 0 : i32
    %dma_start3A_1973 = tpu.memref_slice %arg7[%dma_start3A_1967, %dma_start3A_1972] : memref<25x128xi32, #tpu.memory_space<vmem>> -> memref<1x128xi32, #tpu.memory_space<vmem>>
    %dma_start3A_1974 = tpu.memref_squeeze %dma_start3A_1973 : memref<1x128xi32, #tpu.memory_space<vmem>> -> memref<128xi32, #tpu.memory_space<vmem>>
    %dma_start3A_1975 = arith.constant 0 : i32
    %dma_start3A_1976 = arith.constant 0 : i32
    %dma_start3A_1977 = tpu.memref_slice %arg6[%dma_start3A_1975, %dma_start3A_1976] : memref<10112x16xf32, #tpu.memory_space<vmem_shared>> -> memref<10112x16xf32, #tpu.memory_space<vmem_shared>>
    %dma_start3A_1978 = tpu.memref_slice %arg11[%dma_start3A_1968] : memref<25x!tpu.dma_semaphore, #tpu.memory_space<semaphore_mem>> -> memref<1x!tpu.dma_semaphore, #tpu.memory_space<semaphore_mem>>
    %dma_start3A_1979 = tpu.memref_squeeze %dma_start3A_1978 : memref<1x!tpu.dma_semaphore, #tpu.memory_space<semaphore_mem>> -> memref<!tpu.dma_semaphore, #tpu.memory_space<semaphore_mem>>
    tpu.enqueue_indirect_dma source(%dma_start3A_1977 : memref<10112x16xf32, #tpu.memory_space<vmem_shared>>) target(%dma_start3A_1971 : memref<128x16xf32, #tpu.memory_space<vmem>>) offsets(%dma_start3A_1974 : memref<128xi32, #tpu.memory_space<vmem>>) semaphore(%dma_start3A_1979 : memref<!tpu.dma_semaphore, #tpu.memory_space<semaphore_mem>>)
    %add3A_1980 = arith.constant 304 : i32
    %add3A_1981 = arith.addi %add3A_1980, %arg1 : i32
    %ge3A_1982 = arith.constant 390 : i32
    %ge3A_1983 = arith.cmpi sge, %add3A_1981, %ge3A_1982 : i32
    %mul3A_1984 = arith.constant 128 : i32
    %mul3A_1985 = arith.muli %add3A_1981, %mul3A_1984 : i32
    %jit3A_1986 = arith.constant 49872 : i32
    %select_n3A_1987 = arith.select %ge3A_1983, %jit3A_1986, %mul3A_1985 : i32
    %multiple_of3A_1988 = tpu.assume_multiple %select_n3A_1987, 8 : i32
    %dma_wait3A_1989 = arith.constant 0 : i32
    %dma_wait3A_1990 = arith.constant 19 : i32
    %dma_wait3A_1991 = arith.constant 19 : i32
    %dma_wait3A_1992 = arith.constant 0 : i32
    %dma_wait3A_1993 = tpu.memref_slice %arg7[%dma_wait3A_1990, %dma_wait3A_1992] : memref<25x128xi32, #tpu.memory_space<vmem>> -> memref<1x128xi32, #tpu.memory_space<vmem>>
    %dma_wait3A_1994 = tpu.memref_squeeze %dma_wait3A_1993 : memref<1x128xi32, #tpu.memory_space<vmem>> -> memref<128xi32, #tpu.memory_space<vmem>>
    %dma_wait3A_1995 = tpu.memref_slice %arg3[%dma_wait3A_1989, %multiple_of3A_1988] : memref<2x50000xi32, #tpu.memory_space<hbm>> -> memref<1x128xi32, #tpu.memory_space<hbm>>
    %dma_wait3A_1996 = tpu.memref_squeeze %dma_wait3A_1995 : memref<1x128xi32, #tpu.memory_space<hbm>> -> memref<128xi32, #tpu.memory_space<hbm>>
    %dma_wait3A_1997 = tpu.memref_slice %arg11[%dma_wait3A_1991] : memref<25x!tpu.dma_semaphore, #tpu.memory_space<semaphore_mem>> -> memref<1x!tpu.dma_semaphore, #tpu.memory_space<semaphore_mem>>
    %dma_wait3A_1998 = tpu.memref_squeeze %dma_wait3A_1997 : memref<1x!tpu.dma_semaphore, #tpu.memory_space<semaphore_mem>> -> memref<!tpu.dma_semaphore, #tpu.memory_space<semaphore_mem>>
    %dma_wait3A_1999 = arith.constant 0 : i32
    %dma_wait3A_2000 = tpu.memref_slice %arg7[%dma_wait3A_1990, %dma_wait3A_1999] : memref<25x128xi32, #tpu.memory_space<vmem>> -> memref<1x128xi32, #tpu.memory_space<vmem>>
    %dma_wait3A_2001 = tpu.memref_squeeze %dma_wait3A_2000 : memref<1x128xi32, #tpu.memory_space<vmem>> -> memref<128xi32, #tpu.memory_space<vmem>>
    %dma_wait3A_2002 = tpu.memref_slice %arg3[%dma_wait3A_1989, %multiple_of3A_1988] : memref<2x50000xi32, #tpu.memory_space<hbm>> -> memref<1x128xi32, #tpu.memory_space<hbm>>
    %dma_wait3A_2003 = tpu.memref_squeeze %dma_wait3A_2002 : memref<1x128xi32, #tpu.memory_space<hbm>> -> memref<128xi32, #tpu.memory_space<hbm>>
    tpu.wait_dma2 semaphore(%dma_wait3A_1998 : memref<!tpu.dma_semaphore, #tpu.memory_space<semaphore_mem>>) src(%dma_wait3A_2003 : memref<128xi32, #tpu.memory_space<hbm>>) dst(%dma_wait3A_2001 : memref<128xi32, #tpu.memory_space<vmem>>)
    %dma_wait3A_2004 = arith.constant 1 : i32
    %dma_wait3A_2005 = arith.constant 19 : i32
    %dma_wait3A_2006 = arith.constant 19 : i32
    %dma_wait3A_2007 = arith.constant 0 : i32
    %dma_wait3A_2008 = tpu.memref_slice %arg8[%dma_wait3A_2005, %dma_wait3A_2007] : memref<25x128xi32, #tpu.memory_space<vmem>> -> memref<1x128xi32, #tpu.memory_space<vmem>>
    %dma_wait3A_2009 = tpu.memref_squeeze %dma_wait3A_2008 : memref<1x128xi32, #tpu.memory_space<vmem>> -> memref<128xi32, #tpu.memory_space<vmem>>
    %dma_wait3A_2010 = tpu.memref_slice %arg3[%dma_wait3A_2004, %multiple_of3A_1988] : memref<2x50000xi32, #tpu.memory_space<hbm>> -> memref<1x128xi32, #tpu.memory_space<hbm>>
    %dma_wait3A_2011 = tpu.memref_squeeze %dma_wait3A_2010 : memref<1x128xi32, #tpu.memory_space<hbm>> -> memref<128xi32, #tpu.memory_space<hbm>>
    %dma_wait3A_2012 = tpu.memref_slice %arg11[%dma_wait3A_2006] : memref<25x!tpu.dma_semaphore, #tpu.memory_space<semaphore_mem>> -> memref<1x!tpu.dma_semaphore, #tpu.memory_space<semaphore_mem>>
    %dma_wait3A_2013 = tpu.memref_squeeze %dma_wait3A_2012 : memref<1x!tpu.dma_semaphore, #tpu.memory_space<semaphore_mem>> -> memref<!tpu.dma_semaphore, #tpu.memory_space<semaphore_mem>>
    %dma_wait3A_2014 = arith.constant 0 : i32
    %dma_wait3A_2015 = tpu.memref_slice %arg8[%dma_wait3A_2005, %dma_wait3A_2014] : memref<25x128xi32, #tpu.memory_space<vmem>> -> memref<1x128xi32, #tpu.memory_space<vmem>>
    %dma_wait3A_2016 = tpu.memref_squeeze %dma_wait3A_2015 : memref<1x128xi32, #tpu.memory_space<vmem>> -> memref<128xi32, #tpu.memory_space<vmem>>
    %dma_wait3A_2017 = tpu.memref_slice %arg3[%dma_wait3A_2004, %multiple_of3A_1988] : memref<2x50000xi32, #tpu.memory_space<hbm>> -> memref<1x128xi32, #tpu.memory_space<hbm>>
    %dma_wait3A_2018 = tpu.memref_squeeze %dma_wait3A_2017 : memref<1x128xi32, #tpu.memory_space<hbm>> -> memref<128xi32, #tpu.memory_space<hbm>>
    tpu.wait_dma2 semaphore(%dma_wait3A_2013 : memref<!tpu.dma_semaphore, #tpu.memory_space<semaphore_mem>>) src(%dma_wait3A_2018 : memref<128xi32, #tpu.memory_space<hbm>>) dst(%dma_wait3A_2016 : memref<128xi32, #tpu.memory_space<vmem>>)
    %dma_start3A_2019 = arith.constant 19 : i32
    %dma_start3A_2020 = arith.constant 19 : i32
    %dma_start3A_2021 = arith.constant 2432 : i32
    %dma_start3A_2022 = arith.constant 0 : i32
    %dma_start3A_2023 = tpu.memref_slice %arg9[%dma_start3A_2021, %dma_start3A_2022] : memref<3200x16xf32, #tpu.memory_space<vmem>> -> memref<128x16xf32, #tpu.memory_space<vmem>>
    %dma_start3A_2024 = arith.constant 0 : i32
    %dma_start3A_2025 = tpu.memref_slice %arg7[%dma_start3A_2019, %dma_start3A_2024] : memref<25x128xi32, #tpu.memory_space<vmem>> -> memref<1x128xi32, #tpu.memory_space<vmem>>
    %dma_start3A_2026 = tpu.memref_squeeze %dma_start3A_2025 : memref<1x128xi32, #tpu.memory_space<vmem>> -> memref<128xi32, #tpu.memory_space<vmem>>
    %dma_start3A_2027 = arith.constant 0 : i32
    %dma_start3A_2028 = arith.constant 0 : i32
    %dma_start3A_2029 = tpu.memref_slice %arg6[%dma_start3A_2027, %dma_start3A_2028] : memref<10112x16xf32, #tpu.memory_space<vmem_shared>> -> memref<10112x16xf32, #tpu.memory_space<vmem_shared>>
    %dma_start3A_2030 = tpu.memref_slice %arg11[%dma_start3A_2020] : memref<25x!tpu.dma_semaphore, #tpu.memory_space<semaphore_mem>> -> memref<1x!tpu.dma_semaphore, #tpu.memory_space<semaphore_mem>>
    %dma_start3A_2031 = tpu.memref_squeeze %dma_start3A_2030 : memref<1x!tpu.dma_semaphore, #tpu.memory_space<semaphore_mem>> -> memref<!tpu.dma_semaphore, #tpu.memory_space<semaphore_mem>>
    tpu.enqueue_indirect_dma source(%dma_start3A_2029 : memref<10112x16xf32, #tpu.memory_space<vmem_shared>>) target(%dma_start3A_2023 : memref<128x16xf32, #tpu.memory_space<vmem>>) offsets(%dma_start3A_2026 : memref<128xi32, #tpu.memory_space<vmem>>) semaphore(%dma_start3A_2031 : memref<!tpu.dma_semaphore, #tpu.memory_space<semaphore_mem>>)
    %add3A_2032 = arith.constant 320 : i32
    %add3A_2033 = arith.addi %add3A_2032, %arg1 : i32
    %ge3A_2034 = arith.constant 390 : i32
    %ge3A_2035 = arith.cmpi sge, %add3A_2033, %ge3A_2034 : i32
    %mul3A_2036 = arith.constant 128 : i32
    %mul3A_2037 = arith.muli %add3A_2033, %mul3A_2036 : i32
    %jit3A_2038 = arith.constant 49872 : i32
    %select_n3A_2039 = arith.select %ge3A_2035, %jit3A_2038, %mul3A_2037 : i32
    %multiple_of3A_2040 = tpu.assume_multiple %select_n3A_2039, 8 : i32
    %dma_wait3A_2041 = arith.constant 0 : i32
    %dma_wait3A_2042 = arith.constant 20 : i32
    %dma_wait3A_2043 = arith.constant 20 : i32
    %dma_wait3A_2044 = arith.constant 0 : i32
    %dma_wait3A_2045 = tpu.memref_slice %arg7[%dma_wait3A_2042, %dma_wait3A_2044] : memref<25x128xi32, #tpu.memory_space<vmem>> -> memref<1x128xi32, #tpu.memory_space<vmem>>
    %dma_wait3A_2046 = tpu.memref_squeeze %dma_wait3A_2045 : memref<1x128xi32, #tpu.memory_space<vmem>> -> memref<128xi32, #tpu.memory_space<vmem>>
    %dma_wait3A_2047 = tpu.memref_slice %arg3[%dma_wait3A_2041, %multiple_of3A_2040] : memref<2x50000xi32, #tpu.memory_space<hbm>> -> memref<1x128xi32, #tpu.memory_space<hbm>>
    %dma_wait3A_2048 = tpu.memref_squeeze %dma_wait3A_2047 : memref<1x128xi32, #tpu.memory_space<hbm>> -> memref<128xi32, #tpu.memory_space<hbm>>
    %dma_wait3A_2049 = tpu.memref_slice %arg11[%dma_wait3A_2043] : memref<25x!tpu.dma_semaphore, #tpu.memory_space<semaphore_mem>> -> memref<1x!tpu.dma_semaphore, #tpu.memory_space<semaphore_mem>>
    %dma_wait3A_2050 = tpu.memref_squeeze %dma_wait3A_2049 : memref<1x!tpu.dma_semaphore, #tpu.memory_space<semaphore_mem>> -> memref<!tpu.dma_semaphore, #tpu.memory_space<semaphore_mem>>
    %dma_wait3A_2051 = arith.constant 0 : i32
    %dma_wait3A_2052 = tpu.memref_slice %arg7[%dma_wait3A_2042, %dma_wait3A_2051] : memref<25x128xi32, #tpu.memory_space<vmem>> -> memref<1x128xi32, #tpu.memory_space<vmem>>
    %dma_wait3A_2053 = tpu.memref_squeeze %dma_wait3A_2052 : memref<1x128xi32, #tpu.memory_space<vmem>> -> memref<128xi32, #tpu.memory_space<vmem>>
    %dma_wait3A_2054 = tpu.memref_slice %arg3[%dma_wait3A_2041, %multiple_of3A_2040] : memref<2x50000xi32, #tpu.memory_space<hbm>> -> memref<1x128xi32, #tpu.memory_space<hbm>>
    %dma_wait3A_2055 = tpu.memref_squeeze %dma_wait3A_2054 : memref<1x128xi32, #tpu.memory_space<hbm>> -> memref<128xi32, #tpu.memory_space<hbm>>
    tpu.wait_dma2 semaphore(%dma_wait3A_2050 : memref<!tpu.dma_semaphore, #tpu.memory_space<semaphore_mem>>) src(%dma_wait3A_2055 : memref<128xi32, #tpu.memory_space<hbm>>) dst(%dma_wait3A_2053 : memref<128xi32, #tpu.memory_space<vmem>>)
    %dma_wait3A_2056 = arith.constant 1 : i32
    %dma_wait3A_2057 = arith.constant 20 : i32
    %dma_wait3A_2058 = arith.constant 20 : i32
    %dma_wait3A_2059 = arith.constant 0 : i32
    %dma_wait3A_2060 = tpu.memref_slice %arg8[%dma_wait3A_2057, %dma_wait3A_2059] : memref<25x128xi32, #tpu.memory_space<vmem>> -> memref<1x128xi32, #tpu.memory_space<vmem>>
    %dma_wait3A_2061 = tpu.memref_squeeze %dma_wait3A_2060 : memref<1x128xi32, #tpu.memory_space<vmem>> -> memref<128xi32, #tpu.memory_space<vmem>>
    %dma_wait3A_2062 = tpu.memref_slice %arg3[%dma_wait3A_2056, %multiple_of3A_2040] : memref<2x50000xi32, #tpu.memory_space<hbm>> -> memref<1x128xi32, #tpu.memory_space<hbm>>
    %dma_wait3A_2063 = tpu.memref_squeeze %dma_wait3A_2062 : memref<1x128xi32, #tpu.memory_space<hbm>> -> memref<128xi32, #tpu.memory_space<hbm>>
    %dma_wait3A_2064 = tpu.memref_slice %arg11[%dma_wait3A_2058] : memref<25x!tpu.dma_semaphore, #tpu.memory_space<semaphore_mem>> -> memref<1x!tpu.dma_semaphore, #tpu.memory_space<semaphore_mem>>
    %dma_wait3A_2065 = tpu.memref_squeeze %dma_wait3A_2064 : memref<1x!tpu.dma_semaphore, #tpu.memory_space<semaphore_mem>> -> memref<!tpu.dma_semaphore, #tpu.memory_space<semaphore_mem>>
    %dma_wait3A_2066 = arith.constant 0 : i32
    %dma_wait3A_2067 = tpu.memref_slice %arg8[%dma_wait3A_2057, %dma_wait3A_2066] : memref<25x128xi32, #tpu.memory_space<vmem>> -> memref<1x128xi32, #tpu.memory_space<vmem>>
    %dma_wait3A_2068 = tpu.memref_squeeze %dma_wait3A_2067 : memref<1x128xi32, #tpu.memory_space<vmem>> -> memref<128xi32, #tpu.memory_space<vmem>>
    %dma_wait3A_2069 = tpu.memref_slice %arg3[%dma_wait3A_2056, %multiple_of3A_2040] : memref<2x50000xi32, #tpu.memory_space<hbm>> -> memref<1x128xi32, #tpu.memory_space<hbm>>
    %dma_wait3A_2070 = tpu.memref_squeeze %dma_wait3A_2069 : memref<1x128xi32, #tpu.memory_space<hbm>> -> memref<128xi32, #tpu.memory_space<hbm>>
    tpu.wait_dma2 semaphore(%dma_wait3A_2065 : memref<!tpu.dma_semaphore, #tpu.memory_space<semaphore_mem>>) src(%dma_wait3A_2070 : memref<128xi32, #tpu.memory_space<hbm>>) dst(%dma_wait3A_2068 : memref<128xi32, #tpu.memory_space<vmem>>)
    %dma_start3A_2071 = arith.constant 20 : i32
    %dma_start3A_2072 = arith.constant 20 : i32
    %dma_start3A_2073 = arith.constant 2560 : i32
    %dma_start3A_2074 = arith.constant 0 : i32
    %dma_start3A_2075 = tpu.memref_slice %arg9[%dma_start3A_2073, %dma_start3A_2074] : memref<3200x16xf32, #tpu.memory_space<vmem>> -> memref<128x16xf32, #tpu.memory_space<vmem>>
    %dma_start3A_2076 = arith.constant 0 : i32
    %dma_start3A_2077 = tpu.memref_slice %arg7[%dma_start3A_2071, %dma_start3A_2076] : memref<25x128xi32, #tpu.memory_space<vmem>> -> memref<1x128xi32, #tpu.memory_space<vmem>>
    %dma_start3A_2078 = tpu.memref_squeeze %dma_start3A_2077 : memref<1x128xi32, #tpu.memory_space<vmem>> -> memref<128xi32, #tpu.memory_space<vmem>>
    %dma_start3A_2079 = arith.constant 0 : i32
    %dma_start3A_2080 = arith.constant 0 : i32
    %dma_start3A_2081 = tpu.memref_slice %arg6[%dma_start3A_2079, %dma_start3A_2080] : memref<10112x16xf32, #tpu.memory_space<vmem_shared>> -> memref<10112x16xf32, #tpu.memory_space<vmem_shared>>
    %dma_start3A_2082 = tpu.memref_slice %arg11[%dma_start3A_2072] : memref<25x!tpu.dma_semaphore, #tpu.memory_space<semaphore_mem>> -> memref<1x!tpu.dma_semaphore, #tpu.memory_space<semaphore_mem>>
    %dma_start3A_2083 = tpu.memref_squeeze %dma_start3A_2082 : memref<1x!tpu.dma_semaphore, #tpu.memory_space<semaphore_mem>> -> memref<!tpu.dma_semaphore, #tpu.memory_space<semaphore_mem>>
    tpu.enqueue_indirect_dma source(%dma_start3A_2081 : memref<10112x16xf32, #tpu.memory_space<vmem_shared>>) target(%dma_start3A_2075 : memref<128x16xf32, #tpu.memory_space<vmem>>) offsets(%dma_start3A_2078 : memref<128xi32, #tpu.memory_space<vmem>>) semaphore(%dma_start3A_2083 : memref<!tpu.dma_semaphore, #tpu.memory_space<semaphore_mem>>)
    %add3A_2084 = arith.constant 336 : i32
    %add3A_2085 = arith.addi %add3A_2084, %arg1 : i32
    %ge3A_2086 = arith.constant 390 : i32
    %ge3A_2087 = arith.cmpi sge, %add3A_2085, %ge3A_2086 : i32
    %mul3A_2088 = arith.constant 128 : i32
    %mul3A_2089 = arith.muli %add3A_2085, %mul3A_2088 : i32
    %jit3A_2090 = arith.constant 49872 : i32
    %select_n3A_2091 = arith.select %ge3A_2087, %jit3A_2090, %mul3A_2089 : i32
    %multiple_of3A_2092 = tpu.assume_multiple %select_n3A_2091, 8 : i32
    %dma_wait3A_2093 = arith.constant 0 : i32
    %dma_wait3A_2094 = arith.constant 21 : i32
    %dma_wait3A_2095 = arith.constant 21 : i32
    %dma_wait3A_2096 = arith.constant 0 : i32
    %dma_wait3A_2097 = tpu.memref_slice %arg7[%dma_wait3A_2094, %dma_wait3A_2096] : memref<25x128xi32, #tpu.memory_space<vmem>> -> memref<1x128xi32, #tpu.memory_space<vmem>>
    %dma_wait3A_2098 = tpu.memref_squeeze %dma_wait3A_2097 : memref<1x128xi32, #tpu.memory_space<vmem>> -> memref<128xi32, #tpu.memory_space<vmem>>
    %dma_wait3A_2099 = tpu.memref_slice %arg3[%dma_wait3A_2093, %multiple_of3A_2092] : memref<2x50000xi32, #tpu.memory_space<hbm>> -> memref<1x128xi32, #tpu.memory_space<hbm>>
    %dma_wait3A_2100 = tpu.memref_squeeze %dma_wait3A_2099 : memref<1x128xi32, #tpu.memory_space<hbm>> -> memref<128xi32, #tpu.memory_space<hbm>>
    %dma_wait3A_2101 = tpu.memref_slice %arg11[%dma_wait3A_2095] : memref<25x!tpu.dma_semaphore, #tpu.memory_space<semaphore_mem>> -> memref<1x!tpu.dma_semaphore, #tpu.memory_space<semaphore_mem>>
    %dma_wait3A_2102 = tpu.memref_squeeze %dma_wait3A_2101 : memref<1x!tpu.dma_semaphore, #tpu.memory_space<semaphore_mem>> -> memref<!tpu.dma_semaphore, #tpu.memory_space<semaphore_mem>>
    %dma_wait3A_2103 = arith.constant 0 : i32
    %dma_wait3A_2104 = tpu.memref_slice %arg7[%dma_wait3A_2094, %dma_wait3A_2103] : memref<25x128xi32, #tpu.memory_space<vmem>> -> memref<1x128xi32, #tpu.memory_space<vmem>>
    %dma_wait3A_2105 = tpu.memref_squeeze %dma_wait3A_2104 : memref<1x128xi32, #tpu.memory_space<vmem>> -> memref<128xi32, #tpu.memory_space<vmem>>
    %dma_wait3A_2106 = tpu.memref_slice %arg3[%dma_wait3A_2093, %multiple_of3A_2092] : memref<2x50000xi32, #tpu.memory_space<hbm>> -> memref<1x128xi32, #tpu.memory_space<hbm>>
    %dma_wait3A_2107 = tpu.memref_squeeze %dma_wait3A_2106 : memref<1x128xi32, #tpu.memory_space<hbm>> -> memref<128xi32, #tpu.memory_space<hbm>>
    tpu.wait_dma2 semaphore(%dma_wait3A_2102 : memref<!tpu.dma_semaphore, #tpu.memory_space<semaphore_mem>>) src(%dma_wait3A_2107 : memref<128xi32, #tpu.memory_space<hbm>>) dst(%dma_wait3A_2105 : memref<128xi32, #tpu.memory_space<vmem>>)
    %dma_wait3A_2108 = arith.constant 1 : i32
    %dma_wait3A_2109 = arith.constant 21 : i32
    %dma_wait3A_2110 = arith.constant 21 : i32
    %dma_wait3A_2111 = arith.constant 0 : i32
    %dma_wait3A_2112 = tpu.memref_slice %arg8[%dma_wait3A_2109, %dma_wait3A_2111] : memref<25x128xi32, #tpu.memory_space<vmem>> -> memref<1x128xi32, #tpu.memory_space<vmem>>
    %dma_wait3A_2113 = tpu.memref_squeeze %dma_wait3A_2112 : memref<1x128xi32, #tpu.memory_space<vmem>> -> memref<128xi32, #tpu.memory_space<vmem>>
    %dma_wait3A_2114 = tpu.memref_slice %arg3[%dma_wait3A_2108, %multiple_of3A_2092] : memref<2x50000xi32, #tpu.memory_space<hbm>> -> memref<1x128xi32, #tpu.memory_space<hbm>>
    %dma_wait3A_2115 = tpu.memref_squeeze %dma_wait3A_2114 : memref<1x128xi32, #tpu.memory_space<hbm>> -> memref<128xi32, #tpu.memory_space<hbm>>
    %dma_wait3A_2116 = tpu.memref_slice %arg11[%dma_wait3A_2110] : memref<25x!tpu.dma_semaphore, #tpu.memory_space<semaphore_mem>> -> memref<1x!tpu.dma_semaphore, #tpu.memory_space<semaphore_mem>>
    %dma_wait3A_2117 = tpu.memref_squeeze %dma_wait3A_2116 : memref<1x!tpu.dma_semaphore, #tpu.memory_space<semaphore_mem>> -> memref<!tpu.dma_semaphore, #tpu.memory_space<semaphore_mem>>
    %dma_wait3A_2118 = arith.constant 0 : i32
    %dma_wait3A_2119 = tpu.memref_slice %arg8[%dma_wait3A_2109, %dma_wait3A_2118] : memref<25x128xi32, #tpu.memory_space<vmem>> -> memref<1x128xi32, #tpu.memory_space<vmem>>
    %dma_wait3A_2120 = tpu.memref_squeeze %dma_wait3A_2119 : memref<1x128xi32, #tpu.memory_space<vmem>> -> memref<128xi32, #tpu.memory_space<vmem>>
    %dma_wait3A_2121 = tpu.memref_slice %arg3[%dma_wait3A_2108, %multiple_of3A_2092] : memref<2x50000xi32, #tpu.memory_space<hbm>> -> memref<1x128xi32, #tpu.memory_space<hbm>>
    %dma_wait3A_2122 = tpu.memref_squeeze %dma_wait3A_2121 : memref<1x128xi32, #tpu.memory_space<hbm>> -> memref<128xi32, #tpu.memory_space<hbm>>
    tpu.wait_dma2 semaphore(%dma_wait3A_2117 : memref<!tpu.dma_semaphore, #tpu.memory_space<semaphore_mem>>) src(%dma_wait3A_2122 : memref<128xi32, #tpu.memory_space<hbm>>) dst(%dma_wait3A_2120 : memref<128xi32, #tpu.memory_space<vmem>>)
    %dma_start3A_2123 = arith.constant 21 : i32
    %dma_start3A_2124 = arith.constant 21 : i32
    %dma_start3A_2125 = arith.constant 2688 : i32
    %dma_start3A_2126 = arith.constant 0 : i32
    %dma_start3A_2127 = tpu.memref_slice %arg9[%dma_start3A_2125, %dma_start3A_2126] : memref<3200x16xf32, #tpu.memory_space<vmem>> -> memref<128x16xf32, #tpu.memory_space<vmem>>
    %dma_start3A_2128 = arith.constant 0 : i32
    %dma_start3A_2129 = tpu.memref_slice %arg7[%dma_start3A_2123, %dma_start3A_2128] : memref<25x128xi32, #tpu.memory_space<vmem>> -> memref<1x128xi32, #tpu.memory_space<vmem>>
    %dma_start3A_2130 = tpu.memref_squeeze %dma_start3A_2129 : memref<1x128xi32, #tpu.memory_space<vmem>> -> memref<128xi32, #tpu.memory_space<vmem>>
    %dma_start3A_2131 = arith.constant 0 : i32
    %dma_start3A_2132 = arith.constant 0 : i32
    %dma_start3A_2133 = tpu.memref_slice %arg6[%dma_start3A_2131, %dma_start3A_2132] : memref<10112x16xf32, #tpu.memory_space<vmem_shared>> -> memref<10112x16xf32, #tpu.memory_space<vmem_shared>>
    %dma_start3A_2134 = tpu.memref_slice %arg11[%dma_start3A_2124] : memref<25x!tpu.dma_semaphore, #tpu.memory_space<semaphore_mem>> -> memref<1x!tpu.dma_semaphore, #tpu.memory_space<semaphore_mem>>
    %dma_start3A_2135 = tpu.memref_squeeze %dma_start3A_2134 : memref<1x!tpu.dma_semaphore, #tpu.memory_space<semaphore_mem>> -> memref<!tpu.dma_semaphore, #tpu.memory_space<semaphore_mem>>
    tpu.enqueue_indirect_dma source(%dma_start3A_2133 : memref<10112x16xf32, #tpu.memory_space<vmem_shared>>) target(%dma_start3A_2127 : memref<128x16xf32, #tpu.memory_space<vmem>>) offsets(%dma_start3A_2130 : memref<128xi32, #tpu.memory_space<vmem>>) semaphore(%dma_start3A_2135 : memref<!tpu.dma_semaphore, #tpu.memory_space<semaphore_mem>>)
    %add3A_2136 = arith.constant 352 : i32
    %add3A_2137 = arith.addi %add3A_2136, %arg1 : i32
    %ge3A_2138 = arith.constant 390 : i32
    %ge3A_2139 = arith.cmpi sge, %add3A_2137, %ge3A_2138 : i32
    %mul3A_2140 = arith.constant 128 : i32
    %mul3A_2141 = arith.muli %add3A_2137, %mul3A_2140 : i32
    %jit3A_2142 = arith.constant 49872 : i32
    %select_n3A_2143 = arith.select %ge3A_2139, %jit3A_2142, %mul3A_2141 : i32
    %multiple_of3A_2144 = tpu.assume_multiple %select_n3A_2143, 8 : i32
    %dma_wait3A_2145 = arith.constant 0 : i32
    %dma_wait3A_2146 = arith.constant 22 : i32
    %dma_wait3A_2147 = arith.constant 22 : i32
    %dma_wait3A_2148 = arith.constant 0 : i32
    %dma_wait3A_2149 = tpu.memref_slice %arg7[%dma_wait3A_2146, %dma_wait3A_2148] : memref<25x128xi32, #tpu.memory_space<vmem>> -> memref<1x128xi32, #tpu.memory_space<vmem>>
    %dma_wait3A_2150 = tpu.memref_squeeze %dma_wait3A_2149 : memref<1x128xi32, #tpu.memory_space<vmem>> -> memref<128xi32, #tpu.memory_space<vmem>>
    %dma_wait3A_2151 = tpu.memref_slice %arg3[%dma_wait3A_2145, %multiple_of3A_2144] : memref<2x50000xi32, #tpu.memory_space<hbm>> -> memref<1x128xi32, #tpu.memory_space<hbm>>
    %dma_wait3A_2152 = tpu.memref_squeeze %dma_wait3A_2151 : memref<1x128xi32, #tpu.memory_space<hbm>> -> memref<128xi32, #tpu.memory_space<hbm>>
    %dma_wait3A_2153 = tpu.memref_slice %arg11[%dma_wait3A_2147] : memref<25x!tpu.dma_semaphore, #tpu.memory_space<semaphore_mem>> -> memref<1x!tpu.dma_semaphore, #tpu.memory_space<semaphore_mem>>
    %dma_wait3A_2154 = tpu.memref_squeeze %dma_wait3A_2153 : memref<1x!tpu.dma_semaphore, #tpu.memory_space<semaphore_mem>> -> memref<!tpu.dma_semaphore, #tpu.memory_space<semaphore_mem>>
    %dma_wait3A_2155 = arith.constant 0 : i32
    %dma_wait3A_2156 = tpu.memref_slice %arg7[%dma_wait3A_2146, %dma_wait3A_2155] : memref<25x128xi32, #tpu.memory_space<vmem>> -> memref<1x128xi32, #tpu.memory_space<vmem>>
    %dma_wait3A_2157 = tpu.memref_squeeze %dma_wait3A_2156 : memref<1x128xi32, #tpu.memory_space<vmem>> -> memref<128xi32, #tpu.memory_space<vmem>>
    %dma_wait3A_2158 = tpu.memref_slice %arg3[%dma_wait3A_2145, %multiple_of3A_2144] : memref<2x50000xi32, #tpu.memory_space<hbm>> -> memref<1x128xi32, #tpu.memory_space<hbm>>
    %dma_wait3A_2159 = tpu.memref_squeeze %dma_wait3A_2158 : memref<1x128xi32, #tpu.memory_space<hbm>> -> memref<128xi32, #tpu.memory_space<hbm>>
    tpu.wait_dma2 semaphore(%dma_wait3A_2154 : memref<!tpu.dma_semaphore, #tpu.memory_space<semaphore_mem>>) src(%dma_wait3A_2159 : memref<128xi32, #tpu.memory_space<hbm>>) dst(%dma_wait3A_2157 : memref<128xi32, #tpu.memory_space<vmem>>)
    %dma_wait3A_2160 = arith.constant 1 : i32
    %dma_wait3A_2161 = arith.constant 22 : i32
    %dma_wait3A_2162 = arith.constant 22 : i32
    %dma_wait3A_2163 = arith.constant 0 : i32
    %dma_wait3A_2164 = tpu.memref_slice %arg8[%dma_wait3A_2161, %dma_wait3A_2163] : memref<25x128xi32, #tpu.memory_space<vmem>> -> memref<1x128xi32, #tpu.memory_space<vmem>>
    %dma_wait3A_2165 = tpu.memref_squeeze %dma_wait3A_2164 : memref<1x128xi32, #tpu.memory_space<vmem>> -> memref<128xi32, #tpu.memory_space<vmem>>
    %dma_wait3A_2166 = tpu.memref_slice %arg3[%dma_wait3A_2160, %multiple_of3A_2144] : memref<2x50000xi32, #tpu.memory_space<hbm>> -> memref<1x128xi32, #tpu.memory_space<hbm>>
    %dma_wait3A_2167 = tpu.memref_squeeze %dma_wait3A_2166 : memref<1x128xi32, #tpu.memory_space<hbm>> -> memref<128xi32, #tpu.memory_space<hbm>>
    %dma_wait3A_2168 = tpu.memref_slice %arg11[%dma_wait3A_2162] : memref<25x!tpu.dma_semaphore, #tpu.memory_space<semaphore_mem>> -> memref<1x!tpu.dma_semaphore, #tpu.memory_space<semaphore_mem>>
    %dma_wait3A_2169 = tpu.memref_squeeze %dma_wait3A_2168 : memref<1x!tpu.dma_semaphore, #tpu.memory_space<semaphore_mem>> -> memref<!tpu.dma_semaphore, #tpu.memory_space<semaphore_mem>>
    %dma_wait3A_2170 = arith.constant 0 : i32
    %dma_wait3A_2171 = tpu.memref_slice %arg8[%dma_wait3A_2161, %dma_wait3A_2170] : memref<25x128xi32, #tpu.memory_space<vmem>> -> memref<1x128xi32, #tpu.memory_space<vmem>>
    %dma_wait3A_2172 = tpu.memref_squeeze %dma_wait3A_2171 : memref<1x128xi32, #tpu.memory_space<vmem>> -> memref<128xi32, #tpu.memory_space<vmem>>
    %dma_wait3A_2173 = tpu.memref_slice %arg3[%dma_wait3A_2160, %multiple_of3A_2144] : memref<2x50000xi32, #tpu.memory_space<hbm>> -> memref<1x128xi32, #tpu.memory_space<hbm>>
    %dma_wait3A_2174 = tpu.memref_squeeze %dma_wait3A_2173 : memref<1x128xi32, #tpu.memory_space<hbm>> -> memref<128xi32, #tpu.memory_space<hbm>>
    tpu.wait_dma2 semaphore(%dma_wait3A_2169 : memref<!tpu.dma_semaphore, #tpu.memory_space<semaphore_mem>>) src(%dma_wait3A_2174 : memref<128xi32, #tpu.memory_space<hbm>>) dst(%dma_wait3A_2172 : memref<128xi32, #tpu.memory_space<vmem>>)
    %dma_start3A_2175 = arith.constant 22 : i32
    %dma_start3A_2176 = arith.constant 22 : i32
    %dma_start3A_2177 = arith.constant 2816 : i32
    %dma_start3A_2178 = arith.constant 0 : i32
    %dma_start3A_2179 = tpu.memref_slice %arg9[%dma_start3A_2177, %dma_start3A_2178] : memref<3200x16xf32, #tpu.memory_space<vmem>> -> memref<128x16xf32, #tpu.memory_space<vmem>>
    %dma_start3A_2180 = arith.constant 0 : i32
    %dma_start3A_2181 = tpu.memref_slice %arg7[%dma_start3A_2175, %dma_start3A_2180] : memref<25x128xi32, #tpu.memory_space<vmem>> -> memref<1x128xi32, #tpu.memory_space<vmem>>
    %dma_start3A_2182 = tpu.memref_squeeze %dma_start3A_2181 : memref<1x128xi32, #tpu.memory_space<vmem>> -> memref<128xi32, #tpu.memory_space<vmem>>
    %dma_start3A_2183 = arith.constant 0 : i32
    %dma_start3A_2184 = arith.constant 0 : i32
    %dma_start3A_2185 = tpu.memref_slice %arg6[%dma_start3A_2183, %dma_start3A_2184] : memref<10112x16xf32, #tpu.memory_space<vmem_shared>> -> memref<10112x16xf32, #tpu.memory_space<vmem_shared>>
    %dma_start3A_2186 = tpu.memref_slice %arg11[%dma_start3A_2176] : memref<25x!tpu.dma_semaphore, #tpu.memory_space<semaphore_mem>> -> memref<1x!tpu.dma_semaphore, #tpu.memory_space<semaphore_mem>>
    %dma_start3A_2187 = tpu.memref_squeeze %dma_start3A_2186 : memref<1x!tpu.dma_semaphore, #tpu.memory_space<semaphore_mem>> -> memref<!tpu.dma_semaphore, #tpu.memory_space<semaphore_mem>>
    tpu.enqueue_indirect_dma source(%dma_start3A_2185 : memref<10112x16xf32, #tpu.memory_space<vmem_shared>>) target(%dma_start3A_2179 : memref<128x16xf32, #tpu.memory_space<vmem>>) offsets(%dma_start3A_2182 : memref<128xi32, #tpu.memory_space<vmem>>) semaphore(%dma_start3A_2187 : memref<!tpu.dma_semaphore, #tpu.memory_space<semaphore_mem>>)
    %add3A_2188 = arith.constant 368 : i32
    %add3A_2189 = arith.addi %add3A_2188, %arg1 : i32
    %ge3A_2190 = arith.constant 390 : i32
    %ge3A_2191 = arith.cmpi sge, %add3A_2189, %ge3A_2190 : i32
    %mul3A_2192 = arith.constant 128 : i32
    %mul3A_2193 = arith.muli %add3A_2189, %mul3A_2192 : i32
    %jit3A_2194 = arith.constant 49872 : i32
    %select_n3A_2195 = arith.select %ge3A_2191, %jit3A_2194, %mul3A_2193 : i32
    %multiple_of3A_2196 = tpu.assume_multiple %select_n3A_2195, 8 : i32
    %dma_wait3A_2197 = arith.constant 0 : i32
    %dma_wait3A_2198 = arith.constant 23 : i32
    %dma_wait3A_2199 = arith.constant 23 : i32
    %dma_wait3A_2200 = arith.constant 0 : i32
    %dma_wait3A_2201 = tpu.memref_slice %arg7[%dma_wait3A_2198, %dma_wait3A_2200] : memref<25x128xi32, #tpu.memory_space<vmem>> -> memref<1x128xi32, #tpu.memory_space<vmem>>
    %dma_wait3A_2202 = tpu.memref_squeeze %dma_wait3A_2201 : memref<1x128xi32, #tpu.memory_space<vmem>> -> memref<128xi32, #tpu.memory_space<vmem>>
    %dma_wait3A_2203 = tpu.memref_slice %arg3[%dma_wait3A_2197, %multiple_of3A_2196] : memref<2x50000xi32, #tpu.memory_space<hbm>> -> memref<1x128xi32, #tpu.memory_space<hbm>>
    %dma_wait3A_2204 = tpu.memref_squeeze %dma_wait3A_2203 : memref<1x128xi32, #tpu.memory_space<hbm>> -> memref<128xi32, #tpu.memory_space<hbm>>
    %dma_wait3A_2205 = tpu.memref_slice %arg11[%dma_wait3A_2199] : memref<25x!tpu.dma_semaphore, #tpu.memory_space<semaphore_mem>> -> memref<1x!tpu.dma_semaphore, #tpu.memory_space<semaphore_mem>>
    %dma_wait3A_2206 = tpu.memref_squeeze %dma_wait3A_2205 : memref<1x!tpu.dma_semaphore, #tpu.memory_space<semaphore_mem>> -> memref<!tpu.dma_semaphore, #tpu.memory_space<semaphore_mem>>
    %dma_wait3A_2207 = arith.constant 0 : i32
    %dma_wait3A_2208 = tpu.memref_slice %arg7[%dma_wait3A_2198, %dma_wait3A_2207] : memref<25x128xi32, #tpu.memory_space<vmem>> -> memref<1x128xi32, #tpu.memory_space<vmem>>
    %dma_wait3A_2209 = tpu.memref_squeeze %dma_wait3A_2208 : memref<1x128xi32, #tpu.memory_space<vmem>> -> memref<128xi32, #tpu.memory_space<vmem>>
    %dma_wait3A_2210 = tpu.memref_slice %arg3[%dma_wait3A_2197, %multiple_of3A_2196] : memref<2x50000xi32, #tpu.memory_space<hbm>> -> memref<1x128xi32, #tpu.memory_space<hbm>>
    %dma_wait3A_2211 = tpu.memref_squeeze %dma_wait3A_2210 : memref<1x128xi32, #tpu.memory_space<hbm>> -> memref<128xi32, #tpu.memory_space<hbm>>
    tpu.wait_dma2 semaphore(%dma_wait3A_2206 : memref<!tpu.dma_semaphore, #tpu.memory_space<semaphore_mem>>) src(%dma_wait3A_2211 : memref<128xi32, #tpu.memory_space<hbm>>) dst(%dma_wait3A_2209 : memref<128xi32, #tpu.memory_space<vmem>>)
    %dma_wait3A_2212 = arith.constant 1 : i32
    %dma_wait3A_2213 = arith.constant 23 : i32
    %dma_wait3A_2214 = arith.constant 23 : i32
    %dma_wait3A_2215 = arith.constant 0 : i32
    %dma_wait3A_2216 = tpu.memref_slice %arg8[%dma_wait3A_2213, %dma_wait3A_2215] : memref<25x128xi32, #tpu.memory_space<vmem>> -> memref<1x128xi32, #tpu.memory_space<vmem>>
    %dma_wait3A_2217 = tpu.memref_squeeze %dma_wait3A_2216 : memref<1x128xi32, #tpu.memory_space<vmem>> -> memref<128xi32, #tpu.memory_space<vmem>>
    %dma_wait3A_2218 = tpu.memref_slice %arg3[%dma_wait3A_2212, %multiple_of3A_2196] : memref<2x50000xi32, #tpu.memory_space<hbm>> -> memref<1x128xi32, #tpu.memory_space<hbm>>
    %dma_wait3A_2219 = tpu.memref_squeeze %dma_wait3A_2218 : memref<1x128xi32, #tpu.memory_space<hbm>> -> memref<128xi32, #tpu.memory_space<hbm>>
    %dma_wait3A_2220 = tpu.memref_slice %arg11[%dma_wait3A_2214] : memref<25x!tpu.dma_semaphore, #tpu.memory_space<semaphore_mem>> -> memref<1x!tpu.dma_semaphore, #tpu.memory_space<semaphore_mem>>
    %dma_wait3A_2221 = tpu.memref_squeeze %dma_wait3A_2220 : memref<1x!tpu.dma_semaphore, #tpu.memory_space<semaphore_mem>> -> memref<!tpu.dma_semaphore, #tpu.memory_space<semaphore_mem>>
    %dma_wait3A_2222 = arith.constant 0 : i32
    %dma_wait3A_2223 = tpu.memref_slice %arg8[%dma_wait3A_2213, %dma_wait3A_2222] : memref<25x128xi32, #tpu.memory_space<vmem>> -> memref<1x128xi32, #tpu.memory_space<vmem>>
    %dma_wait3A_2224 = tpu.memref_squeeze %dma_wait3A_2223 : memref<1x128xi32, #tpu.memory_space<vmem>> -> memref<128xi32, #tpu.memory_space<vmem>>
    %dma_wait3A_2225 = tpu.memref_slice %arg3[%dma_wait3A_2212, %multiple_of3A_2196] : memref<2x50000xi32, #tpu.memory_space<hbm>> -> memref<1x128xi32, #tpu.memory_space<hbm>>
    %dma_wait3A_2226 = tpu.memref_squeeze %dma_wait3A_2225 : memref<1x128xi32, #tpu.memory_space<hbm>> -> memref<128xi32, #tpu.memory_space<hbm>>
    tpu.wait_dma2 semaphore(%dma_wait3A_2221 : memref<!tpu.dma_semaphore, #tpu.memory_space<semaphore_mem>>) src(%dma_wait3A_2226 : memref<128xi32, #tpu.memory_space<hbm>>) dst(%dma_wait3A_2224 : memref<128xi32, #tpu.memory_space<vmem>>)
    %dma_start3A_2227 = arith.constant 23 : i32
    %dma_start3A_2228 = arith.constant 23 : i32
    %dma_start3A_2229 = arith.constant 2944 : i32
    %dma_start3A_2230 = arith.constant 0 : i32
    %dma_start3A_2231 = tpu.memref_slice %arg9[%dma_start3A_2229, %dma_start3A_2230] : memref<3200x16xf32, #tpu.memory_space<vmem>> -> memref<128x16xf32, #tpu.memory_space<vmem>>
    %dma_start3A_2232 = arith.constant 0 : i32
    %dma_start3A_2233 = tpu.memref_slice %arg7[%dma_start3A_2227, %dma_start3A_2232] : memref<25x128xi32, #tpu.memory_space<vmem>> -> memref<1x128xi32, #tpu.memory_space<vmem>>
    %dma_start3A_2234 = tpu.memref_squeeze %dma_start3A_2233 : memref<1x128xi32, #tpu.memory_space<vmem>> -> memref<128xi32, #tpu.memory_space<vmem>>
    %dma_start3A_2235 = arith.constant 0 : i32
    %dma_start3A_2236 = arith.constant 0 : i32
    %dma_start3A_2237 = tpu.memref_slice %arg6[%dma_start3A_2235, %dma_start3A_2236] : memref<10112x16xf32, #tpu.memory_space<vmem_shared>> -> memref<10112x16xf32, #tpu.memory_space<vmem_shared>>
    %dma_start3A_2238 = tpu.memref_slice %arg11[%dma_start3A_2228] : memref<25x!tpu.dma_semaphore, #tpu.memory_space<semaphore_mem>> -> memref<1x!tpu.dma_semaphore, #tpu.memory_space<semaphore_mem>>
    %dma_start3A_2239 = tpu.memref_squeeze %dma_start3A_2238 : memref<1x!tpu.dma_semaphore, #tpu.memory_space<semaphore_mem>> -> memref<!tpu.dma_semaphore, #tpu.memory_space<semaphore_mem>>
    tpu.enqueue_indirect_dma source(%dma_start3A_2237 : memref<10112x16xf32, #tpu.memory_space<vmem_shared>>) target(%dma_start3A_2231 : memref<128x16xf32, #tpu.memory_space<vmem>>) offsets(%dma_start3A_2234 : memref<128xi32, #tpu.memory_space<vmem>>) semaphore(%dma_start3A_2239 : memref<!tpu.dma_semaphore, #tpu.memory_space<semaphore_mem>>)
    %add3A_2240 = arith.constant 384 : i32
    %add3A_2241 = arith.addi %add3A_2240, %arg1 : i32
    %ge3A_2242 = arith.constant 390 : i32
    %ge3A_2243 = arith.cmpi sge, %add3A_2241, %ge3A_2242 : i32
    %mul3A_2244 = arith.constant 128 : i32
    %mul3A_2245 = arith.muli %add3A_2241, %mul3A_2244 : i32
    %jit3A_2246 = arith.constant 49872 : i32
    %select_n3A_2247 = arith.select %ge3A_2243, %jit3A_2246, %mul3A_2245 : i32
    %multiple_of3A_2248 = tpu.assume_multiple %select_n3A_2247, 8 : i32
    %dma_wait3A_2249 = arith.constant 0 : i32
    %dma_wait3A_2250 = arith.constant 24 : i32
    %dma_wait3A_2251 = arith.constant 24 : i32
    %dma_wait3A_2252 = arith.constant 0 : i32
    %dma_wait3A_2253 = tpu.memref_slice %arg7[%dma_wait3A_2250, %dma_wait3A_2252] : memref<25x128xi32, #tpu.memory_space<vmem>> -> memref<1x128xi32, #tpu.memory_space<vmem>>
    %dma_wait3A_2254 = tpu.memref_squeeze %dma_wait3A_2253 : memref<1x128xi32, #tpu.memory_space<vmem>> -> memref<128xi32, #tpu.memory_space<vmem>>
    %dma_wait3A_2255 = tpu.memref_slice %arg3[%dma_wait3A_2249, %multiple_of3A_2248] : memref<2x50000xi32, #tpu.memory_space<hbm>> -> memref<1x128xi32, #tpu.memory_space<hbm>>
    %dma_wait3A_2256 = tpu.memref_squeeze %dma_wait3A_2255 : memref<1x128xi32, #tpu.memory_space<hbm>> -> memref<128xi32, #tpu.memory_space<hbm>>
    %dma_wait3A_2257 = tpu.memref_slice %arg11[%dma_wait3A_2251] : memref<25x!tpu.dma_semaphore, #tpu.memory_space<semaphore_mem>> -> memref<1x!tpu.dma_semaphore, #tpu.memory_space<semaphore_mem>>
    %dma_wait3A_2258 = tpu.memref_squeeze %dma_wait3A_2257 : memref<1x!tpu.dma_semaphore, #tpu.memory_space<semaphore_mem>> -> memref<!tpu.dma_semaphore, #tpu.memory_space<semaphore_mem>>
    %dma_wait3A_2259 = arith.constant 0 : i32
    %dma_wait3A_2260 = tpu.memref_slice %arg7[%dma_wait3A_2250, %dma_wait3A_2259] : memref<25x128xi32, #tpu.memory_space<vmem>> -> memref<1x128xi32, #tpu.memory_space<vmem>>
    %dma_wait3A_2261 = tpu.memref_squeeze %dma_wait3A_2260 : memref<1x128xi32, #tpu.memory_space<vmem>> -> memref<128xi32, #tpu.memory_space<vmem>>
    %dma_wait3A_2262 = tpu.memref_slice %arg3[%dma_wait3A_2249, %multiple_of3A_2248] : memref<2x50000xi32, #tpu.memory_space<hbm>> -> memref<1x128xi32, #tpu.memory_space<hbm>>
    %dma_wait3A_2263 = tpu.memref_squeeze %dma_wait3A_2262 : memref<1x128xi32, #tpu.memory_space<hbm>> -> memref<128xi32, #tpu.memory_space<hbm>>
    tpu.wait_dma2 semaphore(%dma_wait3A_2258 : memref<!tpu.dma_semaphore, #tpu.memory_space<semaphore_mem>>) src(%dma_wait3A_2263 : memref<128xi32, #tpu.memory_space<hbm>>) dst(%dma_wait3A_2261 : memref<128xi32, #tpu.memory_space<vmem>>)
    %dma_wait3A_2264 = arith.constant 1 : i32
    %dma_wait3A_2265 = arith.constant 24 : i32
    %dma_wait3A_2266 = arith.constant 24 : i32
    %dma_wait3A_2267 = arith.constant 0 : i32
    %dma_wait3A_2268 = tpu.memref_slice %arg8[%dma_wait3A_2265, %dma_wait3A_2267] : memref<25x128xi32, #tpu.memory_space<vmem>> -> memref<1x128xi32, #tpu.memory_space<vmem>>
    %dma_wait3A_2269 = tpu.memref_squeeze %dma_wait3A_2268 : memref<1x128xi32, #tpu.memory_space<vmem>> -> memref<128xi32, #tpu.memory_space<vmem>>
    %dma_wait3A_2270 = tpu.memref_slice %arg3[%dma_wait3A_2264, %multiple_of3A_2248] : memref<2x50000xi32, #tpu.memory_space<hbm>> -> memref<1x128xi32, #tpu.memory_space<hbm>>
    %dma_wait3A_2271 = tpu.memref_squeeze %dma_wait3A_2270 : memref<1x128xi32, #tpu.memory_space<hbm>> -> memref<128xi32, #tpu.memory_space<hbm>>
    %dma_wait3A_2272 = tpu.memref_slice %arg11[%dma_wait3A_2266] : memref<25x!tpu.dma_semaphore, #tpu.memory_space<semaphore_mem>> -> memref<1x!tpu.dma_semaphore, #tpu.memory_space<semaphore_mem>>
    %dma_wait3A_2273 = tpu.memref_squeeze %dma_wait3A_2272 : memref<1x!tpu.dma_semaphore, #tpu.memory_space<semaphore_mem>> -> memref<!tpu.dma_semaphore, #tpu.memory_space<semaphore_mem>>
    %dma_wait3A_2274 = arith.constant 0 : i32
    %dma_wait3A_2275 = tpu.memref_slice %arg8[%dma_wait3A_2265, %dma_wait3A_2274] : memref<25x128xi32, #tpu.memory_space<vmem>> -> memref<1x128xi32, #tpu.memory_space<vmem>>
    %dma_wait3A_2276 = tpu.memref_squeeze %dma_wait3A_2275 : memref<1x128xi32, #tpu.memory_space<vmem>> -> memref<128xi32, #tpu.memory_space<vmem>>
    %dma_wait3A_2277 = tpu.memref_slice %arg3[%dma_wait3A_2264, %multiple_of3A_2248] : memref<2x50000xi32, #tpu.memory_space<hbm>> -> memref<1x128xi32, #tpu.memory_space<hbm>>
    %dma_wait3A_2278 = tpu.memref_squeeze %dma_wait3A_2277 : memref<1x128xi32, #tpu.memory_space<hbm>> -> memref<128xi32, #tpu.memory_space<hbm>>
    tpu.wait_dma2 semaphore(%dma_wait3A_2273 : memref<!tpu.dma_semaphore, #tpu.memory_space<semaphore_mem>>) src(%dma_wait3A_2278 : memref<128xi32, #tpu.memory_space<hbm>>) dst(%dma_wait3A_2276 : memref<128xi32, #tpu.memory_space<vmem>>)
    %add3A_2279 = arith.constant 1 : i32
    %add3A_2280 = arith.addi %add3A_2241, %add3A_2279 : i32
    %mul3A_2281 = arith.constant 128 : i32
    %mul3A_2282 = arith.muli %add3A_2280, %mul3A_2281 : i32
    %sub3A = arith.constant 50000 : i32
    %sub3A_2283 = arith.subi %mul3A_2282, %sub3A : i32
    %jit3A_2284 = arith.constant 0 : i32
    %jit3A_2285 = arith.constant 128 : i32
    %max3A = arith.maxsi %jit3A_2284, %sub3A_2283 : i32
    %min3A = arith.minsi %jit3A_2285, %max3A : i32
    %broadcast_in_dim3A = arith.constant 10000 : i32
    %broadcast_in_dim3A_2286 = vector.broadcast %broadcast_in_dim3A : i32 to vector<16xi32>
    %iota3A = tpu.iota {dimensions = array<i32: 0>} : vector<16xi32>
    %add3A_2287 = arith.constant 0 : i32
    %add3A_2288 = vector.broadcast %add3A_2287 : i32 to vector<16xi32>
    %add3A_2289 = arith.addi %add3A_2288, %iota3A : vector<16xi32>
    %get3A = arith.constant 24 : i32
    %get3A_2290 = arith.index_cast %get3A : i32 to index
    %get3A_2291 = arith.constant 0 : index
    %get3A_2292 = tpu.vector_load %arg8[%get3A_2290, %get3A_2291] {strides = array<i32>} : memref<25x128xi32, #tpu.memory_space<vmem>>, vector<1x16xi32>,
    %get3A_2293 = vector.shape_cast %get3A_2292 : vector<1x16xi32> to vector<16xi32>
    %lt3A_2294 = vector.broadcast %min3A : i32 to vector<16xi32>
    %lt3A_2295 = arith.cmpi slt, %add3A_2289, %lt3A_2294 : vector<16xi32>
    %select_n3A_2296 = arith.select %lt3A_2295, %broadcast_in_dim3A_2286, %get3A_2293 : vector<16xi1>, vector<16xi32>
    %swap3A = arith.constant 24 : i32
    %swap3A_2297 = arith.index_cast %swap3A : i32 to index
    %swap3A_2298 = arith.constant 0 : index
    %swap3A_2299 = tpu.vector_load %arg8[%swap3A_2297, %swap3A_2298] {strides = array<i32>} : memref<25x128xi32, #tpu.memory_space<vmem>>, vector<1x16xi32>,
    %swap3A_2300 = vector.shape_cast %swap3A_2299 : vector<1x16xi32> to vector<16xi32>
    %swap3A_2301 = vector.shape_cast %select_n3A_2296 : vector<16xi32> to vector<1x16xi32>
    tpu.vector_store %arg8[%swap3A_2297, %swap3A_2298], %swap3A_2301 {strides = array<i32>} : memref<25x128xi32, #tpu.memory_space<vmem>>, vector<1x16xi32>,
    %iota3A_2302 = tpu.iota {dimensions = array<i32: 0>} : vector<16xi32>
    %add3A_2303 = arith.constant 16 : i32
    %add3A_2304 = vector.broadcast %add3A_2303 : i32 to vector<16xi32>
    %add3A_2305 = arith.addi %add3A_2304, %iota3A_2302 : vector<16xi32>
    %get3A_2306 = arith.constant 24 : i32
    %get3A_2307 = arith.index_cast %get3A_2306 : i32 to index
    %get3A_2308 = arith.constant 16 : index
    %get3A_2309 = tpu.vector_load %arg8[%get3A_2307, %get3A_2308] {strides = array<i32>} : memref<25x128xi32, #tpu.memory_space<vmem>>, vector<1x16xi32>,
    %get3A_2310 = vector.shape_cast %get3A_2309 : vector<1x16xi32> to vector<16xi32>
    %lt3A_2311 = vector.broadcast %min3A : i32 to vector<16xi32>
    %lt3A_2312 = arith.cmpi slt, %add3A_2305, %lt3A_2311 : vector<16xi32>
    %select_n3A_2313 = arith.select %lt3A_2312, %broadcast_in_dim3A_2286, %get3A_2310 : vector<16xi1>, vector<16xi32>
    %swap3A_2314 = arith.constant 24 : i32
    %swap3A_2315 = arith.index_cast %swap3A_2314 : i32 to index
    %swap3A_2316 = arith.constant 16 : index
    %swap3A_2317 = tpu.vector_load %arg8[%swap3A_2315, %swap3A_2316] {strides = array<i32>} : memref<25x128xi32, #tpu.memory_space<vmem>>, vector<1x16xi32>,
    %swap3A_2318 = vector.shape_cast %swap3A_2317 : vector<1x16xi32> to vector<16xi32>
    %swap3A_2319 = vector.shape_cast %select_n3A_2313 : vector<16xi32> to vector<1x16xi32>
    tpu.vector_store %arg8[%swap3A_2315, %swap3A_2316], %swap3A_2319 {strides = array<i32>} : memref<25x128xi32, #tpu.memory_space<vmem>>, vector<1x16xi32>,
    %iota3A_2320 = tpu.iota {dimensions = array<i32: 0>} : vector<16xi32>
    %add3A_2321 = arith.constant 32 : i32
    %add3A_2322 = vector.broadcast %add3A_2321 : i32 to vector<16xi32>
    %add3A_2323 = arith.addi %add3A_2322, %iota3A_2320 : vector<16xi32>
    %get3A_2324 = arith.constant 24 : i32
    %get3A_2325 = arith.index_cast %get3A_2324 : i32 to index
    %get3A_2326 = arith.constant 32 : index
    %get3A_2327 = tpu.vector_load %arg8[%get3A_2325, %get3A_2326] {strides = array<i32>} : memref<25x128xi32, #tpu.memory_space<vmem>>, vector<1x16xi32>,
    %get3A_2328 = vector.shape_cast %get3A_2327 : vector<1x16xi32> to vector<16xi32>
    %lt3A_2329 = vector.broadcast %min3A : i32 to vector<16xi32>
    %lt3A_2330 = arith.cmpi slt, %add3A_2323, %lt3A_2329 : vector<16xi32>
    %select_n3A_2331 = arith.select %lt3A_2330, %broadcast_in_dim3A_2286, %get3A_2328 : vector<16xi1>, vector<16xi32>
    %swap3A_2332 = arith.constant 24 : i32
    %swap3A_2333 = arith.index_cast %swap3A_2332 : i32 to index
    %swap3A_2334 = arith.constant 32 : index
    %swap3A_2335 = tpu.vector_load %arg8[%swap3A_2333, %swap3A_2334] {strides = array<i32>} : memref<25x128xi32, #tpu.memory_space<vmem>>, vector<1x16xi32>,
    %swap3A_2336 = vector.shape_cast %swap3A_2335 : vector<1x16xi32> to vector<16xi32>
    %swap3A_2337 = vector.shape_cast %select_n3A_2331 : vector<16xi32> to vector<1x16xi32>
    tpu.vector_store %arg8[%swap3A_2333, %swap3A_2334], %swap3A_2337 {strides = array<i32>} : memref<25x128xi32, #tpu.memory_space<vmem>>, vector<1x16xi32>,
    %iota3A_2338 = tpu.iota {dimensions = array<i32: 0>} : vector<16xi32>
    %add3A_2339 = arith.constant 48 : i32
    %add3A_2340 = vector.broadcast %add3A_2339 : i32 to vector<16xi32>
    %add3A_2341 = arith.addi %add3A_2340, %iota3A_2338 : vector<16xi32>
    %get3A_2342 = arith.constant 24 : i32
    %get3A_2343 = arith.index_cast %get3A_2342 : i32 to index
    %get3A_2344 = arith.constant 48 : index
    %get3A_2345 = tpu.vector_load %arg8[%get3A_2343, %get3A_2344] {strides = array<i32>} : memref<25x128xi32, #tpu.memory_space<vmem>>, vector<1x16xi32>,
    %get3A_2346 = vector.shape_cast %get3A_2345 : vector<1x16xi32> to vector<16xi32>
    %lt3A_2347 = vector.broadcast %min3A : i32 to vector<16xi32>
    %lt3A_2348 = arith.cmpi slt, %add3A_2341, %lt3A_2347 : vector<16xi32>
    %select_n3A_2349 = arith.select %lt3A_2348, %broadcast_in_dim3A_2286, %get3A_2346 : vector<16xi1>, vector<16xi32>
    %swap3A_2350 = arith.constant 24 : i32
    %swap3A_2351 = arith.index_cast %swap3A_2350 : i32 to index
    %swap3A_2352 = arith.constant 48 : index
    %swap3A_2353 = tpu.vector_load %arg8[%swap3A_2351, %swap3A_2352] {strides = array<i32>} : memref<25x128xi32, #tpu.memory_space<vmem>>, vector<1x16xi32>,
    %swap3A_2354 = vector.shape_cast %swap3A_2353 : vector<1x16xi32> to vector<16xi32>
    %swap3A_2355 = vector.shape_cast %select_n3A_2349 : vector<16xi32> to vector<1x16xi32>
    tpu.vector_store %arg8[%swap3A_2351, %swap3A_2352], %swap3A_2355 {strides = array<i32>} : memref<25x128xi32, #tpu.memory_space<vmem>>, vector<1x16xi32>,
    %iota3A_2356 = tpu.iota {dimensions = array<i32: 0>} : vector<16xi32>
    %add3A_2357 = arith.constant 64 : i32
    %add3A_2358 = vector.broadcast %add3A_2357 : i32 to vector<16xi32>
    %add3A_2359 = arith.addi %add3A_2358, %iota3A_2356 : vector<16xi32>
    %get3A_2360 = arith.constant 24 : i32
    %get3A_2361 = arith.index_cast %get3A_2360 : i32 to index
    %get3A_2362 = arith.constant 64 : index
    %get3A_2363 = tpu.vector_load %arg8[%get3A_2361, %get3A_2362] {strides = array<i32>} : memref<25x128xi32, #tpu.memory_space<vmem>>, vector<1x16xi32>,
    %get3A_2364 = vector.shape_cast %get3A_2363 : vector<1x16xi32> to vector<16xi32>
    %lt3A_2365 = vector.broadcast %min3A : i32 to vector<16xi32>
    %lt3A_2366 = arith.cmpi slt, %add3A_2359, %lt3A_2365 : vector<16xi32>
    %select_n3A_2367 = arith.select %lt3A_2366, %broadcast_in_dim3A_2286, %get3A_2364 : vector<16xi1>, vector<16xi32>
    %swap3A_2368 = arith.constant 24 : i32
    %swap3A_2369 = arith.index_cast %swap3A_2368 : i32 to index
    %swap3A_2370 = arith.constant 64 : index
    %swap3A_2371 = tpu.vector_load %arg8[%swap3A_2369, %swap3A_2370] {strides = array<i32>} : memref<25x128xi32, #tpu.memory_space<vmem>>, vector<1x16xi32>,
    %swap3A_2372 = vector.shape_cast %swap3A_2371 : vector<1x16xi32> to vector<16xi32>
    %swap3A_2373 = vector.shape_cast %select_n3A_2367 : vector<16xi32> to vector<1x16xi32>
    tpu.vector_store %arg8[%swap3A_2369, %swap3A_2370], %swap3A_2373 {strides = array<i32>} : memref<25x128xi32, #tpu.memory_space<vmem>>, vector<1x16xi32>,
    %iota3A_2374 = tpu.iota {dimensions = array<i32: 0>} : vector<16xi32>
    %add3A_2375 = arith.constant 80 : i32
    %add3A_2376 = vector.broadcast %add3A_2375 : i32 to vector<16xi32>
    %add3A_2377 = arith.addi %add3A_2376, %iota3A_2374 : vector<16xi32>
    %get3A_2378 = arith.constant 24 : i32
    %get3A_2379 = arith.index_cast %get3A_2378 : i32 to index
    %get3A_2380 = arith.constant 80 : index
    %get3A_2381 = tpu.vector_load %arg8[%get3A_2379, %get3A_2380] {strides = array<i32>} : memref<25x128xi32, #tpu.memory_space<vmem>>, vector<1x16xi32>,
    %get3A_2382 = vector.shape_cast %get3A_2381 : vector<1x16xi32> to vector<16xi32>
    %lt3A_2383 = vector.broadcast %min3A : i32 to vector<16xi32>
    %lt3A_2384 = arith.cmpi slt, %add3A_2377, %lt3A_2383 : vector<16xi32>
    %select_n3A_2385 = arith.select %lt3A_2384, %broadcast_in_dim3A_2286, %get3A_2382 : vector<16xi1>, vector<16xi32>
    %swap3A_2386 = arith.constant 24 : i32
    %swap3A_2387 = arith.index_cast %swap3A_2386 : i32 to index
    %swap3A_2388 = arith.constant 80 : index
    %swap3A_2389 = tpu.vector_load %arg8[%swap3A_2387, %swap3A_2388] {strides = array<i32>} : memref<25x128xi32, #tpu.memory_space<vmem>>, vector<1x16xi32>,
    %swap3A_2390 = vector.shape_cast %swap3A_2389 : vector<1x16xi32> to vector<16xi32>
    %swap3A_2391 = vector.shape_cast %select_n3A_2385 : vector<16xi32> to vector<1x16xi32>
    tpu.vector_store %arg8[%swap3A_2387, %swap3A_2388], %swap3A_2391 {strides = array<i32>} : memref<25x128xi32, #tpu.memory_space<vmem>>, vector<1x16xi32>,
    %iota3A_2392 = tpu.iota {dimensions = array<i32: 0>} : vector<16xi32>
    %add3A_2393 = arith.constant 96 : i32
    %add3A_2394 = vector.broadcast %add3A_2393 : i32 to vector<16xi32>
    %add3A_2395 = arith.addi %add3A_2394, %iota3A_2392 : vector<16xi32>
    %get3A_2396 = arith.constant 24 : i32
    %get3A_2397 = arith.index_cast %get3A_2396 : i32 to index
    %get3A_2398 = arith.constant 96 : index
    %get3A_2399 = tpu.vector_load %arg8[%get3A_2397, %get3A_2398] {strides = array<i32>} : memref<25x128xi32, #tpu.memory_space<vmem>>, vector<1x16xi32>,
    %get3A_2400 = vector.shape_cast %get3A_2399 : vector<1x16xi32> to vector<16xi32>
    %lt3A_2401 = vector.broadcast %min3A : i32 to vector<16xi32>
    %lt3A_2402 = arith.cmpi slt, %add3A_2395, %lt3A_2401 : vector<16xi32>
    %select_n3A_2403 = arith.select %lt3A_2402, %broadcast_in_dim3A_2286, %get3A_2400 : vector<16xi1>, vector<16xi32>
    %swap3A_2404 = arith.constant 24 : i32
    %swap3A_2405 = arith.index_cast %swap3A_2404 : i32 to index
    %swap3A_2406 = arith.constant 96 : index
    %swap3A_2407 = tpu.vector_load %arg8[%swap3A_2405, %swap3A_2406] {strides = array<i32>} : memref<25x128xi32, #tpu.memory_space<vmem>>, vector<1x16xi32>,
    %swap3A_2408 = vector.shape_cast %swap3A_2407 : vector<1x16xi32> to vector<16xi32>
    %swap3A_2409 = vector.shape_cast %select_n3A_2403 : vector<16xi32> to vector<1x16xi32>
    tpu.vector_store %arg8[%swap3A_2405, %swap3A_2406], %swap3A_2409 {strides = array<i32>} : memref<25x128xi32, #tpu.memory_space<vmem>>, vector<1x16xi32>,
    %iota3A_2410 = tpu.iota {dimensions = array<i32: 0>} : vector<16xi32>
    %add3A_2411 = arith.constant 112 : i32
    %add3A_2412 = vector.broadcast %add3A_2411 : i32 to vector<16xi32>
    %add3A_2413 = arith.addi %add3A_2412, %iota3A_2410 : vector<16xi32>
    %get3A_2414 = arith.constant 24 : i32
    %get3A_2415 = arith.index_cast %get3A_2414 : i32 to index
    %get3A_2416 = arith.constant 112 : index
    %get3A_2417 = tpu.vector_load %arg8[%get3A_2415, %get3A_2416] {strides = array<i32>} : memref<25x128xi32, #tpu.memory_space<vmem>>, vector<1x16xi32>,
    %get3A_2418 = vector.shape_cast %get3A_2417 : vector<1x16xi32> to vector<16xi32>
    %lt3A_2419 = vector.broadcast %min3A : i32 to vector<16xi32>
    %lt3A_2420 = arith.cmpi slt, %add3A_2413, %lt3A_2419 : vector<16xi32>
    %select_n3A_2421 = arith.select %lt3A_2420, %broadcast_in_dim3A_2286, %get3A_2418 : vector<16xi1>, vector<16xi32>
    %swap3A_2422 = arith.constant 24 : i32
    %swap3A_2423 = arith.index_cast %swap3A_2422 : i32 to index
    %swap3A_2424 = arith.constant 112 : index
    %swap3A_2425 = tpu.vector_load %arg8[%swap3A_2423, %swap3A_2424] {strides = array<i32>} : memref<25x128xi32, #tpu.memory_space<vmem>>, vector<1x16xi32>,
    %swap3A_2426 = vector.shape_cast %swap3A_2425 : vector<1x16xi32> to vector<16xi32>
    %swap3A_2427 = vector.shape_cast %select_n3A_2421 : vector<16xi32> to vector<1x16xi32>
    tpu.vector_store %arg8[%swap3A_2423, %swap3A_2424], %swap3A_2427 {strides = array<i32>} : memref<25x128xi32, #tpu.memory_space<vmem>>, vector<1x16xi32>,
    %dma_start3A_2428 = arith.constant 24 : i32
    %dma_start3A_2429 = arith.constant 24 : i32
    %dma_start3A_2430 = arith.constant 3072 : i32
    %dma_start3A_2431 = arith.constant 0 : i32
    %dma_start3A_2432 = tpu.memref_slice %arg9[%dma_start3A_2430, %dma_start3A_2431] : memref<3200x16xf32, #tpu.memory_space<vmem>> -> memref<128x16xf32, #tpu.memory_space<vmem>>
    %dma_start3A_2433 = arith.constant 0 : i32
    %dma_start3A_2434 = tpu.memref_slice %arg7[%dma_start3A_2428, %dma_start3A_2433] : memref<25x128xi32, #tpu.memory_space<vmem>> -> memref<1x128xi32, #tpu.memory_space<vmem>>
    %dma_start3A_2435 = tpu.memref_squeeze %dma_start3A_2434 : memref<1x128xi32, #tpu.memory_space<vmem>> -> memref<128xi32, #tpu.memory_space<vmem>>
    %dma_start3A_2436 = arith.constant 0 : i32
    %dma_start3A_2437 = arith.constant 0 : i32
    %dma_start3A_2438 = tpu.memref_slice %arg6[%dma_start3A_2436, %dma_start3A_2437] : memref<10112x16xf32, #tpu.memory_space<vmem_shared>> -> memref<10112x16xf32, #tpu.memory_space<vmem_shared>>
    %dma_start3A_2439 = tpu.memref_slice %arg11[%dma_start3A_2429] : memref<25x!tpu.dma_semaphore, #tpu.memory_space<semaphore_mem>> -> memref<1x!tpu.dma_semaphore, #tpu.memory_space<semaphore_mem>>
    %dma_start3A_2440 = tpu.memref_squeeze %dma_start3A_2439 : memref<1x!tpu.dma_semaphore, #tpu.memory_space<semaphore_mem>> -> memref<!tpu.dma_semaphore, #tpu.memory_space<semaphore_mem>>
    tpu.enqueue_indirect_dma source(%dma_start3A_2438 : memref<10112x16xf32, #tpu.memory_space<vmem_shared>>) target(%dma_start3A_2432 : memref<128x16xf32, #tpu.memory_space<vmem>>) offsets(%dma_start3A_2435 : memref<128xi32, #tpu.memory_space<vmem>>) semaphore(%dma_start3A_2440 : memref<!tpu.dma_semaphore, #tpu.memory_space<semaphore_mem>>)
    %dma_wait3A_2441 = arith.constant 0 : i32
    %dma_wait3A_2442 = arith.constant 0 : i32
    %dma_wait3A_2443 = arith.constant 0 : i32
    %dma_wait3A_2444 = arith.constant 0 : i32
    %dma_wait3A_2445 = tpu.memref_slice %arg9[%dma_wait3A_2443, %dma_wait3A_2444] : memref<3200x16xf32, #tpu.memory_space<vmem>> -> memref<128x16xf32, #tpu.memory_space<vmem>>
    %dma_wait3A_2446 = arith.constant 0 : i32
    %dma_wait3A_2447 = tpu.memref_slice %arg7[%dma_wait3A_2441, %dma_wait3A_2446] : memref<25x128xi32, #tpu.memory_space<vmem>> -> memref<1x128xi32, #tpu.memory_space<vmem>>
    %dma_wait3A_2448 = tpu.memref_squeeze %dma_wait3A_2447 : memref<1x128xi32, #tpu.memory_space<vmem>> -> memref<128xi32, #tpu.memory_space<vmem>>
    %dma_wait3A_2449 = arith.constant 0 : i32
    %dma_wait3A_2450 = arith.constant 0 : i32
    %dma_wait3A_2451 = tpu.memref_slice %arg6[%dma_wait3A_2449, %dma_wait3A_2450] : memref<10112x16xf32, #tpu.memory_space<vmem_shared>> -> memref<10112x16xf32, #tpu.memory_space<vmem_shared>>
    %dma_wait3A_2452 = tpu.memref_slice %arg11[%dma_wait3A_2442] : memref<25x!tpu.dma_semaphore, #tpu.memory_space<semaphore_mem>> -> memref<1x!tpu.dma_semaphore, #tpu.memory_space<semaphore_mem>>
    %dma_wait3A_2453 = tpu.memref_squeeze %dma_wait3A_2452 : memref<1x!tpu.dma_semaphore, #tpu.memory_space<semaphore_mem>> -> memref<!tpu.dma_semaphore, #tpu.memory_space<semaphore_mem>>
    tpu.wait_indirect_dma semaphore(%dma_wait3A_2453 : memref<!tpu.dma_semaphore, #tpu.memory_space<semaphore_mem>>) src(%dma_wait3A_2451 : memref<10112x16xf32, #tpu.memory_space<vmem_shared>>) dst(%dma_wait3A_2445 : memref<128x16xf32, #tpu.memory_space<vmem>>)
    %run_scoped3A = arith.constant 0 : i32
    "tpu.region"() ({
      %run_scoped3A_2807 = tpu.sem_alloc : memref<!tpu.dma_semaphore, #tpu.memory_space<semaphore_mem>>
      %dma_start3A_2808 = arith.constant 0 : i32
      %dma_start3A_2809 = arith.constant 0 : i32
      %dma_start3A_2810 = tpu.memref_slice %arg9[%dma_start3A_2808, %dma_start3A_2809] : memref<3200x16xf32, #tpu.memory_space<vmem>> -> memref<128x16xf32, #tpu.memory_space<vmem>>
      %dma_start3A_2811 = arith.constant 0 : i32
      %dma_start3A_2812 = tpu.memref_slice %arg8[%run_scoped3A, %dma_start3A_2811] : memref<25x128xi32, #tpu.memory_space<vmem>> -> memref<1x128xi32, #tpu.memory_space<vmem>>
      %dma_start3A_2813 = tpu.memref_squeeze %dma_start3A_2812 : memref<1x128xi32, #tpu.memory_space<vmem>> -> memref<128xi32, #tpu.memory_space<vmem>>
      %dma_start3A_2814 = arith.constant 0 : i32
      %dma_start3A_2815 = arith.constant 0 : i32
      %dma_start3A_2816 = tpu.memref_slice %arg5[%dma_start3A_2814, %dma_start3A_2815] : memref<10112x16xf32, #tpu.memory_space<vmem_shared>> -> memref<10112x16xf32, #tpu.memory_space<vmem_shared>>
      tpu.enqueue_indirect_dma source(%dma_start3A_2810 : memref<128x16xf32, #tpu.memory_space<vmem>>) target(%dma_start3A_2816 : memref<10112x16xf32, #tpu.memory_space<vmem_shared>>) offsets(%dma_start3A_2813 : memref<128xi32, #tpu.memory_space<vmem>>) semaphore(%run_scoped3A_2807 : memref<!tpu.dma_semaphore, #tpu.memory_space<semaphore_mem>>) {add = true}
      %dma_wait3A_2817 = arith.constant 0 : i32
      %dma_wait3A_2818 = arith.constant 0 : i32
      %dma_wait3A_2819 = tpu.memref_slice %arg9[%dma_wait3A_2817, %dma_wait3A_2818] : memref<3200x16xf32, #tpu.memory_space<vmem>> -> memref<128x16xf32, #tpu.memory_space<vmem>>
      %dma_wait3A_2820 = arith.constant 0 : i32
      %dma_wait3A_2821 = tpu.memref_slice %arg8[%run_scoped3A, %dma_wait3A_2820] : memref<25x128xi32, #tpu.memory_space<vmem>> -> memref<1x128xi32, #tpu.memory_space<vmem>>
      %dma_wait3A_2822 = tpu.memref_squeeze %dma_wait3A_2821 : memref<1x128xi32, #tpu.memory_space<vmem>> -> memref<128xi32, #tpu.memory_space<vmem>>
      %dma_wait3A_2823 = arith.constant 0 : i32
      %dma_wait3A_2824 = arith.constant 0 : i32
      %dma_wait3A_2825 = tpu.memref_slice %arg5[%dma_wait3A_2823, %dma_wait3A_2824] : memref<10112x16xf32, #tpu.memory_space<vmem_shared>> -> memref<10112x16xf32, #tpu.memory_space<vmem_shared>>
      tpu.wait_indirect_dma semaphore(%run_scoped3A_2807 : memref<!tpu.dma_semaphore, #tpu.memory_space<semaphore_mem>>) src(%dma_wait3A_2819 : memref<128x16xf32, #tpu.memory_space<vmem>>) dst(%dma_wait3A_2825 : memref<10112x16xf32, #tpu.memory_space<vmem_shared>>)
      tpu.yield
    }) : () -> ()
    %dma_wait3A_2454 = arith.constant 1 : i32
    %dma_wait3A_2455 = arith.constant 1 : i32
    %dma_wait3A_2456 = arith.constant 128 : i32
    %dma_wait3A_2457 = arith.constant 0 : i32
    %dma_wait3A_2458 = tpu.memref_slice %arg9[%dma_wait3A_2456, %dma_wait3A_2457] : memref<3200x16xf32, #tpu.memory_space<vmem>> -> memref<128x16xf32, #tpu.memory_space<vmem>>
    %dma_wait3A_2459 = arith.constant 0 : i32
    %dma_wait3A_2460 = tpu.memref_slice %arg7[%dma_wait3A_2454, %dma_wait3A_2459] : memref<25x128xi32, #tpu.memory_space<vmem>> -> memref<1x128xi32, #tpu.memory_space<vmem>>
    %dma_wait3A_2461 = tpu.memref_squeeze %dma_wait3A_2460 : memref<1x128xi32, #tpu.memory_space<vmem>> -> memref<128xi32, #tpu.memory_space<vmem>>
    %dma_wait3A_2462 = arith.constant 0 : i32
    %dma_wait3A_2463 = arith.constant 0 : i32
    %dma_wait3A_2464 = tpu.memref_slice %arg6[%dma_wait3A_2462, %dma_wait3A_2463] : memref<10112x16xf32, #tpu.memory_space<vmem_shared>> -> memref<10112x16xf32, #tpu.memory_space<vmem_shared>>
    %dma_wait3A_2465 = tpu.memref_slice %arg11[%dma_wait3A_2455] : memref<25x!tpu.dma_semaphore, #tpu.memory_space<semaphore_mem>> -> memref<1x!tpu.dma_semaphore, #tpu.memory_space<semaphore_mem>>
    %dma_wait3A_2466 = tpu.memref_squeeze %dma_wait3A_2465 : memref<1x!tpu.dma_semaphore, #tpu.memory_space<semaphore_mem>> -> memref<!tpu.dma_semaphore, #tpu.memory_space<semaphore_mem>>
    tpu.wait_indirect_dma semaphore(%dma_wait3A_2466 : memref<!tpu.dma_semaphore, #tpu.memory_space<semaphore_mem>>) src(%dma_wait3A_2464 : memref<10112x16xf32, #tpu.memory_space<vmem_shared>>) dst(%dma_wait3A_2458 : memref<128x16xf32, #tpu.memory_space<vmem>>)
    %run_scoped3A_2467 = arith.constant 1 : i32
    "tpu.region"() ({
      %run_scoped3A_2807 = tpu.sem_alloc : memref<!tpu.dma_semaphore, #tpu.memory_space<semaphore_mem>>
      %dma_start3A_2808 = arith.constant 128 : i32
      %dma_start3A_2809 = arith.constant 0 : i32
      %dma_start3A_2810 = tpu.memref_slice %arg9[%dma_start3A_2808, %dma_start3A_2809] : memref<3200x16xf32, #tpu.memory_space<vmem>> -> memref<128x16xf32, #tpu.memory_space<vmem>>
      %dma_start3A_2811 = arith.constant 0 : i32
      %dma_start3A_2812 = tpu.memref_slice %arg8[%run_scoped3A_2467, %dma_start3A_2811] : memref<25x128xi32, #tpu.memory_space<vmem>> -> memref<1x128xi32, #tpu.memory_space<vmem>>
      %dma_start3A_2813 = tpu.memref_squeeze %dma_start3A_2812 : memref<1x128xi32, #tpu.memory_space<vmem>> -> memref<128xi32, #tpu.memory_space<vmem>>
      %dma_start3A_2814 = arith.constant 0 : i32
      %dma_start3A_2815 = arith.constant 0 : i32
      %dma_start3A_2816 = tpu.memref_slice %arg5[%dma_start3A_2814, %dma_start3A_2815] : memref<10112x16xf32, #tpu.memory_space<vmem_shared>> -> memref<10112x16xf32, #tpu.memory_space<vmem_shared>>
      tpu.enqueue_indirect_dma source(%dma_start3A_2810 : memref<128x16xf32, #tpu.memory_space<vmem>>) target(%dma_start3A_2816 : memref<10112x16xf32, #tpu.memory_space<vmem_shared>>) offsets(%dma_start3A_2813 : memref<128xi32, #tpu.memory_space<vmem>>) semaphore(%run_scoped3A_2807 : memref<!tpu.dma_semaphore, #tpu.memory_space<semaphore_mem>>) {add = true}
      %dma_wait3A_2817 = arith.constant 128 : i32
      %dma_wait3A_2818 = arith.constant 0 : i32
      %dma_wait3A_2819 = tpu.memref_slice %arg9[%dma_wait3A_2817, %dma_wait3A_2818] : memref<3200x16xf32, #tpu.memory_space<vmem>> -> memref<128x16xf32, #tpu.memory_space<vmem>>
      %dma_wait3A_2820 = arith.constant 0 : i32
      %dma_wait3A_2821 = tpu.memref_slice %arg8[%run_scoped3A_2467, %dma_wait3A_2820] : memref<25x128xi32, #tpu.memory_space<vmem>> -> memref<1x128xi32, #tpu.memory_space<vmem>>
      %dma_wait3A_2822 = tpu.memref_squeeze %dma_wait3A_2821 : memref<1x128xi32, #tpu.memory_space<vmem>> -> memref<128xi32, #tpu.memory_space<vmem>>
      %dma_wait3A_2823 = arith.constant 0 : i32
      %dma_wait3A_2824 = arith.constant 0 : i32
      %dma_wait3A_2825 = tpu.memref_slice %arg5[%dma_wait3A_2823, %dma_wait3A_2824] : memref<10112x16xf32, #tpu.memory_space<vmem_shared>> -> memref<10112x16xf32, #tpu.memory_space<vmem_shared>>
      tpu.wait_indirect_dma semaphore(%run_scoped3A_2807 : memref<!tpu.dma_semaphore, #tpu.memory_space<semaphore_mem>>) src(%dma_wait3A_2819 : memref<128x16xf32, #tpu.memory_space<vmem>>) dst(%dma_wait3A_2825 : memref<10112x16xf32, #tpu.memory_space<vmem_shared>>)
      tpu.yield
    }) : () -> ()
    %dma_wait3A_2468 = arith.constant 2 : i32
    %dma_wait3A_2469 = arith.constant 2 : i32
    %dma_wait3A_2470 = arith.constant 256 : i32
    %dma_wait3A_2471 = arith.constant 0 : i32
    %dma_wait3A_2472 = tpu.memref_slice %arg9[%dma_wait3A_2470, %dma_wait3A_2471] : memref<3200x16xf32, #tpu.memory_space<vmem>> -> memref<128x16xf32, #tpu.memory_space<vmem>>
    %dma_wait3A_2473 = arith.constant 0 : i32
    %dma_wait3A_2474 = tpu.memref_slice %arg7[%dma_wait3A_2468, %dma_wait3A_2473] : memref<25x128xi32, #tpu.memory_space<vmem>> -> memref<1x128xi32, #tpu.memory_space<vmem>>
    %dma_wait3A_2475 = tpu.memref_squeeze %dma_wait3A_2474 : memref<1x128xi32, #tpu.memory_space<vmem>> -> memref<128xi32, #tpu.memory_space<vmem>>
    %dma_wait3A_2476 = arith.constant 0 : i32
    %dma_wait3A_2477 = arith.constant 0 : i32
    %dma_wait3A_2478 = tpu.memref_slice %arg6[%dma_wait3A_2476, %dma_wait3A_2477] : memref<10112x16xf32, #tpu.memory_space<vmem_shared>> -> memref<10112x16xf32, #tpu.memory_space<vmem_shared>>
    %dma_wait3A_2479 = tpu.memref_slice %arg11[%dma_wait3A_2469] : memref<25x!tpu.dma_semaphore, #tpu.memory_space<semaphore_mem>> -> memref<1x!tpu.dma_semaphore, #tpu.memory_space<semaphore_mem>>
    %dma_wait3A_2480 = tpu.memref_squeeze %dma_wait3A_2479 : memref<1x!tpu.dma_semaphore, #tpu.memory_space<semaphore_mem>> -> memref<!tpu.dma_semaphore, #tpu.memory_space<semaphore_mem>>
    tpu.wait_indirect_dma semaphore(%dma_wait3A_2480 : memref<!tpu.dma_semaphore, #tpu.memory_space<semaphore_mem>>) src(%dma_wait3A_2478 : memref<10112x16xf32, #tpu.memory_space<vmem_shared>>) dst(%dma_wait3A_2472 : memref<128x16xf32, #tpu.memory_space<vmem>>)
    %run_scoped3A_2481 = arith.constant 2 : i32
    "tpu.region"() ({
      %run_scoped3A_2807 = tpu.sem_alloc : memref<!tpu.dma_semaphore, #tpu.memory_space<semaphore_mem>>
      %dma_start3A_2808 = arith.constant 256 : i32
      %dma_start3A_2809 = arith.constant 0 : i32
      %dma_start3A_2810 = tpu.memref_slice %arg9[%dma_start3A_2808, %dma_start3A_2809] : memref<3200x16xf32, #tpu.memory_space<vmem>> -> memref<128x16xf32, #tpu.memory_space<vmem>>
      %dma_start3A_2811 = arith.constant 0 : i32
      %dma_start3A_2812 = tpu.memref_slice %arg8[%run_scoped3A_2481, %dma_start3A_2811] : memref<25x128xi32, #tpu.memory_space<vmem>> -> memref<1x128xi32, #tpu.memory_space<vmem>>
      %dma_start3A_2813 = tpu.memref_squeeze %dma_start3A_2812 : memref<1x128xi32, #tpu.memory_space<vmem>> -> memref<128xi32, #tpu.memory_space<vmem>>
      %dma_start3A_2814 = arith.constant 0 : i32
      %dma_start3A_2815 = arith.constant 0 : i32
      %dma_start3A_2816 = tpu.memref_slice %arg5[%dma_start3A_2814, %dma_start3A_2815] : memref<10112x16xf32, #tpu.memory_space<vmem_shared>> -> memref<10112x16xf32, #tpu.memory_space<vmem_shared>>
      tpu.enqueue_indirect_dma source(%dma_start3A_2810 : memref<128x16xf32, #tpu.memory_space<vmem>>) target(%dma_start3A_2816 : memref<10112x16xf32, #tpu.memory_space<vmem_shared>>) offsets(%dma_start3A_2813 : memref<128xi32, #tpu.memory_space<vmem>>) semaphore(%run_scoped3A_2807 : memref<!tpu.dma_semaphore, #tpu.memory_space<semaphore_mem>>) {add = true}
      %dma_wait3A_2817 = arith.constant 256 : i32
      %dma_wait3A_2818 = arith.constant 0 : i32
      %dma_wait3A_2819 = tpu.memref_slice %arg9[%dma_wait3A_2817, %dma_wait3A_2818] : memref<3200x16xf32, #tpu.memory_space<vmem>> -> memref<128x16xf32, #tpu.memory_space<vmem>>
      %dma_wait3A_2820 = arith.constant 0 : i32
      %dma_wait3A_2821 = tpu.memref_slice %arg8[%run_scoped3A_2481, %dma_wait3A_2820] : memref<25x128xi32, #tpu.memory_space<vmem>> -> memref<1x128xi32, #tpu.memory_space<vmem>>
      %dma_wait3A_2822 = tpu.memref_squeeze %dma_wait3A_2821 : memref<1x128xi32, #tpu.memory_space<vmem>> -> memref<128xi32, #tpu.memory_space<vmem>>
      %dma_wait3A_2823 = arith.constant 0 : i32
      %dma_wait3A_2824 = arith.constant 0 : i32
      %dma_wait3A_2825 = tpu.memref_slice %arg5[%dma_wait3A_2823, %dma_wait3A_2824] : memref<10112x16xf32, #tpu.memory_space<vmem_shared>> -> memref<10112x16xf32, #tpu.memory_space<vmem_shared>>
      tpu.wait_indirect_dma semaphore(%run_scoped3A_2807 : memref<!tpu.dma_semaphore, #tpu.memory_space<semaphore_mem>>) src(%dma_wait3A_2819 : memref<128x16xf32, #tpu.memory_space<vmem>>) dst(%dma_wait3A_2825 : memref<10112x16xf32, #tpu.memory_space<vmem_shared>>)
      tpu.yield
    }) : () -> ()
    %dma_wait3A_2482 = arith.constant 3 : i32
    %dma_wait3A_2483 = arith.constant 3 : i32
    %dma_wait3A_2484 = arith.constant 384 : i32
    %dma_wait3A_2485 = arith.constant 0 : i32
    %dma_wait3A_2486 = tpu.memref_slice %arg9[%dma_wait3A_2484, %dma_wait3A_2485] : memref<3200x16xf32, #tpu.memory_space<vmem>> -> memref<128x16xf32, #tpu.memory_space<vmem>>
    %dma_wait3A_2487 = arith.constant 0 : i32
    %dma_wait3A_2488 = tpu.memref_slice %arg7[%dma_wait3A_2482, %dma_wait3A_2487] : memref<25x128xi32, #tpu.memory_space<vmem>> -> memref<1x128xi32, #tpu.memory_space<vmem>>
    %dma_wait3A_2489 = tpu.memref_squeeze %dma_wait3A_2488 : memref<1x128xi32, #tpu.memory_space<vmem>> -> memref<128xi32, #tpu.memory_space<vmem>>
    %dma_wait3A_2490 = arith.constant 0 : i32
    %dma_wait3A_2491 = arith.constant 0 : i32
    %dma_wait3A_2492 = tpu.memref_slice %arg6[%dma_wait3A_2490, %dma_wait3A_2491] : memref<10112x16xf32, #tpu.memory_space<vmem_shared>> -> memref<10112x16xf32, #tpu.memory_space<vmem_shared>>
    %dma_wait3A_2493 = tpu.memref_slice %arg11[%dma_wait3A_2483] : memref<25x!tpu.dma_semaphore, #tpu.memory_space<semaphore_mem>> -> memref<1x!tpu.dma_semaphore, #tpu.memory_space<semaphore_mem>>
    %dma_wait3A_2494 = tpu.memref_squeeze %dma_wait3A_2493 : memref<1x!tpu.dma_semaphore, #tpu.memory_space<semaphore_mem>> -> memref<!tpu.dma_semaphore, #tpu.memory_space<semaphore_mem>>
    tpu.wait_indirect_dma semaphore(%dma_wait3A_2494 : memref<!tpu.dma_semaphore, #tpu.memory_space<semaphore_mem>>) src(%dma_wait3A_2492 : memref<10112x16xf32, #tpu.memory_space<vmem_shared>>) dst(%dma_wait3A_2486 : memref<128x16xf32, #tpu.memory_space<vmem>>)
    %run_scoped3A_2495 = arith.constant 3 : i32
    "tpu.region"() ({
      %run_scoped3A_2807 = tpu.sem_alloc : memref<!tpu.dma_semaphore, #tpu.memory_space<semaphore_mem>>
      %dma_start3A_2808 = arith.constant 384 : i32
      %dma_start3A_2809 = arith.constant 0 : i32
      %dma_start3A_2810 = tpu.memref_slice %arg9[%dma_start3A_2808, %dma_start3A_2809] : memref<3200x16xf32, #tpu.memory_space<vmem>> -> memref<128x16xf32, #tpu.memory_space<vmem>>
      %dma_start3A_2811 = arith.constant 0 : i32
      %dma_start3A_2812 = tpu.memref_slice %arg8[%run_scoped3A_2495, %dma_start3A_2811] : memref<25x128xi32, #tpu.memory_space<vmem>> -> memref<1x128xi32, #tpu.memory_space<vmem>>
      %dma_start3A_2813 = tpu.memref_squeeze %dma_start3A_2812 : memref<1x128xi32, #tpu.memory_space<vmem>> -> memref<128xi32, #tpu.memory_space<vmem>>
      %dma_start3A_2814 = arith.constant 0 : i32
      %dma_start3A_2815 = arith.constant 0 : i32
      %dma_start3A_2816 = tpu.memref_slice %arg5[%dma_start3A_2814, %dma_start3A_2815] : memref<10112x16xf32, #tpu.memory_space<vmem_shared>> -> memref<10112x16xf32, #tpu.memory_space<vmem_shared>>
      tpu.enqueue_indirect_dma source(%dma_start3A_2810 : memref<128x16xf32, #tpu.memory_space<vmem>>) target(%dma_start3A_2816 : memref<10112x16xf32, #tpu.memory_space<vmem_shared>>) offsets(%dma_start3A_2813 : memref<128xi32, #tpu.memory_space<vmem>>) semaphore(%run_scoped3A_2807 : memref<!tpu.dma_semaphore, #tpu.memory_space<semaphore_mem>>) {add = true}
      %dma_wait3A_2817 = arith.constant 384 : i32
      %dma_wait3A_2818 = arith.constant 0 : i32
      %dma_wait3A_2819 = tpu.memref_slice %arg9[%dma_wait3A_2817, %dma_wait3A_2818] : memref<3200x16xf32, #tpu.memory_space<vmem>> -> memref<128x16xf32, #tpu.memory_space<vmem>>
      %dma_wait3A_2820 = arith.constant 0 : i32
      %dma_wait3A_2821 = tpu.memref_slice %arg8[%run_scoped3A_2495, %dma_wait3A_2820] : memref<25x128xi32, #tpu.memory_space<vmem>> -> memref<1x128xi32, #tpu.memory_space<vmem>>
      %dma_wait3A_2822 = tpu.memref_squeeze %dma_wait3A_2821 : memref<1x128xi32, #tpu.memory_space<vmem>> -> memref<128xi32, #tpu.memory_space<vmem>>
      %dma_wait3A_2823 = arith.constant 0 : i32
      %dma_wait3A_2824 = arith.constant 0 : i32
      %dma_wait3A_2825 = tpu.memref_slice %arg5[%dma_wait3A_2823, %dma_wait3A_2824] : memref<10112x16xf32, #tpu.memory_space<vmem_shared>> -> memref<10112x16xf32, #tpu.memory_space<vmem_shared>>
      tpu.wait_indirect_dma semaphore(%run_scoped3A_2807 : memref<!tpu.dma_semaphore, #tpu.memory_space<semaphore_mem>>) src(%dma_wait3A_2819 : memref<128x16xf32, #tpu.memory_space<vmem>>) dst(%dma_wait3A_2825 : memref<10112x16xf32, #tpu.memory_space<vmem_shared>>)
      tpu.yield
    }) : () -> ()
    %dma_wait3A_2496 = arith.constant 4 : i32
    %dma_wait3A_2497 = arith.constant 4 : i32
    %dma_wait3A_2498 = arith.constant 512 : i32
    %dma_wait3A_2499 = arith.constant 0 : i32
    %dma_wait3A_2500 = tpu.memref_slice %arg9[%dma_wait3A_2498, %dma_wait3A_2499] : memref<3200x16xf32, #tpu.memory_space<vmem>> -> memref<128x16xf32, #tpu.memory_space<vmem>>
    %dma_wait3A_2501 = arith.constant 0 : i32
    %dma_wait3A_2502 = tpu.memref_slice %arg7[%dma_wait3A_2496, %dma_wait3A_2501] : memref<25x128xi32, #tpu.memory_space<vmem>> -> memref<1x128xi32, #tpu.memory_space<vmem>>
    %dma_wait3A_2503 = tpu.memref_squeeze %dma_wait3A_2502 : memref<1x128xi32, #tpu.memory_space<vmem>> -> memref<128xi32, #tpu.memory_space<vmem>>
    %dma_wait3A_2504 = arith.constant 0 : i32
    %dma_wait3A_2505 = arith.constant 0 : i32
    %dma_wait3A_2506 = tpu.memref_slice %arg6[%dma_wait3A_2504, %dma_wait3A_2505] : memref<10112x16xf32, #tpu.memory_space<vmem_shared>> -> memref<10112x16xf32, #tpu.memory_space<vmem_shared>>
    %dma_wait3A_2507 = tpu.memref_slice %arg11[%dma_wait3A_2497] : memref<25x!tpu.dma_semaphore, #tpu.memory_space<semaphore_mem>> -> memref<1x!tpu.dma_semaphore, #tpu.memory_space<semaphore_mem>>
    %dma_wait3A_2508 = tpu.memref_squeeze %dma_wait3A_2507 : memref<1x!tpu.dma_semaphore, #tpu.memory_space<semaphore_mem>> -> memref<!tpu.dma_semaphore, #tpu.memory_space<semaphore_mem>>
    tpu.wait_indirect_dma semaphore(%dma_wait3A_2508 : memref<!tpu.dma_semaphore, #tpu.memory_space<semaphore_mem>>) src(%dma_wait3A_2506 : memref<10112x16xf32, #tpu.memory_space<vmem_shared>>) dst(%dma_wait3A_2500 : memref<128x16xf32, #tpu.memory_space<vmem>>)
    %run_scoped3A_2509 = arith.constant 4 : i32
    "tpu.region"() ({
      %run_scoped3A_2807 = tpu.sem_alloc : memref<!tpu.dma_semaphore, #tpu.memory_space<semaphore_mem>>
      %dma_start3A_2808 = arith.constant 512 : i32
      %dma_start3A_2809 = arith.constant 0 : i32
      %dma_start3A_2810 = tpu.memref_slice %arg9[%dma_start3A_2808, %dma_start3A_2809] : memref<3200x16xf32, #tpu.memory_space<vmem>> -> memref<128x16xf32, #tpu.memory_space<vmem>>
      %dma_start3A_2811 = arith.constant 0 : i32
      %dma_start3A_2812 = tpu.memref_slice %arg8[%run_scoped3A_2509, %dma_start3A_2811] : memref<25x128xi32, #tpu.memory_space<vmem>> -> memref<1x128xi32, #tpu.memory_space<vmem>>
      %dma_start3A_2813 = tpu.memref_squeeze %dma_start3A_2812 : memref<1x128xi32, #tpu.memory_space<vmem>> -> memref<128xi32, #tpu.memory_space<vmem>>
      %dma_start3A_2814 = arith.constant 0 : i32
      %dma_start3A_2815 = arith.constant 0 : i32
      %dma_start3A_2816 = tpu.memref_slice %arg5[%dma_start3A_2814, %dma_start3A_2815] : memref<10112x16xf32, #tpu.memory_space<vmem_shared>> -> memref<10112x16xf32, #tpu.memory_space<vmem_shared>>
      tpu.enqueue_indirect_dma source(%dma_start3A_2810 : memref<128x16xf32, #tpu.memory_space<vmem>>) target(%dma_start3A_2816 : memref<10112x16xf32, #tpu.memory_space<vmem_shared>>) offsets(%dma_start3A_2813 : memref<128xi32, #tpu.memory_space<vmem>>) semaphore(%run_scoped3A_2807 : memref<!tpu.dma_semaphore, #tpu.memory_space<semaphore_mem>>) {add = true}
      %dma_wait3A_2817 = arith.constant 512 : i32
      %dma_wait3A_2818 = arith.constant 0 : i32
      %dma_wait3A_2819 = tpu.memref_slice %arg9[%dma_wait3A_2817, %dma_wait3A_2818] : memref<3200x16xf32, #tpu.memory_space<vmem>> -> memref<128x16xf32, #tpu.memory_space<vmem>>
      %dma_wait3A_2820 = arith.constant 0 : i32
      %dma_wait3A_2821 = tpu.memref_slice %arg8[%run_scoped3A_2509, %dma_wait3A_2820] : memref<25x128xi32, #tpu.memory_space<vmem>> -> memref<1x128xi32, #tpu.memory_space<vmem>>
      %dma_wait3A_2822 = tpu.memref_squeeze %dma_wait3A_2821 : memref<1x128xi32, #tpu.memory_space<vmem>> -> memref<128xi32, #tpu.memory_space<vmem>>
      %dma_wait3A_2823 = arith.constant 0 : i32
      %dma_wait3A_2824 = arith.constant 0 : i32
      %dma_wait3A_2825 = tpu.memref_slice %arg5[%dma_wait3A_2823, %dma_wait3A_2824] : memref<10112x16xf32, #tpu.memory_space<vmem_shared>> -> memref<10112x16xf32, #tpu.memory_space<vmem_shared>>
      tpu.wait_indirect_dma semaphore(%run_scoped3A_2807 : memref<!tpu.dma_semaphore, #tpu.memory_space<semaphore_mem>>) src(%dma_wait3A_2819 : memref<128x16xf32, #tpu.memory_space<vmem>>) dst(%dma_wait3A_2825 : memref<10112x16xf32, #tpu.memory_space<vmem_shared>>)
      tpu.yield
    }) : () -> ()
    %dma_wait3A_2510 = arith.constant 5 : i32
    %dma_wait3A_2511 = arith.constant 5 : i32
    %dma_wait3A_2512 = arith.constant 640 : i32
    %dma_wait3A_2513 = arith.constant 0 : i32
    %dma_wait3A_2514 = tpu.memref_slice %arg9[%dma_wait3A_2512, %dma_wait3A_2513] : memref<3200x16xf32, #tpu.memory_space<vmem>> -> memref<128x16xf32, #tpu.memory_space<vmem>>
    %dma_wait3A_2515 = arith.constant 0 : i32
    %dma_wait3A_2516 = tpu.memref_slice %arg7[%dma_wait3A_2510, %dma_wait3A_2515] : memref<25x128xi32, #tpu.memory_space<vmem>> -> memref<1x128xi32, #tpu.memory_space<vmem>>
    %dma_wait3A_2517 = tpu.memref_squeeze %dma_wait3A_2516 : memref<1x128xi32, #tpu.memory_space<vmem>> -> memref<128xi32, #tpu.memory_space<vmem>>
    %dma_wait3A_2518 = arith.constant 0 : i32
    %dma_wait3A_2519 = arith.constant 0 : i32
    %dma_wait3A_2520 = tpu.memref_slice %arg6[%dma_wait3A_2518, %dma_wait3A_2519] : memref<10112x16xf32, #tpu.memory_space<vmem_shared>> -> memref<10112x16xf32, #tpu.memory_space<vmem_shared>>
    %dma_wait3A_2521 = tpu.memref_slice %arg11[%dma_wait3A_2511] : memref<25x!tpu.dma_semaphore, #tpu.memory_space<semaphore_mem>> -> memref<1x!tpu.dma_semaphore, #tpu.memory_space<semaphore_mem>>
    %dma_wait3A_2522 = tpu.memref_squeeze %dma_wait3A_2521 : memref<1x!tpu.dma_semaphore, #tpu.memory_space<semaphore_mem>> -> memref<!tpu.dma_semaphore, #tpu.memory_space<semaphore_mem>>
    tpu.wait_indirect_dma semaphore(%dma_wait3A_2522 : memref<!tpu.dma_semaphore, #tpu.memory_space<semaphore_mem>>) src(%dma_wait3A_2520 : memref<10112x16xf32, #tpu.memory_space<vmem_shared>>) dst(%dma_wait3A_2514 : memref<128x16xf32, #tpu.memory_space<vmem>>)
    %run_scoped3A_2523 = arith.constant 5 : i32
    "tpu.region"() ({
      %run_scoped3A_2807 = tpu.sem_alloc : memref<!tpu.dma_semaphore, #tpu.memory_space<semaphore_mem>>
      %dma_start3A_2808 = arith.constant 640 : i32
      %dma_start3A_2809 = arith.constant 0 : i32
      %dma_start3A_2810 = tpu.memref_slice %arg9[%dma_start3A_2808, %dma_start3A_2809] : memref<3200x16xf32, #tpu.memory_space<vmem>> -> memref<128x16xf32, #tpu.memory_space<vmem>>
      %dma_start3A_2811 = arith.constant 0 : i32
      %dma_start3A_2812 = tpu.memref_slice %arg8[%run_scoped3A_2523, %dma_start3A_2811] : memref<25x128xi32, #tpu.memory_space<vmem>> -> memref<1x128xi32, #tpu.memory_space<vmem>>
      %dma_start3A_2813 = tpu.memref_squeeze %dma_start3A_2812 : memref<1x128xi32, #tpu.memory_space<vmem>> -> memref<128xi32, #tpu.memory_space<vmem>>
      %dma_start3A_2814 = arith.constant 0 : i32
      %dma_start3A_2815 = arith.constant 0 : i32
      %dma_start3A_2816 = tpu.memref_slice %arg5[%dma_start3A_2814, %dma_start3A_2815] : memref<10112x16xf32, #tpu.memory_space<vmem_shared>> -> memref<10112x16xf32, #tpu.memory_space<vmem_shared>>
      tpu.enqueue_indirect_dma source(%dma_start3A_2810 : memref<128x16xf32, #tpu.memory_space<vmem>>) target(%dma_start3A_2816 : memref<10112x16xf32, #tpu.memory_space<vmem_shared>>) offsets(%dma_start3A_2813 : memref<128xi32, #tpu.memory_space<vmem>>) semaphore(%run_scoped3A_2807 : memref<!tpu.dma_semaphore, #tpu.memory_space<semaphore_mem>>) {add = true}
      %dma_wait3A_2817 = arith.constant 640 : i32
      %dma_wait3A_2818 = arith.constant 0 : i32
      %dma_wait3A_2819 = tpu.memref_slice %arg9[%dma_wait3A_2817, %dma_wait3A_2818] : memref<3200x16xf32, #tpu.memory_space<vmem>> -> memref<128x16xf32, #tpu.memory_space<vmem>>
      %dma_wait3A_2820 = arith.constant 0 : i32
      %dma_wait3A_2821 = tpu.memref_slice %arg8[%run_scoped3A_2523, %dma_wait3A_2820] : memref<25x128xi32, #tpu.memory_space<vmem>> -> memref<1x128xi32, #tpu.memory_space<vmem>>
      %dma_wait3A_2822 = tpu.memref_squeeze %dma_wait3A_2821 : memref<1x128xi32, #tpu.memory_space<vmem>> -> memref<128xi32, #tpu.memory_space<vmem>>
      %dma_wait3A_2823 = arith.constant 0 : i32
      %dma_wait3A_2824 = arith.constant 0 : i32
      %dma_wait3A_2825 = tpu.memref_slice %arg5[%dma_wait3A_2823, %dma_wait3A_2824] : memref<10112x16xf32, #tpu.memory_space<vmem_shared>> -> memref<10112x16xf32, #tpu.memory_space<vmem_shared>>
      tpu.wait_indirect_dma semaphore(%run_scoped3A_2807 : memref<!tpu.dma_semaphore, #tpu.memory_space<semaphore_mem>>) src(%dma_wait3A_2819 : memref<128x16xf32, #tpu.memory_space<vmem>>) dst(%dma_wait3A_2825 : memref<10112x16xf32, #tpu.memory_space<vmem_shared>>)
      tpu.yield
    }) : () -> ()
    %dma_wait3A_2524 = arith.constant 6 : i32
    %dma_wait3A_2525 = arith.constant 6 : i32
    %dma_wait3A_2526 = arith.constant 768 : i32
    %dma_wait3A_2527 = arith.constant 0 : i32
    %dma_wait3A_2528 = tpu.memref_slice %arg9[%dma_wait3A_2526, %dma_wait3A_2527] : memref<3200x16xf32, #tpu.memory_space<vmem>> -> memref<128x16xf32, #tpu.memory_space<vmem>>
    %dma_wait3A_2529 = arith.constant 0 : i32
    %dma_wait3A_2530 = tpu.memref_slice %arg7[%dma_wait3A_2524, %dma_wait3A_2529] : memref<25x128xi32, #tpu.memory_space<vmem>> -> memref<1x128xi32, #tpu.memory_space<vmem>>
    %dma_wait3A_2531 = tpu.memref_squeeze %dma_wait3A_2530 : memref<1x128xi32, #tpu.memory_space<vmem>> -> memref<128xi32, #tpu.memory_space<vmem>>
    %dma_wait3A_2532 = arith.constant 0 : i32
    %dma_wait3A_2533 = arith.constant 0 : i32
    %dma_wait3A_2534 = tpu.memref_slice %arg6[%dma_wait3A_2532, %dma_wait3A_2533] : memref<10112x16xf32, #tpu.memory_space<vmem_shared>> -> memref<10112x16xf32, #tpu.memory_space<vmem_shared>>
    %dma_wait3A_2535 = tpu.memref_slice %arg11[%dma_wait3A_2525] : memref<25x!tpu.dma_semaphore, #tpu.memory_space<semaphore_mem>> -> memref<1x!tpu.dma_semaphore, #tpu.memory_space<semaphore_mem>>
    %dma_wait3A_2536 = tpu.memref_squeeze %dma_wait3A_2535 : memref<1x!tpu.dma_semaphore, #tpu.memory_space<semaphore_mem>> -> memref<!tpu.dma_semaphore, #tpu.memory_space<semaphore_mem>>
    tpu.wait_indirect_dma semaphore(%dma_wait3A_2536 : memref<!tpu.dma_semaphore, #tpu.memory_space<semaphore_mem>>) src(%dma_wait3A_2534 : memref<10112x16xf32, #tpu.memory_space<vmem_shared>>) dst(%dma_wait3A_2528 : memref<128x16xf32, #tpu.memory_space<vmem>>)
    %run_scoped3A_2537 = arith.constant 6 : i32
    "tpu.region"() ({
      %run_scoped3A_2807 = tpu.sem_alloc : memref<!tpu.dma_semaphore, #tpu.memory_space<semaphore_mem>>
      %dma_start3A_2808 = arith.constant 768 : i32
      %dma_start3A_2809 = arith.constant 0 : i32
      %dma_start3A_2810 = tpu.memref_slice %arg9[%dma_start3A_2808, %dma_start3A_2809] : memref<3200x16xf32, #tpu.memory_space<vmem>> -> memref<128x16xf32, #tpu.memory_space<vmem>>
      %dma_start3A_2811 = arith.constant 0 : i32
      %dma_start3A_2812 = tpu.memref_slice %arg8[%run_scoped3A_2537, %dma_start3A_2811] : memref<25x128xi32, #tpu.memory_space<vmem>> -> memref<1x128xi32, #tpu.memory_space<vmem>>
      %dma_start3A_2813 = tpu.memref_squeeze %dma_start3A_2812 : memref<1x128xi32, #tpu.memory_space<vmem>> -> memref<128xi32, #tpu.memory_space<vmem>>
      %dma_start3A_2814 = arith.constant 0 : i32
      %dma_start3A_2815 = arith.constant 0 : i32
      %dma_start3A_2816 = tpu.memref_slice %arg5[%dma_start3A_2814, %dma_start3A_2815] : memref<10112x16xf32, #tpu.memory_space<vmem_shared>> -> memref<10112x16xf32, #tpu.memory_space<vmem_shared>>
      tpu.enqueue_indirect_dma source(%dma_start3A_2810 : memref<128x16xf32, #tpu.memory_space<vmem>>) target(%dma_start3A_2816 : memref<10112x16xf32, #tpu.memory_space<vmem_shared>>) offsets(%dma_start3A_2813 : memref<128xi32, #tpu.memory_space<vmem>>) semaphore(%run_scoped3A_2807 : memref<!tpu.dma_semaphore, #tpu.memory_space<semaphore_mem>>) {add = true}
      %dma_wait3A_2817 = arith.constant 768 : i32
      %dma_wait3A_2818 = arith.constant 0 : i32
      %dma_wait3A_2819 = tpu.memref_slice %arg9[%dma_wait3A_2817, %dma_wait3A_2818] : memref<3200x16xf32, #tpu.memory_space<vmem>> -> memref<128x16xf32, #tpu.memory_space<vmem>>
      %dma_wait3A_2820 = arith.constant 0 : i32
      %dma_wait3A_2821 = tpu.memref_slice %arg8[%run_scoped3A_2537, %dma_wait3A_2820] : memref<25x128xi32, #tpu.memory_space<vmem>> -> memref<1x128xi32, #tpu.memory_space<vmem>>
      %dma_wait3A_2822 = tpu.memref_squeeze %dma_wait3A_2821 : memref<1x128xi32, #tpu.memory_space<vmem>> -> memref<128xi32, #tpu.memory_space<vmem>>
      %dma_wait3A_2823 = arith.constant 0 : i32
      %dma_wait3A_2824 = arith.constant 0 : i32
      %dma_wait3A_2825 = tpu.memref_slice %arg5[%dma_wait3A_2823, %dma_wait3A_2824] : memref<10112x16xf32, #tpu.memory_space<vmem_shared>> -> memref<10112x16xf32, #tpu.memory_space<vmem_shared>>
      tpu.wait_indirect_dma semaphore(%run_scoped3A_2807 : memref<!tpu.dma_semaphore, #tpu.memory_space<semaphore_mem>>) src(%dma_wait3A_2819 : memref<128x16xf32, #tpu.memory_space<vmem>>) dst(%dma_wait3A_2825 : memref<10112x16xf32, #tpu.memory_space<vmem_shared>>)
      tpu.yield
    }) : () -> ()
    %dma_wait3A_2538 = arith.constant 7 : i32
    %dma_wait3A_2539 = arith.constant 7 : i32
    %dma_wait3A_2540 = arith.constant 896 : i32
    %dma_wait3A_2541 = arith.constant 0 : i32
    %dma_wait3A_2542 = tpu.memref_slice %arg9[%dma_wait3A_2540, %dma_wait3A_2541] : memref<3200x16xf32, #tpu.memory_space<vmem>> -> memref<128x16xf32, #tpu.memory_space<vmem>>
    %dma_wait3A_2543 = arith.constant 0 : i32
    %dma_wait3A_2544 = tpu.memref_slice %arg7[%dma_wait3A_2538, %dma_wait3A_2543] : memref<25x128xi32, #tpu.memory_space<vmem>> -> memref<1x128xi32, #tpu.memory_space<vmem>>
    %dma_wait3A_2545 = tpu.memref_squeeze %dma_wait3A_2544 : memref<1x128xi32, #tpu.memory_space<vmem>> -> memref<128xi32, #tpu.memory_space<vmem>>
    %dma_wait3A_2546 = arith.constant 0 : i32
    %dma_wait3A_2547 = arith.constant 0 : i32
    %dma_wait3A_2548 = tpu.memref_slice %arg6[%dma_wait3A_2546, %dma_wait3A_2547] : memref<10112x16xf32, #tpu.memory_space<vmem_shared>> -> memref<10112x16xf32, #tpu.memory_space<vmem_shared>>
    %dma_wait3A_2549 = tpu.memref_slice %arg11[%dma_wait3A_2539] : memref<25x!tpu.dma_semaphore, #tpu.memory_space<semaphore_mem>> -> memref<1x!tpu.dma_semaphore, #tpu.memory_space<semaphore_mem>>
    %dma_wait3A_2550 = tpu.memref_squeeze %dma_wait3A_2549 : memref<1x!tpu.dma_semaphore, #tpu.memory_space<semaphore_mem>> -> memref<!tpu.dma_semaphore, #tpu.memory_space<semaphore_mem>>
    tpu.wait_indirect_dma semaphore(%dma_wait3A_2550 : memref<!tpu.dma_semaphore, #tpu.memory_space<semaphore_mem>>) src(%dma_wait3A_2548 : memref<10112x16xf32, #tpu.memory_space<vmem_shared>>) dst(%dma_wait3A_2542 : memref<128x16xf32, #tpu.memory_space<vmem>>)
    %run_scoped3A_2551 = arith.constant 7 : i32
    "tpu.region"() ({
      %run_scoped3A_2807 = tpu.sem_alloc : memref<!tpu.dma_semaphore, #tpu.memory_space<semaphore_mem>>
      %dma_start3A_2808 = arith.constant 896 : i32
      %dma_start3A_2809 = arith.constant 0 : i32
      %dma_start3A_2810 = tpu.memref_slice %arg9[%dma_start3A_2808, %dma_start3A_2809] : memref<3200x16xf32, #tpu.memory_space<vmem>> -> memref<128x16xf32, #tpu.memory_space<vmem>>
      %dma_start3A_2811 = arith.constant 0 : i32
      %dma_start3A_2812 = tpu.memref_slice %arg8[%run_scoped3A_2551, %dma_start3A_2811] : memref<25x128xi32, #tpu.memory_space<vmem>> -> memref<1x128xi32, #tpu.memory_space<vmem>>
      %dma_start3A_2813 = tpu.memref_squeeze %dma_start3A_2812 : memref<1x128xi32, #tpu.memory_space<vmem>> -> memref<128xi32, #tpu.memory_space<vmem>>
      %dma_start3A_2814 = arith.constant 0 : i32
      %dma_start3A_2815 = arith.constant 0 : i32
      %dma_start3A_2816 = tpu.memref_slice %arg5[%dma_start3A_2814, %dma_start3A_2815] : memref<10112x16xf32, #tpu.memory_space<vmem_shared>> -> memref<10112x16xf32, #tpu.memory_space<vmem_shared>>
      tpu.enqueue_indirect_dma source(%dma_start3A_2810 : memref<128x16xf32, #tpu.memory_space<vmem>>) target(%dma_start3A_2816 : memref<10112x16xf32, #tpu.memory_space<vmem_shared>>) offsets(%dma_start3A_2813 : memref<128xi32, #tpu.memory_space<vmem>>) semaphore(%run_scoped3A_2807 : memref<!tpu.dma_semaphore, #tpu.memory_space<semaphore_mem>>) {add = true}
      %dma_wait3A_2817 = arith.constant 896 : i32
      %dma_wait3A_2818 = arith.constant 0 : i32
      %dma_wait3A_2819 = tpu.memref_slice %arg9[%dma_wait3A_2817, %dma_wait3A_2818] : memref<3200x16xf32, #tpu.memory_space<vmem>> -> memref<128x16xf32, #tpu.memory_space<vmem>>
      %dma_wait3A_2820 = arith.constant 0 : i32
      %dma_wait3A_2821 = tpu.memref_slice %arg8[%run_scoped3A_2551, %dma_wait3A_2820] : memref<25x128xi32, #tpu.memory_space<vmem>> -> memref<1x128xi32, #tpu.memory_space<vmem>>
      %dma_wait3A_2822 = tpu.memref_squeeze %dma_wait3A_2821 : memref<1x128xi32, #tpu.memory_space<vmem>> -> memref<128xi32, #tpu.memory_space<vmem>>
      %dma_wait3A_2823 = arith.constant 0 : i32
      %dma_wait3A_2824 = arith.constant 0 : i32
      %dma_wait3A_2825 = tpu.memref_slice %arg5[%dma_wait3A_2823, %dma_wait3A_2824] : memref<10112x16xf32, #tpu.memory_space<vmem_shared>> -> memref<10112x16xf32, #tpu.memory_space<vmem_shared>>
      tpu.wait_indirect_dma semaphore(%run_scoped3A_2807 : memref<!tpu.dma_semaphore, #tpu.memory_space<semaphore_mem>>) src(%dma_wait3A_2819 : memref<128x16xf32, #tpu.memory_space<vmem>>) dst(%dma_wait3A_2825 : memref<10112x16xf32, #tpu.memory_space<vmem_shared>>)
      tpu.yield
    }) : () -> ()
    %dma_wait3A_2552 = arith.constant 8 : i32
    %dma_wait3A_2553 = arith.constant 8 : i32
    %dma_wait3A_2554 = arith.constant 1024 : i32
    %dma_wait3A_2555 = arith.constant 0 : i32
    %dma_wait3A_2556 = tpu.memref_slice %arg9[%dma_wait3A_2554, %dma_wait3A_2555] : memref<3200x16xf32, #tpu.memory_space<vmem>> -> memref<128x16xf32, #tpu.memory_space<vmem>>
    %dma_wait3A_2557 = arith.constant 0 : i32
    %dma_wait3A_2558 = tpu.memref_slice %arg7[%dma_wait3A_2552, %dma_wait3A_2557] : memref<25x128xi32, #tpu.memory_space<vmem>> -> memref<1x128xi32, #tpu.memory_space<vmem>>
    %dma_wait3A_2559 = tpu.memref_squeeze %dma_wait3A_2558 : memref<1x128xi32, #tpu.memory_space<vmem>> -> memref<128xi32, #tpu.memory_space<vmem>>
    %dma_wait3A_2560 = arith.constant 0 : i32
    %dma_wait3A_2561 = arith.constant 0 : i32
    %dma_wait3A_2562 = tpu.memref_slice %arg6[%dma_wait3A_2560, %dma_wait3A_2561] : memref<10112x16xf32, #tpu.memory_space<vmem_shared>> -> memref<10112x16xf32, #tpu.memory_space<vmem_shared>>
    %dma_wait3A_2563 = tpu.memref_slice %arg11[%dma_wait3A_2553] : memref<25x!tpu.dma_semaphore, #tpu.memory_space<semaphore_mem>> -> memref<1x!tpu.dma_semaphore, #tpu.memory_space<semaphore_mem>>
    %dma_wait3A_2564 = tpu.memref_squeeze %dma_wait3A_2563 : memref<1x!tpu.dma_semaphore, #tpu.memory_space<semaphore_mem>> -> memref<!tpu.dma_semaphore, #tpu.memory_space<semaphore_mem>>
    tpu.wait_indirect_dma semaphore(%dma_wait3A_2564 : memref<!tpu.dma_semaphore, #tpu.memory_space<semaphore_mem>>) src(%dma_wait3A_2562 : memref<10112x16xf32, #tpu.memory_space<vmem_shared>>) dst(%dma_wait3A_2556 : memref<128x16xf32, #tpu.memory_space<vmem>>)
    %run_scoped3A_2565 = arith.constant 8 : i32
    "tpu.region"() ({
      %run_scoped3A_2807 = tpu.sem_alloc : memref<!tpu.dma_semaphore, #tpu.memory_space<semaphore_mem>>
      %dma_start3A_2808 = arith.constant 1024 : i32
      %dma_start3A_2809 = arith.constant 0 : i32
      %dma_start3A_2810 = tpu.memref_slice %arg9[%dma_start3A_2808, %dma_start3A_2809] : memref<3200x16xf32, #tpu.memory_space<vmem>> -> memref<128x16xf32, #tpu.memory_space<vmem>>
      %dma_start3A_2811 = arith.constant 0 : i32
      %dma_start3A_2812 = tpu.memref_slice %arg8[%run_scoped3A_2565, %dma_start3A_2811] : memref<25x128xi32, #tpu.memory_space<vmem>> -> memref<1x128xi32, #tpu.memory_space<vmem>>
      %dma_start3A_2813 = tpu.memref_squeeze %dma_start3A_2812 : memref<1x128xi32, #tpu.memory_space<vmem>> -> memref<128xi32, #tpu.memory_space<vmem>>
      %dma_start3A_2814 = arith.constant 0 : i32
      %dma_start3A_2815 = arith.constant 0 : i32
      %dma_start3A_2816 = tpu.memref_slice %arg5[%dma_start3A_2814, %dma_start3A_2815] : memref<10112x16xf32, #tpu.memory_space<vmem_shared>> -> memref<10112x16xf32, #tpu.memory_space<vmem_shared>>
      tpu.enqueue_indirect_dma source(%dma_start3A_2810 : memref<128x16xf32, #tpu.memory_space<vmem>>) target(%dma_start3A_2816 : memref<10112x16xf32, #tpu.memory_space<vmem_shared>>) offsets(%dma_start3A_2813 : memref<128xi32, #tpu.memory_space<vmem>>) semaphore(%run_scoped3A_2807 : memref<!tpu.dma_semaphore, #tpu.memory_space<semaphore_mem>>) {add = true}
      %dma_wait3A_2817 = arith.constant 1024 : i32
      %dma_wait3A_2818 = arith.constant 0 : i32
      %dma_wait3A_2819 = tpu.memref_slice %arg9[%dma_wait3A_2817, %dma_wait3A_2818] : memref<3200x16xf32, #tpu.memory_space<vmem>> -> memref<128x16xf32, #tpu.memory_space<vmem>>
      %dma_wait3A_2820 = arith.constant 0 : i32
      %dma_wait3A_2821 = tpu.memref_slice %arg8[%run_scoped3A_2565, %dma_wait3A_2820] : memref<25x128xi32, #tpu.memory_space<vmem>> -> memref<1x128xi32, #tpu.memory_space<vmem>>
      %dma_wait3A_2822 = tpu.memref_squeeze %dma_wait3A_2821 : memref<1x128xi32, #tpu.memory_space<vmem>> -> memref<128xi32, #tpu.memory_space<vmem>>
      %dma_wait3A_2823 = arith.constant 0 : i32
      %dma_wait3A_2824 = arith.constant 0 : i32
      %dma_wait3A_2825 = tpu.memref_slice %arg5[%dma_wait3A_2823, %dma_wait3A_2824] : memref<10112x16xf32, #tpu.memory_space<vmem_shared>> -> memref<10112x16xf32, #tpu.memory_space<vmem_shared>>
      tpu.wait_indirect_dma semaphore(%run_scoped3A_2807 : memref<!tpu.dma_semaphore, #tpu.memory_space<semaphore_mem>>) src(%dma_wait3A_2819 : memref<128x16xf32, #tpu.memory_space<vmem>>) dst(%dma_wait3A_2825 : memref<10112x16xf32, #tpu.memory_space<vmem_shared>>)
      tpu.yield
    }) : () -> ()
    %dma_wait3A_2566 = arith.constant 9 : i32
    %dma_wait3A_2567 = arith.constant 9 : i32
    %dma_wait3A_2568 = arith.constant 1152 : i32
    %dma_wait3A_2569 = arith.constant 0 : i32
    %dma_wait3A_2570 = tpu.memref_slice %arg9[%dma_wait3A_2568, %dma_wait3A_2569] : memref<3200x16xf32, #tpu.memory_space<vmem>> -> memref<128x16xf32, #tpu.memory_space<vmem>>
    %dma_wait3A_2571 = arith.constant 0 : i32
    %dma_wait3A_2572 = tpu.memref_slice %arg7[%dma_wait3A_2566, %dma_wait3A_2571] : memref<25x128xi32, #tpu.memory_space<vmem>> -> memref<1x128xi32, #tpu.memory_space<vmem>>
    %dma_wait3A_2573 = tpu.memref_squeeze %dma_wait3A_2572 : memref<1x128xi32, #tpu.memory_space<vmem>> -> memref<128xi32, #tpu.memory_space<vmem>>
    %dma_wait3A_2574 = arith.constant 0 : i32
    %dma_wait3A_2575 = arith.constant 0 : i32
    %dma_wait3A_2576 = tpu.memref_slice %arg6[%dma_wait3A_2574, %dma_wait3A_2575] : memref<10112x16xf32, #tpu.memory_space<vmem_shared>> -> memref<10112x16xf32, #tpu.memory_space<vmem_shared>>
    %dma_wait3A_2577 = tpu.memref_slice %arg11[%dma_wait3A_2567] : memref<25x!tpu.dma_semaphore, #tpu.memory_space<semaphore_mem>> -> memref<1x!tpu.dma_semaphore, #tpu.memory_space<semaphore_mem>>
    %dma_wait3A_2578 = tpu.memref_squeeze %dma_wait3A_2577 : memref<1x!tpu.dma_semaphore, #tpu.memory_space<semaphore_mem>> -> memref<!tpu.dma_semaphore, #tpu.memory_space<semaphore_mem>>
    tpu.wait_indirect_dma semaphore(%dma_wait3A_2578 : memref<!tpu.dma_semaphore, #tpu.memory_space<semaphore_mem>>) src(%dma_wait3A_2576 : memref<10112x16xf32, #tpu.memory_space<vmem_shared>>) dst(%dma_wait3A_2570 : memref<128x16xf32, #tpu.memory_space<vmem>>)
    %run_scoped3A_2579 = arith.constant 9 : i32
    "tpu.region"() ({
      %run_scoped3A_2807 = tpu.sem_alloc : memref<!tpu.dma_semaphore, #tpu.memory_space<semaphore_mem>>
      %dma_start3A_2808 = arith.constant 1152 : i32
      %dma_start3A_2809 = arith.constant 0 : i32
      %dma_start3A_2810 = tpu.memref_slice %arg9[%dma_start3A_2808, %dma_start3A_2809] : memref<3200x16xf32, #tpu.memory_space<vmem>> -> memref<128x16xf32, #tpu.memory_space<vmem>>
      %dma_start3A_2811 = arith.constant 0 : i32
      %dma_start3A_2812 = tpu.memref_slice %arg8[%run_scoped3A_2579, %dma_start3A_2811] : memref<25x128xi32, #tpu.memory_space<vmem>> -> memref<1x128xi32, #tpu.memory_space<vmem>>
      %dma_start3A_2813 = tpu.memref_squeeze %dma_start3A_2812 : memref<1x128xi32, #tpu.memory_space<vmem>> -> memref<128xi32, #tpu.memory_space<vmem>>
      %dma_start3A_2814 = arith.constant 0 : i32
      %dma_start3A_2815 = arith.constant 0 : i32
      %dma_start3A_2816 = tpu.memref_slice %arg5[%dma_start3A_2814, %dma_start3A_2815] : memref<10112x16xf32, #tpu.memory_space<vmem_shared>> -> memref<10112x16xf32, #tpu.memory_space<vmem_shared>>
      tpu.enqueue_indirect_dma source(%dma_start3A_2810 : memref<128x16xf32, #tpu.memory_space<vmem>>) target(%dma_start3A_2816 : memref<10112x16xf32, #tpu.memory_space<vmem_shared>>) offsets(%dma_start3A_2813 : memref<128xi32, #tpu.memory_space<vmem>>) semaphore(%run_scoped3A_2807 : memref<!tpu.dma_semaphore, #tpu.memory_space<semaphore_mem>>) {add = true}
      %dma_wait3A_2817 = arith.constant 1152 : i32
      %dma_wait3A_2818 = arith.constant 0 : i32
      %dma_wait3A_2819 = tpu.memref_slice %arg9[%dma_wait3A_2817, %dma_wait3A_2818] : memref<3200x16xf32, #tpu.memory_space<vmem>> -> memref<128x16xf32, #tpu.memory_space<vmem>>
      %dma_wait3A_2820 = arith.constant 0 : i32
      %dma_wait3A_2821 = tpu.memref_slice %arg8[%run_scoped3A_2579, %dma_wait3A_2820] : memref<25x128xi32, #tpu.memory_space<vmem>> -> memref<1x128xi32, #tpu.memory_space<vmem>>
      %dma_wait3A_2822 = tpu.memref_squeeze %dma_wait3A_2821 : memref<1x128xi32, #tpu.memory_space<vmem>> -> memref<128xi32, #tpu.memory_space<vmem>>
      %dma_wait3A_2823 = arith.constant 0 : i32
      %dma_wait3A_2824 = arith.constant 0 : i32
      %dma_wait3A_2825 = tpu.memref_slice %arg5[%dma_wait3A_2823, %dma_wait3A_2824] : memref<10112x16xf32, #tpu.memory_space<vmem_shared>> -> memref<10112x16xf32, #tpu.memory_space<vmem_shared>>
      tpu.wait_indirect_dma semaphore(%run_scoped3A_2807 : memref<!tpu.dma_semaphore, #tpu.memory_space<semaphore_mem>>) src(%dma_wait3A_2819 : memref<128x16xf32, #tpu.memory_space<vmem>>) dst(%dma_wait3A_2825 : memref<10112x16xf32, #tpu.memory_space<vmem_shared>>)
      tpu.yield
    }) : () -> ()
    %dma_wait3A_2580 = arith.constant 10 : i32
    %dma_wait3A_2581 = arith.constant 10 : i32
    %dma_wait3A_2582 = arith.constant 1280 : i32
    %dma_wait3A_2583 = arith.constant 0 : i32
    %dma_wait3A_2584 = tpu.memref_slice %arg9[%dma_wait3A_2582, %dma_wait3A_2583] : memref<3200x16xf32, #tpu.memory_space<vmem>> -> memref<128x16xf32, #tpu.memory_space<vmem>>
    %dma_wait3A_2585 = arith.constant 0 : i32
    %dma_wait3A_2586 = tpu.memref_slice %arg7[%dma_wait3A_2580, %dma_wait3A_2585] : memref<25x128xi32, #tpu.memory_space<vmem>> -> memref<1x128xi32, #tpu.memory_space<vmem>>
    %dma_wait3A_2587 = tpu.memref_squeeze %dma_wait3A_2586 : memref<1x128xi32, #tpu.memory_space<vmem>> -> memref<128xi32, #tpu.memory_space<vmem>>
    %dma_wait3A_2588 = arith.constant 0 : i32
    %dma_wait3A_2589 = arith.constant 0 : i32
    %dma_wait3A_2590 = tpu.memref_slice %arg6[%dma_wait3A_2588, %dma_wait3A_2589] : memref<10112x16xf32, #tpu.memory_space<vmem_shared>> -> memref<10112x16xf32, #tpu.memory_space<vmem_shared>>
    %dma_wait3A_2591 = tpu.memref_slice %arg11[%dma_wait3A_2581] : memref<25x!tpu.dma_semaphore, #tpu.memory_space<semaphore_mem>> -> memref<1x!tpu.dma_semaphore, #tpu.memory_space<semaphore_mem>>
    %dma_wait3A_2592 = tpu.memref_squeeze %dma_wait3A_2591 : memref<1x!tpu.dma_semaphore, #tpu.memory_space<semaphore_mem>> -> memref<!tpu.dma_semaphore, #tpu.memory_space<semaphore_mem>>
    tpu.wait_indirect_dma semaphore(%dma_wait3A_2592 : memref<!tpu.dma_semaphore, #tpu.memory_space<semaphore_mem>>) src(%dma_wait3A_2590 : memref<10112x16xf32, #tpu.memory_space<vmem_shared>>) dst(%dma_wait3A_2584 : memref<128x16xf32, #tpu.memory_space<vmem>>)
    %run_scoped3A_2593 = arith.constant 10 : i32
    "tpu.region"() ({
      %run_scoped3A_2807 = tpu.sem_alloc : memref<!tpu.dma_semaphore, #tpu.memory_space<semaphore_mem>>
      %dma_start3A_2808 = arith.constant 1280 : i32
      %dma_start3A_2809 = arith.constant 0 : i32
      %dma_start3A_2810 = tpu.memref_slice %arg9[%dma_start3A_2808, %dma_start3A_2809] : memref<3200x16xf32, #tpu.memory_space<vmem>> -> memref<128x16xf32, #tpu.memory_space<vmem>>
      %dma_start3A_2811 = arith.constant 0 : i32
      %dma_start3A_2812 = tpu.memref_slice %arg8[%run_scoped3A_2593, %dma_start3A_2811] : memref<25x128xi32, #tpu.memory_space<vmem>> -> memref<1x128xi32, #tpu.memory_space<vmem>>
      %dma_start3A_2813 = tpu.memref_squeeze %dma_start3A_2812 : memref<1x128xi32, #tpu.memory_space<vmem>> -> memref<128xi32, #tpu.memory_space<vmem>>
      %dma_start3A_2814 = arith.constant 0 : i32
      %dma_start3A_2815 = arith.constant 0 : i32
      %dma_start3A_2816 = tpu.memref_slice %arg5[%dma_start3A_2814, %dma_start3A_2815] : memref<10112x16xf32, #tpu.memory_space<vmem_shared>> -> memref<10112x16xf32, #tpu.memory_space<vmem_shared>>
      tpu.enqueue_indirect_dma source(%dma_start3A_2810 : memref<128x16xf32, #tpu.memory_space<vmem>>) target(%dma_start3A_2816 : memref<10112x16xf32, #tpu.memory_space<vmem_shared>>) offsets(%dma_start3A_2813 : memref<128xi32, #tpu.memory_space<vmem>>) semaphore(%run_scoped3A_2807 : memref<!tpu.dma_semaphore, #tpu.memory_space<semaphore_mem>>) {add = true}
      %dma_wait3A_2817 = arith.constant 1280 : i32
      %dma_wait3A_2818 = arith.constant 0 : i32
      %dma_wait3A_2819 = tpu.memref_slice %arg9[%dma_wait3A_2817, %dma_wait3A_2818] : memref<3200x16xf32, #tpu.memory_space<vmem>> -> memref<128x16xf32, #tpu.memory_space<vmem>>
      %dma_wait3A_2820 = arith.constant 0 : i32
      %dma_wait3A_2821 = tpu.memref_slice %arg8[%run_scoped3A_2593, %dma_wait3A_2820] : memref<25x128xi32, #tpu.memory_space<vmem>> -> memref<1x128xi32, #tpu.memory_space<vmem>>
      %dma_wait3A_2822 = tpu.memref_squeeze %dma_wait3A_2821 : memref<1x128xi32, #tpu.memory_space<vmem>> -> memref<128xi32, #tpu.memory_space<vmem>>
      %dma_wait3A_2823 = arith.constant 0 : i32
      %dma_wait3A_2824 = arith.constant 0 : i32
      %dma_wait3A_2825 = tpu.memref_slice %arg5[%dma_wait3A_2823, %dma_wait3A_2824] : memref<10112x16xf32, #tpu.memory_space<vmem_shared>> -> memref<10112x16xf32, #tpu.memory_space<vmem_shared>>
      tpu.wait_indirect_dma semaphore(%run_scoped3A_2807 : memref<!tpu.dma_semaphore, #tpu.memory_space<semaphore_mem>>) src(%dma_wait3A_2819 : memref<128x16xf32, #tpu.memory_space<vmem>>) dst(%dma_wait3A_2825 : memref<10112x16xf32, #tpu.memory_space<vmem_shared>>)
      tpu.yield
    }) : () -> ()
    %dma_wait3A_2594 = arith.constant 11 : i32
    %dma_wait3A_2595 = arith.constant 11 : i32
    %dma_wait3A_2596 = arith.constant 1408 : i32
    %dma_wait3A_2597 = arith.constant 0 : i32
    %dma_wait3A_2598 = tpu.memref_slice %arg9[%dma_wait3A_2596, %dma_wait3A_2597] : memref<3200x16xf32, #tpu.memory_space<vmem>> -> memref<128x16xf32, #tpu.memory_space<vmem>>
    %dma_wait3A_2599 = arith.constant 0 : i32
    %dma_wait3A_2600 = tpu.memref_slice %arg7[%dma_wait3A_2594, %dma_wait3A_2599] : memref<25x128xi32, #tpu.memory_space<vmem>> -> memref<1x128xi32, #tpu.memory_space<vmem>>
    %dma_wait3A_2601 = tpu.memref_squeeze %dma_wait3A_2600 : memref<1x128xi32, #tpu.memory_space<vmem>> -> memref<128xi32, #tpu.memory_space<vmem>>
    %dma_wait3A_2602 = arith.constant 0 : i32
    %dma_wait3A_2603 = arith.constant 0 : i32
    %dma_wait3A_2604 = tpu.memref_slice %arg6[%dma_wait3A_2602, %dma_wait3A_2603] : memref<10112x16xf32, #tpu.memory_space<vmem_shared>> -> memref<10112x16xf32, #tpu.memory_space<vmem_shared>>
    %dma_wait3A_2605 = tpu.memref_slice %arg11[%dma_wait3A_2595] : memref<25x!tpu.dma_semaphore, #tpu.memory_space<semaphore_mem>> -> memref<1x!tpu.dma_semaphore, #tpu.memory_space<semaphore_mem>>
    %dma_wait3A_2606 = tpu.memref_squeeze %dma_wait3A_2605 : memref<1x!tpu.dma_semaphore, #tpu.memory_space<semaphore_mem>> -> memref<!tpu.dma_semaphore, #tpu.memory_space<semaphore_mem>>
    tpu.wait_indirect_dma semaphore(%dma_wait3A_2606 : memref<!tpu.dma_semaphore, #tpu.memory_space<semaphore_mem>>) src(%dma_wait3A_2604 : memref<10112x16xf32, #tpu.memory_space<vmem_shared>>) dst(%dma_wait3A_2598 : memref<128x16xf32, #tpu.memory_space<vmem>>)
    %run_scoped3A_2607 = arith.constant 11 : i32
    "tpu.region"() ({
      %run_scoped3A_2807 = tpu.sem_alloc : memref<!tpu.dma_semaphore, #tpu.memory_space<semaphore_mem>>
      %dma_start3A_2808 = arith.constant 1408 : i32
      %dma_start3A_2809 = arith.constant 0 : i32
      %dma_start3A_2810 = tpu.memref_slice %arg9[%dma_start3A_2808, %dma_start3A_2809] : memref<3200x16xf32, #tpu.memory_space<vmem>> -> memref<128x16xf32, #tpu.memory_space<vmem>>
      %dma_start3A_2811 = arith.constant 0 : i32
      %dma_start3A_2812 = tpu.memref_slice %arg8[%run_scoped3A_2607, %dma_start3A_2811] : memref<25x128xi32, #tpu.memory_space<vmem>> -> memref<1x128xi32, #tpu.memory_space<vmem>>
      %dma_start3A_2813 = tpu.memref_squeeze %dma_start3A_2812 : memref<1x128xi32, #tpu.memory_space<vmem>> -> memref<128xi32, #tpu.memory_space<vmem>>
      %dma_start3A_2814 = arith.constant 0 : i32
      %dma_start3A_2815 = arith.constant 0 : i32
      %dma_start3A_2816 = tpu.memref_slice %arg5[%dma_start3A_2814, %dma_start3A_2815] : memref<10112x16xf32, #tpu.memory_space<vmem_shared>> -> memref<10112x16xf32, #tpu.memory_space<vmem_shared>>
      tpu.enqueue_indirect_dma source(%dma_start3A_2810 : memref<128x16xf32, #tpu.memory_space<vmem>>) target(%dma_start3A_2816 : memref<10112x16xf32, #tpu.memory_space<vmem_shared>>) offsets(%dma_start3A_2813 : memref<128xi32, #tpu.memory_space<vmem>>) semaphore(%run_scoped3A_2807 : memref<!tpu.dma_semaphore, #tpu.memory_space<semaphore_mem>>) {add = true}
      %dma_wait3A_2817 = arith.constant 1408 : i32
      %dma_wait3A_2818 = arith.constant 0 : i32
      %dma_wait3A_2819 = tpu.memref_slice %arg9[%dma_wait3A_2817, %dma_wait3A_2818] : memref<3200x16xf32, #tpu.memory_space<vmem>> -> memref<128x16xf32, #tpu.memory_space<vmem>>
      %dma_wait3A_2820 = arith.constant 0 : i32
      %dma_wait3A_2821 = tpu.memref_slice %arg8[%run_scoped3A_2607, %dma_wait3A_2820] : memref<25x128xi32, #tpu.memory_space<vmem>> -> memref<1x128xi32, #tpu.memory_space<vmem>>
      %dma_wait3A_2822 = tpu.memref_squeeze %dma_wait3A_2821 : memref<1x128xi32, #tpu.memory_space<vmem>> -> memref<128xi32, #tpu.memory_space<vmem>>
      %dma_wait3A_2823 = arith.constant 0 : i32
      %dma_wait3A_2824 = arith.constant 0 : i32
      %dma_wait3A_2825 = tpu.memref_slice %arg5[%dma_wait3A_2823, %dma_wait3A_2824] : memref<10112x16xf32, #tpu.memory_space<vmem_shared>> -> memref<10112x16xf32, #tpu.memory_space<vmem_shared>>
      tpu.wait_indirect_dma semaphore(%run_scoped3A_2807 : memref<!tpu.dma_semaphore, #tpu.memory_space<semaphore_mem>>) src(%dma_wait3A_2819 : memref<128x16xf32, #tpu.memory_space<vmem>>) dst(%dma_wait3A_2825 : memref<10112x16xf32, #tpu.memory_space<vmem_shared>>)
      tpu.yield
    }) : () -> ()
    %dma_wait3A_2608 = arith.constant 12 : i32
    %dma_wait3A_2609 = arith.constant 12 : i32
    %dma_wait3A_2610 = arith.constant 1536 : i32
    %dma_wait3A_2611 = arith.constant 0 : i32
    %dma_wait3A_2612 = tpu.memref_slice %arg9[%dma_wait3A_2610, %dma_wait3A_2611] : memref<3200x16xf32, #tpu.memory_space<vmem>> -> memref<128x16xf32, #tpu.memory_space<vmem>>
    %dma_wait3A_2613 = arith.constant 0 : i32
    %dma_wait3A_2614 = tpu.memref_slice %arg7[%dma_wait3A_2608, %dma_wait3A_2613] : memref<25x128xi32, #tpu.memory_space<vmem>> -> memref<1x128xi32, #tpu.memory_space<vmem>>
    %dma_wait3A_2615 = tpu.memref_squeeze %dma_wait3A_2614 : memref<1x128xi32, #tpu.memory_space<vmem>> -> memref<128xi32, #tpu.memory_space<vmem>>
    %dma_wait3A_2616 = arith.constant 0 : i32
    %dma_wait3A_2617 = arith.constant 0 : i32
    %dma_wait3A_2618 = tpu.memref_slice %arg6[%dma_wait3A_2616, %dma_wait3A_2617] : memref<10112x16xf32, #tpu.memory_space<vmem_shared>> -> memref<10112x16xf32, #tpu.memory_space<vmem_shared>>
    %dma_wait3A_2619 = tpu.memref_slice %arg11[%dma_wait3A_2609] : memref<25x!tpu.dma_semaphore, #tpu.memory_space<semaphore_mem>> -> memref<1x!tpu.dma_semaphore, #tpu.memory_space<semaphore_mem>>
    %dma_wait3A_2620 = tpu.memref_squeeze %dma_wait3A_2619 : memref<1x!tpu.dma_semaphore, #tpu.memory_space<semaphore_mem>> -> memref<!tpu.dma_semaphore, #tpu.memory_space<semaphore_mem>>
    tpu.wait_indirect_dma semaphore(%dma_wait3A_2620 : memref<!tpu.dma_semaphore, #tpu.memory_space<semaphore_mem>>) src(%dma_wait3A_2618 : memref<10112x16xf32, #tpu.memory_space<vmem_shared>>) dst(%dma_wait3A_2612 : memref<128x16xf32, #tpu.memory_space<vmem>>)
    %run_scoped3A_2621 = arith.constant 12 : i32
    "tpu.region"() ({
      %run_scoped3A_2807 = tpu.sem_alloc : memref<!tpu.dma_semaphore, #tpu.memory_space<semaphore_mem>>
      %dma_start3A_2808 = arith.constant 1536 : i32
      %dma_start3A_2809 = arith.constant 0 : i32
      %dma_start3A_2810 = tpu.memref_slice %arg9[%dma_start3A_2808, %dma_start3A_2809] : memref<3200x16xf32, #tpu.memory_space<vmem>> -> memref<128x16xf32, #tpu.memory_space<vmem>>
      %dma_start3A_2811 = arith.constant 0 : i32
      %dma_start3A_2812 = tpu.memref_slice %arg8[%run_scoped3A_2621, %dma_start3A_2811] : memref<25x128xi32, #tpu.memory_space<vmem>> -> memref<1x128xi32, #tpu.memory_space<vmem>>
      %dma_start3A_2813 = tpu.memref_squeeze %dma_start3A_2812 : memref<1x128xi32, #tpu.memory_space<vmem>> -> memref<128xi32, #tpu.memory_space<vmem>>
      %dma_start3A_2814 = arith.constant 0 : i32
      %dma_start3A_2815 = arith.constant 0 : i32
      %dma_start3A_2816 = tpu.memref_slice %arg5[%dma_start3A_2814, %dma_start3A_2815] : memref<10112x16xf32, #tpu.memory_space<vmem_shared>> -> memref<10112x16xf32, #tpu.memory_space<vmem_shared>>
      tpu.enqueue_indirect_dma source(%dma_start3A_2810 : memref<128x16xf32, #tpu.memory_space<vmem>>) target(%dma_start3A_2816 : memref<10112x16xf32, #tpu.memory_space<vmem_shared>>) offsets(%dma_start3A_2813 : memref<128xi32, #tpu.memory_space<vmem>>) semaphore(%run_scoped3A_2807 : memref<!tpu.dma_semaphore, #tpu.memory_space<semaphore_mem>>) {add = true}
      %dma_wait3A_2817 = arith.constant 1536 : i32
      %dma_wait3A_2818 = arith.constant 0 : i32
      %dma_wait3A_2819 = tpu.memref_slice %arg9[%dma_wait3A_2817, %dma_wait3A_2818] : memref<3200x16xf32, #tpu.memory_space<vmem>> -> memref<128x16xf32, #tpu.memory_space<vmem>>
      %dma_wait3A_2820 = arith.constant 0 : i32
      %dma_wait3A_2821 = tpu.memref_slice %arg8[%run_scoped3A_2621, %dma_wait3A_2820] : memref<25x128xi32, #tpu.memory_space<vmem>> -> memref<1x128xi32, #tpu.memory_space<vmem>>
      %dma_wait3A_2822 = tpu.memref_squeeze %dma_wait3A_2821 : memref<1x128xi32, #tpu.memory_space<vmem>> -> memref<128xi32, #tpu.memory_space<vmem>>
      %dma_wait3A_2823 = arith.constant 0 : i32
      %dma_wait3A_2824 = arith.constant 0 : i32
      %dma_wait3A_2825 = tpu.memref_slice %arg5[%dma_wait3A_2823, %dma_wait3A_2824] : memref<10112x16xf32, #tpu.memory_space<vmem_shared>> -> memref<10112x16xf32, #tpu.memory_space<vmem_shared>>
      tpu.wait_indirect_dma semaphore(%run_scoped3A_2807 : memref<!tpu.dma_semaphore, #tpu.memory_space<semaphore_mem>>) src(%dma_wait3A_2819 : memref<128x16xf32, #tpu.memory_space<vmem>>) dst(%dma_wait3A_2825 : memref<10112x16xf32, #tpu.memory_space<vmem_shared>>)
      tpu.yield
    }) : () -> ()
    %dma_wait3A_2622 = arith.constant 13 : i32
    %dma_wait3A_2623 = arith.constant 13 : i32
    %dma_wait3A_2624 = arith.constant 1664 : i32
    %dma_wait3A_2625 = arith.constant 0 : i32
    %dma_wait3A_2626 = tpu.memref_slice %arg9[%dma_wait3A_2624, %dma_wait3A_2625] : memref<3200x16xf32, #tpu.memory_space<vmem>> -> memref<128x16xf32, #tpu.memory_space<vmem>>
    %dma_wait3A_2627 = arith.constant 0 : i32
    %dma_wait3A_2628 = tpu.memref_slice %arg7[%dma_wait3A_2622, %dma_wait3A_2627] : memref<25x128xi32, #tpu.memory_space<vmem>> -> memref<1x128xi32, #tpu.memory_space<vmem>>
    %dma_wait3A_2629 = tpu.memref_squeeze %dma_wait3A_2628 : memref<1x128xi32, #tpu.memory_space<vmem>> -> memref<128xi32, #tpu.memory_space<vmem>>
    %dma_wait3A_2630 = arith.constant 0 : i32
    %dma_wait3A_2631 = arith.constant 0 : i32
    %dma_wait3A_2632 = tpu.memref_slice %arg6[%dma_wait3A_2630, %dma_wait3A_2631] : memref<10112x16xf32, #tpu.memory_space<vmem_shared>> -> memref<10112x16xf32, #tpu.memory_space<vmem_shared>>
    %dma_wait3A_2633 = tpu.memref_slice %arg11[%dma_wait3A_2623] : memref<25x!tpu.dma_semaphore, #tpu.memory_space<semaphore_mem>> -> memref<1x!tpu.dma_semaphore, #tpu.memory_space<semaphore_mem>>
    %dma_wait3A_2634 = tpu.memref_squeeze %dma_wait3A_2633 : memref<1x!tpu.dma_semaphore, #tpu.memory_space<semaphore_mem>> -> memref<!tpu.dma_semaphore, #tpu.memory_space<semaphore_mem>>
    tpu.wait_indirect_dma semaphore(%dma_wait3A_2634 : memref<!tpu.dma_semaphore, #tpu.memory_space<semaphore_mem>>) src(%dma_wait3A_2632 : memref<10112x16xf32, #tpu.memory_space<vmem_shared>>) dst(%dma_wait3A_2626 : memref<128x16xf32, #tpu.memory_space<vmem>>)
    %run_scoped3A_2635 = arith.constant 13 : i32
    "tpu.region"() ({
      %run_scoped3A_2807 = tpu.sem_alloc : memref<!tpu.dma_semaphore, #tpu.memory_space<semaphore_mem>>
      %dma_start3A_2808 = arith.constant 1664 : i32
      %dma_start3A_2809 = arith.constant 0 : i32
      %dma_start3A_2810 = tpu.memref_slice %arg9[%dma_start3A_2808, %dma_start3A_2809] : memref<3200x16xf32, #tpu.memory_space<vmem>> -> memref<128x16xf32, #tpu.memory_space<vmem>>
      %dma_start3A_2811 = arith.constant 0 : i32
      %dma_start3A_2812 = tpu.memref_slice %arg8[%run_scoped3A_2635, %dma_start3A_2811] : memref<25x128xi32, #tpu.memory_space<vmem>> -> memref<1x128xi32, #tpu.memory_space<vmem>>
      %dma_start3A_2813 = tpu.memref_squeeze %dma_start3A_2812 : memref<1x128xi32, #tpu.memory_space<vmem>> -> memref<128xi32, #tpu.memory_space<vmem>>
      %dma_start3A_2814 = arith.constant 0 : i32
      %dma_start3A_2815 = arith.constant 0 : i32
      %dma_start3A_2816 = tpu.memref_slice %arg5[%dma_start3A_2814, %dma_start3A_2815] : memref<10112x16xf32, #tpu.memory_space<vmem_shared>> -> memref<10112x16xf32, #tpu.memory_space<vmem_shared>>
      tpu.enqueue_indirect_dma source(%dma_start3A_2810 : memref<128x16xf32, #tpu.memory_space<vmem>>) target(%dma_start3A_2816 : memref<10112x16xf32, #tpu.memory_space<vmem_shared>>) offsets(%dma_start3A_2813 : memref<128xi32, #tpu.memory_space<vmem>>) semaphore(%run_scoped3A_2807 : memref<!tpu.dma_semaphore, #tpu.memory_space<semaphore_mem>>) {add = true}
      %dma_wait3A_2817 = arith.constant 1664 : i32
      %dma_wait3A_2818 = arith.constant 0 : i32
      %dma_wait3A_2819 = tpu.memref_slice %arg9[%dma_wait3A_2817, %dma_wait3A_2818] : memref<3200x16xf32, #tpu.memory_space<vmem>> -> memref<128x16xf32, #tpu.memory_space<vmem>>
      %dma_wait3A_2820 = arith.constant 0 : i32
      %dma_wait3A_2821 = tpu.memref_slice %arg8[%run_scoped3A_2635, %dma_wait3A_2820] : memref<25x128xi32, #tpu.memory_space<vmem>> -> memref<1x128xi32, #tpu.memory_space<vmem>>
      %dma_wait3A_2822 = tpu.memref_squeeze %dma_wait3A_2821 : memref<1x128xi32, #tpu.memory_space<vmem>> -> memref<128xi32, #tpu.memory_space<vmem>>
      %dma_wait3A_2823 = arith.constant 0 : i32
      %dma_wait3A_2824 = arith.constant 0 : i32
      %dma_wait3A_2825 = tpu.memref_slice %arg5[%dma_wait3A_2823, %dma_wait3A_2824] : memref<10112x16xf32, #tpu.memory_space<vmem_shared>> -> memref<10112x16xf32, #tpu.memory_space<vmem_shared>>
      tpu.wait_indirect_dma semaphore(%run_scoped3A_2807 : memref<!tpu.dma_semaphore, #tpu.memory_space<semaphore_mem>>) src(%dma_wait3A_2819 : memref<128x16xf32, #tpu.memory_space<vmem>>) dst(%dma_wait3A_2825 : memref<10112x16xf32, #tpu.memory_space<vmem_shared>>)
      tpu.yield
    }) : () -> ()
    %dma_wait3A_2636 = arith.constant 14 : i32
    %dma_wait3A_2637 = arith.constant 14 : i32
    %dma_wait3A_2638 = arith.constant 1792 : i32
    %dma_wait3A_2639 = arith.constant 0 : i32
    %dma_wait3A_2640 = tpu.memref_slice %arg9[%dma_wait3A_2638, %dma_wait3A_2639] : memref<3200x16xf32, #tpu.memory_space<vmem>> -> memref<128x16xf32, #tpu.memory_space<vmem>>
    %dma_wait3A_2641 = arith.constant 0 : i32
    %dma_wait3A_2642 = tpu.memref_slice %arg7[%dma_wait3A_2636, %dma_wait3A_2641] : memref<25x128xi32, #tpu.memory_space<vmem>> -> memref<1x128xi32, #tpu.memory_space<vmem>>
    %dma_wait3A_2643 = tpu.memref_squeeze %dma_wait3A_2642 : memref<1x128xi32, #tpu.memory_space<vmem>> -> memref<128xi32, #tpu.memory_space<vmem>>
    %dma_wait3A_2644 = arith.constant 0 : i32
    %dma_wait3A_2645 = arith.constant 0 : i32
    %dma_wait3A_2646 = tpu.memref_slice %arg6[%dma_wait3A_2644, %dma_wait3A_2645] : memref<10112x16xf32, #tpu.memory_space<vmem_shared>> -> memref<10112x16xf32, #tpu.memory_space<vmem_shared>>
    %dma_wait3A_2647 = tpu.memref_slice %arg11[%dma_wait3A_2637] : memref<25x!tpu.dma_semaphore, #tpu.memory_space<semaphore_mem>> -> memref<1x!tpu.dma_semaphore, #tpu.memory_space<semaphore_mem>>
    %dma_wait3A_2648 = tpu.memref_squeeze %dma_wait3A_2647 : memref<1x!tpu.dma_semaphore, #tpu.memory_space<semaphore_mem>> -> memref<!tpu.dma_semaphore, #tpu.memory_space<semaphore_mem>>
    tpu.wait_indirect_dma semaphore(%dma_wait3A_2648 : memref<!tpu.dma_semaphore, #tpu.memory_space<semaphore_mem>>) src(%dma_wait3A_2646 : memref<10112x16xf32, #tpu.memory_space<vmem_shared>>) dst(%dma_wait3A_2640 : memref<128x16xf32, #tpu.memory_space<vmem>>)
    %run_scoped3A_2649 = arith.constant 14 : i32
    "tpu.region"() ({
      %run_scoped3A_2807 = tpu.sem_alloc : memref<!tpu.dma_semaphore, #tpu.memory_space<semaphore_mem>>
      %dma_start3A_2808 = arith.constant 1792 : i32
      %dma_start3A_2809 = arith.constant 0 : i32
      %dma_start3A_2810 = tpu.memref_slice %arg9[%dma_start3A_2808, %dma_start3A_2809] : memref<3200x16xf32, #tpu.memory_space<vmem>> -> memref<128x16xf32, #tpu.memory_space<vmem>>
      %dma_start3A_2811 = arith.constant 0 : i32
      %dma_start3A_2812 = tpu.memref_slice %arg8[%run_scoped3A_2649, %dma_start3A_2811] : memref<25x128xi32, #tpu.memory_space<vmem>> -> memref<1x128xi32, #tpu.memory_space<vmem>>
      %dma_start3A_2813 = tpu.memref_squeeze %dma_start3A_2812 : memref<1x128xi32, #tpu.memory_space<vmem>> -> memref<128xi32, #tpu.memory_space<vmem>>
      %dma_start3A_2814 = arith.constant 0 : i32
      %dma_start3A_2815 = arith.constant 0 : i32
      %dma_start3A_2816 = tpu.memref_slice %arg5[%dma_start3A_2814, %dma_start3A_2815] : memref<10112x16xf32, #tpu.memory_space<vmem_shared>> -> memref<10112x16xf32, #tpu.memory_space<vmem_shared>>
      tpu.enqueue_indirect_dma source(%dma_start3A_2810 : memref<128x16xf32, #tpu.memory_space<vmem>>) target(%dma_start3A_2816 : memref<10112x16xf32, #tpu.memory_space<vmem_shared>>) offsets(%dma_start3A_2813 : memref<128xi32, #tpu.memory_space<vmem>>) semaphore(%run_scoped3A_2807 : memref<!tpu.dma_semaphore, #tpu.memory_space<semaphore_mem>>) {add = true}
      %dma_wait3A_2817 = arith.constant 1792 : i32
      %dma_wait3A_2818 = arith.constant 0 : i32
      %dma_wait3A_2819 = tpu.memref_slice %arg9[%dma_wait3A_2817, %dma_wait3A_2818] : memref<3200x16xf32, #tpu.memory_space<vmem>> -> memref<128x16xf32, #tpu.memory_space<vmem>>
      %dma_wait3A_2820 = arith.constant 0 : i32
      %dma_wait3A_2821 = tpu.memref_slice %arg8[%run_scoped3A_2649, %dma_wait3A_2820] : memref<25x128xi32, #tpu.memory_space<vmem>> -> memref<1x128xi32, #tpu.memory_space<vmem>>
      %dma_wait3A_2822 = tpu.memref_squeeze %dma_wait3A_2821 : memref<1x128xi32, #tpu.memory_space<vmem>> -> memref<128xi32, #tpu.memory_space<vmem>>
      %dma_wait3A_2823 = arith.constant 0 : i32
      %dma_wait3A_2824 = arith.constant 0 : i32
      %dma_wait3A_2825 = tpu.memref_slice %arg5[%dma_wait3A_2823, %dma_wait3A_2824] : memref<10112x16xf32, #tpu.memory_space<vmem_shared>> -> memref<10112x16xf32, #tpu.memory_space<vmem_shared>>
      tpu.wait_indirect_dma semaphore(%run_scoped3A_2807 : memref<!tpu.dma_semaphore, #tpu.memory_space<semaphore_mem>>) src(%dma_wait3A_2819 : memref<128x16xf32, #tpu.memory_space<vmem>>) dst(%dma_wait3A_2825 : memref<10112x16xf32, #tpu.memory_space<vmem_shared>>)
      tpu.yield
    }) : () -> ()
    %dma_wait3A_2650 = arith.constant 15 : i32
    %dma_wait3A_2651 = arith.constant 15 : i32
    %dma_wait3A_2652 = arith.constant 1920 : i32
    %dma_wait3A_2653 = arith.constant 0 : i32
    %dma_wait3A_2654 = tpu.memref_slice %arg9[%dma_wait3A_2652, %dma_wait3A_2653] : memref<3200x16xf32, #tpu.memory_space<vmem>> -> memref<128x16xf32, #tpu.memory_space<vmem>>
    %dma_wait3A_2655 = arith.constant 0 : i32
    %dma_wait3A_2656 = tpu.memref_slice %arg7[%dma_wait3A_2650, %dma_wait3A_2655] : memref<25x128xi32, #tpu.memory_space<vmem>> -> memref<1x128xi32, #tpu.memory_space<vmem>>
    %dma_wait3A_2657 = tpu.memref_squeeze %dma_wait3A_2656 : memref<1x128xi32, #tpu.memory_space<vmem>> -> memref<128xi32, #tpu.memory_space<vmem>>
    %dma_wait3A_2658 = arith.constant 0 : i32
    %dma_wait3A_2659 = arith.constant 0 : i32
    %dma_wait3A_2660 = tpu.memref_slice %arg6[%dma_wait3A_2658, %dma_wait3A_2659] : memref<10112x16xf32, #tpu.memory_space<vmem_shared>> -> memref<10112x16xf32, #tpu.memory_space<vmem_shared>>
    %dma_wait3A_2661 = tpu.memref_slice %arg11[%dma_wait3A_2651] : memref<25x!tpu.dma_semaphore, #tpu.memory_space<semaphore_mem>> -> memref<1x!tpu.dma_semaphore, #tpu.memory_space<semaphore_mem>>
    %dma_wait3A_2662 = tpu.memref_squeeze %dma_wait3A_2661 : memref<1x!tpu.dma_semaphore, #tpu.memory_space<semaphore_mem>> -> memref<!tpu.dma_semaphore, #tpu.memory_space<semaphore_mem>>
    tpu.wait_indirect_dma semaphore(%dma_wait3A_2662 : memref<!tpu.dma_semaphore, #tpu.memory_space<semaphore_mem>>) src(%dma_wait3A_2660 : memref<10112x16xf32, #tpu.memory_space<vmem_shared>>) dst(%dma_wait3A_2654 : memref<128x16xf32, #tpu.memory_space<vmem>>)
    %run_scoped3A_2663 = arith.constant 15 : i32
    "tpu.region"() ({
      %run_scoped3A_2807 = tpu.sem_alloc : memref<!tpu.dma_semaphore, #tpu.memory_space<semaphore_mem>>
      %dma_start3A_2808 = arith.constant 1920 : i32
      %dma_start3A_2809 = arith.constant 0 : i32
      %dma_start3A_2810 = tpu.memref_slice %arg9[%dma_start3A_2808, %dma_start3A_2809] : memref<3200x16xf32, #tpu.memory_space<vmem>> -> memref<128x16xf32, #tpu.memory_space<vmem>>
      %dma_start3A_2811 = arith.constant 0 : i32
      %dma_start3A_2812 = tpu.memref_slice %arg8[%run_scoped3A_2663, %dma_start3A_2811] : memref<25x128xi32, #tpu.memory_space<vmem>> -> memref<1x128xi32, #tpu.memory_space<vmem>>
      %dma_start3A_2813 = tpu.memref_squeeze %dma_start3A_2812 : memref<1x128xi32, #tpu.memory_space<vmem>> -> memref<128xi32, #tpu.memory_space<vmem>>
      %dma_start3A_2814 = arith.constant 0 : i32
      %dma_start3A_2815 = arith.constant 0 : i32
      %dma_start3A_2816 = tpu.memref_slice %arg5[%dma_start3A_2814, %dma_start3A_2815] : memref<10112x16xf32, #tpu.memory_space<vmem_shared>> -> memref<10112x16xf32, #tpu.memory_space<vmem_shared>>
      tpu.enqueue_indirect_dma source(%dma_start3A_2810 : memref<128x16xf32, #tpu.memory_space<vmem>>) target(%dma_start3A_2816 : memref<10112x16xf32, #tpu.memory_space<vmem_shared>>) offsets(%dma_start3A_2813 : memref<128xi32, #tpu.memory_space<vmem>>) semaphore(%run_scoped3A_2807 : memref<!tpu.dma_semaphore, #tpu.memory_space<semaphore_mem>>) {add = true}
      %dma_wait3A_2817 = arith.constant 1920 : i32
      %dma_wait3A_2818 = arith.constant 0 : i32
      %dma_wait3A_2819 = tpu.memref_slice %arg9[%dma_wait3A_2817, %dma_wait3A_2818] : memref<3200x16xf32, #tpu.memory_space<vmem>> -> memref<128x16xf32, #tpu.memory_space<vmem>>
      %dma_wait3A_2820 = arith.constant 0 : i32
      %dma_wait3A_2821 = tpu.memref_slice %arg8[%run_scoped3A_2663, %dma_wait3A_2820] : memref<25x128xi32, #tpu.memory_space<vmem>> -> memref<1x128xi32, #tpu.memory_space<vmem>>
      %dma_wait3A_2822 = tpu.memref_squeeze %dma_wait3A_2821 : memref<1x128xi32, #tpu.memory_space<vmem>> -> memref<128xi32, #tpu.memory_space<vmem>>
      %dma_wait3A_2823 = arith.constant 0 : i32
      %dma_wait3A_2824 = arith.constant 0 : i32
      %dma_wait3A_2825 = tpu.memref_slice %arg5[%dma_wait3A_2823, %dma_wait3A_2824] : memref<10112x16xf32, #tpu.memory_space<vmem_shared>> -> memref<10112x16xf32, #tpu.memory_space<vmem_shared>>
      tpu.wait_indirect_dma semaphore(%run_scoped3A_2807 : memref<!tpu.dma_semaphore, #tpu.memory_space<semaphore_mem>>) src(%dma_wait3A_2819 : memref<128x16xf32, #tpu.memory_space<vmem>>) dst(%dma_wait3A_2825 : memref<10112x16xf32, #tpu.memory_space<vmem_shared>>)
      tpu.yield
    }) : () -> ()
    %dma_wait3A_2664 = arith.constant 16 : i32
    %dma_wait3A_2665 = arith.constant 16 : i32
    %dma_wait3A_2666 = arith.constant 2048 : i32
    %dma_wait3A_2667 = arith.constant 0 : i32
    %dma_wait3A_2668 = tpu.memref_slice %arg9[%dma_wait3A_2666, %dma_wait3A_2667] : memref<3200x16xf32, #tpu.memory_space<vmem>> -> memref<128x16xf32, #tpu.memory_space<vmem>>
    %dma_wait3A_2669 = arith.constant 0 : i32
    %dma_wait3A_2670 = tpu.memref_slice %arg7[%dma_wait3A_2664, %dma_wait3A_2669] : memref<25x128xi32, #tpu.memory_space<vmem>> -> memref<1x128xi32, #tpu.memory_space<vmem>>
    %dma_wait3A_2671 = tpu.memref_squeeze %dma_wait3A_2670 : memref<1x128xi32, #tpu.memory_space<vmem>> -> memref<128xi32, #tpu.memory_space<vmem>>
    %dma_wait3A_2672 = arith.constant 0 : i32
    %dma_wait3A_2673 = arith.constant 0 : i32
    %dma_wait3A_2674 = tpu.memref_slice %arg6[%dma_wait3A_2672, %dma_wait3A_2673] : memref<10112x16xf32, #tpu.memory_space<vmem_shared>> -> memref<10112x16xf32, #tpu.memory_space<vmem_shared>>
    %dma_wait3A_2675 = tpu.memref_slice %arg11[%dma_wait3A_2665] : memref<25x!tpu.dma_semaphore, #tpu.memory_space<semaphore_mem>> -> memref<1x!tpu.dma_semaphore, #tpu.memory_space<semaphore_mem>>
    %dma_wait3A_2676 = tpu.memref_squeeze %dma_wait3A_2675 : memref<1x!tpu.dma_semaphore, #tpu.memory_space<semaphore_mem>> -> memref<!tpu.dma_semaphore, #tpu.memory_space<semaphore_mem>>
    tpu.wait_indirect_dma semaphore(%dma_wait3A_2676 : memref<!tpu.dma_semaphore, #tpu.memory_space<semaphore_mem>>) src(%dma_wait3A_2674 : memref<10112x16xf32, #tpu.memory_space<vmem_shared>>) dst(%dma_wait3A_2668 : memref<128x16xf32, #tpu.memory_space<vmem>>)
    %run_scoped3A_2677 = arith.constant 16 : i32
    "tpu.region"() ({
      %run_scoped3A_2807 = tpu.sem_alloc : memref<!tpu.dma_semaphore, #tpu.memory_space<semaphore_mem>>
      %dma_start3A_2808 = arith.constant 2048 : i32
      %dma_start3A_2809 = arith.constant 0 : i32
      %dma_start3A_2810 = tpu.memref_slice %arg9[%dma_start3A_2808, %dma_start3A_2809] : memref<3200x16xf32, #tpu.memory_space<vmem>> -> memref<128x16xf32, #tpu.memory_space<vmem>>
      %dma_start3A_2811 = arith.constant 0 : i32
      %dma_start3A_2812 = tpu.memref_slice %arg8[%run_scoped3A_2677, %dma_start3A_2811] : memref<25x128xi32, #tpu.memory_space<vmem>> -> memref<1x128xi32, #tpu.memory_space<vmem>>
      %dma_start3A_2813 = tpu.memref_squeeze %dma_start3A_2812 : memref<1x128xi32, #tpu.memory_space<vmem>> -> memref<128xi32, #tpu.memory_space<vmem>>
      %dma_start3A_2814 = arith.constant 0 : i32
      %dma_start3A_2815 = arith.constant 0 : i32
      %dma_start3A_2816 = tpu.memref_slice %arg5[%dma_start3A_2814, %dma_start3A_2815] : memref<10112x16xf32, #tpu.memory_space<vmem_shared>> -> memref<10112x16xf32, #tpu.memory_space<vmem_shared>>
      tpu.enqueue_indirect_dma source(%dma_start3A_2810 : memref<128x16xf32, #tpu.memory_space<vmem>>) target(%dma_start3A_2816 : memref<10112x16xf32, #tpu.memory_space<vmem_shared>>) offsets(%dma_start3A_2813 : memref<128xi32, #tpu.memory_space<vmem>>) semaphore(%run_scoped3A_2807 : memref<!tpu.dma_semaphore, #tpu.memory_space<semaphore_mem>>) {add = true}
      %dma_wait3A_2817 = arith.constant 2048 : i32
      %dma_wait3A_2818 = arith.constant 0 : i32
      %dma_wait3A_2819 = tpu.memref_slice %arg9[%dma_wait3A_2817, %dma_wait3A_2818] : memref<3200x16xf32, #tpu.memory_space<vmem>> -> memref<128x16xf32, #tpu.memory_space<vmem>>
      %dma_wait3A_2820 = arith.constant 0 : i32
      %dma_wait3A_2821 = tpu.memref_slice %arg8[%run_scoped3A_2677, %dma_wait3A_2820] : memref<25x128xi32, #tpu.memory_space<vmem>> -> memref<1x128xi32, #tpu.memory_space<vmem>>
      %dma_wait3A_2822 = tpu.memref_squeeze %dma_wait3A_2821 : memref<1x128xi32, #tpu.memory_space<vmem>> -> memref<128xi32, #tpu.memory_space<vmem>>
      %dma_wait3A_2823 = arith.constant 0 : i32
      %dma_wait3A_2824 = arith.constant 0 : i32
      %dma_wait3A_2825 = tpu.memref_slice %arg5[%dma_wait3A_2823, %dma_wait3A_2824] : memref<10112x16xf32, #tpu.memory_space<vmem_shared>> -> memref<10112x16xf32, #tpu.memory_space<vmem_shared>>
      tpu.wait_indirect_dma semaphore(%run_scoped3A_2807 : memref<!tpu.dma_semaphore, #tpu.memory_space<semaphore_mem>>) src(%dma_wait3A_2819 : memref<128x16xf32, #tpu.memory_space<vmem>>) dst(%dma_wait3A_2825 : memref<10112x16xf32, #tpu.memory_space<vmem_shared>>)
      tpu.yield
    }) : () -> ()
    %dma_wait3A_2678 = arith.constant 17 : i32
    %dma_wait3A_2679 = arith.constant 17 : i32
    %dma_wait3A_2680 = arith.constant 2176 : i32
    %dma_wait3A_2681 = arith.constant 0 : i32
    %dma_wait3A_2682 = tpu.memref_slice %arg9[%dma_wait3A_2680, %dma_wait3A_2681] : memref<3200x16xf32, #tpu.memory_space<vmem>> -> memref<128x16xf32, #tpu.memory_space<vmem>>
    %dma_wait3A_2683 = arith.constant 0 : i32
    %dma_wait3A_2684 = tpu.memref_slice %arg7[%dma_wait3A_2678, %dma_wait3A_2683] : memref<25x128xi32, #tpu.memory_space<vmem>> -> memref<1x128xi32, #tpu.memory_space<vmem>>
    %dma_wait3A_2685 = tpu.memref_squeeze %dma_wait3A_2684 : memref<1x128xi32, #tpu.memory_space<vmem>> -> memref<128xi32, #tpu.memory_space<vmem>>
    %dma_wait3A_2686 = arith.constant 0 : i32
    %dma_wait3A_2687 = arith.constant 0 : i32
    %dma_wait3A_2688 = tpu.memref_slice %arg6[%dma_wait3A_2686, %dma_wait3A_2687] : memref<10112x16xf32, #tpu.memory_space<vmem_shared>> -> memref<10112x16xf32, #tpu.memory_space<vmem_shared>>
    %dma_wait3A_2689 = tpu.memref_slice %arg11[%dma_wait3A_2679] : memref<25x!tpu.dma_semaphore, #tpu.memory_space<semaphore_mem>> -> memref<1x!tpu.dma_semaphore, #tpu.memory_space<semaphore_mem>>
    %dma_wait3A_2690 = tpu.memref_squeeze %dma_wait3A_2689 : memref<1x!tpu.dma_semaphore, #tpu.memory_space<semaphore_mem>> -> memref<!tpu.dma_semaphore, #tpu.memory_space<semaphore_mem>>
    tpu.wait_indirect_dma semaphore(%dma_wait3A_2690 : memref<!tpu.dma_semaphore, #tpu.memory_space<semaphore_mem>>) src(%dma_wait3A_2688 : memref<10112x16xf32, #tpu.memory_space<vmem_shared>>) dst(%dma_wait3A_2682 : memref<128x16xf32, #tpu.memory_space<vmem>>)
    %run_scoped3A_2691 = arith.constant 17 : i32
    "tpu.region"() ({
      %run_scoped3A_2807 = tpu.sem_alloc : memref<!tpu.dma_semaphore, #tpu.memory_space<semaphore_mem>>
      %dma_start3A_2808 = arith.constant 2176 : i32
      %dma_start3A_2809 = arith.constant 0 : i32
      %dma_start3A_2810 = tpu.memref_slice %arg9[%dma_start3A_2808, %dma_start3A_2809] : memref<3200x16xf32, #tpu.memory_space<vmem>> -> memref<128x16xf32, #tpu.memory_space<vmem>>
      %dma_start3A_2811 = arith.constant 0 : i32
      %dma_start3A_2812 = tpu.memref_slice %arg8[%run_scoped3A_2691, %dma_start3A_2811] : memref<25x128xi32, #tpu.memory_space<vmem>> -> memref<1x128xi32, #tpu.memory_space<vmem>>
      %dma_start3A_2813 = tpu.memref_squeeze %dma_start3A_2812 : memref<1x128xi32, #tpu.memory_space<vmem>> -> memref<128xi32, #tpu.memory_space<vmem>>
      %dma_start3A_2814 = arith.constant 0 : i32
      %dma_start3A_2815 = arith.constant 0 : i32
      %dma_start3A_2816 = tpu.memref_slice %arg5[%dma_start3A_2814, %dma_start3A_2815] : memref<10112x16xf32, #tpu.memory_space<vmem_shared>> -> memref<10112x16xf32, #tpu.memory_space<vmem_shared>>
      tpu.enqueue_indirect_dma source(%dma_start3A_2810 : memref<128x16xf32, #tpu.memory_space<vmem>>) target(%dma_start3A_2816 : memref<10112x16xf32, #tpu.memory_space<vmem_shared>>) offsets(%dma_start3A_2813 : memref<128xi32, #tpu.memory_space<vmem>>) semaphore(%run_scoped3A_2807 : memref<!tpu.dma_semaphore, #tpu.memory_space<semaphore_mem>>) {add = true}
      %dma_wait3A_2817 = arith.constant 2176 : i32
      %dma_wait3A_2818 = arith.constant 0 : i32
      %dma_wait3A_2819 = tpu.memref_slice %arg9[%dma_wait3A_2817, %dma_wait3A_2818] : memref<3200x16xf32, #tpu.memory_space<vmem>> -> memref<128x16xf32, #tpu.memory_space<vmem>>
      %dma_wait3A_2820 = arith.constant 0 : i32
      %dma_wait3A_2821 = tpu.memref_slice %arg8[%run_scoped3A_2691, %dma_wait3A_2820] : memref<25x128xi32, #tpu.memory_space<vmem>> -> memref<1x128xi32, #tpu.memory_space<vmem>>
      %dma_wait3A_2822 = tpu.memref_squeeze %dma_wait3A_2821 : memref<1x128xi32, #tpu.memory_space<vmem>> -> memref<128xi32, #tpu.memory_space<vmem>>
      %dma_wait3A_2823 = arith.constant 0 : i32
      %dma_wait3A_2824 = arith.constant 0 : i32
      %dma_wait3A_2825 = tpu.memref_slice %arg5[%dma_wait3A_2823, %dma_wait3A_2824] : memref<10112x16xf32, #tpu.memory_space<vmem_shared>> -> memref<10112x16xf32, #tpu.memory_space<vmem_shared>>
      tpu.wait_indirect_dma semaphore(%run_scoped3A_2807 : memref<!tpu.dma_semaphore, #tpu.memory_space<semaphore_mem>>) src(%dma_wait3A_2819 : memref<128x16xf32, #tpu.memory_space<vmem>>) dst(%dma_wait3A_2825 : memref<10112x16xf32, #tpu.memory_space<vmem_shared>>)
      tpu.yield
    }) : () -> ()
    %dma_wait3A_2692 = arith.constant 18 : i32
    %dma_wait3A_2693 = arith.constant 18 : i32
    %dma_wait3A_2694 = arith.constant 2304 : i32
    %dma_wait3A_2695 = arith.constant 0 : i32
    %dma_wait3A_2696 = tpu.memref_slice %arg9[%dma_wait3A_2694, %dma_wait3A_2695] : memref<3200x16xf32, #tpu.memory_space<vmem>> -> memref<128x16xf32, #tpu.memory_space<vmem>>
    %dma_wait3A_2697 = arith.constant 0 : i32
    %dma_wait3A_2698 = tpu.memref_slice %arg7[%dma_wait3A_2692, %dma_wait3A_2697] : memref<25x128xi32, #tpu.memory_space<vmem>> -> memref<1x128xi32, #tpu.memory_space<vmem>>
    %dma_wait3A_2699 = tpu.memref_squeeze %dma_wait3A_2698 : memref<1x128xi32, #tpu.memory_space<vmem>> -> memref<128xi32, #tpu.memory_space<vmem>>
    %dma_wait3A_2700 = arith.constant 0 : i32
    %dma_wait3A_2701 = arith.constant 0 : i32
    %dma_wait3A_2702 = tpu.memref_slice %arg6[%dma_wait3A_2700, %dma_wait3A_2701] : memref<10112x16xf32, #tpu.memory_space<vmem_shared>> -> memref<10112x16xf32, #tpu.memory_space<vmem_shared>>
    %dma_wait3A_2703 = tpu.memref_slice %arg11[%dma_wait3A_2693] : memref<25x!tpu.dma_semaphore, #tpu.memory_space<semaphore_mem>> -> memref<1x!tpu.dma_semaphore, #tpu.memory_space<semaphore_mem>>
    %dma_wait3A_2704 = tpu.memref_squeeze %dma_wait3A_2703 : memref<1x!tpu.dma_semaphore, #tpu.memory_space<semaphore_mem>> -> memref<!tpu.dma_semaphore, #tpu.memory_space<semaphore_mem>>
    tpu.wait_indirect_dma semaphore(%dma_wait3A_2704 : memref<!tpu.dma_semaphore, #tpu.memory_space<semaphore_mem>>) src(%dma_wait3A_2702 : memref<10112x16xf32, #tpu.memory_space<vmem_shared>>) dst(%dma_wait3A_2696 : memref<128x16xf32, #tpu.memory_space<vmem>>)
    %run_scoped3A_2705 = arith.constant 18 : i32
    "tpu.region"() ({
      %run_scoped3A_2807 = tpu.sem_alloc : memref<!tpu.dma_semaphore, #tpu.memory_space<semaphore_mem>>
      %dma_start3A_2808 = arith.constant 2304 : i32
      %dma_start3A_2809 = arith.constant 0 : i32
      %dma_start3A_2810 = tpu.memref_slice %arg9[%dma_start3A_2808, %dma_start3A_2809] : memref<3200x16xf32, #tpu.memory_space<vmem>> -> memref<128x16xf32, #tpu.memory_space<vmem>>
      %dma_start3A_2811 = arith.constant 0 : i32
      %dma_start3A_2812 = tpu.memref_slice %arg8[%run_scoped3A_2705, %dma_start3A_2811] : memref<25x128xi32, #tpu.memory_space<vmem>> -> memref<1x128xi32, #tpu.memory_space<vmem>>
      %dma_start3A_2813 = tpu.memref_squeeze %dma_start3A_2812 : memref<1x128xi32, #tpu.memory_space<vmem>> -> memref<128xi32, #tpu.memory_space<vmem>>
      %dma_start3A_2814 = arith.constant 0 : i32
      %dma_start3A_2815 = arith.constant 0 : i32
      %dma_start3A_2816 = tpu.memref_slice %arg5[%dma_start3A_2814, %dma_start3A_2815] : memref<10112x16xf32, #tpu.memory_space<vmem_shared>> -> memref<10112x16xf32, #tpu.memory_space<vmem_shared>>
      tpu.enqueue_indirect_dma source(%dma_start3A_2810 : memref<128x16xf32, #tpu.memory_space<vmem>>) target(%dma_start3A_2816 : memref<10112x16xf32, #tpu.memory_space<vmem_shared>>) offsets(%dma_start3A_2813 : memref<128xi32, #tpu.memory_space<vmem>>) semaphore(%run_scoped3A_2807 : memref<!tpu.dma_semaphore, #tpu.memory_space<semaphore_mem>>) {add = true}
      %dma_wait3A_2817 = arith.constant 2304 : i32
      %dma_wait3A_2818 = arith.constant 0 : i32
      %dma_wait3A_2819 = tpu.memref_slice %arg9[%dma_wait3A_2817, %dma_wait3A_2818] : memref<3200x16xf32, #tpu.memory_space<vmem>> -> memref<128x16xf32, #tpu.memory_space<vmem>>
      %dma_wait3A_2820 = arith.constant 0 : i32
      %dma_wait3A_2821 = tpu.memref_slice %arg8[%run_scoped3A_2705, %dma_wait3A_2820] : memref<25x128xi32, #tpu.memory_space<vmem>> -> memref<1x128xi32, #tpu.memory_space<vmem>>
      %dma_wait3A_2822 = tpu.memref_squeeze %dma_wait3A_2821 : memref<1x128xi32, #tpu.memory_space<vmem>> -> memref<128xi32, #tpu.memory_space<vmem>>
      %dma_wait3A_2823 = arith.constant 0 : i32
      %dma_wait3A_2824 = arith.constant 0 : i32
      %dma_wait3A_2825 = tpu.memref_slice %arg5[%dma_wait3A_2823, %dma_wait3A_2824] : memref<10112x16xf32, #tpu.memory_space<vmem_shared>> -> memref<10112x16xf32, #tpu.memory_space<vmem_shared>>
      tpu.wait_indirect_dma semaphore(%run_scoped3A_2807 : memref<!tpu.dma_semaphore, #tpu.memory_space<semaphore_mem>>) src(%dma_wait3A_2819 : memref<128x16xf32, #tpu.memory_space<vmem>>) dst(%dma_wait3A_2825 : memref<10112x16xf32, #tpu.memory_space<vmem_shared>>)
      tpu.yield
    }) : () -> ()
    %dma_wait3A_2706 = arith.constant 19 : i32
    %dma_wait3A_2707 = arith.constant 19 : i32
    %dma_wait3A_2708 = arith.constant 2432 : i32
    %dma_wait3A_2709 = arith.constant 0 : i32
    %dma_wait3A_2710 = tpu.memref_slice %arg9[%dma_wait3A_2708, %dma_wait3A_2709] : memref<3200x16xf32, #tpu.memory_space<vmem>> -> memref<128x16xf32, #tpu.memory_space<vmem>>
    %dma_wait3A_2711 = arith.constant 0 : i32
    %dma_wait3A_2712 = tpu.memref_slice %arg7[%dma_wait3A_2706, %dma_wait3A_2711] : memref<25x128xi32, #tpu.memory_space<vmem>> -> memref<1x128xi32, #tpu.memory_space<vmem>>
    %dma_wait3A_2713 = tpu.memref_squeeze %dma_wait3A_2712 : memref<1x128xi32, #tpu.memory_space<vmem>> -> memref<128xi32, #tpu.memory_space<vmem>>
    %dma_wait3A_2714 = arith.constant 0 : i32
    %dma_wait3A_2715 = arith.constant 0 : i32
    %dma_wait3A_2716 = tpu.memref_slice %arg6[%dma_wait3A_2714, %dma_wait3A_2715] : memref<10112x16xf32, #tpu.memory_space<vmem_shared>> -> memref<10112x16xf32, #tpu.memory_space<vmem_shared>>
    %dma_wait3A_2717 = tpu.memref_slice %arg11[%dma_wait3A_2707] : memref<25x!tpu.dma_semaphore, #tpu.memory_space<semaphore_mem>> -> memref<1x!tpu.dma_semaphore, #tpu.memory_space<semaphore_mem>>
    %dma_wait3A_2718 = tpu.memref_squeeze %dma_wait3A_2717 : memref<1x!tpu.dma_semaphore, #tpu.memory_space<semaphore_mem>> -> memref<!tpu.dma_semaphore, #tpu.memory_space<semaphore_mem>>
    tpu.wait_indirect_dma semaphore(%dma_wait3A_2718 : memref<!tpu.dma_semaphore, #tpu.memory_space<semaphore_mem>>) src(%dma_wait3A_2716 : memref<10112x16xf32, #tpu.memory_space<vmem_shared>>) dst(%dma_wait3A_2710 : memref<128x16xf32, #tpu.memory_space<vmem>>)
    %run_scoped3A_2719 = arith.constant 19 : i32
    "tpu.region"() ({
      %run_scoped3A_2807 = tpu.sem_alloc : memref<!tpu.dma_semaphore, #tpu.memory_space<semaphore_mem>>
      %dma_start3A_2808 = arith.constant 2432 : i32
      %dma_start3A_2809 = arith.constant 0 : i32
      %dma_start3A_2810 = tpu.memref_slice %arg9[%dma_start3A_2808, %dma_start3A_2809] : memref<3200x16xf32, #tpu.memory_space<vmem>> -> memref<128x16xf32, #tpu.memory_space<vmem>>
      %dma_start3A_2811 = arith.constant 0 : i32
      %dma_start3A_2812 = tpu.memref_slice %arg8[%run_scoped3A_2719, %dma_start3A_2811] : memref<25x128xi32, #tpu.memory_space<vmem>> -> memref<1x128xi32, #tpu.memory_space<vmem>>
      %dma_start3A_2813 = tpu.memref_squeeze %dma_start3A_2812 : memref<1x128xi32, #tpu.memory_space<vmem>> -> memref<128xi32, #tpu.memory_space<vmem>>
      %dma_start3A_2814 = arith.constant 0 : i32
      %dma_start3A_2815 = arith.constant 0 : i32
      %dma_start3A_2816 = tpu.memref_slice %arg5[%dma_start3A_2814, %dma_start3A_2815] : memref<10112x16xf32, #tpu.memory_space<vmem_shared>> -> memref<10112x16xf32, #tpu.memory_space<vmem_shared>>
      tpu.enqueue_indirect_dma source(%dma_start3A_2810 : memref<128x16xf32, #tpu.memory_space<vmem>>) target(%dma_start3A_2816 : memref<10112x16xf32, #tpu.memory_space<vmem_shared>>) offsets(%dma_start3A_2813 : memref<128xi32, #tpu.memory_space<vmem>>) semaphore(%run_scoped3A_2807 : memref<!tpu.dma_semaphore, #tpu.memory_space<semaphore_mem>>) {add = true}
      %dma_wait3A_2817 = arith.constant 2432 : i32
      %dma_wait3A_2818 = arith.constant 0 : i32
      %dma_wait3A_2819 = tpu.memref_slice %arg9[%dma_wait3A_2817, %dma_wait3A_2818] : memref<3200x16xf32, #tpu.memory_space<vmem>> -> memref<128x16xf32, #tpu.memory_space<vmem>>
      %dma_wait3A_2820 = arith.constant 0 : i32
      %dma_wait3A_2821 = tpu.memref_slice %arg8[%run_scoped3A_2719, %dma_wait3A_2820] : memref<25x128xi32, #tpu.memory_space<vmem>> -> memref<1x128xi32, #tpu.memory_space<vmem>>
      %dma_wait3A_2822 = tpu.memref_squeeze %dma_wait3A_2821 : memref<1x128xi32, #tpu.memory_space<vmem>> -> memref<128xi32, #tpu.memory_space<vmem>>
      %dma_wait3A_2823 = arith.constant 0 : i32
      %dma_wait3A_2824 = arith.constant 0 : i32
      %dma_wait3A_2825 = tpu.memref_slice %arg5[%dma_wait3A_2823, %dma_wait3A_2824] : memref<10112x16xf32, #tpu.memory_space<vmem_shared>> -> memref<10112x16xf32, #tpu.memory_space<vmem_shared>>
      tpu.wait_indirect_dma semaphore(%run_scoped3A_2807 : memref<!tpu.dma_semaphore, #tpu.memory_space<semaphore_mem>>) src(%dma_wait3A_2819 : memref<128x16xf32, #tpu.memory_space<vmem>>) dst(%dma_wait3A_2825 : memref<10112x16xf32, #tpu.memory_space<vmem_shared>>)
      tpu.yield
    }) : () -> ()
    %dma_wait3A_2720 = arith.constant 20 : i32
    %dma_wait3A_2721 = arith.constant 20 : i32
    %dma_wait3A_2722 = arith.constant 2560 : i32
    %dma_wait3A_2723 = arith.constant 0 : i32
    %dma_wait3A_2724 = tpu.memref_slice %arg9[%dma_wait3A_2722, %dma_wait3A_2723] : memref<3200x16xf32, #tpu.memory_space<vmem>> -> memref<128x16xf32, #tpu.memory_space<vmem>>
    %dma_wait3A_2725 = arith.constant 0 : i32
    %dma_wait3A_2726 = tpu.memref_slice %arg7[%dma_wait3A_2720, %dma_wait3A_2725] : memref<25x128xi32, #tpu.memory_space<vmem>> -> memref<1x128xi32, #tpu.memory_space<vmem>>
    %dma_wait3A_2727 = tpu.memref_squeeze %dma_wait3A_2726 : memref<1x128xi32, #tpu.memory_space<vmem>> -> memref<128xi32, #tpu.memory_space<vmem>>
    %dma_wait3A_2728 = arith.constant 0 : i32
    %dma_wait3A_2729 = arith.constant 0 : i32
    %dma_wait3A_2730 = tpu.memref_slice %arg6[%dma_wait3A_2728, %dma_wait3A_2729] : memref<10112x16xf32, #tpu.memory_space<vmem_shared>> -> memref<10112x16xf32, #tpu.memory_space<vmem_shared>>
    %dma_wait3A_2731 = tpu.memref_slice %arg11[%dma_wait3A_2721] : memref<25x!tpu.dma_semaphore, #tpu.memory_space<semaphore_mem>> -> memref<1x!tpu.dma_semaphore, #tpu.memory_space<semaphore_mem>>
    %dma_wait3A_2732 = tpu.memref_squeeze %dma_wait3A_2731 : memref<1x!tpu.dma_semaphore, #tpu.memory_space<semaphore_mem>> -> memref<!tpu.dma_semaphore, #tpu.memory_space<semaphore_mem>>
    tpu.wait_indirect_dma semaphore(%dma_wait3A_2732 : memref<!tpu.dma_semaphore, #tpu.memory_space<semaphore_mem>>) src(%dma_wait3A_2730 : memref<10112x16xf32, #tpu.memory_space<vmem_shared>>) dst(%dma_wait3A_2724 : memref<128x16xf32, #tpu.memory_space<vmem>>)
    %run_scoped3A_2733 = arith.constant 20 : i32
    "tpu.region"() ({
      %run_scoped3A_2807 = tpu.sem_alloc : memref<!tpu.dma_semaphore, #tpu.memory_space<semaphore_mem>>
      %dma_start3A_2808 = arith.constant 2560 : i32
      %dma_start3A_2809 = arith.constant 0 : i32
      %dma_start3A_2810 = tpu.memref_slice %arg9[%dma_start3A_2808, %dma_start3A_2809] : memref<3200x16xf32, #tpu.memory_space<vmem>> -> memref<128x16xf32, #tpu.memory_space<vmem>>
      %dma_start3A_2811 = arith.constant 0 : i32
      %dma_start3A_2812 = tpu.memref_slice %arg8[%run_scoped3A_2733, %dma_start3A_2811] : memref<25x128xi32, #tpu.memory_space<vmem>> -> memref<1x128xi32, #tpu.memory_space<vmem>>
      %dma_start3A_2813 = tpu.memref_squeeze %dma_start3A_2812 : memref<1x128xi32, #tpu.memory_space<vmem>> -> memref<128xi32, #tpu.memory_space<vmem>>
      %dma_start3A_2814 = arith.constant 0 : i32
      %dma_start3A_2815 = arith.constant 0 : i32
      %dma_start3A_2816 = tpu.memref_slice %arg5[%dma_start3A_2814, %dma_start3A_2815] : memref<10112x16xf32, #tpu.memory_space<vmem_shared>> -> memref<10112x16xf32, #tpu.memory_space<vmem_shared>>
      tpu.enqueue_indirect_dma source(%dma_start3A_2810 : memref<128x16xf32, #tpu.memory_space<vmem>>) target(%dma_start3A_2816 : memref<10112x16xf32, #tpu.memory_space<vmem_shared>>) offsets(%dma_start3A_2813 : memref<128xi32, #tpu.memory_space<vmem>>) semaphore(%run_scoped3A_2807 : memref<!tpu.dma_semaphore, #tpu.memory_space<semaphore_mem>>) {add = true}
      %dma_wait3A_2817 = arith.constant 2560 : i32
      %dma_wait3A_2818 = arith.constant 0 : i32
      %dma_wait3A_2819 = tpu.memref_slice %arg9[%dma_wait3A_2817, %dma_wait3A_2818] : memref<3200x16xf32, #tpu.memory_space<vmem>> -> memref<128x16xf32, #tpu.memory_space<vmem>>
      %dma_wait3A_2820 = arith.constant 0 : i32
      %dma_wait3A_2821 = tpu.memref_slice %arg8[%run_scoped3A_2733, %dma_wait3A_2820] : memref<25x128xi32, #tpu.memory_space<vmem>> -> memref<1x128xi32, #tpu.memory_space<vmem>>
      %dma_wait3A_2822 = tpu.memref_squeeze %dma_wait3A_2821 : memref<1x128xi32, #tpu.memory_space<vmem>> -> memref<128xi32, #tpu.memory_space<vmem>>
      %dma_wait3A_2823 = arith.constant 0 : i32
      %dma_wait3A_2824 = arith.constant 0 : i32
      %dma_wait3A_2825 = tpu.memref_slice %arg5[%dma_wait3A_2823, %dma_wait3A_2824] : memref<10112x16xf32, #tpu.memory_space<vmem_shared>> -> memref<10112x16xf32, #tpu.memory_space<vmem_shared>>
      tpu.wait_indirect_dma semaphore(%run_scoped3A_2807 : memref<!tpu.dma_semaphore, #tpu.memory_space<semaphore_mem>>) src(%dma_wait3A_2819 : memref<128x16xf32, #tpu.memory_space<vmem>>) dst(%dma_wait3A_2825 : memref<10112x16xf32, #tpu.memory_space<vmem_shared>>)
      tpu.yield
    }) : () -> ()
    %dma_wait3A_2734 = arith.constant 21 : i32
    %dma_wait3A_2735 = arith.constant 21 : i32
    %dma_wait3A_2736 = arith.constant 2688 : i32
    %dma_wait3A_2737 = arith.constant 0 : i32
    %dma_wait3A_2738 = tpu.memref_slice %arg9[%dma_wait3A_2736, %dma_wait3A_2737] : memref<3200x16xf32, #tpu.memory_space<vmem>> -> memref<128x16xf32, #tpu.memory_space<vmem>>
    %dma_wait3A_2739 = arith.constant 0 : i32
    %dma_wait3A_2740 = tpu.memref_slice %arg7[%dma_wait3A_2734, %dma_wait3A_2739] : memref<25x128xi32, #tpu.memory_space<vmem>> -> memref<1x128xi32, #tpu.memory_space<vmem>>
    %dma_wait3A_2741 = tpu.memref_squeeze %dma_wait3A_2740 : memref<1x128xi32, #tpu.memory_space<vmem>> -> memref<128xi32, #tpu.memory_space<vmem>>
    %dma_wait3A_2742 = arith.constant 0 : i32
    %dma_wait3A_2743 = arith.constant 0 : i32
    %dma_wait3A_2744 = tpu.memref_slice %arg6[%dma_wait3A_2742, %dma_wait3A_2743] : memref<10112x16xf32, #tpu.memory_space<vmem_shared>> -> memref<10112x16xf32, #tpu.memory_space<vmem_shared>>
    %dma_wait3A_2745 = tpu.memref_slice %arg11[%dma_wait3A_2735] : memref<25x!tpu.dma_semaphore, #tpu.memory_space<semaphore_mem>> -> memref<1x!tpu.dma_semaphore, #tpu.memory_space<semaphore_mem>>
    %dma_wait3A_2746 = tpu.memref_squeeze %dma_wait3A_2745 : memref<1x!tpu.dma_semaphore, #tpu.memory_space<semaphore_mem>> -> memref<!tpu.dma_semaphore, #tpu.memory_space<semaphore_mem>>
    tpu.wait_indirect_dma semaphore(%dma_wait3A_2746 : memref<!tpu.dma_semaphore, #tpu.memory_space<semaphore_mem>>) src(%dma_wait3A_2744 : memref<10112x16xf32, #tpu.memory_space<vmem_shared>>) dst(%dma_wait3A_2738 : memref<128x16xf32, #tpu.memory_space<vmem>>)
    %run_scoped3A_2747 = arith.constant 21 : i32
    "tpu.region"() ({
      %run_scoped3A_2807 = tpu.sem_alloc : memref<!tpu.dma_semaphore, #tpu.memory_space<semaphore_mem>>
      %dma_start3A_2808 = arith.constant 2688 : i32
      %dma_start3A_2809 = arith.constant 0 : i32
      %dma_start3A_2810 = tpu.memref_slice %arg9[%dma_start3A_2808, %dma_start3A_2809] : memref<3200x16xf32, #tpu.memory_space<vmem>> -> memref<128x16xf32, #tpu.memory_space<vmem>>
      %dma_start3A_2811 = arith.constant 0 : i32
      %dma_start3A_2812 = tpu.memref_slice %arg8[%run_scoped3A_2747, %dma_start3A_2811] : memref<25x128xi32, #tpu.memory_space<vmem>> -> memref<1x128xi32, #tpu.memory_space<vmem>>
      %dma_start3A_2813 = tpu.memref_squeeze %dma_start3A_2812 : memref<1x128xi32, #tpu.memory_space<vmem>> -> memref<128xi32, #tpu.memory_space<vmem>>
      %dma_start3A_2814 = arith.constant 0 : i32
      %dma_start3A_2815 = arith.constant 0 : i32
      %dma_start3A_2816 = tpu.memref_slice %arg5[%dma_start3A_2814, %dma_start3A_2815] : memref<10112x16xf32, #tpu.memory_space<vmem_shared>> -> memref<10112x16xf32, #tpu.memory_space<vmem_shared>>
      tpu.enqueue_indirect_dma source(%dma_start3A_2810 : memref<128x16xf32, #tpu.memory_space<vmem>>) target(%dma_start3A_2816 : memref<10112x16xf32, #tpu.memory_space<vmem_shared>>) offsets(%dma_start3A_2813 : memref<128xi32, #tpu.memory_space<vmem>>) semaphore(%run_scoped3A_2807 : memref<!tpu.dma_semaphore, #tpu.memory_space<semaphore_mem>>) {add = true}
      %dma_wait3A_2817 = arith.constant 2688 : i32
      %dma_wait3A_2818 = arith.constant 0 : i32
      %dma_wait3A_2819 = tpu.memref_slice %arg9[%dma_wait3A_2817, %dma_wait3A_2818] : memref<3200x16xf32, #tpu.memory_space<vmem>> -> memref<128x16xf32, #tpu.memory_space<vmem>>
      %dma_wait3A_2820 = arith.constant 0 : i32
      %dma_wait3A_2821 = tpu.memref_slice %arg8[%run_scoped3A_2747, %dma_wait3A_2820] : memref<25x128xi32, #tpu.memory_space<vmem>> -> memref<1x128xi32, #tpu.memory_space<vmem>>
      %dma_wait3A_2822 = tpu.memref_squeeze %dma_wait3A_2821 : memref<1x128xi32, #tpu.memory_space<vmem>> -> memref<128xi32, #tpu.memory_space<vmem>>
      %dma_wait3A_2823 = arith.constant 0 : i32
      %dma_wait3A_2824 = arith.constant 0 : i32
      %dma_wait3A_2825 = tpu.memref_slice %arg5[%dma_wait3A_2823, %dma_wait3A_2824] : memref<10112x16xf32, #tpu.memory_space<vmem_shared>> -> memref<10112x16xf32, #tpu.memory_space<vmem_shared>>
      tpu.wait_indirect_dma semaphore(%run_scoped3A_2807 : memref<!tpu.dma_semaphore, #tpu.memory_space<semaphore_mem>>) src(%dma_wait3A_2819 : memref<128x16xf32, #tpu.memory_space<vmem>>) dst(%dma_wait3A_2825 : memref<10112x16xf32, #tpu.memory_space<vmem_shared>>)
      tpu.yield
    }) : () -> ()
    %dma_wait3A_2748 = arith.constant 22 : i32
    %dma_wait3A_2749 = arith.constant 22 : i32
    %dma_wait3A_2750 = arith.constant 2816 : i32
    %dma_wait3A_2751 = arith.constant 0 : i32
    %dma_wait3A_2752 = tpu.memref_slice %arg9[%dma_wait3A_2750, %dma_wait3A_2751] : memref<3200x16xf32, #tpu.memory_space<vmem>> -> memref<128x16xf32, #tpu.memory_space<vmem>>
    %dma_wait3A_2753 = arith.constant 0 : i32
    %dma_wait3A_2754 = tpu.memref_slice %arg7[%dma_wait3A_2748, %dma_wait3A_2753] : memref<25x128xi32, #tpu.memory_space<vmem>> -> memref<1x128xi32, #tpu.memory_space<vmem>>
    %dma_wait3A_2755 = tpu.memref_squeeze %dma_wait3A_2754 : memref<1x128xi32, #tpu.memory_space<vmem>> -> memref<128xi32, #tpu.memory_space<vmem>>
    %dma_wait3A_2756 = arith.constant 0 : i32
    %dma_wait3A_2757 = arith.constant 0 : i32
    %dma_wait3A_2758 = tpu.memref_slice %arg6[%dma_wait3A_2756, %dma_wait3A_2757] : memref<10112x16xf32, #tpu.memory_space<vmem_shared>> -> memref<10112x16xf32, #tpu.memory_space<vmem_shared>>
    %dma_wait3A_2759 = tpu.memref_slice %arg11[%dma_wait3A_2749] : memref<25x!tpu.dma_semaphore, #tpu.memory_space<semaphore_mem>> -> memref<1x!tpu.dma_semaphore, #tpu.memory_space<semaphore_mem>>
    %dma_wait3A_2760 = tpu.memref_squeeze %dma_wait3A_2759 : memref<1x!tpu.dma_semaphore, #tpu.memory_space<semaphore_mem>> -> memref<!tpu.dma_semaphore, #tpu.memory_space<semaphore_mem>>
    tpu.wait_indirect_dma semaphore(%dma_wait3A_2760 : memref<!tpu.dma_semaphore, #tpu.memory_space<semaphore_mem>>) src(%dma_wait3A_2758 : memref<10112x16xf32, #tpu.memory_space<vmem_shared>>) dst(%dma_wait3A_2752 : memref<128x16xf32, #tpu.memory_space<vmem>>)
    %run_scoped3A_2761 = arith.constant 22 : i32
    "tpu.region"() ({
      %run_scoped3A_2807 = tpu.sem_alloc : memref<!tpu.dma_semaphore, #tpu.memory_space<semaphore_mem>>
      %dma_start3A_2808 = arith.constant 2816 : i32
      %dma_start3A_2809 = arith.constant 0 : i32
      %dma_start3A_2810 = tpu.memref_slice %arg9[%dma_start3A_2808, %dma_start3A_2809] : memref<3200x16xf32, #tpu.memory_space<vmem>> -> memref<128x16xf32, #tpu.memory_space<vmem>>
      %dma_start3A_2811 = arith.constant 0 : i32
      %dma_start3A_2812 = tpu.memref_slice %arg8[%run_scoped3A_2761, %dma_start3A_2811] : memref<25x128xi32, #tpu.memory_space<vmem>> -> memref<1x128xi32, #tpu.memory_space<vmem>>
      %dma_start3A_2813 = tpu.memref_squeeze %dma_start3A_2812 : memref<1x128xi32, #tpu.memory_space<vmem>> -> memref<128xi32, #tpu.memory_space<vmem>>
      %dma_start3A_2814 = arith.constant 0 : i32
      %dma_start3A_2815 = arith.constant 0 : i32
      %dma_start3A_2816 = tpu.memref_slice %arg5[%dma_start3A_2814, %dma_start3A_2815] : memref<10112x16xf32, #tpu.memory_space<vmem_shared>> -> memref<10112x16xf32, #tpu.memory_space<vmem_shared>>
      tpu.enqueue_indirect_dma source(%dma_start3A_2810 : memref<128x16xf32, #tpu.memory_space<vmem>>) target(%dma_start3A_2816 : memref<10112x16xf32, #tpu.memory_space<vmem_shared>>) offsets(%dma_start3A_2813 : memref<128xi32, #tpu.memory_space<vmem>>) semaphore(%run_scoped3A_2807 : memref<!tpu.dma_semaphore, #tpu.memory_space<semaphore_mem>>) {add = true}
      %dma_wait3A_2817 = arith.constant 2816 : i32
      %dma_wait3A_2818 = arith.constant 0 : i32
      %dma_wait3A_2819 = tpu.memref_slice %arg9[%dma_wait3A_2817, %dma_wait3A_2818] : memref<3200x16xf32, #tpu.memory_space<vmem>> -> memref<128x16xf32, #tpu.memory_space<vmem>>
      %dma_wait3A_2820 = arith.constant 0 : i32
      %dma_wait3A_2821 = tpu.memref_slice %arg8[%run_scoped3A_2761, %dma_wait3A_2820] : memref<25x128xi32, #tpu.memory_space<vmem>> -> memref<1x128xi32, #tpu.memory_space<vmem>>
      %dma_wait3A_2822 = tpu.memref_squeeze %dma_wait3A_2821 : memref<1x128xi32, #tpu.memory_space<vmem>> -> memref<128xi32, #tpu.memory_space<vmem>>
      %dma_wait3A_2823 = arith.constant 0 : i32
      %dma_wait3A_2824 = arith.constant 0 : i32
      %dma_wait3A_2825 = tpu.memref_slice %arg5[%dma_wait3A_2823, %dma_wait3A_2824] : memref<10112x16xf32, #tpu.memory_space<vmem_shared>> -> memref<10112x16xf32, #tpu.memory_space<vmem_shared>>
      tpu.wait_indirect_dma semaphore(%run_scoped3A_2807 : memref<!tpu.dma_semaphore, #tpu.memory_space<semaphore_mem>>) src(%dma_wait3A_2819 : memref<128x16xf32, #tpu.memory_space<vmem>>) dst(%dma_wait3A_2825 : memref<10112x16xf32, #tpu.memory_space<vmem_shared>>)
      tpu.yield
    }) : () -> ()
    %dma_wait3A_2762 = arith.constant 23 : i32
    %dma_wait3A_2763 = arith.constant 23 : i32
    %dma_wait3A_2764 = arith.constant 2944 : i32
    %dma_wait3A_2765 = arith.constant 0 : i32
    %dma_wait3A_2766 = tpu.memref_slice %arg9[%dma_wait3A_2764, %dma_wait3A_2765] : memref<3200x16xf32, #tpu.memory_space<vmem>> -> memref<128x16xf32, #tpu.memory_space<vmem>>
    %dma_wait3A_2767 = arith.constant 0 : i32
    %dma_wait3A_2768 = tpu.memref_slice %arg7[%dma_wait3A_2762, %dma_wait3A_2767] : memref<25x128xi32, #tpu.memory_space<vmem>> -> memref<1x128xi32, #tpu.memory_space<vmem>>
    %dma_wait3A_2769 = tpu.memref_squeeze %dma_wait3A_2768 : memref<1x128xi32, #tpu.memory_space<vmem>> -> memref<128xi32, #tpu.memory_space<vmem>>
    %dma_wait3A_2770 = arith.constant 0 : i32
    %dma_wait3A_2771 = arith.constant 0 : i32
    %dma_wait3A_2772 = tpu.memref_slice %arg6[%dma_wait3A_2770, %dma_wait3A_2771] : memref<10112x16xf32, #tpu.memory_space<vmem_shared>> -> memref<10112x16xf32, #tpu.memory_space<vmem_shared>>
    %dma_wait3A_2773 = tpu.memref_slice %arg11[%dma_wait3A_2763] : memref<25x!tpu.dma_semaphore, #tpu.memory_space<semaphore_mem>> -> memref<1x!tpu.dma_semaphore, #tpu.memory_space<semaphore_mem>>
    %dma_wait3A_2774 = tpu.memref_squeeze %dma_wait3A_2773 : memref<1x!tpu.dma_semaphore, #tpu.memory_space<semaphore_mem>> -> memref<!tpu.dma_semaphore, #tpu.memory_space<semaphore_mem>>
    tpu.wait_indirect_dma semaphore(%dma_wait3A_2774 : memref<!tpu.dma_semaphore, #tpu.memory_space<semaphore_mem>>) src(%dma_wait3A_2772 : memref<10112x16xf32, #tpu.memory_space<vmem_shared>>) dst(%dma_wait3A_2766 : memref<128x16xf32, #tpu.memory_space<vmem>>)
    %run_scoped3A_2775 = arith.constant 23 : i32
    "tpu.region"() ({
      %run_scoped3A_2807 = tpu.sem_alloc : memref<!tpu.dma_semaphore, #tpu.memory_space<semaphore_mem>>
      %dma_start3A_2808 = arith.constant 2944 : i32
      %dma_start3A_2809 = arith.constant 0 : i32
      %dma_start3A_2810 = tpu.memref_slice %arg9[%dma_start3A_2808, %dma_start3A_2809] : memref<3200x16xf32, #tpu.memory_space<vmem>> -> memref<128x16xf32, #tpu.memory_space<vmem>>
      %dma_start3A_2811 = arith.constant 0 : i32
      %dma_start3A_2812 = tpu.memref_slice %arg8[%run_scoped3A_2775, %dma_start3A_2811] : memref<25x128xi32, #tpu.memory_space<vmem>> -> memref<1x128xi32, #tpu.memory_space<vmem>>
      %dma_start3A_2813 = tpu.memref_squeeze %dma_start3A_2812 : memref<1x128xi32, #tpu.memory_space<vmem>> -> memref<128xi32, #tpu.memory_space<vmem>>
      %dma_start3A_2814 = arith.constant 0 : i32
      %dma_start3A_2815 = arith.constant 0 : i32
      %dma_start3A_2816 = tpu.memref_slice %arg5[%dma_start3A_2814, %dma_start3A_2815] : memref<10112x16xf32, #tpu.memory_space<vmem_shared>> -> memref<10112x16xf32, #tpu.memory_space<vmem_shared>>
      tpu.enqueue_indirect_dma source(%dma_start3A_2810 : memref<128x16xf32, #tpu.memory_space<vmem>>) target(%dma_start3A_2816 : memref<10112x16xf32, #tpu.memory_space<vmem_shared>>) offsets(%dma_start3A_2813 : memref<128xi32, #tpu.memory_space<vmem>>) semaphore(%run_scoped3A_2807 : memref<!tpu.dma_semaphore, #tpu.memory_space<semaphore_mem>>) {add = true}
      %dma_wait3A_2817 = arith.constant 2944 : i32
      %dma_wait3A_2818 = arith.constant 0 : i32
      %dma_wait3A_2819 = tpu.memref_slice %arg9[%dma_wait3A_2817, %dma_wait3A_2818] : memref<3200x16xf32, #tpu.memory_space<vmem>> -> memref<128x16xf32, #tpu.memory_space<vmem>>
      %dma_wait3A_2820 = arith.constant 0 : i32
      %dma_wait3A_2821 = tpu.memref_slice %arg8[%run_scoped3A_2775, %dma_wait3A_2820] : memref<25x128xi32, #tpu.memory_space<vmem>> -> memref<1x128xi32, #tpu.memory_space<vmem>>
      %dma_wait3A_2822 = tpu.memref_squeeze %dma_wait3A_2821 : memref<1x128xi32, #tpu.memory_space<vmem>> -> memref<128xi32, #tpu.memory_space<vmem>>
      %dma_wait3A_2823 = arith.constant 0 : i32
      %dma_wait3A_2824 = arith.constant 0 : i32
      %dma_wait3A_2825 = tpu.memref_slice %arg5[%dma_wait3A_2823, %dma_wait3A_2824] : memref<10112x16xf32, #tpu.memory_space<vmem_shared>> -> memref<10112x16xf32, #tpu.memory_space<vmem_shared>>
      tpu.wait_indirect_dma semaphore(%run_scoped3A_2807 : memref<!tpu.dma_semaphore, #tpu.memory_space<semaphore_mem>>) src(%dma_wait3A_2819 : memref<128x16xf32, #tpu.memory_space<vmem>>) dst(%dma_wait3A_2825 : memref<10112x16xf32, #tpu.memory_space<vmem_shared>>)
      tpu.yield
    }) : () -> ()
    %dma_wait3A_2776 = arith.constant 24 : i32
    %dma_wait3A_2777 = arith.constant 24 : i32
    %dma_wait3A_2778 = arith.constant 3072 : i32
    %dma_wait3A_2779 = arith.constant 0 : i32
    %dma_wait3A_2780 = tpu.memref_slice %arg9[%dma_wait3A_2778, %dma_wait3A_2779] : memref<3200x16xf32, #tpu.memory_space<vmem>> -> memref<128x16xf32, #tpu.memory_space<vmem>>
    %dma_wait3A_2781 = arith.constant 0 : i32
    %dma_wait3A_2782 = tpu.memref_slice %arg7[%dma_wait3A_2776, %dma_wait3A_2781] : memref<25x128xi32, #tpu.memory_space<vmem>> -> memref<1x128xi32, #tpu.memory_space<vmem>>
    %dma_wait3A_2783 = tpu.memref_squeeze %dma_wait3A_2782 : memref<1x128xi32, #tpu.memory_space<vmem>> -> memref<128xi32, #tpu.memory_space<vmem>>
    %dma_wait3A_2784 = arith.constant 0 : i32
    %dma_wait3A_2785 = arith.constant 0 : i32
    %dma_wait3A_2786 = tpu.memref_slice %arg6[%dma_wait3A_2784, %dma_wait3A_2785] : memref<10112x16xf32, #tpu.memory_space<vmem_shared>> -> memref<10112x16xf32, #tpu.memory_space<vmem_shared>>
    %dma_wait3A_2787 = tpu.memref_slice %arg11[%dma_wait3A_2777] : memref<25x!tpu.dma_semaphore, #tpu.memory_space<semaphore_mem>> -> memref<1x!tpu.dma_semaphore, #tpu.memory_space<semaphore_mem>>
    %dma_wait3A_2788 = tpu.memref_squeeze %dma_wait3A_2787 : memref<1x!tpu.dma_semaphore, #tpu.memory_space<semaphore_mem>> -> memref<!tpu.dma_semaphore, #tpu.memory_space<semaphore_mem>>
    tpu.wait_indirect_dma semaphore(%dma_wait3A_2788 : memref<!tpu.dma_semaphore, #tpu.memory_space<semaphore_mem>>) src(%dma_wait3A_2786 : memref<10112x16xf32, #tpu.memory_space<vmem_shared>>) dst(%dma_wait3A_2780 : memref<128x16xf32, #tpu.memory_space<vmem>>)
    %run_scoped3A_2789 = arith.constant 24 : i32
    "tpu.region"() ({
      %run_scoped3A_2807 = tpu.sem_alloc : memref<!tpu.dma_semaphore, #tpu.memory_space<semaphore_mem>>
      %dma_start3A_2808 = arith.constant 3072 : i32
      %dma_start3A_2809 = arith.constant 0 : i32
      %dma_start3A_2810 = tpu.memref_slice %arg9[%dma_start3A_2808, %dma_start3A_2809] : memref<3200x16xf32, #tpu.memory_space<vmem>> -> memref<128x16xf32, #tpu.memory_space<vmem>>
      %dma_start3A_2811 = arith.constant 0 : i32
      %dma_start3A_2812 = tpu.memref_slice %arg8[%run_scoped3A_2789, %dma_start3A_2811] : memref<25x128xi32, #tpu.memory_space<vmem>> -> memref<1x128xi32, #tpu.memory_space<vmem>>
      %dma_start3A_2813 = tpu.memref_squeeze %dma_start3A_2812 : memref<1x128xi32, #tpu.memory_space<vmem>> -> memref<128xi32, #tpu.memory_space<vmem>>
      %dma_start3A_2814 = arith.constant 0 : i32
      %dma_start3A_2815 = arith.constant 0 : i32
      %dma_start3A_2816 = tpu.memref_slice %arg5[%dma_start3A_2814, %dma_start3A_2815] : memref<10112x16xf32, #tpu.memory_space<vmem_shared>> -> memref<10112x16xf32, #tpu.memory_space<vmem_shared>>
      tpu.enqueue_indirect_dma source(%dma_start3A_2810 : memref<128x16xf32, #tpu.memory_space<vmem>>) target(%dma_start3A_2816 : memref<10112x16xf32, #tpu.memory_space<vmem_shared>>) offsets(%dma_start3A_2813 : memref<128xi32, #tpu.memory_space<vmem>>) semaphore(%run_scoped3A_2807 : memref<!tpu.dma_semaphore, #tpu.memory_space<semaphore_mem>>) {add = true}
      %dma_wait3A_2817 = arith.constant 3072 : i32
      %dma_wait3A_2818 = arith.constant 0 : i32
      %dma_wait3A_2819 = tpu.memref_slice %arg9[%dma_wait3A_2817, %dma_wait3A_2818] : memref<3200x16xf32, #tpu.memory_space<vmem>> -> memref<128x16xf32, #tpu.memory_space<vmem>>
      %dma_wait3A_2820 = arith.constant 0 : i32
      %dma_wait3A_2821 = tpu.memref_slice %arg8[%run_scoped3A_2789, %dma_wait3A_2820] : memref<25x128xi32, #tpu.memory_space<vmem>> -> memref<1x128xi32, #tpu.memory_space<vmem>>
      %dma_wait3A_2822 = tpu.memref_squeeze %dma_wait3A_2821 : memref<1x128xi32, #tpu.memory_space<vmem>> -> memref<128xi32, #tpu.memory_space<vmem>>
      %dma_wait3A_2823 = arith.constant 0 : i32
      %dma_wait3A_2824 = arith.constant 0 : i32
      %dma_wait3A_2825 = tpu.memref_slice %arg5[%dma_wait3A_2823, %dma_wait3A_2824] : memref<10112x16xf32, #tpu.memory_space<vmem_shared>> -> memref<10112x16xf32, #tpu.memory_space<vmem_shared>>
      tpu.wait_indirect_dma semaphore(%run_scoped3A_2807 : memref<!tpu.dma_semaphore, #tpu.memory_space<semaphore_mem>>) src(%dma_wait3A_2819 : memref<128x16xf32, #tpu.memory_space<vmem>>) dst(%dma_wait3A_2825 : memref<10112x16xf32, #tpu.memory_space<vmem_shared>>)
      tpu.yield
    }) : () -> ()
    %barrier3A_2790 = arith.constant 0 : index
    tpu.barrier barrier_id(%barrier3A_2790)
    %mul3A_2791 = arith.constant 5120 : i32
    %mul3A_2792 = arith.muli %arg0, %mul3A_2791 : i32
    %mul3A_2793 = arith.constant 320 : i32
    %mul3A_2794 = arith.muli %arg1, %mul3A_2793 : i32
    %add3A_2795 = arith.addi %mul3A_2792, %mul3A_2794 : i32
    %add3A_2796 = arith.constant 320 : i32
    %add3A_2797 = arith.addi %add3A_2795, %add3A_2796 : i32
    %le3A = arith.constant 10000 : i32
    %le3A_2798 = arith.cmpi sle, %add3A_2797, %le3A : i32
    %convert_element_type3A_2799 = arith.extui %le3A_2798 : i1 to i32
    %cond3A_2800 = arith.constant 0 : i32
    %cond3A_2801 = arith.cmpi ne, %convert_element_type3A_2799, %cond3A_2800 : i32
    scf.if %cond3A_2801 {
      "tpu.region"() ({
        %run_scoped3A_2813 = tpu.sem_alloc : memref<!tpu.dma_semaphore, #tpu.memory_space<semaphore_mem>>
        %dma_start3A_2814 = arith.constant 0 : i32
        %dma_start3A_2815 = arith.constant 0 : i32
        %dma_start3A_2816 = tpu.memref_slice %arg9[%dma_start3A_2814, %dma_start3A_2815] : memref<3200x16xf32, #tpu.memory_space<vmem>> -> memref<320x16xf32, #tpu.memory_space<vmem>>
        %dma_start3A_2817 = arith.constant 0 : i32
        %dma_start3A_2818 = tpu.memref_slice %arg5[%add3A_2795, %dma_start3A_2817] : memref<10112x16xf32, #tpu.memory_space<vmem_shared>> -> memref<320x16xf32, #tpu.memory_space<vmem_shared>>
        %dma_start3A_2819 = arith.constant 0 : i32
        %dma_start3A_2820 = arith.constant 0 : i32
        %dma_start3A_2821 = tpu.memref_slice %arg9[%dma_start3A_2819, %dma_start3A_2820] : memref<3200x16xf32, #tpu.memory_space<vmem>> -> memref<320x16xf32, #tpu.memory_space<vmem>>
        %dma_start3A_2822 = arith.constant 0 : i32
        %dma_start3A_2823 = tpu.memref_slice %arg5[%add3A_2795, %dma_start3A_2822] : memref<10112x16xf32, #tpu.memory_space<vmem_shared>> -> memref<320x16xf32, #tpu.memory_space<vmem_shared>>
        tpu.enqueue_dma source(%dma_start3A_2823 : memref<320x16xf32, #tpu.memory_space<vmem_shared>>) target(%dma_start3A_2821 : memref<320x16xf32, #tpu.memory_space<vmem>>) target_semaphore(%run_scoped3A_2813 : memref<!tpu.dma_semaphore, #tpu.memory_space<semaphore_mem>>)
        %dma_wait3A_2824 = arith.constant 0 : i32
        %dma_wait3A_2825 = arith.constant 0 : i32
        %dma_wait3A_2826 = tpu.memref_slice %arg9[%dma_wait3A_2824, %dma_wait3A_2825] : memref<3200x16xf32, #tpu.memory_space<vmem>> -> memref<320x16xf32, #tpu.memory_space<vmem>>
        %dma_wait3A_2827 = arith.constant 0 : i32
        %dma_wait3A_2828 = tpu.memref_slice %arg5[%add3A_2795, %dma_wait3A_2827] : memref<10112x16xf32, #tpu.memory_space<vmem_shared>> -> memref<320x16xf32, #tpu.memory_space<vmem_shared>>
        %dma_wait3A_2829 = arith.constant 0 : i32
        %dma_wait3A_2830 = arith.constant 0 : i32
        %dma_wait3A_2831 = tpu.memref_slice %arg9[%dma_wait3A_2829, %dma_wait3A_2830] : memref<3200x16xf32, #tpu.memory_space<vmem>> -> memref<320x16xf32, #tpu.memory_space<vmem>>
        %dma_wait3A_2832 = arith.constant 0 : i32
        %dma_wait3A_2833 = tpu.memref_slice %arg5[%add3A_2795, %dma_wait3A_2832] : memref<10112x16xf32, #tpu.memory_space<vmem_shared>> -> memref<320x16xf32, #tpu.memory_space<vmem_shared>>
        tpu.wait_dma2 semaphore(%run_scoped3A_2813 : memref<!tpu.dma_semaphore, #tpu.memory_space<semaphore_mem>>) src(%dma_wait3A_2833 : memref<320x16xf32, #tpu.memory_space<vmem_shared>>) dst(%dma_wait3A_2831 : memref<320x16xf32, #tpu.memory_space<vmem>>)
        tpu.yield
      }) : () -> ()
      %scan3A_2807 = arith.constant 0 : i32
      %scan3A_2808 = arith.constant 0 : i32
      %scan3A_2809 = arith.constant 320 : i32
      %scan3A_2810 = arith.addi %scan3A_2808, %scan3A_2809 : i32
      %scan3A_2811 = arith.constant 1 : i32
      scf.for %scan3A_2813 = %scan3A_2808 to %scan3A_2810 step %scan3A_2811  : i32 {
        %get3A_2814 = arith.index_cast %scan3A_2813 : i32 to index
        %get3A_2815 = arith.constant 0 : index
        %get3A_2816 = tpu.vector_load %arg9[%get3A_2814, %get3A_2815] {strides = array<i32>} : memref<3200x16xf32, #tpu.memory_space<vmem>>, vector<1x16xf32>,
        %get3A_2817 = vector.shape_cast %get3A_2816 : vector<1x16xf32> to vector<16xf32>
        %max3A_2818 = arith.constant 0.000000e+00 : f32
        %max3A_2819 = vector.broadcast %max3A_2818 : f32 to vector<16xf32>
        %max3A_2820 = arith.maximumf %get3A_2817, %max3A_2819 : vector<16xf32>
        %swap3A_2821 = arith.index_cast %scan3A_2813 : i32 to index
        %swap3A_2822 = arith.constant 0 : index
        %swap3A_2823 = tpu.vector_load %arg9[%swap3A_2821, %swap3A_2822] {strides = array<i32>} : memref<3200x16xf32, #tpu.memory_space<vmem>>, vector<1x16xf32>,
        %swap3A_2824 = vector.shape_cast %swap3A_2823 : vector<1x16xf32> to vector<16xf32>
        %swap3A_2825 = vector.shape_cast %max3A_2820 : vector<16xf32> to vector<1x16xf32>
        tpu.vector_store %arg9[%swap3A_2821, %swap3A_2822], %swap3A_2825 {strides = array<i32>} : memref<3200x16xf32, #tpu.memory_space<vmem>>, vector<1x16xf32>,
      }
      %scan3A_2812 = arith.constant 320 : i32
      "tpu.region"() ({
        %run_scoped3A_2813 = tpu.sem_alloc : memref<!tpu.dma_semaphore, #tpu.memory_space<semaphore_mem>>
        %dma_start3A_2814 = arith.constant 0 : i32
        %dma_start3A_2815 = arith.constant 0 : i32
        %dma_start3A_2816 = tpu.memref_slice %arg9[%dma_start3A_2814, %dma_start3A_2815] : memref<3200x16xf32, #tpu.memory_space<vmem>> -> memref<320x16xf32, #tpu.memory_space<vmem>>
        %dma_start3A_2817 = arith.constant 0 : i32
        %dma_start3A_2818 = tpu.memref_slice %arg4[%add3A_2795, %dma_start3A_2817] : memref<10000x16xf32, #tpu.memory_space<hbm>> -> memref<320x16xf32, #tpu.memory_space<hbm>>
        %dma_start3A_2819 = arith.constant 0 : i32
        %dma_start3A_2820 = tpu.memref_slice %arg4[%add3A_2795, %dma_start3A_2819] : memref<10000x16xf32, #tpu.memory_space<hbm>> -> memref<320x16xf32, #tpu.memory_space<hbm>>
        %dma_start3A_2821 = arith.constant 0 : i32
        %dma_start3A_2822 = arith.constant 0 : i32
        %dma_start3A_2823 = tpu.memref_slice %arg9[%dma_start3A_2821, %dma_start3A_2822] : memref<3200x16xf32, #tpu.memory_space<vmem>> -> memref<320x16xf32, #tpu.memory_space<vmem>>
        tpu.enqueue_dma source(%dma_start3A_2823 : memref<320x16xf32, #tpu.memory_space<vmem>>) target(%dma_start3A_2820 : memref<320x16xf32, #tpu.memory_space<hbm>>) target_semaphore(%run_scoped3A_2813 : memref<!tpu.dma_semaphore, #tpu.memory_space<semaphore_mem>>)
        %dma_wait3A_2824 = arith.constant 0 : i32
        %dma_wait3A_2825 = arith.constant 0 : i32
        %dma_wait3A_2826 = tpu.memref_slice %arg9[%dma_wait3A_2824, %dma_wait3A_2825] : memref<3200x16xf32, #tpu.memory_space<vmem>> -> memref<320x16xf32, #tpu.memory_space<vmem>>
        %dma_wait3A_2827 = arith.constant 0 : i32
        %dma_wait3A_2828 = tpu.memref_slice %arg4[%add3A_2795, %dma_wait3A_2827] : memref<10000x16xf32, #tpu.memory_space<hbm>> -> memref<320x16xf32, #tpu.memory_space<hbm>>
        %dma_wait3A_2829 = arith.constant 0 : i32
        %dma_wait3A_2830 = tpu.memref_slice %arg4[%add3A_2795, %dma_wait3A_2829] : memref<10000x16xf32, #tpu.memory_space<hbm>> -> memref<320x16xf32, #tpu.memory_space<hbm>>
        %dma_wait3A_2831 = arith.constant 0 : i32
        %dma_wait3A_2832 = arith.constant 0 : i32
        %dma_wait3A_2833 = tpu.memref_slice %arg9[%dma_wait3A_2831, %dma_wait3A_2832] : memref<3200x16xf32, #tpu.memory_space<vmem>> -> memref<320x16xf32, #tpu.memory_space<vmem>>
        tpu.wait_dma2 semaphore(%run_scoped3A_2813 : memref<!tpu.dma_semaphore, #tpu.memory_space<semaphore_mem>>) src(%dma_wait3A_2833 : memref<320x16xf32, #tpu.memory_space<vmem>>) dst(%dma_wait3A_2830 : memref<320x16xf32, #tpu.memory_space<hbm>>)
        tpu.yield
      }) : () -> ()
    } else {
    }
    %eq3A_2802 = arith.constant 9920 : i32
    %eq3A_2803 = arith.cmpi eq, %add3A_2795, %eq3A_2802 : i32
    %convert_element_type3A_2804 = arith.extui %eq3A_2803 : i1 to i32
    %cond3A_2805 = arith.constant 0 : i32
    %cond3A_2806 = arith.cmpi ne, %convert_element_type3A_2804, %cond3A_2805 : i32
    scf.if %cond3A_2806 {
      "tpu.region"() ({
        %run_scoped3A_2813 = tpu.sem_alloc : memref<!tpu.dma_semaphore, #tpu.memory_space<semaphore_mem>>
        %dma_start3A_2814 = arith.constant 0 : i32
        %dma_start3A_2815 = arith.constant 0 : i32
        %dma_start3A_2816 = tpu.memref_slice %arg9[%dma_start3A_2814, %dma_start3A_2815] : memref<3200x16xf32, #tpu.memory_space<vmem>> -> memref<80x16xf32, #tpu.memory_space<vmem>>
        %dma_start3A_2817 = arith.constant 0 : i32
        %dma_start3A_2818 = tpu.memref_slice %arg5[%add3A_2795, %dma_start3A_2817] : memref<10112x16xf32, #tpu.memory_space<vmem_shared>> -> memref<80x16xf32, #tpu.memory_space<vmem_shared>>
        %dma_start3A_2819 = arith.constant 0 : i32
        %dma_start3A_2820 = arith.constant 0 : i32
        %dma_start3A_2821 = tpu.memref_slice %arg9[%dma_start3A_2819, %dma_start3A_2820] : memref<3200x16xf32, #tpu.memory_space<vmem>> -> memref<80x16xf32, #tpu.memory_space<vmem>>
        %dma_start3A_2822 = arith.constant 0 : i32
        %dma_start3A_2823 = tpu.memref_slice %arg5[%add3A_2795, %dma_start3A_2822] : memref<10112x16xf32, #tpu.memory_space<vmem_shared>> -> memref<80x16xf32, #tpu.memory_space<vmem_shared>>
        tpu.enqueue_dma source(%dma_start3A_2823 : memref<80x16xf32, #tpu.memory_space<vmem_shared>>) target(%dma_start3A_2821 : memref<80x16xf32, #tpu.memory_space<vmem>>) target_semaphore(%run_scoped3A_2813 : memref<!tpu.dma_semaphore, #tpu.memory_space<semaphore_mem>>)
        %dma_wait3A_2824 = arith.constant 0 : i32
        %dma_wait3A_2825 = arith.constant 0 : i32
        %dma_wait3A_2826 = tpu.memref_slice %arg9[%dma_wait3A_2824, %dma_wait3A_2825] : memref<3200x16xf32, #tpu.memory_space<vmem>> -> memref<80x16xf32, #tpu.memory_space<vmem>>
        %dma_wait3A_2827 = arith.constant 0 : i32
        %dma_wait3A_2828 = tpu.memref_slice %arg5[%add3A_2795, %dma_wait3A_2827] : memref<10112x16xf32, #tpu.memory_space<vmem_shared>> -> memref<80x16xf32, #tpu.memory_space<vmem_shared>>
        %dma_wait3A_2829 = arith.constant 0 : i32
        %dma_wait3A_2830 = arith.constant 0 : i32
        %dma_wait3A_2831 = tpu.memref_slice %arg9[%dma_wait3A_2829, %dma_wait3A_2830] : memref<3200x16xf32, #tpu.memory_space<vmem>> -> memref<80x16xf32, #tpu.memory_space<vmem>>
        %dma_wait3A_2832 = arith.constant 0 : i32
        %dma_wait3A_2833 = tpu.memref_slice %arg5[%add3A_2795, %dma_wait3A_2832] : memref<10112x16xf32, #tpu.memory_space<vmem_shared>> -> memref<80x16xf32, #tpu.memory_space<vmem_shared>>
        tpu.wait_dma2 semaphore(%run_scoped3A_2813 : memref<!tpu.dma_semaphore, #tpu.memory_space<semaphore_mem>>) src(%dma_wait3A_2833 : memref<80x16xf32, #tpu.memory_space<vmem_shared>>) dst(%dma_wait3A_2831 : memref<80x16xf32, #tpu.memory_space<vmem>>)
        tpu.yield
      }) : () -> ()
      %scan3A_2807 = arith.constant 0 : i32
      %scan3A_2808 = arith.constant 0 : i32
      %scan3A_2809 = arith.constant 80 : i32
      %scan3A_2810 = arith.addi %scan3A_2808, %scan3A_2809 : i32
      %scan3A_2811 = arith.constant 1 : i32
      scf.for %scan3A_2813 = %scan3A_2808 to %scan3A_2810 step %scan3A_2811  : i32 {
        %get3A_2814 = arith.index_cast %scan3A_2813 : i32 to index
        %get3A_2815 = arith.constant 0 : index
        %get3A_2816 = tpu.vector_load %arg9[%get3A_2814, %get3A_2815] {strides = array<i32>} : memref<3200x16xf32, #tpu.memory_space<vmem>>, vector<1x16xf32>,
        %get3A_2817 = vector.shape_cast %get3A_2816 : vector<1x16xf32> to vector<16xf32>
        %max3A_2818 = arith.constant 0.000000e+00 : f32
        %max3A_2819 = vector.broadcast %max3A_2818 : f32 to vector<16xf32>
        %max3A_2820 = arith.maximumf %get3A_2817, %max3A_2819 : vector<16xf32>
        %swap3A_2821 = arith.index_cast %scan3A_2813 : i32 to index
        %swap3A_2822 = arith.constant 0 : index
        %swap3A_2823 = tpu.vector_load %arg9[%swap3A_2821, %swap3A_2822] {strides = array<i32>} : memref<3200x16xf32, #tpu.memory_space<vmem>>, vector<1x16xf32>,
        %swap3A_2824 = vector.shape_cast %swap3A_2823 : vector<1x16xf32> to vector<16xf32>
        %swap3A_2825 = vector.shape_cast %max3A_2820 : vector<16xf32> to vector<1x16xf32>
        tpu.vector_store %arg9[%swap3A_2821, %swap3A_2822], %swap3A_2825 {strides = array<i32>} : memref<3200x16xf32, #tpu.memory_space<vmem>>, vector<1x16xf32>,
      }
      %scan3A_2812 = arith.constant 80 : i32
      "tpu.region"() ({
        %run_scoped3A_2813 = tpu.sem_alloc : memref<!tpu.dma_semaphore, #tpu.memory_space<semaphore_mem>>
        %dma_start3A_2814 = arith.constant 0 : i32
        %dma_start3A_2815 = arith.constant 0 : i32
        %dma_start3A_2816 = tpu.memref_slice %arg9[%dma_start3A_2814, %dma_start3A_2815] : memref<3200x16xf32, #tpu.memory_space<vmem>> -> memref<80x16xf32, #tpu.memory_space<vmem>>
        %dma_start3A_2817 = arith.constant 0 : i32
        %dma_start3A_2818 = tpu.memref_slice %arg4[%add3A_2795, %dma_start3A_2817] : memref<10000x16xf32, #tpu.memory_space<hbm>> -> memref<80x16xf32, #tpu.memory_space<hbm>>
        %dma_start3A_2819 = arith.constant 0 : i32
        %dma_start3A_2820 = tpu.memref_slice %arg4[%add3A_2795, %dma_start3A_2819] : memref<10000x16xf32, #tpu.memory_space<hbm>> -> memref<80x16xf32, #tpu.memory_space<hbm>>
        %dma_start3A_2821 = arith.constant 0 : i32
        %dma_start3A_2822 = arith.constant 0 : i32
        %dma_start3A_2823 = tpu.memref_slice %arg9[%dma_start3A_2821, %dma_start3A_2822] : memref<3200x16xf32, #tpu.memory_space<vmem>> -> memref<80x16xf32, #tpu.memory_space<vmem>>
        tpu.enqueue_dma source(%dma_start3A_2823 : memref<80x16xf32, #tpu.memory_space<vmem>>) target(%dma_start3A_2820 : memref<80x16xf32, #tpu.memory_space<hbm>>) target_semaphore(%run_scoped3A_2813 : memref<!tpu.dma_semaphore, #tpu.memory_space<semaphore_mem>>)
        %dma_wait3A_2824 = arith.constant 0 : i32
        %dma_wait3A_2825 = arith.constant 0 : i32
        %dma_wait3A_2826 = tpu.memref_slice %arg9[%dma_wait3A_2824, %dma_wait3A_2825] : memref<3200x16xf32, #tpu.memory_space<vmem>> -> memref<80x16xf32, #tpu.memory_space<vmem>>
        %dma_wait3A_2827 = arith.constant 0 : i32
        %dma_wait3A_2828 = tpu.memref_slice %arg4[%add3A_2795, %dma_wait3A_2827] : memref<10000x16xf32, #tpu.memory_space<hbm>> -> memref<80x16xf32, #tpu.memory_space<hbm>>
        %dma_wait3A_2829 = arith.constant 0 : i32
        %dma_wait3A_2830 = tpu.memref_slice %arg4[%add3A_2795, %dma_wait3A_2829] : memref<10000x16xf32, #tpu.memory_space<hbm>> -> memref<80x16xf32, #tpu.memory_space<hbm>>
        %dma_wait3A_2831 = arith.constant 0 : i32
        %dma_wait3A_2832 = arith.constant 0 : i32
        %dma_wait3A_2833 = tpu.memref_slice %arg9[%dma_wait3A_2831, %dma_wait3A_2832] : memref<3200x16xf32, #tpu.memory_space<vmem>> -> memref<80x16xf32, #tpu.memory_space<vmem>>
        tpu.wait_dma2 semaphore(%run_scoped3A_2813 : memref<!tpu.dma_semaphore, #tpu.memory_space<semaphore_mem>>) src(%dma_wait3A_2833 : memref<80x16xf32, #tpu.memory_space<vmem>>) dst(%dma_wait3A_2830 : memref<80x16xf32, #tpu.memory_space<hbm>>)
        tpu.yield
      }) : () -> ()
    } else {
    }
    return
  }
}

module attributes {stable_mosaic.version = 14 : i64} {
  func.func @body(%arg0: i32, %arg1: memref<1000x1433xf32, #tpu.memory_space<vmem>>, %arg2: memref<16x1433xf32, #tpu.memory_space<vmem>>, %arg3: memref<1000x16xf32, #tpu.memory_space<vmem>>) attributes {dimension_semantics = [#tpu.dimension_semantics<arbitrary>], iteration_bounds = array<i64: 10>, scalar_prefetch = 0 : i64, scratch_operands = 0 : i64, tpu.core_type = #tpu.core_type<tc>, window_params = [{transform_indices = @transform_0, window_bounds = array<i64: 1000, 1433>}, {pipeline_mode = #tpu.pipeline_mode<synchronous>, transform_indices = @transform_1, window_bounds = array<i64: 16, 1433>}, {transform_indices = @transform_2, window_bounds = array<i64: 1000, 16>}]} {
    %get3A = arith.constant 0 : index
    %get3A_0 = arith.constant 0 : index
    %get3A_1 = vector.load %arg1[%get3A, %get3A_0] : memref<1000x1433xf32, #tpu.memory_space<vmem>>, vector<1000x1433xf32>
    %get3A_2 = arith.constant 0 : index
    %get3A_3 = arith.constant 0 : index
    %get3A_4 = vector.load %arg2[%get3A_2, %get3A_3] : memref<16x1433xf32, #tpu.memory_space<vmem>>, vector<16x1433xf32>
    %dot_general3A = arith.constant dense<0.000000e+00> : vector<1000x16xf32>
    %dot_general3A_5 = tpu.matmul %get3A_1, %get3A_4, %dot_general3A {dimension_numbers = #tpu.dot_dimension_numbers<[1], [1], [0], [0], [0, 0, 1, 0], [], []>, transpose_lhs_hint = false} : vector<1000x1433xf32>, vector<16x1433xf32>, vector<1000x16xf32> -> vector<1000x16xf32>
    %swap3A = arith.constant 0 : index
    %swap3A_6 = arith.constant 0 : index
    %swap3A_7 = vector.load %arg3[%swap3A, %swap3A_6] : memref<1000x16xf32, #tpu.memory_space<vmem>>, vector<1000x16xf32>
    tpu.vector_store %arg3[%swap3A, %swap3A_6], %dot_general3A_5 {strides = array<i32>} : memref<1000x16xf32, #tpu.memory_space<vmem>>, vector<1000x16xf32>,
    return
  }
  func.func @transform_0(%arg0: i32) -> (i32, i32) {
    %c0_i32 = arith.constant 0 : i32
    %c0_i32_0 = arith.constant 0 : i32
    return %arg0, %c0_i32 : i32, i32
  }
  func.func @transform_1(%arg0: i32) -> (i32, i32) {
    %c0_i32 = arith.constant 0 : i32
    %c0_i32_0 = arith.constant 0 : i32
    %c0_i32_1 = arith.constant 0 : i32
    return %c0_i32, %c0_i32_0 : i32, i32
  }
  func.func @transform_2(%arg0: i32) -> (i32, i32) {
    %c0_i32 = arith.constant 0 : i32
    %c0_i32_0 = arith.constant 0 : i32
    return %arg0, %c0_i32 : i32, i32
  }
}

</mosaic_0001>

<sc_bundles>
// kernel: kernel.4.cloned.1.call-start
scs
__scs_entry_jumppad:
0x0: {  	(pc) =	sbr.rel $0x88, $3  }
0x1: {  	(tag) =	ssettag $0x0;
	lr =	simm.s32 $0x1  }
0x2: {  	[smem:$0x3F9E] =	sst lr;
	_ =	strace $0xD0000000  }
0x3: {  	_ = 	snop  }
0x4: {  	_ = 	snop  }
0x5: {  	_ = 	snop  }
0x6: {  	_ = 	snop  }
0x7: {  	_ = 	snop  }
__scs_overlays_trampoline_lowered:
0x8: {  	[smem:$0x3FAD] =	sst s0  }
0x9: {  	[smem:$0x3FAE] =	sst s1  }
0xa: {  	[smem:$0x3FAF] =	sst s2  }
0xb: {  	[smem:$0x3FB0] =	sst s3  }
0xc: {  	[smem:$0x3FB1] =	sst s4  }
0xd: {  	[smem:$0x3FB2] =	sst s5  }
0xe: {  	[smem:$0x3FB3] =	sst s6  }
0xf: {  	[smem:$0x3FB4] =	sst s7  }
0x10: {  	[smem:$0x3FB5] =	sst s8  }
0x11: {  	[smem:$0x3FB6] =	sst s9;
	s0 =	simm.s32 @!p0 $0x0  }
0x12: {  	s1 =	sld [smem:$0x3F9C];
	s0 =	simm.s32 @p0 $0x1  }
0x13: {  	[smem:$0x3FB7] =	sst s0;
	s0 =	simm.s32 @!p1 $0x0  }
0x14: {  	s2 =	sld [smem:$0x3F9B];
	s0 =	simm.s32 @p1 $0x1  }
0x15: {  	[smem:$0x3FB8] =	sst s0;
	s0 =	simm.s32 @!p2 $0x0  }
0x16: {  	s3 =	sld [smem:$0x3FDB];
	s0 =	simm.s32 @p2 $0x1  }
0x17: {  	s4 =	simm.s32 $0x1BF5;
	[smem:$0x3FBA] =	sst s0  }
0x18: {  	s0 =	sld [smem:$0x3F9D];
	_ =	swait.ge [sflag:s4], $0x0  }
0x19: {  	s7 =	sld [smem:$0x3F9E]  }
0x1a: {  	s8 =	sadd.s32 $0xFFFFE003, lr  }
0x1b: {  	s9 =	sadd.s32 $0xFFFFFEF7, lr;
	s5 =	simm.s32 $0xFFFFFFFF;
	p2 =	slt.u32 s8, $0xFFFFF086  }
0x1c: {  	p1 =	slt.u32 s9, $0xF7A;
	s5 =	simm.s32 @!p2 $0x0  }
0x1d: {  	s5 =	simm.s32 @p1 $0x1;
	p0 =	seq.s32 s7, s2  }
0x1e: {  	s7 =	smul.u32 @!p0 $0xF7A, s2;
	p2 =	seq.s32 @!p0 s5, $0x0  }
0x1f: {  	s9 =	smul.u32 $0xF7A, s1;
	s8 =	simm.s32 @!p0 $0x1BF5;
	p2 =	por !p2, p0  }
0x20: {  	[sflag:s8] =	ssyncset.s32 @!p0 $0xFFFFF086;
	s6 =	sadd.s32 @!p0 s3, s7;
	s7 =	simm.s32 @!p0 $0x108  }
0x21: {  	s3 =	sadd.s32 s3, s9;
	s6 =	sadd.s32 @!p0 $0x88, s6;
	s7 =	simm.s32 @p2 $0x1082  }
0x22: {  	[simem:s7], [sflag:s8] =	dma.local @!p0 [hbm:s6], $0xF7A  }
0x23: {  	s9 =	sor.u32 $0xD0000000, s2;
	s6 =	simm.s32 $0x108;
	_ =	swait.ge @!p0 [sflag:s8], $0x0  }
0x24: {  	s3 =	sadd.s32 $0x88, s3;
	s6 =	simm.s32 @!p1 $0x1082;
	[sflag:s4] =	ssyncset.s32 $0xFFFFF086  }
0x25: {  	[simem:s6], [sflag:s4] =	dma.local [hbm:s3], $0xF7A  }
0x26: {  	[smem:$0x3F9E] =	sst s1;
	(tag) =	ssettag s2;
	_ =	strace s9  }
0x27: {  	s1 =	sld [smem:$0x3FAE]  }
0x28: {  	s2 =	sld [smem:$0x3FAF]  }
0x29: {  	s4 =	sld [smem:$0x3FB1]  }
0x2a: {  	p0 =	seq.s32 s5, $0x0;
	s5 =	sld [smem:$0x3FB2]  }
0x2b: {  	s6 =	sld [smem:$0x3FB3]  }
0x2c: {  	s7 =	sld [smem:$0x3FB4]  }
0x2d: {  	s3 =	simm.s32 $0x108;
	s8 =	sld [smem:$0x3FB5]  }
0x2e: {  	s3 =	simm.s32 @!p0 $0x1082;
	s9 =	sld [smem:$0x3FB6]  }
0x2f: {  	lr =	sadd.s32 s0, s3;
	s0 =	sld [smem:$0x3FAD]  }
0x30: {  	s3 =	sld [smem:$0x3FB0]  }
0x31: {  	[smem:$0x3FB9] =	sst s10  }
0x32: {  	s10 =	sld [smem:$0x3FB7];
	_ =	sdelay $0x3  }
0x33: {  	p0 =	seq.s32 s10, $0x1;
	s10 =	sld [smem:$0x3FB9];
	_ =	sdelay $0x3  }
0x34: {  	[smem:$0x3FB9] =	sst s10  }
0x35: {  	s10 =	sld [smem:$0x3FB8];
	_ =	sdelay $0x3  }
0x36: {  	p1 =	seq.s32 s10, $0x1;
	s10 =	sld [smem:$0x3FB9];
	_ =	sdelay $0x3  }
0x37: {  	[smem:$0x3FB9] =	sst s10  }
0x38: {  	s10 =	sld [smem:$0x3FBA]  }
0x39: {  	_ = 	snop;
	(pc) =	sbr.ind lr, $3  }
0x3a: {  	_ = 	snop  }
0x3b: {  	_ = 	snop  }
0x3c: {  	p2 =	seq.s32 s10, $0x1;
	s10 =	sld [smem:$0x3FB9]  }
0x3d: {  	_ =	shalt  }
0x3e: {  	_ =	shalt  }
0x3f: {  	_ =	shalt  }
0x40: {  	_ =	shalt  }
0x41: {  	_ =	shalt  }
0x42: {  	_ =	shalt  }
0x43: {  	_ =	shalt  }
0x44: {  	_ =	shalt  }
0x45: {  	_ =	shalt  }
0x46: {  	_ =	shalt  }
0x47: {  	_ =	shalt  }
0x48: {  	_ =	shalt  }
0x49: {  	_ =	shalt  }
0x4a: {  	_ =	shalt  }
0x4b: {  	_ =	shalt  }
0x4c: {  	_ =	shalt  }
0x4d: {  	_ =	shalt  }
0x4e: {  	_ =	shalt  }
0x4f: {  	_ =	shalt  }
0x50: {  	_ =	shalt  }
0x51: {  	_ =	shalt  }
0x52: {  	_ =	shalt  }
0x53: {  	_ =	shalt  }
0x54: {  	_ =	shalt  }
0x55: {  	_ =	shalt  }
0x56: {  	_ =	shalt  }
0x57: {  	_ =	shalt  }
0x58: {  	_ =	shalt  }
0x59: {  	_ =	shalt  }
0x5a: {  	_ =	shalt  }
0x5b: {  	_ =	shalt  }
0x5c: {  	_ =	shalt  }
0x5d: {  	_ =	shalt  }
0x5e: {  	_ =	shalt  }
0x5f: {  	_ =	shalt  }
0x60: {  	_ =	shalt  }
0x61: {  	_ =	shalt  }
0x62: {  	_ =	shalt  }
0x63: {  	_ =	shalt  }
0x64: {  	_ =	shalt  }
0x65: {  	_ =	shalt  }
0x66: {  	_ =	shalt  }
0x67: {  	_ =	shalt  }
0x68: {  	_ =	shalt  }
0x69: {  	_ =	shalt  }
0x6a: {  	_ =	shalt  }
0x6b: {  	_ =	shalt  }
0x6c: {  	_ =	shalt  }
0x6d: {  	_ =	shalt  }
0x6e: {  	_ =	shalt  }
0x6f: {  	_ =	shalt  }
0x70: {  	_ =	shalt  }
0x71: {  	_ =	shalt  }
0x72: {  	_ =	shalt  }
0x73: {  	_ =	shalt  }
0x74: {  	_ =	shalt  }
0x75: {  	_ =	shalt  }
0x76: {  	_ =	shalt  }
0x77: {  	_ =	shalt  }
0x78: {  	_ =	shalt  }
0x79: {  	_ =	shalt  }
0x7a: {  	_ =	shalt  }
0x7b: {  	_ =	shalt  }
0x7c: {  	_ =	shalt  }
0x7d: {  	_ =	shalt  }
0x7e: {  	_ =	shalt  }
0x7f: {  	_ =	shalt  }
0x80: {  	_ =	shalt  }
0x81: {  	_ =	shalt  }
0x82: {  	_ =	shalt  }
0x83: {  	_ =	shalt  }
0x84: {  	_ =	shalt  }
0x85: {  	_ =	shalt  }
0x86: {  	_ =	shalt  }
0x87: {  	_ =	shalt  }
.Lfunc_end0:
.L_simem_size_0:
called_computation_lowered:
.L_overlay_start_0:
0x88: {  	s2 =	sld [smem:$0x3FD9]  }
0x89: {  	s3 =	sld [smem:$0x3FFE];
	_ =	sdelay $0x1  }
0x8a: {  	s1 =	srdreg.scid  }
0x8b: {  	s0 =	sand.u32 $0x1, s1  }
0x8c: {  	s17 =	sshll.u32 s0, $0xA;
	s2 =	sadd.s32 s3, s2  }
0x8d: {  	s2 =	sadd.s32 s2, s17  }
0x8e: {  	[smem:$0x3FC5] =	sst s2  }
0x8f: {  	_ = 	snop  }
0x90: {  	s2 =	sld [smem:$0x3FD0];
	(tm) =	ssettm $0x1  }
0x91: {  	s18 =	sld [smem:$0x3FFB];
	_ =	sdelay $0x3  }
0x92: {  	_ =	strace s18  }
0x93: {  	s3 =	sld [smem:$0x3FFC];
	_ =	sdelay $0x3  }
0x94: {  	_ =	strace s3  }
0x95: {  	s3 =	sld [smem:$0x3FFD];
	_ =	sdelay $0x3  }
0x96: {  	_ =	strace s3  }
0x97: {  	_ =	strace $0x8FFFFFFF  }
0x98: {  	s19 =	sld [smem:$0x3FDB];
	_ =	sdelay $0x1  }
0x99: {  	s4 =	simm.s32 $_scs_section_size  }
0x9a: {  	s5 =	simm.s32 $_size__tile_overlayer_lowered;
	s6 =	simm.s32 $_tile_overlayer_lowered  }
0x9b: {  	s22 =	simm.s32 $0x1BFF;
	s21 =	sshll.u32 s6, $0x1;
	s3 =	sadd.s32 s4, s19  }
0x9c: {  	s7 =	simm.s32 $0x0;
	s20 =	sshll.u32 s5, $0x1;
	s5 =	sadd.s32 s21, s3  }
0x9d: {  	[timem:s7], [sflag:s22] =	dma.local [hbm:s5], s20  }
0x9e: {  	_ =	swait.ge [sflag:s22], s20  }
0x9f: {  	s4 =	ssub.s32 $0x0, s20;
	[sflag:s22] =	ssyncset.done $0x0  }
0xa0: {  	[sflag:s22] =	ssyncadd.s32 s4;
	_ =	sdelay $0x1  }
0xa1: {  	s23 =	simm.s32 $0x1B8B  }
0xa2: {  	_ =	swait.ge [sflag:s23], $0x1  }
0xa3: {  	[sflag:s23] =	ssyncset.done $0x0  }
0xa4: {  	s25 =	simm.s32 $0x1B8E;
	s24 =	sld [smem:$0x3FFE];
	[sflag:s23] =	ssyncadd.s32 $0xFFFFFFFF  }
0xa5: {  	s26 =	simm.s32 $execute0_lowered;
	[smem:$0x3FD2] =	sst s25  }
0xa6: {  	s5 =	sshll.u32 s26, $0x1;
	_ =	strace $0x80000046;
	[dreg:$0x1] =	wrdreg $0xFFFFFFFF  }
0xa7: {  	s28 =	simm.s32 $_size_execute0_lowered;
	s3 =	sadd.s32 s3, s5;
	[dreg:$0x0] =	wrdreg $0x0  }
0xa8: {  	s5 =	sshll.u32 s28, $0x1;
	[dreg:$0x2] =	wrdreg s3  }
0xa9: {  	[dreg:$0x3] =	wrdreg s5  }
0xaa: {  	[dreg:$0x4] =	wrdreg $0xC0  }
0xab: {  	_ =	task [dreg:s7], $0x5FFFF  }
0xac: {  	[dreg:$0x1] =	wrdreg $0xFFFFFFFF  }
0xad: {  	[dreg:$0x0] =	wrdreg $0x60  }
0xae: {  	[dreg:$0x2] =	wrdreg s2  }
0xaf: {  	[dreg:$0x3] =	wrdreg s24  }
0xb0: {  	[dreg:$0x4] =	wrdreg $0x27800  }
0xb1: {  	[dreg:$0x5] =	wrdreg $0x0  }
0xb2: {  	[dreg:$0x6] =	wrdreg $0x9  }
0xb3: {  	_ =	task.clear_ibuf [dreg:s7], $0x7FFFF;
	_ =	strace $0x90000046  }
0xb4: {  	s29 =	simm.s32 $0x9;
	_ =	strace $0x80000048  }
0xb5: {  	_ =	swait.ge [sflag:s29], $0x1  }
0xb6: {  	[sflag:s29] =	ssyncadd.s32 $0xFFFFFFFF  }
0xb7: {  	_ =	strace $0x90000048  }
0xb8: {  	_ =	sfence  }
0xb9: {  	s30 =	sld [smem:$0x0];
	_ =	sdelay $0x2  }
0xba: {  	s31 =	sshll.u32 s1, $0xD;
	s1 =	sshrl.u32 s1, $0x2  }
0xbb: {  	s3 =	sand.u32 $0x4000, s31;
	s1 =	sadd.s32 s1, s30  }
0xbc: {  	s0 =	sor.u32 s3, s0;
	s1 =	sshll.u32 s1, $0x11  }
0xbd: {  	s0 =	sor.u32 s1, s0  }
0xbe: {  	s0 =	sadd.s32 $0x8F2B, s0  }
0xbf: {  	[sflag:s0] =	ssyncadd.remote.s32 $0x1  }
0xc0: {  	_ =	sfence.sel $0xFFFF  }
0xc1: {  	[dreg:$0x0] =	wrdreg $0xFFFFFFFF;
	(pc) =	sbr.abs _section_cstart, $3  }
0xc2: {  	[dreg:$0x1] =	wrdreg $0xFFFFFFFF  }
0xc3: {  	_ =	task.clear_ibuf [dreg:s7], $0x2FFFF;
	_ =	strace $0x9FFFFFFF  }
0xc4: {  	(tm) =	ssettm $0x7FFFFFFF  }
0xc5: {  	_ =	shalt  }
tec
execute0_lowered:
.L_overlay_start_1:
0x0: {  	(tag) =	ssettag $0x1  }
0x1: {  	s0 =	rddreg [dreg:$0x0]  }
0x2: {  	s3 =	rddreg [dreg:$0x1]  }
0x3: {  	s1 =	rddreg [dreg:$0x2]  }
0x4: {  	s4 =	srdreg.scid;
	s14 =	stileid.u32  }
0x5: {  	s2 =	rddreg [dreg:$0x3];
	s5 =	sand.u32 $0x1, s4;
	s7 =	smul.u32 $0x140, s14  }
0x6: {  	s4 =	simm.s32 $0x0;
	s23 =	smul.u32 $0x2780, s14;
	s8 =	sadd.s32 $0x800, s3  }
0x7: {  	s26 =	sshll.u32 s14, $0x7;
	s12 =	sshll.u32 s14, $0x4;
	[smem:$0x7FF] =	sst s4  }
0x8: {  	s13 =	sshrl.u32 s26, $0x3;
	s15 =	sadd.s32 s8, s12;
	_ =	strace $0x80000047  }
0x9: {  	s12 =	sadd.s32 s8, s13;
	s13 =	sadd.s32 $0x100, s15;
	[dreg:$0x7] =	wrdreg s15  }
0xa: {  	p0 =	sgt.u32 s14, $0x5;
	s16 =	sadd.s32 $0x196A, s15;
	[dreg:$0x9] =	wrdreg s13  }
0xb: {  	s20 =	smul.u32 $0x9E00, s14;
	s17 =	sadd.s32 $0x200, s15;
	[dreg:$0xa] =	wrdreg s16  }
0xc: {  	p2 =	seq.s32 s14, $0xF;
	s18 =	sadd.s32 $0x300, s15;
	[dreg:$0xb] =	wrdreg s17  }
0xd: {  	s6 =	smul.u32 $0x1400, s5;
	s19 =	sadd.s32 $0x1B6A, s15;
	[dreg:$0xd] =	wrdreg s18  }
0xe: {  	s24 =	sshrl.u32 s23, $0x3;
	s21 =	sadd.s32 $0x400, s15;
	[dreg:$0xe] =	wrdreg s19  }
0xf: {  	s11 =	sadd.s32 s23, s1;
	s23 =	sadd.s32 $0x1C6A, s15;
	[dreg:$0xf] =	wrdreg s21  }
0x10: {  	s5 =	ssub.s32 $0x2, s5;
	s14 =	sadd.s32 $0x206A, s15;
	[dreg:$0x11] =	wrdreg s23  }
0x11: {  	s10 =	sshrl.u32 s5, $0x1;
	s25 =	sadd.s32 s0, s24;
	[smem:$0x7DD] =	sst s14  }
0x12: {  	s5 =	ssub.s32 s5, s10;
	s0 =	sadd.s32 $0x4A10, s0;
	[dreg:$0x5] =	wrdreg s25  }
0x13: {  	s10 =	sadd.s32 $0x25080, s1;
	s1 =	sadd.s32 $0x8780, s3;
	[dreg:$0x6] =	wrdreg s0  }
0x14: {  	s13 =	sadd.s32 $0x800, s15;
	[dreg:$0x15] =	wrdreg s1  }
0x15: {  	s16 =	sadd.s32 $0x900, s15;
	[dreg:$0x1f] =	wrdreg s13  }
0x16: {  	s17 =	sadd.s32 $0x216A, s15;
	[smem:$0x7DE] =	sst s16  }
0x17: {  	s18 =	sadd.s32 $0xA00, s15;
	[smem:$0x7DF] =	sst s17  }
0x18: {  	s19 =	sadd.s32 $0x226A, s15;
	[smem:$0x7E0] =	sst s18  }
0x19: {  	s24 =	sshrl.u32 s20, $0x2;
	s20 =	sadd.s32 $0xB00, s15;
	[smem:$0x7E1] =	sst s19  }
0x1a: {  	s21 =	sadd.s32 $0x236A, s15;
	[smem:$0x7E2] =	sst s20  }
0x1b: {  	s23 =	sadd.s32 $0x246A, s15;
	[smem:$0x7E3] =	sst s21  }
0x1c: {  	s14 =	sadd.s32 $0x1300, s15;
	[smem:$0x7E5] =	sst s23  }
0x1d: {  	s0 =	sadd.s32 $0x186A, s12;
	[smem:$0x7F2] =	sst s14  }
0x1e: {  	s12 =	sadd.s32 $0x1A6A, s15;
	[dreg:$0x8] =	wrdreg s0  }
0x1f: {  	s6 =	sadd.s32 s7, s6;
	s7 =	sadd.s32 s24, s2;
	[dreg:$0xc] =	wrdreg s12  }
0x20: {  	s24 =	sadd.s32 $0xD00, s15;
	[dreg:$0x12] =	wrdreg s7  }
0x21: {  	s1 =	sadd.s32 $0x266A, s15;
	[smem:$0x7E6] =	sst s24  }
0x22: {  	s13 =	sadd.s32 $0x2A6A, s15;
	[smem:$0x7E9] =	sst s1  }
0x23: {  	s16 =	sadd.s32 $0x2B6A, s15;
	[smem:$0x7F1] =	sst s13  }
0x24: {  	s31 =	simm.s32 $0x1B;
	s17 =	sadd.s32 $0x1400, s15;
	[smem:$0x7F3] =	sst s16  }
0x25: {  	s28 =	simm.s32 $0x9;
	s18 =	sadd.s32 $0x2C6A, s15;
	[smem:$0x7F4] =	sst s17  }
0x26: {  	s30 =	simm.s32 $0x11;
	s19 =	sadd.s32 $0x1500, s15;
	[smem:$0x7F5] =	sst s18  }
0x27: {  	s29 =	simm.s32 $0x14;
	s20 =	sadd.s32 $0x2D6A, s15;
	[smem:$0x7F6] =	sst s19  }
0x28: {  	s22 =	smax.u32 s26, $0x2D0;
	s21 =	sadd.s32 $0x1600, s15;
	[smem:$0x7F7] =	sst s20  }
0x29: {  	s9 =	sshll.u32 s6, $0x1;
	s23 =	sadd.s32 $0x1700, s15;
	[smem:$0x7F8] =	sst s21  }
0x2a: {  	s9 =	sadd.s32 s9, s3;
	s3 =	smax.u32 s5, $0x1;
	[smem:$0x7FA] =	sst s23  }
0x2b: {  	p1 =	sne.s32 s6, $0x26C0;
	s5 =	sadd.s32 $0x500, s15;
	[dreg:$0x16] =	wrdreg s3  }
0x2c: {  	s14 =	simm.s32 $0x15;
	s12 =	sadd.s32 $0x1F6A, s15;
	[dreg:$0x19] =	wrdreg s5  }
0x2d: {  	s0 =	sor.u32 $0xC000, s26;
	s24 =	sadd.s32 $0x2F6A, s15;
	[dreg:$0x1e] =	wrdreg s12  }
0x2e: {  	s20 =	simm.s32 $0x3;
	s26 =	sadd.s32 $0x3A00, s9;
	[smem:$0x7FB] =	sst s24  }
0x2f: {  	s18 =	simm.s32 $0x6;
	s9 =	sadd.s32 $0x600, s15;
	[dreg:$0x14] =	wrdreg s26  }
0x30: {  	s0 =	simm.s32 @p0 $0xC2D0;
	s3 =	sadd.s32 $0xF00, s15;
	[dreg:$0x1b] =	wrdreg s9  }
0x31: {  	p0 =	sgt.u32 s6, $0x25D0;
	s5 =	sadd.s32 $0x276A, s15;
	[smem:$0x7EA] =	sst s3  }
0x32: {  	s6 =	sshll.u32 s6, $0x4;
	s12 =	sadd.s32 $0x1200, s15;
	[smem:$0x7EB] =	sst s5  }
0x33: {  	s23 =	simm.s32 $0x7;
	s25 =	sadd.s32 s6, s2;
	[smem:$0x7F0] =	sst s12  }
0x34: {  	s13 =	simm.s32 $0xD;
	s6 =	sadd.s32 $0x1D6A, s15;
	[dreg:$0x13] =	wrdreg s25  }
0x35: {  	s0 =	sshrl.u32 s0, $0x3;
	s26 =	sadd.s32 $0xE00, s15;
	[dreg:$0x1a] =	wrdreg s6  }
0x36: {  	s9 =	sadd.s32 $0x286A, s15;
	s8 =	sadd.s32 s8, s0;
	[smem:$0x7E8] =	sst s26  }
0x37: {  	s0 =	smin.u32 s22, $0x350;
	s22 =	sadd.s32 $0xC00, s15;
	[smem:$0x7ED] =	sst s9  }
0x38: {  	s17 =	simm.s32 $0x13;
	s25 =	sadd.s32 $0x256A, s15;
	[smem:$0x7E4] =	sst s22  }
0x39: {  	s16 =	simm.s32 $0x16;
	s6 =	sadd.s32 $0x1000, s15;
	[smem:$0x7E7] =	sst s25  }
0x3a: {  	s24 =	simm.s32 $0x17;
	s3 =	simm.s32 $0x0;
	[smem:$0x7EC] =	sst s6  }
0x3b: {  	s12 =	simm.s32 $0x12;
	s26 =	sadd.s32 $0x26C00, s2;
	[dreg:$0x10] =	wrdreg s8  }
0x3c: {  	s7 =	sadd.s32 $0xFFFFFD30, s0;
	s0 =	sshrl.u32 @p2 s10, $0x3;
	[smem:$0x7FD] =	sst s26  }
0x3d: {  	s9 =	simm.s32 $0xC;
	s10 =	sadd.s32 $0x1E6A, s15;
	[dreg:$0x17] =	wrdreg s0  }
0x3e: {  	v1 =	vlaneseq.u32;
	s22 =	sadd.s32 $0x2E6A, s15;
	s25 =	sadd.s32 $0x186A, s8;
	[dreg:$0x1c] =	wrdreg s10  }
0x3f: {  	v0 =	vor.u32 $0x70, v1;
	s8 =	simm.s32 $0xB;
	s26 =	simm.s32 $0x10;
	[smem:$0x7F9] =	sst s22;
	v2 =	vmov s7  }
.Ltmp0:
0x40: {  	v3 =	vor.u32 $0x50, v1;
	s0 =	sshrl.u32 @!p2 s11, $0x3;
	[smem:$0x7FC] =	sst s25;
	vm0 =	vgt.u32 v2, v0;
	v0 =	vor.u32 $0x60, v1;
	(pc) =	sbr.rel .LBB2_1-.Ltmp0, $4  }
0x41: {  	s11 =	sadd.s32 $0x700, s15;
	s10 =	sadd.s32 $0x1100, s15;
	[dreg:$0x18] =	wrdreg s0;
	vm2 =	vgt.u32 v2, v3;
	v3 =	vor.u32 $0x20, v1;
	vm7 =	vgt.u32 v2, v1  }
0x42: {  	s25 =	simm.s32 $0x8;
	s22 =	simm.s32 $0xF;
	[dreg:$0x1d] =	wrdreg s11;
	vm1 =	vgt.u32 v2, v0;
	v0 =	vor.u32 $0x40, v1;
	vm5 =	vgt.u32 v2, v3  }
0x43: {  	[smem:$0x7EE] =	sst s10;
	s11 =	sadd.s32 $0x296A, s15;
	s0 =	simm.s32 $0x80;
	v3 =	vor.u32 $0x10, v1;
	vm3 =	vgt.u32 v2, v0;
	v0 =	vor.u32 $0x30, v1  }
0x44: {  	s15 =	simm.s32 $0xE;
	[smem:$0x7EF] =	sst s11;
	s11 =	simm.s32 $0x18;
	vm6 =	vgt.u32 v2, v3;
	vm4 =	vgt.u32 v2, v0;
	v0 =	vimm.f32 $0.0e+00  }
.LBB2_10:
0x45: {  	v1 =	vld [tilespmem:s10+$0x6800];
	_ =	sdelay $0x4  }
0x46: {  	v1 =	vmax.f32 v1, $0.0e+00  }
0x47: {  	s21 =	rddreg [dreg:$0x15];
	[tilespmem:s10+$0x6800] =	vst v1  }
0x48: {  	[hbm4b:s21+s4] =	stream.linear.scatter [tilespmem:s5], [sflag:$0x1B], $0x500, $0x38;
	[tilespmem:$0x15780] =	vst v63  }
0x49: {  	_ =	swait.ge [sflag:s31], $0x500  }
0x4a: {  	[sflag:s31] =	ssyncset.done $0x0  }
0x4b: {  	[sflag:s31] =	ssyncadd.s32 $0xFFFFFB00  }
.LBB2_11:
0x4c: {  	s3 =	sadd.s32 $0x1, s3;
	s10 =	rddreg [dreg:$0x16]  }
0x4d: {  	p3 =	sne.s32 s3, s10  }
.Ltmp1:
0x4e: {  	_ = 	snop;
	(pc) =	sbr.rel @!p3 .LBB2_12-.Ltmp1, $1  }
0x4f: {  	_ =	sdelay $0x3  }
.LBB2_1:
0x50: {  	[smem:$0x7DC] =	sst s3  }
0x51: {  	s21 =	rddreg [dreg:$0x6]  }
0x52: {  	s10 =	simm.s32 @p2 $0x1FDA;
	s19 =	rddreg [dreg:$0x17]  }
0x53: {  	[spmem:s19], [sflag:s10] =	dma.local @p2 [hbm:s21], $0x410  }
0x54: {  	s10 =	stileid.u32  }
0x55: {  	s10 =	sshll.u32 @!p2 s10, $0x6;
	s21 =	rddreg [dreg:$0x5]  }
0x56: {  	s19 =	rddreg [dreg:$0x18];
	s10 =	sor.u32 @!p2 $0x1C1A, s10  }
0x57: {  	[spmem:s19], [sflag:s10] =	dma.local @!p2 [hbm:s21], $0x4F0  }
0x58: {  	s10 =	rddreg [dreg:$0x7]  }
0x59: {  	s19 =	simm.s32 $0x4F00;
	s6 =	rddreg [dreg:$0x8]  }
0x5a: {  	[tilespmem:s19], [sflag:$0x1] =	stream.linear.gather [hbm4b:s10+s4], $0x80, $0x38;
	[tilespmem:$0x15780] =	vst v63  }
0x5b: {  	s7 =	simm.s32 $0x5B80;
	s1 =	rddreg [dreg:$0x9]  }
0x5c: {  	[tilespmem:s7], [sflag:$0x1] =	stream.linear.gather [hbm4b:s6+s4], $0x80, $0x38;
	[tilespmem:$0x15780] =	vst v63  }
0x5d: {  	s2 =	simm.s32 $0x4F80;
	s3 =	rddreg [dreg:$0xa]  }
0x5e: {  	[tilespmem:s2], [sflag:$0x2] =	stream.linear.gather [hbm4b:s1+s4], $0x80, $0x38;
	[tilespmem:$0x15780] =	vst v63  }
0x5f: {  	s5 =	simm.s32 $0x5C00;
	s6 =	rddreg [dreg:$0xb]  }
0x60: {  	[tilespmem:s5], [sflag:$0x2] =	stream.linear.gather [hbm4b:s3+s4], $0x80, $0x38;
	[tilespmem:$0x15780] =	vst v63  }
0x61: {  	s7 =	simm.s32 $0x5000;
	s1 =	rddreg [dreg:$0xc]  }
0x62: {  	[tilespmem:s7], [sflag:$0x3] =	stream.linear.gather [hbm4b:s6+s4], $0x80, $0x38;
	[tilespmem:$0x15780] =	vst v63  }
0x63: {  	s2 =	simm.s32 $0x5C80;
	s3 =	rddreg [dreg:$0xd]  }
0x64: {  	[tilespmem:s2], [sflag:$0x3] =	stream.linear.gather [hbm4b:s1+s4], $0x80, $0x38;
	[tilespmem:$0x15780] =	vst v63  }
0x65: {  	s5 =	simm.s32 $0x5080;
	s6 =	rddreg [dreg:$0xe]  }
0x66: {  	[tilespmem:s5], [sflag:$0x4] =	stream.linear.gather [hbm4b:s3+s4], $0x80, $0x38;
	[tilespmem:$0x15780] =	vst v63  }
0x67: {  	s7 =	simm.s32 $0x5D00;
	s1 =	rddreg [dreg:$0xf]  }
0x68: {  	[tilespmem:s7], [sflag:$0x4] =	stream.linear.gather [hbm4b:s6+s4], $0x80, $0x38;
	[tilespmem:$0x15780] =	vst v63  }
0x69: {  	s2 =	simm.s32 $0x5100;
	s3 =	rddreg [dreg:$0x11]  }
0x6a: {  	[tilespmem:s2], [sflag:$0x5] =	stream.linear.gather [hbm4b:s1+s4], $0x80, $0x38;
	[tilespmem:$0x15780] =	vst v63  }
0x6b: {  	s5 =	simm.s32 $0x5D80;
	s6 =	rddreg [dreg:$0x19]  }
0x6c: {  	[tilespmem:s5], [sflag:$0x5] =	stream.linear.gather [hbm4b:s3+s4], $0x80, $0x38;
	[tilespmem:$0x15780] =	vst v63  }
0x6d: {  	s7 =	simm.s32 $0x5180;
	s1 =	rddreg [dreg:$0x1a]  }
0x6e: {  	[tilespmem:s7], [sflag:$0x6] =	stream.linear.gather [hbm4b:s6+s4], $0x80, $0x38;
	[tilespmem:$0x15780] =	vst v63  }
0x6f: {  	s2 =	simm.s32 $0x5E00;
	s3 =	rddreg [dreg:$0x1b]  }
0x70: {  	[tilespmem:s2], [sflag:$0x6] =	stream.linear.gather [hbm4b:s1+s4], $0x80, $0x38;
	[tilespmem:$0x15780] =	vst v63  }
0x71: {  	s5 =	simm.s32 $0x5200;
	s6 =	rddreg [dreg:$0x1c]  }
0x72: {  	[tilespmem:s5], [sflag:$0x7] =	stream.linear.gather [hbm4b:s3+s4], $0x80, $0x38;
	[tilespmem:$0x15780] =	vst v63  }
0x73: {  	s7 =	simm.s32 $0x5E80;
	s1 =	rddreg [dreg:$0x1d]  }
0x74: {  	[tilespmem:s7], [sflag:$0x7] =	stream.linear.gather [hbm4b:s6+s4], $0x80, $0x38;
	[tilespmem:$0x15780] =	vst v63  }
0x75: {  	s2 =	simm.s32 $0x5280;
	s3 =	rddreg [dreg:$0x1e]  }
0x76: {  	[tilespmem:s2], [sflag:$0x8] =	stream.linear.gather [hbm4b:s1+s4], $0x80, $0x38;
	[tilespmem:$0x15780] =	vst v63  }
0x77: {  	s5 =	simm.s32 $0x5F00;
	s6 =	rddreg [dreg:$0x1f]  }
0x78: {  	[tilespmem:s5], [sflag:$0x8] =	stream.linear.gather [hbm4b:s3+s4], $0x80, $0x38;
	[tilespmem:$0x15780] =	vst v63  }
0x79: {  	s7 =	simm.s32 $0x5300;
	s1 =	sld [smem:$0x7DD]  }
0x7a: {  	[tilespmem:s7], [sflag:$0x9] =	stream.linear.gather [hbm4b:s6+s4], $0x80, $0x38;
	[tilespmem:$0x15780] =	vst v63  }
0x7b: {  	s2 =	simm.s32 $0x5F80;
	s3 =	sld [smem:$0x7DE]  }
0x7c: {  	[tilespmem:s2], [sflag:$0x9] =	stream.linear.gather [hbm4b:s1+s4], $0x80, $0x38;
	[tilespmem:$0x15780] =	vst v63  }
0x7d: {  	s5 =	simm.s32 $0x5380;
	s6 =	sld [smem:$0x7DF]  }
0x7e: {  	[tilespmem:s5], [sflag:$0xA] =	stream.linear.gather [hbm4b:s3+s4], $0x80, $0x38;
	[tilespmem:$0x15780] =	vst v63  }
0x7f: {  	s7 =	simm.s32 $0x6000;
	s1 =	sld [smem:$0x7E0]  }
0x80: {  	[tilespmem:s7], [sflag:$0xA] =	stream.linear.gather [hbm4b:s6+s4], $0x80, $0x38;
	[tilespmem:$0x15780] =	vst v63  }
0x81: {  	s2 =	simm.s32 $0x5400;
	s3 =	sld [smem:$0x7E1]  }
0x82: {  	[tilespmem:s2], [sflag:$0xB] =	stream.linear.gather [hbm4b:s1+s4], $0x80, $0x38;
	[tilespmem:$0x15780] =	vst v63  }
0x83: {  	s5 =	simm.s32 $0x6080;
	s6 =	sld [smem:$0x7E2]  }
0x84: {  	[tilespmem:s5], [sflag:$0xB] =	stream.linear.gather [hbm4b:s3+s4], $0x80, $0x38;
	[tilespmem:$0x15780] =	vst v63  }
0x85: {  	s7 =	simm.s32 $0x5480;
	s1 =	sld [smem:$0x7E3]  }
0x86: {  	[tilespmem:s7], [sflag:$0xC] =	stream.linear.gather [hbm4b:s6+s4], $0x80, $0x38;
	[tilespmem:$0x15780] =	vst v63  }
0x87: {  	s2 =	simm.s32 $0x6100;
	s3 =	sld [smem:$0x7E4]  }
0x88: {  	[tilespmem:s2], [sflag:$0xC] =	stream.linear.gather [hbm4b:s1+s4], $0x80, $0x38;
	[tilespmem:$0x15780] =	vst v63  }
0x89: {  	s5 =	simm.s32 $0x5500;
	s6 =	sld [smem:$0x7E5]  }
0x8a: {  	[tilespmem:s5], [sflag:$0xD] =	stream.linear.gather [hbm4b:s3+s4], $0x80, $0x38;
	[tilespmem:$0x15780] =	vst v63  }
0x8b: {  	s7 =	simm.s32 $0x6180;
	s1 =	sld [smem:$0x7E6]  }
0x8c: {  	[tilespmem:s7], [sflag:$0xD] =	stream.linear.gather [hbm4b:s6+s4], $0x80, $0x38;
	[tilespmem:$0x15780] =	vst v63  }
0x8d: {  	s2 =	simm.s32 $0x5580;
	s3 =	sld [smem:$0x7E7]  }
0x8e: {  	[tilespmem:s2], [sflag:$0xE] =	stream.linear.gather [hbm4b:s1+s4], $0x80, $0x38;
	[tilespmem:$0x15780] =	vst v63  }
0x8f: {  	s5 =	simm.s32 $0x6200;
	s6 =	sld [smem:$0x7E8]  }
0x90: {  	[tilespmem:s5], [sflag:$0xE] =	stream.linear.gather [hbm4b:s3+s4], $0x80, $0x38;
	[tilespmem:$0x15780] =	vst v63  }
0x91: {  	s7 =	simm.s32 $0x5600;
	s1 =	sld [smem:$0x7E9]  }
0x92: {  	[tilespmem:s7], [sflag:$0xF] =	stream.linear.gather [hbm4b:s6+s4], $0x80, $0x38;
	[tilespmem:$0x15780] =	vst v63  }
0x93: {  	s2 =	simm.s32 $0x6280;
	s3 =	sld [smem:$0x7EA]  }
0x94: {  	[tilespmem:s2], [sflag:$0xF] =	stream.linear.gather [hbm4b:s1+s4], $0x80, $0x38;
	[tilespmem:$0x15780] =	vst v63  }
0x95: {  	s5 =	simm.s32 $0x5680;
	s6 =	sld [smem:$0x7EB]  }
0x96: {  	[tilespmem:s5], [sflag:$0x10] =	stream.linear.gather [hbm4b:s3+s4], $0x80, $0x38;
	[tilespmem:$0x15780] =	vst v63  }
0x97: {  	s7 =	simm.s32 $0x6300;
	s1 =	sld [smem:$0x7EC]  }
0x98: {  	[tilespmem:s7], [sflag:$0x10] =	stream.linear.gather [hbm4b:s6+s4], $0x80, $0x38;
	[tilespmem:$0x15780] =	vst v63  }
0x99: {  	s2 =	simm.s32 $0x5700;
	s3 =	sld [smem:$0x7ED]  }
0x9a: {  	[tilespmem:s2], [sflag:$0x11] =	stream.linear.gather [hbm4b:s1+s4], $0x80, $0x38;
	[tilespmem:$0x15780] =	vst v63  }
0x9b: {  	s5 =	simm.s32 $0x6380;
	s6 =	sld [smem:$0x7EE]  }
0x9c: {  	[tilespmem:s5], [sflag:$0x11] =	stream.linear.gather [hbm4b:s3+s4], $0x80, $0x38;
	[tilespmem:$0x15780] =	vst v63  }
0x9d: {  	s7 =	simm.s32 $0x5780;
	s1 =	sld [smem:$0x7EF]  }
0x9e: {  	[tilespmem:s7], [sflag:$0x12] =	stream.linear.gather [hbm4b:s6+s4], $0x80, $0x38;
	[tilespmem:$0x15780] =	vst v63  }
0x9f: {  	s2 =	simm.s32 $0x6400;
	s3 =	sld [smem:$0x7F0]  }
0xa0: {  	[tilespmem:s2], [sflag:$0x12] =	stream.linear.gather [hbm4b:s1+s4], $0x80, $0x38;
	[tilespmem:$0x15780] =	vst v63  }
0xa1: {  	s5 =	simm.s32 $0x5800;
	s6 =	sld [smem:$0x7F1]  }
0xa2: {  	[tilespmem:s5], [sflag:$0x13] =	stream.linear.gather [hbm4b:s3+s4], $0x80, $0x38;
	[tilespmem:$0x15780] =	vst v63  }
0xa3: {  	s7 =	simm.s32 $0x6480;
	s1 =	sld [smem:$0x7F2]  }
0xa4: {  	[tilespmem:s7], [sflag:$0x13] =	stream.linear.gather [hbm4b:s6+s4], $0x80, $0x38;
	[tilespmem:$0x15780] =	vst v63  }
0xa5: {  	s2 =	simm.s32 $0x5880;
	s3 =	sld [smem:$0x7F3]  }
0xa6: {  	[tilespmem:s2], [sflag:$0x14] =	stream.linear.gather [hbm4b:s1+s4], $0x80, $0x38;
	[tilespmem:$0x15780] =	vst v63  }
0xa7: {  	s5 =	simm.s32 $0x6500;
	s6 =	sld [smem:$0x7F4]  }
0xa8: {  	[tilespmem:s5], [sflag:$0x14] =	stream.linear.gather [hbm4b:s3+s4], $0x80, $0x38;
	[tilespmem:$0x15780] =	vst v63  }
0xa9: {  	s7 =	simm.s32 $0x5900;
	s1 =	sld [smem:$0x7F5]  }
0xaa: {  	[tilespmem:s7], [sflag:$0x15] =	stream.linear.gather [hbm4b:s6+s4], $0x80, $0x38;
	[tilespmem:$0x15780] =	vst v63  }
0xab: {  	s2 =	simm.s32 $0x6580;
	s3 =	sld [smem:$0x7F6]  }
0xac: {  	[tilespmem:s2], [sflag:$0x15] =	stream.linear.gather [hbm4b:s1+s4], $0x80, $0x38;
	[tilespmem:$0x15780] =	vst v63  }
0xad: {  	s5 =	simm.s32 $0x5980;
	s6 =	sld [smem:$0x7F7]  }
0xae: {  	[tilespmem:s5], [sflag:$0x16] =	stream.linear.gather [hbm4b:s3+s4], $0x80, $0x38;
	[tilespmem:$0x15780] =	vst v63  }
0xaf: {  	s7 =	simm.s32 $0x6600;
	s1 =	sld [smem:$0x7F8]  }
0xb0: {  	[tilespmem:s7], [sflag:$0x16] =	stream.linear.gather [hbm4b:s6+s4], $0x80, $0x38;
	[tilespmem:$0x15780] =	vst v63  }
0xb1: {  	s2 =	simm.s32 $0x5A00;
	s3 =	sld [smem:$0x7F9]  }
0xb2: {  	[tilespmem:s2], [sflag:$0x17] =	stream.linear.gather [hbm4b:s1+s4], $0x80, $0x38;
	[tilespmem:$0x15780] =	vst v63  }
0xb3: {  	s5 =	simm.s32 $0x6680;
	s6 =	sld [smem:$0x7FA]  }
0xb4: {  	[tilespmem:s5], [sflag:$0x17] =	stream.linear.gather [hbm4b:s3+s4], $0x80, $0x38;
	[tilespmem:$0x15780] =	vst v63  }
0xb5: {  	s7 =	simm.s32 $0x5A80;
	s1 =	sld [smem:$0x7FB]  }
0xb6: {  	[tilespmem:s7], [sflag:$0x18] =	stream.linear.gather [hbm4b:s6+s4], $0x80, $0x38;
	[tilespmem:$0x15780] =	vst v63  }
0xb7: {  	s2 =	simm.s32 $0x6700;
	s3 =	rddreg [dreg:$0x10]  }
0xb8: {  	[tilespmem:s2], [sflag:$0x18] =	stream.linear.gather [hbm4b:s1+s4], $0x80, $0x38;
	[tilespmem:$0x15780] =	vst v63  }
0xb9: {  	s5 =	simm.s32 $0x5B00;
	s6 =	sld [smem:$0x7FC]  }
0xba: {  	[tilespmem:s5], [sflag:$0x19] =	stream.linear.gather [hbm4b:s3+s4], $0x80, $0x38;
	[tilespmem:$0x15780] =	vst v63  }
0xbb: {  	s21 =	simm.s32 $0x0;
	s10 =	simm.s32 $0x40;
	s7 =	simm.s32 $0x6780  }
0xbc: {  	[tilespmem:s7], [sflag:$0x19] =	stream.linear.gather [hbm4b:s6+s4], $0x80, $0x38;
	[tilespmem:$0x15780] =	vst v63  }
.LBB2_2:
0xbd: {  	p3 =	sne.s32 s10, $0x9DC0;
	[tilespmem:s21+$0x13000] =	vst v0;
	s21 =	smov.u32 s10;
	s10 =	sadd.s32 $0x40, s10  }
.Ltmp2:
0xbe: {  	(pc) =	sbr.rel @p3 .LBB2_2-.Ltmp2, $2  }
0xbf: {  	_ =	sdelay $0x2  }
0xc0: {  	s21 =	sshra.s32 s21, $0x2  }
0xc1: {  	[tilespmem:s21+$0x13000] =	vst v0;
	s10 =	rddreg [dreg:$0x12];
	s6 =	simm.s32 $0x13000  }
0xc2: {  	[spmem:s10] =	stream.linear.scatter [tilespmem:s6], [sflag:$0x1B], $0x2780, $0x38;
	[tilespmem:$0x15780] =	vst v63  }
0xc3: {  	_ =	swait.ge [sflag:s31], $0x2780  }
0xc4: {  	[sflag:s31] =	ssyncset.done $0x0  }
0xc5: {  	s10 =	simm.s32 @p2 $0x1A;
	[sflag:s31] =	ssyncadd.s32 $0xFFFFD880  }
0xc6: {  	_ =	swait.ge @p2 [sflag:s10], $0x410  }
0xc7: {  	[sflag:s10] =	ssyncset.done @p2 $0x0  }
0xc8: {  	[sflag:s10] =	ssyncadd.s32 @p2 $0xFFFFFBF0;
	s10 =	simm.s32 @!p2 $0x1A  }
0xc9: {  	_ =	swait.ge @!p2 [sflag:s10], $0x4F0  }
0xca: {  	[sflag:s10] =	ssyncset.done @!p2 $0x0  }
0xcb: {  	[sflag:s10] =	ssyncadd.s32 @!p2 $0xFFFFFB10  }
0xcc: {  	s21 =	simm.s32 $0x1;
	[bflag:$0x0] =	sbarrier.arrive $0xFFFF  }
0xcd: {  	_ =	swait.ge [sflag:s21], $0x80  }
0xce: {  	[sflag:s21] =	ssyncset.done $0x0  }
0xcf: {  	[sflag:s21] =	ssyncadd.s32 $0xFFFFFF80  }
0xd0: {  	_ =	swait.ge [sflag:s21], $0x80  }
0xd1: {  	[sflag:s21] =	ssyncset.done $0x0  }
0xd2: {  	[sflag:s21] =	ssyncadd.s32 $0xFFFFFF80  }
0xd3: {  	s7 =	simm.s32 $0x6800;
	s2 =	rddreg [dreg:$0x2]  }
0xd4: {  	[tilespmem:s7], [sflag:$0x1] =	stream.indirect.gather [spmem:s2], $0x10, s19, s0, $0xb8;
	[tilespmem:$0x15780] =	vst v63  }
0xd5: {  	s19 =	simm.s32 $0x2  }
0xd6: {  	_ =	swait.ge [sflag:s19], $0x80  }
0xd7: {  	[sflag:s19] =	ssyncset.done $0x0  }
0xd8: {  	[sflag:s19] =	ssyncadd.s32 $0xFFFFFF80  }
0xd9: {  	_ =	swait.ge [sflag:s19], $0x80  }
0xda: {  	[sflag:s19] =	ssyncset.done $0x0  }
0xdb: {  	s1 =	simm.s32 $0x4F80;
	s3 =	simm.s32 $0x7000;
	[sflag:s19] =	ssyncadd.s32 $0xFFFFFF80  }
0xdc: {  	[tilespmem:s3], [sflag:$0x2] =	stream.indirect.gather [spmem:s2], $0x10, s1, s0, $0xb8;
	[tilespmem:$0x15780] =	vst v63  }
0xdd: {  	_ =	swait.ge [sflag:s20], $0x80  }
0xde: {  	[sflag:s20] =	ssyncset.done $0x0  }
0xdf: {  	[sflag:s20] =	ssyncadd.s32 $0xFFFFFF80  }
0xe0: {  	_ =	swait.ge [sflag:s20], $0x80  }
0xe1: {  	s5 =	simm.s32 $0x5000;
	[sflag:s20] =	ssyncset.done $0x0  }
0xe2: {  	s6 =	simm.s32 $0x7800;
	s3 =	simm.s32 $0x4;
	[sflag:s20] =	ssyncadd.s32 $0xFFFFFF80  }
0xe3: {  	[tilespmem:s6], [sflag:$0x3] =	stream.indirect.gather [spmem:s2], $0x10, s5, s0, $0xb8;
	[tilespmem:$0x15780] =	vst v63  }
0xe4: {  	_ =	swait.ge [sflag:s3], $0x80  }
0xe5: {  	[sflag:s3] =	ssyncset.done $0x0  }
0xe6: {  	[sflag:s3] =	ssyncadd.s32 $0xFFFFFF80  }
0xe7: {  	_ =	swait.ge [sflag:s3], $0x80  }
0xe8: {  	[sflag:s3] =	ssyncset.done $0x0  }
0xe9: {  	s7 =	simm.s32 $0x5080;
	s5 =	simm.s32 $0x8000;
	[sflag:s3] =	ssyncadd.s32 $0xFFFFFF80  }
0xea: {  	[tilespmem:s5], [sflag:$0x4] =	stream.indirect.gather [spmem:s2], $0x10, s7, s0, $0xb8;
	[tilespmem:$0x15780] =	vst v63  }
0xeb: {  	s5 =	simm.s32 $0x5  }
0xec: {  	_ =	swait.ge [sflag:s5], $0x80  }
0xed: {  	[sflag:s5] =	ssyncset.done $0x0  }
0xee: {  	[sflag:s5] =	ssyncadd.s32 $0xFFFFFF80  }
0xef: {  	_ =	swait.ge [sflag:s5], $0x80  }
0xf0: {  	[sflag:s5] =	ssyncset.done $0x0  }
0xf1: {  	s1 =	simm.s32 $0x5100;
	s6 =	simm.s32 $0x8800;
	[sflag:s5] =	ssyncadd.s32 $0xFFFFFF80  }
0xf2: {  	[tilespmem:s6], [sflag:$0x5] =	stream.indirect.gather [spmem:s2], $0x10, s1, s0, $0xb8;
	[tilespmem:$0x15780] =	vst v63  }
0xf3: {  	_ =	swait.ge [sflag:s18], $0x80  }
0xf4: {  	[sflag:s18] =	ssyncset.done $0x0  }
0xf5: {  	[sflag:s18] =	ssyncadd.s32 $0xFFFFFF80  }
0xf6: {  	_ =	swait.ge [sflag:s18], $0x80  }
0xf7: {  	[sflag:s18] =	ssyncset.done $0x0  }
0xf8: {  	s7 =	simm.s32 $0x5180;
	s1 =	simm.s32 $0x9000;
	[sflag:s18] =	ssyncadd.s32 $0xFFFFFF80  }
0xf9: {  	[tilespmem:s1], [sflag:$0x6] =	stream.indirect.gather [spmem:s2], $0x10, s7, s0, $0xb8;
	[tilespmem:$0x15780] =	vst v63  }
0xfa: {  	_ =	swait.ge [sflag:s23], $0x80  }
0xfb: {  	[sflag:s23] =	ssyncset.done $0x0  }
0xfc: {  	[sflag:s23] =	ssyncadd.s32 $0xFFFFFF80  }
0xfd: {  	_ =	swait.ge [sflag:s23], $0x80  }
0xfe: {  	[sflag:s23] =	ssyncset.done $0x0  }
0xff: {  	s7 =	simm.s32 $0x5200;
	s1 =	simm.s32 $0x9800;
	[sflag:s23] =	ssyncadd.s32 $0xFFFFFF80  }
0x100: {  	[tilespmem:s1], [sflag:$0x7] =	stream.indirect.gather [spmem:s2], $0x10, s7, s0, $0xb8;
	[tilespmem:$0x15780] =	vst v63  }
0x101: {  	_ =	swait.ge [sflag:s25], $0x80  }
0x102: {  	[sflag:s25] =	ssyncset.done $0x0  }
0x103: {  	[sflag:s25] =	ssyncadd.s32 $0xFFFFFF80  }
0x104: {  	_ =	swait.ge [sflag:s25], $0x80  }
0x105: {  	[sflag:s25] =	ssyncset.done $0x0  }
0x106: {  	s7 =	simm.s32 $0x5280;
	s1 =	simm.s32 $0xA000;
	[sflag:s25] =	ssyncadd.s32 $0xFFFFFF80  }
0x107: {  	[tilespmem:s1], [sflag:$0x8] =	stream.indirect.gather [spmem:s2], $0x10, s7, s0, $0xb8;
	[tilespmem:$0x15780] =	vst v63  }
0x108: {  	_ =	swait.ge [sflag:s28], $0x80  }
0x109: {  	[sflag:s28] =	ssyncset.done $0x0  }
0x10a: {  	[sflag:s28] =	ssyncadd.s32 $0xFFFFFF80  }
0x10b: {  	_ =	swait.ge [sflag:s28], $0x80  }
0x10c: {  	[sflag:s28] =	ssyncset.done $0x0  }
0x10d: {  	s6 =	simm.s32 $0x5300;
	s7 =	simm.s32 $0xA800;
	[sflag:s28] =	ssyncadd.s32 $0xFFFFFF80  }
0x10e: {  	[tilespmem:s7], [sflag:$0x9] =	stream.indirect.gather [spmem:s2], $0x10, s6, s0, $0xb8;
	[tilespmem:$0x15780] =	vst v63  }
0x10f: {  	s6 =	simm.s32 $0xA  }
0x110: {  	_ =	swait.ge [sflag:s6], $0x80  }
0x111: {  	[sflag:s6] =	ssyncset.done $0x0  }
0x112: {  	[sflag:s6] =	ssyncadd.s32 $0xFFFFFF80  }
0x113: {  	_ =	swait.ge [sflag:s6], $0x80  }
0x114: {  	[sflag:s6] =	ssyncset.done $0x0  }
0x115: {  	s1 =	simm.s32 $0x5380;
	s7 =	simm.s32 $0xB000;
	[sflag:s6] =	ssyncadd.s32 $0xFFFFFF80  }
0x116: {  	[tilespmem:s7], [sflag:$0xA] =	stream.indirect.gather [spmem:s2], $0x10, s1, s0, $0xb8;
	[tilespmem:$0x15780] =	vst v63  }
0x117: {  	_ =	swait.ge [sflag:s8], $0x80  }
0x118: {  	[sflag:s8] =	ssyncset.done $0x0  }
0x119: {  	[sflag:s8] =	ssyncadd.s32 $0xFFFFFF80  }
0x11a: {  	_ =	swait.ge [sflag:s8], $0x80  }
0x11b: {  	[sflag:s8] =	ssyncset.done $0x0  }
0x11c: {  	s7 =	simm.s32 $0x5400;
	s1 =	simm.s32 $0xB800;
	[sflag:s8] =	ssyncadd.s32 $0xFFFFFF80  }
0x11d: {  	[tilespmem:s1], [sflag:$0xB] =	stream.indirect.gather [spmem:s2], $0x10, s7, s0, $0xb8;
	[tilespmem:$0x15780] =	vst v63  }
0x11e: {  	_ =	swait.ge [sflag:s9], $0x80  }
0x11f: {  	[sflag:s9] =	ssyncset.done $0x0  }
0x120: {  	[sflag:s9] =	ssyncadd.s32 $0xFFFFFF80  }
0x121: {  	_ =	swait.ge [sflag:s9], $0x80  }
0x122: {  	[sflag:s9] =	ssyncset.done $0x0  }
0x123: {  	s7 =	simm.s32 $0x5480;
	s1 =	simm.s32 $0xC000;
	[sflag:s9] =	ssyncadd.s32 $0xFFFFFF80  }
0x124: {  	[tilespmem:s1], [sflag:$0xC] =	stream.indirect.gather [spmem:s2], $0x10, s7, s0, $0xb8;
	[tilespmem:$0x15780] =	vst v63  }
0x125: {  	_ =	swait.ge [sflag:s13], $0x80  }
0x126: {  	[sflag:s13] =	ssyncset.done $0x0  }
0x127: {  	[sflag:s13] =	ssyncadd.s32 $0xFFFFFF80  }
0x128: {  	_ =	swait.ge [sflag:s13], $0x80  }
0x129: {  	[sflag:s13] =	ssyncset.done $0x0  }
0x12a: {  	s7 =	simm.s32 $0x5500;
	s1 =	simm.s32 $0xC800;
	[sflag:s13] =	ssyncadd.s32 $0xFFFFFF80  }
0x12b: {  	[tilespmem:s1], [sflag:$0xD] =	stream.indirect.gather [spmem:s2], $0x10, s7, s0, $0xb8;
	[tilespmem:$0x15780] =	vst v63  }
0x12c: {  	_ =	swait.ge [sflag:s15], $0x80  }
0x12d: {  	[sflag:s15] =	ssyncset.done $0x0  }
0x12e: {  	[sflag:s15] =	ssyncadd.s32 $0xFFFFFF80  }
0x12f: {  	_ =	swait.ge [sflag:s15], $0x80  }
0x130: {  	[sflag:s15] =	ssyncset.done $0x0  }
0x131: {  	s7 =	simm.s32 $0x5580;
	s1 =	simm.s32 $0xD000;
	[sflag:s15] =	ssyncadd.s32 $0xFFFFFF80  }
0x132: {  	[tilespmem:s1], [sflag:$0xE] =	stream.indirect.gather [spmem:s2], $0x10, s7, s0, $0xb8;
	[tilespmem:$0x15780] =	vst v63  }
0x133: {  	_ =	swait.ge [sflag:s22], $0x80  }
0x134: {  	[sflag:s22] =	ssyncset.done $0x0  }
0x135: {  	[sflag:s22] =	ssyncadd.s32 $0xFFFFFF80  }
0x136: {  	_ =	swait.ge [sflag:s22], $0x80  }
0x137: {  	[sflag:s22] =	ssyncset.done $0x0  }
0x138: {  	s7 =	simm.s32 $0x5600;
	s1 =	simm.s32 $0xD800;
	[sflag:s22] =	ssyncadd.s32 $0xFFFFFF80  }
0x139: {  	[tilespmem:s1], [sflag:$0xF] =	stream.indirect.gather [spmem:s2], $0x10, s7, s0, $0xb8;
	[tilespmem:$0x15780] =	vst v63  }
0x13a: {  	_ =	swait.ge [sflag:s26], $0x80  }
0x13b: {  	[sflag:s26] =	ssyncset.done $0x0  }
0x13c: {  	[sflag:s26] =	ssyncadd.s32 $0xFFFFFF80  }
0x13d: {  	_ =	swait.ge [sflag:s26], $0x80  }
0x13e: {  	[sflag:s26] =	ssyncset.done $0x0  }
0x13f: {  	s7 =	simm.s32 $0x5680;
	s1 =	simm.s32 $0xE000;
	[sflag:s26] =	ssyncadd.s32 $0xFFFFFF80  }
0x140: {  	[tilespmem:s1], [sflag:$0x10] =	stream.indirect.gather [spmem:s2], $0x10, s7, s0, $0xb8;
	[tilespmem:$0x15780] =	vst v63  }
0x141: {  	_ =	swait.ge [sflag:s30], $0x80  }
0x142: {  	[sflag:s30] =	ssyncset.done $0x0  }
0x143: {  	[sflag:s30] =	ssyncadd.s32 $0xFFFFFF80  }
0x144: {  	_ =	swait.ge [sflag:s30], $0x80  }
0x145: {  	[sflag:s30] =	ssyncset.done $0x0  }
0x146: {  	s7 =	simm.s32 $0x5700;
	s1 =	simm.s32 $0xE800;
	[sflag:s30] =	ssyncadd.s32 $0xFFFFFF80  }
0x147: {  	[tilespmem:s1], [sflag:$0x11] =	stream.indirect.gather [spmem:s2], $0x10, s7, s0, $0xb8;
	[tilespmem:$0x15780] =	vst v63  }
0x148: {  	_ =	swait.ge [sflag:s12], $0x80  }
0x149: {  	[sflag:s12] =	ssyncset.done $0x0  }
0x14a: {  	[sflag:s12] =	ssyncadd.s32 $0xFFFFFF80  }
0x14b: {  	_ =	swait.ge [sflag:s12], $0x80  }
0x14c: {  	[sflag:s12] =	ssyncset.done $0x0  }
0x14d: {  	s7 =	simm.s32 $0x5780;
	s1 =	simm.s32 $0xF000;
	[sflag:s12] =	ssyncadd.s32 $0xFFFFFF80  }
0x14e: {  	[tilespmem:s1], [sflag:$0x12] =	stream.indirect.gather [spmem:s2], $0x10, s7, s0, $0xb8;
	[tilespmem:$0x15780] =	vst v63  }
0x14f: {  	_ =	swait.ge [sflag:s17], $0x80  }
0x150: {  	[sflag:s17] =	ssyncset.done $0x0  }
0x151: {  	[sflag:s17] =	ssyncadd.s32 $0xFFFFFF80  }
0x152: {  	_ =	swait.ge [sflag:s17], $0x80  }
0x153: {  	[sflag:s17] =	ssyncset.done $0x0  }
0x154: {  	s7 =	simm.s32 $0x5800;
	s1 =	simm.s32 $0xF800;
	[sflag:s17] =	ssyncadd.s32 $0xFFFFFF80  }
0x155: {  	[tilespmem:s1], [sflag:$0x13] =	stream.indirect.gather [spmem:s2], $0x10, s7, s0, $0xb8;
	[tilespmem:$0x15780] =	vst v63  }
0x156: {  	_ =	swait.ge [sflag:s29], $0x80  }
0x157: {  	[sflag:s29] =	ssyncset.done $0x0  }
0x158: {  	[sflag:s29] =	ssyncadd.s32 $0xFFFFFF80  }
0x159: {  	_ =	swait.ge [sflag:s29], $0x80  }
0x15a: {  	[sflag:s29] =	ssyncset.done $0x0  }
0x15b: {  	s7 =	simm.s32 $0x5880;
	s1 =	simm.s32 $0x10000;
	[sflag:s29] =	ssyncadd.s32 $0xFFFFFF80  }
0x15c: {  	[tilespmem:s1], [sflag:$0x14] =	stream.indirect.gather [spmem:s2], $0x10, s7, s0, $0xb8;
	[tilespmem:$0x15780] =	vst v63  }
0x15d: {  	_ =	swait.ge [sflag:s14], $0x80  }
0x15e: {  	[sflag:s14] =	ssyncset.done $0x0  }
0x15f: {  	[sflag:s14] =	ssyncadd.s32 $0xFFFFFF80  }
0x160: {  	_ =	swait.ge [sflag:s14], $0x80  }
0x161: {  	[sflag:s14] =	ssyncset.done $0x0  }
0x162: {  	s7 =	simm.s32 $0x5900;
	s1 =	simm.s32 $0x10800;
	[sflag:s14] =	ssyncadd.s32 $0xFFFFFF80  }
0x163: {  	[tilespmem:s1], [sflag:$0x15] =	stream.indirect.gather [spmem:s2], $0x10, s7, s0, $0xb8;
	[tilespmem:$0x15780] =	vst v63  }
0x164: {  	_ =	swait.ge [sflag:s16], $0x80  }
0x165: {  	[sflag:s16] =	ssyncset.done $0x0  }
0x166: {  	[sflag:s16] =	ssyncadd.s32 $0xFFFFFF80  }
0x167: {  	_ =	swait.ge [sflag:s16], $0x80  }
0x168: {  	[sflag:s16] =	ssyncset.done $0x0  }
0x169: {  	s7 =	simm.s32 $0x5980;
	s1 =	simm.s32 $0x11000;
	[sflag:s16] =	ssyncadd.s32 $0xFFFFFF80  }
0x16a: {  	[tilespmem:s1], [sflag:$0x16] =	stream.indirect.gather [spmem:s2], $0x10, s7, s0, $0xb8;
	[tilespmem:$0x15780] =	vst v63  }
0x16b: {  	_ =	swait.ge [sflag:s24], $0x80  }
0x16c: {  	[sflag:s24] =	ssyncset.done $0x0  }
0x16d: {  	[sflag:s24] =	ssyncadd.s32 $0xFFFFFF80  }
0x16e: {  	_ =	swait.ge [sflag:s24], $0x80  }
0x16f: {  	[sflag:s24] =	ssyncset.done $0x0  }
0x170: {  	s7 =	simm.s32 $0x5A00;
	s1 =	simm.s32 $0x11800;
	[sflag:s24] =	ssyncadd.s32 $0xFFFFFF80  }
0x171: {  	[tilespmem:s1], [sflag:$0x17] =	stream.indirect.gather [spmem:s2], $0x10, s7, s0, $0xb8;
	[tilespmem:$0x15780] =	vst v63  }
0x172: {  	_ =	swait.ge [sflag:s11], $0x80  }
0x173: {  	[sflag:s11] =	ssyncset.done $0x0  }
0x174: {  	[sflag:s11] =	ssyncadd.s32 $0xFFFFFF80  }
0x175: {  	_ =	swait.ge [sflag:s11], $0x80  }
0x176: {  	[sflag:s11] =	ssyncset.done $0x0  }
0x177: {  	s7 =	simm.s32 $0x5A80;
	s1 =	simm.s32 $0x12000;
	[sflag:s11] =	ssyncadd.s32 $0xFFFFFF80  }
0x178: {  	[tilespmem:s1], [sflag:$0x18] =	stream.indirect.gather [spmem:s2], $0x10, s7, s0, $0xb8;
	[tilespmem:$0x15780] =	vst v63  }
0x179: {  	s7 =	simm.s32 $0x19  }
0x17a: {  	_ =	swait.ge [sflag:s7], $0x80  }
0x17b: {  	[sflag:s7] =	ssyncset.done $0x0  }
0x17c: {  	[sflag:s7] =	ssyncadd.s32 $0xFFFFFF80  }
0x17d: {  	_ =	swait.ge [sflag:s7], $0x80  }
0x17e: {  	[sflag:s7] =	ssyncset.done $0x0  }
0x17f: {  	[sflag:s7] =	ssyncadd.s32 $0xFFFFFF80  }
0x180: {  	v1 =	vld [tilespmem:$0x6780]  }
0x181: {  	v2 =	vld [tilespmem:$0x6790]  }
0x182: {  	v3 =	vld [tilespmem:$0x67A0]  }
0x183: {  	v4 =	vld [tilespmem:$0x67B0]  }
0x184: {  	v5 =	vld [tilespmem:$0x67C0]  }
0x185: {  	v6 =	vld [tilespmem:$0x67D0];
	v1 =	vsel vm7, $0x2710, v1  }
0x186: {  	[tilespmem:$0x6780] =	vst v1;
	v1 =	vsel vm6, $0x2710, v2;
	v2 =	vld [tilespmem:$0x67E0]  }
0x187: {  	[tilespmem:$0x6790] =	vst v1;
	v1 =	vsel vm5, $0x2710, v3;
	v3 =	vld [tilespmem:$0x67F0]  }
0x188: {  	[tilespmem:$0x67A0] =	vst v1;
	v1 =	vsel vm4, $0x2710, v4  }
0x189: {  	[tilespmem:$0x67B0] =	vst v1;
	v1 =	vsel vm3, $0x2710, v5  }
0x18a: {  	[tilespmem:$0x67C0] =	vst v1;
	v1 =	vsel vm2, $0x2710, v6  }
0x18b: {  	[tilespmem:$0x67D0] =	vst v1;
	v1 =	vsel vm1, $0x2710, v2  }
0x18c: {  	[tilespmem:$0x67E0] =	vst v1;
	v1 =	vsel vm0, $0x2710, v3  }
0x18d: {  	s10 =	simm.s32 $0x5B00;
	s1 =	simm.s32 $0x12800;
	[tilespmem:$0x67F0] =	vst v1  }
0x18e: {  	[tilespmem:s1], [sflag:$0x19] =	stream.indirect.gather [spmem:s2], $0x10, s10, s0, $0xb8;
	[tilespmem:$0x15780] =	vst v63  }
0x18f: {  	_ =	swait.ge [sflag:s21], $0x800  }
0x190: {  	[sflag:s21] =	ssyncset.done $0x0  }
0x191: {  	[sflag:s21] =	ssyncadd.s32 $0xFFFFF800  }
0x192: {  	s10 =	simm.s32 $0x5B80;
	s21 =	simm.s32 $0x6800;
	s1 =	rddreg [dreg:$0x3]  }
0x193: {  	[spmem:s1] =	stream.indirect.scatter.add.f32 [tilespmem:s21], [sflag:$0x1B], $0x10, s10, s0, $0xb8;
	[tilespmem:$0x15780] =	vst v63  }
0x194: {  	_ =	swait.ge [sflag:s31], $0x800  }
0x195: {  	[sflag:s31] =	ssyncset.done $0x0  }
0x196: {  	[sflag:s31] =	ssyncadd.s32 $0xFFFFF800  }
0x197: {  	_ =	swait.ge [sflag:s19], $0x800  }
0x198: {  	[sflag:s19] =	ssyncset.done $0x0  }
0x199: {  	s10 =	simm.s32 $0x5C00;
	[sflag:s19] =	ssyncadd.s32 $0xFFFFF800;
	s19 =	simm.s32 $0x7000  }
0x19a: {  	[spmem:s1] =	stream.indirect.scatter.add.f32 [tilespmem:s19], [sflag:$0x1B], $0x10, s10, s0, $0xb8;
	[tilespmem:$0x15780] =	vst v63  }
0x19b: {  	_ =	swait.ge [sflag:s31], $0x800  }
0x19c: {  	[sflag:s31] =	ssyncset.done $0x0  }
0x19d: {  	[sflag:s31] =	ssyncadd.s32 $0xFFFFF800  }
0x19e: {  	_ =	swait.ge [sflag:s20], $0x800  }
0x19f: {  	[sflag:s20] =	ssyncset.done $0x0  }
0x1a0: {  	s10 =	simm.s32 $0x5C80;
	s19 =	simm.s32 $0x7800;
	[sflag:s20] =	ssyncadd.s32 $0xFFFFF800  }
0x1a1: {  	[spmem:s1] =	stream.indirect.scatter.add.f32 [tilespmem:s19], [sflag:$0x1B], $0x10, s10, s0, $0xb8;
	[tilespmem:$0x15780] =	vst v63  }
0x1a2: {  	_ =	swait.ge [sflag:s31], $0x800  }
0x1a3: {  	[sflag:s31] =	ssyncset.done $0x0  }
0x1a4: {  	[sflag:s31] =	ssyncadd.s32 $0xFFFFF800  }
0x1a5: {  	_ =	swait.ge [sflag:s3], $0x800  }
0x1a6: {  	[sflag:s3] =	ssyncset.done $0x0  }
0x1a7: {  	s19 =	simm.s32 $0x8000;
	[sflag:s3] =	ssyncadd.s32 $0xFFFFF800;
	s3 =	simm.s32 $0x5D00  }
0x1a8: {  	[spmem:s1] =	stream.indirect.scatter.add.f32 [tilespmem:s19], [sflag:$0x1B], $0x10, s3, s0, $0xb8;
	[tilespmem:$0x15780] =	vst v63  }
0x1a9: {  	_ =	swait.ge [sflag:s31], $0x800  }
0x1aa: {  	[sflag:s31] =	ssyncset.done $0x0  }
0x1ab: {  	[sflag:s31] =	ssyncadd.s32 $0xFFFFF800  }
0x1ac: {  	_ =	swait.ge [sflag:s5], $0x800  }
0x1ad: {  	[sflag:s5] =	ssyncset.done $0x0  }
0x1ae: {  	s19 =	simm.s32 $0x8800;
	[sflag:s5] =	ssyncadd.s32 $0xFFFFF800;
	s5 =	simm.s32 $0x5D80  }
0x1af: {  	[spmem:s1] =	stream.indirect.scatter.add.f32 [tilespmem:s19], [sflag:$0x1B], $0x10, s5, s0, $0xb8;
	[tilespmem:$0x15780] =	vst v63  }
0x1b0: {  	_ =	swait.ge [sflag:s31], $0x800  }
0x1b1: {  	[sflag:s31] =	ssyncset.done $0x0  }
0x1b2: {  	[sflag:s31] =	ssyncadd.s32 $0xFFFFF800  }
0x1b3: {  	_ =	swait.ge [sflag:s18], $0x800  }
0x1b4: {  	[sflag:s18] =	ssyncset.done $0x0  }
0x1b5: {  	s5 =	simm.s32 $0x5E00;
	s19 =	simm.s32 $0x9000;
	[sflag:s18] =	ssyncadd.s32 $0xFFFFF800  }
0x1b6: {  	[spmem:s1] =	stream.indirect.scatter.add.f32 [tilespmem:s19], [sflag:$0x1B], $0x10, s5, s0, $0xb8;
	[tilespmem:$0x15780] =	vst v63  }
0x1b7: {  	_ =	swait.ge [sflag:s31], $0x800  }
0x1b8: {  	[sflag:s31] =	ssyncset.done $0x0  }
0x1b9: {  	[sflag:s31] =	ssyncadd.s32 $0xFFFFF800  }
0x1ba: {  	_ =	swait.ge [sflag:s23], $0x800  }
0x1bb: {  	[sflag:s23] =	ssyncset.done $0x0  }
0x1bc: {  	s5 =	simm.s32 $0x5E80;
	s19 =	simm.s32 $0x9800;
	[sflag:s23] =	ssyncadd.s32 $0xFFFFF800  }
0x1bd: {  	[spmem:s1] =	stream.indirect.scatter.add.f32 [tilespmem:s19], [sflag:$0x1B], $0x10, s5, s0, $0xb8;
	[tilespmem:$0x15780] =	vst v63  }
0x1be: {  	_ =	swait.ge [sflag:s31], $0x800  }
0x1bf: {  	[sflag:s31] =	ssyncset.done $0x0  }
0x1c0: {  	[sflag:s31] =	ssyncadd.s32 $0xFFFFF800  }
0x1c1: {  	_ =	swait.ge [sflag:s25], $0x800  }
0x1c2: {  	[sflag:s25] =	ssyncset.done $0x0  }
0x1c3: {  	s5 =	simm.s32 $0x5F00;
	s19 =	simm.s32 $0xA000;
	[sflag:s25] =	ssyncadd.s32 $0xFFFFF800  }
0x1c4: {  	[spmem:s1] =	stream.indirect.scatter.add.f32 [tilespmem:s19], [sflag:$0x1B], $0x10, s5, s0, $0xb8;
	[tilespmem:$0x15780] =	vst v63  }
0x1c5: {  	_ =	swait.ge [sflag:s31], $0x800  }
0x1c6: {  	[sflag:s31] =	ssyncset.done $0x0  }
0x1c7: {  	[sflag:s31] =	ssyncadd.s32 $0xFFFFF800  }
0x1c8: {  	_ =	swait.ge [sflag:s28], $0x800  }
0x1c9: {  	[sflag:s28] =	ssyncset.done $0x0  }
0x1ca: {  	s5 =	simm.s32 $0x5F80;
	s19 =	simm.s32 $0xA800;
	[sflag:s28] =	ssyncadd.s32 $0xFFFFF800  }
0x1cb: {  	[spmem:s1] =	stream.indirect.scatter.add.f32 [tilespmem:s19], [sflag:$0x1B], $0x10, s5, s0, $0xb8;
	[tilespmem:$0x15780] =	vst v63  }
0x1cc: {  	_ =	swait.ge [sflag:s31], $0x800  }
0x1cd: {  	[sflag:s31] =	ssyncset.done $0x0  }
0x1ce: {  	[sflag:s31] =	ssyncadd.s32 $0xFFFFF800  }
0x1cf: {  	_ =	swait.ge [sflag:s6], $0x800  }
0x1d0: {  	[sflag:s6] =	ssyncset.done $0x0  }
0x1d1: {  	s3 =	simm.s32 $0x6000;
	s5 =	simm.s32 $0xB000;
	[sflag:s6] =	ssyncadd.s32 $0xFFFFF800  }
0x1d2: {  	[spmem:s1] =	stream.indirect.scatter.add.f32 [tilespmem:s5], [sflag:$0x1B], $0x10, s3, s0, $0xb8;
	[tilespmem:$0x15780] =	vst v63  }
0x1d3: {  	_ =	swait.ge [sflag:s31], $0x800  }
0x1d4: {  	[sflag:s31] =	ssyncset.done $0x0  }
0x1d5: {  	[sflag:s31] =	ssyncadd.s32 $0xFFFFF800  }
0x1d6: {  	_ =	swait.ge [sflag:s8], $0x800  }
0x1d7: {  	[sflag:s8] =	ssyncset.done $0x0  }
0x1d8: {  	s19 =	simm.s32 $0xB800;
	s6 =	simm.s32 $0x6080;
	[sflag:s8] =	ssyncadd.s32 $0xFFFFF800  }
0x1d9: {  	[spmem:s1] =	stream.indirect.scatter.add.f32 [tilespmem:s19], [sflag:$0x1B], $0x10, s6, s0, $0xb8;
	[tilespmem:$0x15780] =	vst v63  }
0x1da: {  	_ =	swait.ge [sflag:s31], $0x800  }
0x1db: {  	[sflag:s31] =	ssyncset.done $0x0  }
0x1dc: {  	[sflag:s31] =	ssyncadd.s32 $0xFFFFF800  }
0x1dd: {  	_ =	swait.ge [sflag:s9], $0x800  }
0x1de: {  	[sflag:s9] =	ssyncset.done $0x0  }
0x1df: {  	s3 =	simm.s32 $0x6100;
	s5 =	simm.s32 $0xC000;
	[sflag:s9] =	ssyncadd.s32 $0xFFFFF800  }
0x1e0: {  	[spmem:s1] =	stream.indirect.scatter.add.f32 [tilespmem:s5], [sflag:$0x1B], $0x10, s3, s0, $0xb8;
	[tilespmem:$0x15780] =	vst v63  }
0x1e1: {  	_ =	swait.ge [sflag:s31], $0x800  }
0x1e2: {  	[sflag:s31] =	ssyncset.done $0x0  }
0x1e3: {  	[sflag:s31] =	ssyncadd.s32 $0xFFFFF800  }
0x1e4: {  	_ =	swait.ge [sflag:s13], $0x800  }
0x1e5: {  	[sflag:s13] =	ssyncset.done $0x0  }
0x1e6: {  	s6 =	simm.s32 $0x6180;
	s19 =	simm.s32 $0xC800;
	[sflag:s13] =	ssyncadd.s32 $0xFFFFF800  }
0x1e7: {  	[spmem:s1] =	stream.indirect.scatter.add.f32 [tilespmem:s19], [sflag:$0x1B], $0x10, s6, s0, $0xb8;
	[tilespmem:$0x15780] =	vst v63  }
0x1e8: {  	_ =	swait.ge [sflag:s31], $0x800  }
0x1e9: {  	[sflag:s31] =	ssyncset.done $0x0  }
0x1ea: {  	[sflag:s31] =	ssyncadd.s32 $0xFFFFF800  }
0x1eb: {  	_ =	swait.ge [sflag:s15], $0x800  }
0x1ec: {  	[sflag:s15] =	ssyncset.done $0x0  }
0x1ed: {  	s3 =	simm.s32 $0x6200;
	s5 =	simm.s32 $0xD000;
	[sflag:s15] =	ssyncadd.s32 $0xFFFFF800  }
0x1ee: {  	[spmem:s1] =	stream.indirect.scatter.add.f32 [tilespmem:s5], [sflag:$0x1B], $0x10, s3, s0, $0xb8;
	[tilespmem:$0x15780] =	vst v63  }
0x1ef: {  	_ =	swait.ge [sflag:s31], $0x800  }
0x1f0: {  	[sflag:s31] =	ssyncset.done $0x0  }
0x1f1: {  	[sflag:s31] =	ssyncadd.s32 $0xFFFFF800  }
0x1f2: {  	_ =	swait.ge [sflag:s22], $0x800  }
0x1f3: {  	[sflag:s22] =	ssyncset.done $0x0  }
0x1f4: {  	s6 =	simm.s32 $0x6280;
	s19 =	simm.s32 $0xD800;
	[sflag:s22] =	ssyncadd.s32 $0xFFFFF800  }
0x1f5: {  	[spmem:s1] =	stream.indirect.scatter.add.f32 [tilespmem:s19], [sflag:$0x1B], $0x10, s6, s0, $0xb8;
	[tilespmem:$0x15780] =	vst v63  }
0x1f6: {  	_ =	swait.ge [sflag:s31], $0x800  }
0x1f7: {  	[sflag:s31] =	ssyncset.done $0x0  }
0x1f8: {  	[sflag:s31] =	ssyncadd.s32 $0xFFFFF800  }
0x1f9: {  	_ =	swait.ge [sflag:s26], $0x800  }
0x1fa: {  	[sflag:s26] =	ssyncset.done $0x0  }
0x1fb: {  	s3 =	simm.s32 $0x6300;
	s5 =	simm.s32 $0xE000;
	[sflag:s26] =	ssyncadd.s32 $0xFFFFF800  }
0x1fc: {  	[spmem:s1] =	stream.indirect.scatter.add.f32 [tilespmem:s5], [sflag:$0x1B], $0x10, s3, s0, $0xb8;
	[tilespmem:$0x15780] =	vst v63  }
0x1fd: {  	_ =	swait.ge [sflag:s31], $0x800  }
0x1fe: {  	[sflag:s31] =	ssyncset.done $0x0  }
0x1ff: {  	[sflag:s31] =	ssyncadd.s32 $0xFFFFF800  }
0x200: {  	_ =	swait.ge [sflag:s30], $0x800  }
0x201: {  	[sflag:s30] =	ssyncset.done $0x0  }
0x202: {  	s6 =	simm.s32 $0x6380;
	s19 =	simm.s32 $0xE800;
	[sflag:s30] =	ssyncadd.s32 $0xFFFFF800  }
0x203: {  	[spmem:s1] =	stream.indirect.scatter.add.f32 [tilespmem:s19], [sflag:$0x1B], $0x10, s6, s0, $0xb8;
	[tilespmem:$0x15780] =	vst v63  }
0x204: {  	_ =	swait.ge [sflag:s31], $0x800  }
0x205: {  	[sflag:s31] =	ssyncset.done $0x0  }
0x206: {  	[sflag:s31] =	ssyncadd.s32 $0xFFFFF800  }
0x207: {  	_ =	swait.ge [sflag:s12], $0x800  }
0x208: {  	[sflag:s12] =	ssyncset.done $0x0  }
0x209: {  	s3 =	simm.s32 $0x6400;
	s5 =	simm.s32 $0xF000;
	[sflag:s12] =	ssyncadd.s32 $0xFFFFF800  }
0x20a: {  	[spmem:s1] =	stream.indirect.scatter.add.f32 [tilespmem:s5], [sflag:$0x1B], $0x10, s3, s0, $0xb8;
	[tilespmem:$0x15780] =	vst v63  }
0x20b: {  	_ =	swait.ge [sflag:s31], $0x800  }
0x20c: {  	[sflag:s31] =	ssyncset.done $0x0  }
0x20d: {  	[sflag:s31] =	ssyncadd.s32 $0xFFFFF800  }
0x20e: {  	_ =	swait.ge [sflag:s17], $0x800  }
0x20f: {  	[sflag:s17] =	ssyncset.done $0x0  }
0x210: {  	s6 =	simm.s32 $0x6480;
	s19 =	simm.s32 $0xF800;
	[sflag:s17] =	ssyncadd.s32 $0xFFFFF800  }
0x211: {  	[spmem:s1] =	stream.indirect.scatter.add.f32 [tilespmem:s19], [sflag:$0x1B], $0x10, s6, s0, $0xb8;
	[tilespmem:$0x15780] =	vst v63  }
0x212: {  	_ =	swait.ge [sflag:s31], $0x800  }
0x213: {  	[sflag:s31] =	ssyncset.done $0x0  }
0x214: {  	[sflag:s31] =	ssyncadd.s32 $0xFFFFF800  }
0x215: {  	_ =	swait.ge [sflag:s29], $0x800  }
0x216: {  	[sflag:s29] =	ssyncset.done $0x0  }
0x217: {  	s3 =	simm.s32 $0x6500;
	s5 =	simm.s32 $0x10000;
	[sflag:s29] =	ssyncadd.s32 $0xFFFFF800  }
0x218: {  	[spmem:s1] =	stream.indirect.scatter.add.f32 [tilespmem:s5], [sflag:$0x1B], $0x10, s3, s0, $0xb8;
	[tilespmem:$0x15780] =	vst v63  }
0x219: {  	_ =	swait.ge [sflag:s31], $0x800  }
0x21a: {  	[sflag:s31] =	ssyncset.done $0x0  }
0x21b: {  	[sflag:s31] =	ssyncadd.s32 $0xFFFFF800  }
0x21c: {  	_ =	swait.ge [sflag:s14], $0x800  }
0x21d: {  	[sflag:s14] =	ssyncset.done $0x0  }
0x21e: {  	s6 =	simm.s32 $0x6580;
	s19 =	simm.s32 $0x10800;
	[sflag:s14] =	ssyncadd.s32 $0xFFFFF800  }
0x21f: {  	[spmem:s1] =	stream.indirect.scatter.add.f32 [tilespmem:s19], [sflag:$0x1B], $0x10, s6, s0, $0xb8;
	[tilespmem:$0x15780] =	vst v63  }
0x220: {  	_ =	swait.ge [sflag:s31], $0x800  }
0x221: {  	[sflag:s31] =	ssyncset.done $0x0  }
0x222: {  	[sflag:s31] =	ssyncadd.s32 $0xFFFFF800  }
0x223: {  	_ =	swait.ge [sflag:s16], $0x800  }
0x224: {  	[sflag:s16] =	ssyncset.done $0x0  }
0x225: {  	s3 =	simm.s32 $0x6600;
	s5 =	simm.s32 $0x11000;
	[sflag:s16] =	ssyncadd.s32 $0xFFFFF800  }
0x226: {  	[spmem:s1] =	stream.indirect.scatter.add.f32 [tilespmem:s5], [sflag:$0x1B], $0x10, s3, s0, $0xb8;
	[tilespmem:$0x15780] =	vst v63  }
0x227: {  	_ =	swait.ge [sflag:s31], $0x800  }
0x228: {  	[sflag:s31] =	ssyncset.done $0x0  }
0x229: {  	[sflag:s31] =	ssyncadd.s32 $0xFFFFF800  }
0x22a: {  	_ =	swait.ge [sflag:s24], $0x800  }
0x22b: {  	[sflag:s24] =	ssyncset.done $0x0  }
0x22c: {  	s6 =	simm.s32 $0x6680;
	s19 =	simm.s32 $0x11800;
	[sflag:s24] =	ssyncadd.s32 $0xFFFFF800  }
0x22d: {  	[spmem:s1] =	stream.indirect.scatter.add.f32 [tilespmem:s19], [sflag:$0x1B], $0x10, s6, s0, $0xb8;
	[tilespmem:$0x15780] =	vst v63  }
0x22e: {  	_ =	swait.ge [sflag:s31], $0x800  }
0x22f: {  	[sflag:s31] =	ssyncset.done $0x0  }
0x230: {  	[sflag:s31] =	ssyncadd.s32 $0xFFFFF800  }
0x231: {  	_ =	swait.ge [sflag:s11], $0x800  }
0x232: {  	[sflag:s11] =	ssyncset.done $0x0  }
0x233: {  	s5 =	simm.s32 $0x6700;
	s6 =	simm.s32 $0x12000;
	[sflag:s11] =	ssyncadd.s32 $0xFFFFF800  }
0x234: {  	[spmem:s1] =	stream.indirect.scatter.add.f32 [tilespmem:s6], [sflag:$0x1B], $0x10, s5, s0, $0xb8;
	[tilespmem:$0x15780] =	vst v63  }
0x235: {  	_ =	swait.ge [sflag:s31], $0x800  }
0x236: {  	[sflag:s31] =	ssyncset.done $0x0  }
0x237: {  	[sflag:s31] =	ssyncadd.s32 $0xFFFFF800  }
0x238: {  	_ =	swait.ge [sflag:s7], $0x800  }
0x239: {  	[sflag:s7] =	ssyncset.done $0x0  }
0x23a: {  	s2 =	simm.s32 $0x12800;
	s19 =	simm.s32 $0x6780;
	[sflag:s7] =	ssyncadd.s32 $0xFFFFF800  }
0x23b: {  	[spmem:s1] =	stream.indirect.scatter.add.f32 [tilespmem:s2], [sflag:$0x1B], $0x10, s19, s0, $0xb8;
	[tilespmem:$0x15780] =	vst v63  }
.Ltmp3:
0x23c: {  	_ =	swait.ge [sflag:s31], $0x800;
	(pc) =	sbr.rel @p0 .LBB2_7-.Ltmp3, $3  }
0x23d: {  	[sflag:s31] =	ssyncset.done $0x0  }
0x23e: {  	[sflag:s31] =	ssyncadd.s32 $0xFFFFF800  }
0x23f: {  	[bflag:$0x0] =	sbarrier.arrive $0xFFFF;
	_ =	sdelay $0x1  }
0x240: {  	s10 =	rddreg [dreg:$0x13]  }
0x241: {  	[tilespmem:s21], [sflag:$0x1B] =	stream.linear.gather [spmem:s10], $0x1400, $0x38;
	[tilespmem:$0x15780] =	vst v63  }
0x242: {  	_ =	swait.ge [sflag:s31], $0x1400  }
0x243: {  	s5 =	simm.s32 $0x6800;
	s10 =	simm.s32 $0x0;
	[sflag:s31] =	ssyncset.done $0x0  }
0x244: {  	s21 =	simm.s32 $0x40;
	s3 =	sld [smem:$0x7DC];
	[sflag:s31] =	ssyncadd.s32 $0xFFFFEC00  }
.LBB2_5:
0x245: {  	p3 =	sne.s32 s21, $0x4FC0;
	v1 =	vld [tilespmem:s10+$0x6800];
	_ =	sdelay $0x1  }
.Ltmp4:
0x246: {  	(pc) =	sbr.rel @p3 .LBB2_5-.Ltmp4, $3  }
0x247: {  	_ =	sdelay $0x1  }
0x248: {  	v1 =	vmax.f32 v1, $0.0e+00  }
0x249: {  	[tilespmem:s10+$0x6800] =	vst v1;
	s10 =	sshra.s32 s21, $0x2;
	s21 =	sadd.s32 $0x40, s21  }
0x24a: {  	v1 =	vld [tilespmem:s10+$0x6800];
	_ =	sdelay $0x4  }
0x24b: {  	v1 =	vmax.f32 v1, $0.0e+00  }
.Ltmp5:
0x24c: {  	s21 =	rddreg [dreg:$0x14];
	[tilespmem:s10+$0x6800] =	vst v1;
	(pc) =	sbr.rel .LBB2_11-.Ltmp5, $4  }
0x24d: {  	[hbm4b:s21+s4] =	stream.linear.scatter [tilespmem:s5], [sflag:$0x1B], $0x1400, $0x38;
	[tilespmem:$0x15780] =	vst v63  }
0x24e: {  	_ =	swait.ge [sflag:s31], $0x1400  }
0x24f: {  	[sflag:s31] =	ssyncset.done $0x0  }
0x250: {  	[sflag:s31] =	ssyncadd.s32 $0xFFFFEC00  }
.LBB2_7:
.Ltmp6:
0x251: {  	(pc) =	sbr.rel @p1 .LBB2_11-.Ltmp6, $2  }
0x252: {  	_ = 	snop  }
0x253: {  	s3 =	sld [smem:$0x7DC];
	_ =	sdelay $0x2  }
0x254: {  	s10 =	sld [smem:$0x7FD];
	_ =	sdelay $0x1  }
0x255: {  	s5 =	simm.s32 $0x6800  }
0x256: {  	[tilespmem:s5], [sflag:$0x1B] =	stream.linear.gather [spmem:s10], $0x500, $0x38;
	[tilespmem:$0x15780] =	vst v63  }
0x257: {  	_ =	swait.ge [sflag:s31], $0x500  }
0x258: {  	[sflag:s31] =	ssyncset.done $0x0  }
0x259: {  	s21 =	simm.s32 $0x40;
	s10 =	simm.s32 $0x0;
	[sflag:s31] =	ssyncadd.s32 $0xFFFFFB00  }
.LBB2_9:
0x25a: {  	p3 =	sne.s32 s21, $0x13C0;
	v1 =	vld [tilespmem:s10+$0x6800];
	_ =	sdelay $0x1  }
.Ltmp7:
0x25b: {  	(pc) =	sbr.rel @p3 .LBB2_9-.Ltmp7, $3  }
0x25c: {  	_ =	sdelay $0x1  }
0x25d: {  	v1 =	vmax.f32 v1, $0.0e+00  }
0x25e: {  	[tilespmem:s10+$0x6800] =	vst v1;
	s10 =	sshra.s32 s21, $0x2;
	s21 =	sadd.s32 $0x40, s21  }
.Ltmp8:
0x25f: {  	_ = 	snop;
	(pc) =	sbr.rel .LBB2_10-.Ltmp8, $1  }
0x260: {  	_ =	sdelay $0x3  }
.LBB2_12:
0x261: {  	_ =	sfence.sel $0x180000  }
0x262: {  	[bflag:$0x0] =	sbarrier.arrive $0xFFFF  }
0x263: {  	_ =	strace $0x90000047  }
0x264: {  	s0 =	stileid.u32;
	[bflag:$0x2] =	sbarrier.arrive $0xFFFF  }
0x265: {  	p0 =	sne.s32 s0, $0x0;
	s0 =	rddreg [dreg:$0x4]  }
0x266: {  	s0 =	sadd.s32 @!p0 $0x100000, s0  }
0x267: {  	[sflag:s0] =	ssyncadd.tile.s32 @!p0 $0x1;
	_ =	shalt  }
.Lfunc_end2:
_tile_overlayer_lowered:
.L_overlay_start_2:
0x268: {  	(tag) =	ssettag $0x2  }
0x269: {  	s0 =	rddreg [dreg:$0x0];
	s2 =	stileid.u32  }
0x26a: {  	s1 =	rddreg [dreg:$0x1];
	p0 =	sne.s32 s2, $0x0  }
0x26b: {  	s3 =	rddreg [dreg:$0x2];
	[bflag:$0x3] =	sbarrier.arrive $0xFFFF;
	s2 =	simm.s32 @!p0 $0x1C1B  }
0x26c: {  	[timem:s3], [sflag:s2] =	dma.local @!p0 [hbm:s0], s1  }
0x26d: {  	s0 =	simm.s32 @!p0 $0x1B  }
0x26e: {  	_ =	swait.ge @!p0 [sflag:s0], s1  }
0x26f: {  	s1 =	ssub.s32 @!p0 $0x0, s1;
	[sflag:s0] =	ssyncset.done @!p0 $0x0  }
0x270: {  	[sflag:s0] =	ssyncadd.s32 @!p0 s1  }
0x271: {  	[bflag:$0x3] =	sbarrier.arrive $0xFFFF  }
0x272: {  	_ =	shalt  }

</sc_bundles>
